<compile_context>
chip_gen: v7x
topology: tpu7x:2x2x1
jax: 0.10.2.dev20260603
libtpu: 0.0.44.dev20260713+nightly
codegen_flags: <defaults>
</compile_context>

<pallas_src>
import functools

import jax
import jax.numpy as jnp
from jax import lax
from jax.experimental import pallas as pl
from jax.experimental.pallas import tpu as pltpu
from jax.experimental.pallas import tpu_sc as plsc

EMBEDDING_DIM = 128
CHUNK = 128
NSLOTS = 5
LOOKAHEAD = 3
BUILD_BLK = 128


def _sc_gather(table, idx3):
    info = plsc.get_sparse_core_info()
    nc, ns = info.num_cores, info.num_subcores
    nw = nc * ns
    V = table.shape[0]
    B = idx3.shape[0] * idx3.shape[1] * CHUNK
    b_per_w = B // nw
    n_chunks = b_per_w // CHUNK
    v_per_tile = -(-V // (ns * BUILD_BLK)) * BUILD_BLK
    v_pad = v_per_tile * ns
    n_build = v_per_tile // BUILD_BLK
    assert b_per_w * nw == B and n_chunks * CHUNK == b_per_w

    mesh = plsc.VectorSubcoreMesh(core_axis_name="c", subcore_axis_name="s")

    @functools.partial(
        pl.kernel,
        out_type=[
            jax.ShapeDtypeStruct((B, EMBEDDING_DIM), jnp.float32),
            jax.ShapeDtypeStruct((2, v_pad, EMBEDDING_DIM), jnp.float32),
        ],
        mesh=mesh,
        scratch_types=[
            pltpu.VMEM((n_chunks, CHUNK), jnp.int32),
            pltpu.VMEM((NSLOTS, CHUNK, EMBEDDING_DIM), jnp.float32),
            [pltpu.SemaphoreType.DMA] * NSLOTS,
            [pltpu.SemaphoreType.DMA] * NSLOTS,
        ],
    )
    def gather_kernel(
        t0_hbm, idx_hbm, out_hbm, tbl_hbm, idx_v, rows_v, sg, so
    ):
        cid = lax.axis_index("c")
        sid = lax.axis_index("s")
        wid = sid * nc + cid
        base = wid * b_per_w
        my_tbl = tbl_hbm.at[cid]

        assert n_build <= NSLOTS
        row0 = sid * v_per_tile
        perm = lax.iota(jnp.int32, 16) ^ 1
        dnums = lax.GatherDimensionNumbers(
            offset_dims=(), collapsed_slice_dims=(0,), start_index_map=(0,)
        )

        def build_blk(k):
            return pl.multiple_of(
                jnp.minimum(row0 + k * BUILD_BLK, V - BUILD_BLK), 8
            )

        for k in range(n_build):
            pltpu.async_copy(
                t0_hbm.at[pl.ds(build_blk(k), BUILD_BLK)], rows_v.at[k], sg[k]
            )
        pltpu.sync_copy(idx_hbm.at[wid], idx_v)
        for k in range(n_build):
            pltpu.make_async_copy(
                t0_hbm.at[pl.ds(0, BUILD_BLK)], rows_v.at[k], sg[k]
            ).wait()

            def swap_rows(i, carry):
                for u in range(2):
                    for j in range(EMBEDDING_DIM // 16):
                        sl = pl.ds(16 * j, 16)
                        v = rows_v[k, 2 * i + u, sl]
                        rows_v[k, 2 * i + u, sl] = lax.gather(
                            v,
                            perm[:, None],
                            dimension_numbers=dnums,
                            slice_sizes=(1,),
                            mode=lax.GatherScatterMode.PROMISE_IN_BOUNDS,
                        )
                return carry

            lax.fori_loop(0, BUILD_BLK // 2, swap_rows, 0)
            pltpu.sync_copy(rows_v.at[k], my_tbl.at[pl.ds(build_blk(k), BUILD_BLK)])

        plsc.subcore_barrier()

        def issue_gather(q, r):
            pltpu.async_copy(my_tbl.at[idx_v.at[q]], rows_v.at[r], sg[r])

        def wait_gather(r):
            pltpu.make_async_copy(
                my_tbl.at[idx_v.at[0]], rows_v.at[r], sg[r]
            ).wait()

        def issue_out(g, r):
            pltpu.async_copy(
                rows_v.at[r], out_hbm.at[pl.ds(base + g * CHUNK, CHUNK)], so[r]
            )

        def wait_out(r):
            pltpu.make_async_copy(
                rows_v.at[r], out_hbm.at[pl.ds(base, CHUNK)], so[r]
            ).wait()

        for r in range(LOOKAHEAD):
            issue_gather(r, r)

        def step(g, r, first_group, last_group):
            wait_gather(r)
            issue_out(g, r)
            q = g + LOOKAHEAD
            if not last_group or r < NSLOTS - LOOKAHEAD:
                rq = (r + LOOKAHEAD) % NSLOTS
                if not (first_group and r < NSLOTS - LOOKAHEAD):
                    wait_out(rq)
                issue_gather(q, rq)

        for r in range(NSLOTS):
            step(r, r, True, False)

        n_groups = n_chunks // NSLOTS

        def body(j, carry):
            g0 = j * NSLOTS
            for r in range(NSLOTS):
                step(g0 + r, r, False, False)
            return carry

        lax.fori_loop(1, n_groups - 1, body, 0)

        g0 = (n_groups - 1) * NSLOTS
        for r in range(NSLOTS):
            step(g0 + r, r, False, True)

        for r in range(NSLOTS):
            wait_out(r)

    out, _ = gather_kernel(table, idx3)
    return out


def kernel(positions, sin_cos_cache):
    rows, cols = positions.shape
    B = rows * cols
    idx3 = positions.T.reshape(32, B // (32 * CHUNK), CHUNK).astype(jnp.int32)
    table = sin_cos_cache.reshape(sin_cos_cache.shape[0], EMBEDDING_DIM)
    out = _sc_gather(table, idx3)
    return out.reshape(cols, rows, EMBEDDING_DIM).transpose(1, 0, 2)

# --- scband reference (transcript-rebuilt; emitter-appended) ---
"""Pipeline reference for scband-scalar-ro-peembedding-83769042141635 (READ-ONLY COPY).

The authoritative reference and input builder live on the scoring server;
editing this copy changes nothing except your own understanding.
"""

import jax, jax.numpy as jnp
import numpy as np

EMBEDDING_DIM = 128
MAX_POSITION = 10000
BASE = 10000.0


def _build_sin_cos_cache():
    freqs = 1.0 / (BASE ** (jnp.arange(0, EMBEDDING_DIM, 2, dtype=jnp.float32) / EMBEDDING_DIM))
    positions = jnp.arange(0, MAX_POSITION, dtype=jnp.float32)
    f = jnp.outer(positions, freqs)  # [max_position, d/2]
    return jnp.stack([jnp.sin(f), jnp.cos(f)], axis=-1)  # [max_position, d/2, 2]


def setup_inputs(seed: int = 0) -> dict:
    key = jax.random.key(seed)
    positions = jax.random.randint(key, (4096, 50), 0, MAX_POSITION, dtype=jnp.int64)
    sin_cos_cache = _build_sin_cos_cache()
    return {"positions": positions, "sin_cos_cache": sin_cos_cache}


def reference(positions, sin_cos_cache):
    original_shape = positions.shape
    flat_positions = positions.reshape(-1).astype(jnp.int32)
    sc = jnp.take(sin_cos_cache, flat_positions, axis=0)  # [N, d/2, 2] (sin, cos)
    # torch loop puts cos at even output indices, sin at odd output indices
    cos = sc[..., 1]
    sin = sc[..., 0]
    emb = jnp.stack([cos, sin], axis=-1).reshape(flat_positions.shape[0], EMBEDDING_DIM)
    return emb.reshape(*original_shape, EMBEDDING_DIM)

if __name__ == "__main__":
    import jax
    _d = setup_inputs()
    print(jax.jit(kernel)(*tuple(_d.values())))

</pallas_src>

<mosaic_0001>
#map = affine_map<(d0, d1) -> (0, 0)>
#map1 = affine_map<(d0, d1) -> (0, 0, 0)>
module attributes {stable_mosaic.version = 14 : i64} {
  func.func @gather_kernel(%arg0: i32, %arg1: i32, %arg2: memref<10000x128xf32, #tpu.memory_space<hbm>>, %arg3: memref<32x50x128xi32, #tpu.memory_space<hbm>>, %arg4: memref<204800x128xf32, #tpu.memory_space<hbm>>, %arg5: memref<2x10240x128xf32, #tpu.memory_space<hbm>>, %arg6: memref<50x128xi32, #tpu.memory_space<vmem>>, %arg7: memref<5x128x128xf32, #tpu.memory_space<vmem>>, %arg8: memref<!tpu.dma_semaphore, #tpu.memory_space<semaphore_mem>>, %arg9: memref<!tpu.dma_semaphore, #tpu.memory_space<semaphore_mem>>, %arg10: memref<!tpu.dma_semaphore, #tpu.memory_space<semaphore_mem>>, %arg11: memref<!tpu.dma_semaphore, #tpu.memory_space<semaphore_mem>>, %arg12: memref<!tpu.dma_semaphore, #tpu.memory_space<semaphore_mem>>, %arg13: memref<!tpu.dma_semaphore, #tpu.memory_space<semaphore_mem>>, %arg14: memref<!tpu.dma_semaphore, #tpu.memory_space<semaphore_mem>>, %arg15: memref<!tpu.dma_semaphore, #tpu.memory_space<semaphore_mem>>, %arg16: memref<!tpu.dma_semaphore, #tpu.memory_space<semaphore_mem>>, %arg17: memref<!tpu.dma_semaphore, #tpu.memory_space<semaphore_mem>>) attributes {dimension_semantics = [#tpu.dimension_semantics<core_parallel>, #tpu.dimension_semantics<subcore_parallel>], iteration_bounds = array<i64: 2, 16>, scalar_prefetch = 0 : i64, scratch_operands = 12 : i64, tpu.core_type = #tpu.core_type<sc_vector_subcore>, window_params = [{transform_indices = #map}, {transform_indices = #map1}, {transform_indices = #map}, {transform_indices = #map1}]} {
    %mul3A = arith.constant 2 : i32
    %mul3A_0 = arith.muli %arg1, %mul3A : i32
    %add3A = arith.addi %mul3A_0, %arg0 : i32
    %mul3A_1 = arith.constant 6400 : i32
    %mul3A_2 = arith.muli %add3A, %mul3A_1 : i32
    %mul3A_3 = arith.constant 640 : i32
    %mul3A_4 = arith.muli %arg1, %mul3A_3 : i32
    %iota3A = tpu.iota {dimensions = array<i32: 0>} : vector<16xi32>
    %xor3A = arith.constant 1 : i32
    %xor3A_5 = vector.broadcast %xor3A : i32 to vector<16xi32>
    %xor3A_6 = arith.xori %iota3A, %xor3A_5 : vector<16xi32>
    %add3A_7 = arith.constant 0 : i32
    %add3A_8 = arith.addi %mul3A_4, %add3A_7 : i32
    %min3A = arith.constant 9872 : i32
    %min3A_9 = arith.minsi %add3A_8, %min3A : i32
    %multiple_of3A = tpu.assume_multiple %min3A_9, 8 : i32
    %dma_start3A = arith.constant 0 : i32
    %dma_start3A_10 = arith.constant 0 : i32
    %dma_start3A_11 = arith.constant 0 : i32
    %dma_start3A_12 = tpu.memref_slice %arg7[%dma_start3A, %dma_start3A_10, %dma_start3A_11] : memref<5x128x128xf32, #tpu.memory_space<vmem>> -> memref<1x128x128xf32, #tpu.memory_space<vmem>>
    %dma_start3A_13 = tpu.memref_squeeze %dma_start3A_12 : memref<1x128x128xf32, #tpu.memory_space<vmem>> -> memref<128x128xf32, #tpu.memory_space<vmem>>
    %dma_start3A_14 = arith.constant 0 : i32
    %dma_start3A_15 = tpu.memref_slice %arg2[%multiple_of3A, %dma_start3A_14] : memref<10000x128xf32, #tpu.memory_space<hbm>> -> memref<128x128xf32, #tpu.memory_space<hbm>>
    %dma_start3A_16 = arith.constant 0 : i32
    %dma_start3A_17 = arith.constant 0 : i32
    %dma_start3A_18 = tpu.memref_slice %arg7[%dma_start3A, %dma_start3A_16, %dma_start3A_17] : memref<5x128x128xf32, #tpu.memory_space<vmem>> -> memref<1x128x128xf32, #tpu.memory_space<vmem>>
    %dma_start3A_19 = tpu.memref_squeeze %dma_start3A_18 : memref<1x128x128xf32, #tpu.memory_space<vmem>> -> memref<128x128xf32, #tpu.memory_space<vmem>>
    %dma_start3A_20 = arith.constant 0 : i32
    %dma_start3A_21 = tpu.memref_slice %arg2[%multiple_of3A, %dma_start3A_20] : memref<10000x128xf32, #tpu.memory_space<hbm>> -> memref<128x128xf32, #tpu.memory_space<hbm>>
    tpu.enqueue_dma source(%dma_start3A_21 : memref<128x128xf32, #tpu.memory_space<hbm>>) target(%dma_start3A_19 : memref<128x128xf32, #tpu.memory_space<vmem>>) target_semaphore(%arg8 : memref<!tpu.dma_semaphore, #tpu.memory_space<semaphore_mem>>)
    %add3A_22 = arith.constant 128 : i32
    %add3A_23 = arith.addi %mul3A_4, %add3A_22 : i32
    %min3A_24 = arith.constant 9872 : i32
    %min3A_25 = arith.minsi %add3A_23, %min3A_24 : i32
    %multiple_of3A_26 = tpu.assume_multiple %min3A_25, 8 : i32
    %dma_start3A_27 = arith.constant 1 : i32
    %dma_start3A_28 = arith.constant 0 : i32
    %dma_start3A_29 = arith.constant 0 : i32
    %dma_start3A_30 = tpu.memref_slice %arg7[%dma_start3A_27, %dma_start3A_28, %dma_start3A_29] : memref<5x128x128xf32, #tpu.memory_space<vmem>> -> memref<1x128x128xf32, #tpu.memory_space<vmem>>
    %dma_start3A_31 = tpu.memref_squeeze %dma_start3A_30 : memref<1x128x128xf32, #tpu.memory_space<vmem>> -> memref<128x128xf32, #tpu.memory_space<vmem>>
    %dma_start3A_32 = arith.constant 0 : i32
    %dma_start3A_33 = tpu.memref_slice %arg2[%multiple_of3A_26, %dma_start3A_32] : memref<10000x128xf32, #tpu.memory_space<hbm>> -> memref<128x128xf32, #tpu.memory_space<hbm>>
    %dma_start3A_34 = arith.constant 0 : i32
    %dma_start3A_35 = arith.constant 0 : i32
    %dma_start3A_36 = tpu.memref_slice %arg7[%dma_start3A_27, %dma_start3A_34, %dma_start3A_35] : memref<5x128x128xf32, #tpu.memory_space<vmem>> -> memref<1x128x128xf32, #tpu.memory_space<vmem>>
    %dma_start3A_37 = tpu.memref_squeeze %dma_start3A_36 : memref<1x128x128xf32, #tpu.memory_space<vmem>> -> memref<128x128xf32, #tpu.memory_space<vmem>>
    %dma_start3A_38 = arith.constant 0 : i32
    %dma_start3A_39 = tpu.memref_slice %arg2[%multiple_of3A_26, %dma_start3A_38] : memref<10000x128xf32, #tpu.memory_space<hbm>> -> memref<128x128xf32, #tpu.memory_space<hbm>>
    tpu.enqueue_dma source(%dma_start3A_39 : memref<128x128xf32, #tpu.memory_space<hbm>>) target(%dma_start3A_37 : memref<128x128xf32, #tpu.memory_space<vmem>>) target_semaphore(%arg9 : memref<!tpu.dma_semaphore, #tpu.memory_space<semaphore_mem>>)
    %add3A_40 = arith.constant 256 : i32
    %add3A_41 = arith.addi %mul3A_4, %add3A_40 : i32
    %min3A_42 = arith.constant 9872 : i32
    %min3A_43 = arith.minsi %add3A_41, %min3A_42 : i32
    %multiple_of3A_44 = tpu.assume_multiple %min3A_43, 8 : i32
    %dma_start3A_45 = arith.constant 2 : i32
    %dma_start3A_46 = arith.constant 0 : i32
    %dma_start3A_47 = arith.constant 0 : i32
    %dma_start3A_48 = tpu.memref_slice %arg7[%dma_start3A_45, %dma_start3A_46, %dma_start3A_47] : memref<5x128x128xf32, #tpu.memory_space<vmem>> -> memref<1x128x128xf32, #tpu.memory_space<vmem>>
    %dma_start3A_49 = tpu.memref_squeeze %dma_start3A_48 : memref<1x128x128xf32, #tpu.memory_space<vmem>> -> memref<128x128xf32, #tpu.memory_space<vmem>>
    %dma_start3A_50 = arith.constant 0 : i32
    %dma_start3A_51 = tpu.memref_slice %arg2[%multiple_of3A_44, %dma_start3A_50] : memref<10000x128xf32, #tpu.memory_space<hbm>> -> memref<128x128xf32, #tpu.memory_space<hbm>>
    %dma_start3A_52 = arith.constant 0 : i32
    %dma_start3A_53 = arith.constant 0 : i32
    %dma_start3A_54 = tpu.memref_slice %arg7[%dma_start3A_45, %dma_start3A_52, %dma_start3A_53] : memref<5x128x128xf32, #tpu.memory_space<vmem>> -> memref<1x128x128xf32, #tpu.memory_space<vmem>>
    %dma_start3A_55 = tpu.memref_squeeze %dma_start3A_54 : memref<1x128x128xf32, #tpu.memory_space<vmem>> -> memref<128x128xf32, #tpu.memory_space<vmem>>
    %dma_start3A_56 = arith.constant 0 : i32
    %dma_start3A_57 = tpu.memref_slice %arg2[%multiple_of3A_44, %dma_start3A_56] : memref<10000x128xf32, #tpu.memory_space<hbm>> -> memref<128x128xf32, #tpu.memory_space<hbm>>
    tpu.enqueue_dma source(%dma_start3A_57 : memref<128x128xf32, #tpu.memory_space<hbm>>) target(%dma_start3A_55 : memref<128x128xf32, #tpu.memory_space<vmem>>) target_semaphore(%arg10 : memref<!tpu.dma_semaphore, #tpu.memory_space<semaphore_mem>>)
    %add3A_58 = arith.constant 384 : i32
    %add3A_59 = arith.addi %mul3A_4, %add3A_58 : i32
    %min3A_60 = arith.constant 9872 : i32
    %min3A_61 = arith.minsi %add3A_59, %min3A_60 : i32
    %multiple_of3A_62 = tpu.assume_multiple %min3A_61, 8 : i32
    %dma_start3A_63 = arith.constant 3 : i32
    %dma_start3A_64 = arith.constant 0 : i32
    %dma_start3A_65 = arith.constant 0 : i32
    %dma_start3A_66 = tpu.memref_slice %arg7[%dma_start3A_63, %dma_start3A_64, %dma_start3A_65] : memref<5x128x128xf32, #tpu.memory_space<vmem>> -> memref<1x128x128xf32, #tpu.memory_space<vmem>>
    %dma_start3A_67 = tpu.memref_squeeze %dma_start3A_66 : memref<1x128x128xf32, #tpu.memory_space<vmem>> -> memref<128x128xf32, #tpu.memory_space<vmem>>
    %dma_start3A_68 = arith.constant 0 : i32
    %dma_start3A_69 = tpu.memref_slice %arg2[%multiple_of3A_62, %dma_start3A_68] : memref<10000x128xf32, #tpu.memory_space<hbm>> -> memref<128x128xf32, #tpu.memory_space<hbm>>
    %dma_start3A_70 = arith.constant 0 : i32
    %dma_start3A_71 = arith.constant 0 : i32
    %dma_start3A_72 = tpu.memref_slice %arg7[%dma_start3A_63, %dma_start3A_70, %dma_start3A_71] : memref<5x128x128xf32, #tpu.memory_space<vmem>> -> memref<1x128x128xf32, #tpu.memory_space<vmem>>
    %dma_start3A_73 = tpu.memref_squeeze %dma_start3A_72 : memref<1x128x128xf32, #tpu.memory_space<vmem>> -> memref<128x128xf32, #tpu.memory_space<vmem>>
    %dma_start3A_74 = arith.constant 0 : i32
    %dma_start3A_75 = tpu.memref_slice %arg2[%multiple_of3A_62, %dma_start3A_74] : memref<10000x128xf32, #tpu.memory_space<hbm>> -> memref<128x128xf32, #tpu.memory_space<hbm>>
    tpu.enqueue_dma source(%dma_start3A_75 : memref<128x128xf32, #tpu.memory_space<hbm>>) target(%dma_start3A_73 : memref<128x128xf32, #tpu.memory_space<vmem>>) target_semaphore(%arg11 : memref<!tpu.dma_semaphore, #tpu.memory_space<semaphore_mem>>)
    %add3A_76 = arith.constant 512 : i32
    %add3A_77 = arith.addi %mul3A_4, %add3A_76 : i32
    %min3A_78 = arith.constant 9872 : i32
    %min3A_79 = arith.minsi %add3A_77, %min3A_78 : i32
    %multiple_of3A_80 = tpu.assume_multiple %min3A_79, 8 : i32
    %dma_start3A_81 = arith.constant 4 : i32
    %dma_start3A_82 = arith.constant 0 : i32
    %dma_start3A_83 = arith.constant 0 : i32
    %dma_start3A_84 = tpu.memref_slice %arg7[%dma_start3A_81, %dma_start3A_82, %dma_start3A_83] : memref<5x128x128xf32, #tpu.memory_space<vmem>> -> memref<1x128x128xf32, #tpu.memory_space<vmem>>
    %dma_start3A_85 = tpu.memref_squeeze %dma_start3A_84 : memref<1x128x128xf32, #tpu.memory_space<vmem>> -> memref<128x128xf32, #tpu.memory_space<vmem>>
    %dma_start3A_86 = arith.constant 0 : i32
    %dma_start3A_87 = tpu.memref_slice %arg2[%multiple_of3A_80, %dma_start3A_86] : memref<10000x128xf32, #tpu.memory_space<hbm>> -> memref<128x128xf32, #tpu.memory_space<hbm>>
    %dma_start3A_88 = arith.constant 0 : i32
    %dma_start3A_89 = arith.constant 0 : i32
    %dma_start3A_90 = tpu.memref_slice %arg7[%dma_start3A_81, %dma_start3A_88, %dma_start3A_89] : memref<5x128x128xf32, #tpu.memory_space<vmem>> -> memref<1x128x128xf32, #tpu.memory_space<vmem>>
    %dma_start3A_91 = tpu.memref_squeeze %dma_start3A_90 : memref<1x128x128xf32, #tpu.memory_space<vmem>> -> memref<128x128xf32, #tpu.memory_space<vmem>>
    %dma_start3A_92 = arith.constant 0 : i32
    %dma_start3A_93 = tpu.memref_slice %arg2[%multiple_of3A_80, %dma_start3A_92] : memref<10000x128xf32, #tpu.memory_space<hbm>> -> memref<128x128xf32, #tpu.memory_space<hbm>>
    tpu.enqueue_dma source(%dma_start3A_93 : memref<128x128xf32, #tpu.memory_space<hbm>>) target(%dma_start3A_91 : memref<128x128xf32, #tpu.memory_space<vmem>>) target_semaphore(%arg12 : memref<!tpu.dma_semaphore, #tpu.memory_space<semaphore_mem>>)
    "tpu.region"() ({
      %run_scoped3A_832 = tpu.sem_alloc : memref<!tpu.dma_semaphore, #tpu.memory_space<semaphore_mem>>
      %dma_start3A_833 = arith.constant 0 : i32
      %dma_start3A_834 = arith.constant 0 : i32
      %dma_start3A_835 = tpu.memref_slice %arg3[%add3A, %dma_start3A_833, %dma_start3A_834] : memref<32x50x128xi32, #tpu.memory_space<hbm>> -> memref<1x50x128xi32, #tpu.memory_space<hbm>>
      %dma_start3A_836 = tpu.memref_squeeze %dma_start3A_835 : memref<1x50x128xi32, #tpu.memory_space<hbm>> -> memref<50x128xi32, #tpu.memory_space<hbm>>
      %dma_start3A_837 = arith.constant 0 : i32
      %dma_start3A_838 = arith.constant 0 : i32
      %dma_start3A_839 = tpu.memref_slice %arg3[%add3A, %dma_start3A_837, %dma_start3A_838] : memref<32x50x128xi32, #tpu.memory_space<hbm>> -> memref<1x50x128xi32, #tpu.memory_space<hbm>>
      %dma_start3A_840 = tpu.memref_squeeze %dma_start3A_839 : memref<1x50x128xi32, #tpu.memory_space<hbm>> -> memref<50x128xi32, #tpu.memory_space<hbm>>
      tpu.enqueue_dma source(%dma_start3A_840 : memref<50x128xi32, #tpu.memory_space<hbm>>) target(%arg6 : memref<50x128xi32, #tpu.memory_space<vmem>>) target_semaphore(%run_scoped3A_832 : memref<!tpu.dma_semaphore, #tpu.memory_space<semaphore_mem>>)
      %dma_wait3A_841 = arith.constant 0 : i32
      %dma_wait3A_842 = arith.constant 0 : i32
      %dma_wait3A_843 = tpu.memref_slice %arg3[%add3A, %dma_wait3A_841, %dma_wait3A_842] : memref<32x50x128xi32, #tpu.memory_space<hbm>> -> memref<1x50x128xi32, #tpu.memory_space<hbm>>
      %dma_wait3A_844 = tpu.memref_squeeze %dma_wait3A_843 : memref<1x50x128xi32, #tpu.memory_space<hbm>> -> memref<50x128xi32, #tpu.memory_space<hbm>>
      %dma_wait3A_845 = arith.constant 0 : i32
      %dma_wait3A_846 = arith.constant 0 : i32
      %dma_wait3A_847 = tpu.memref_slice %arg3[%add3A, %dma_wait3A_845, %dma_wait3A_846] : memref<32x50x128xi32, #tpu.memory_space<hbm>> -> memref<1x50x128xi32, #tpu.memory_space<hbm>>
      %dma_wait3A_848 = tpu.memref_squeeze %dma_wait3A_847 : memref<1x50x128xi32, #tpu.memory_space<hbm>> -> memref<50x128xi32, #tpu.memory_space<hbm>>
      tpu.wait_dma2 semaphore(%run_scoped3A_832 : memref<!tpu.dma_semaphore, #tpu.memory_space<semaphore_mem>>) src(%dma_wait3A_848 : memref<50x128xi32, #tpu.memory_space<hbm>>) dst(%arg6 : memref<50x128xi32, #tpu.memory_space<vmem>>)
      tpu.yield
    }) : () -> ()
    %dma_wait3A = arith.constant 0 : i32
    %dma_wait3A_94 = arith.constant 0 : i32
    %dma_wait3A_95 = arith.constant 0 : i32
    %dma_wait3A_96 = tpu.memref_slice %arg7[%dma_wait3A, %dma_wait3A_94, %dma_wait3A_95] : memref<5x128x128xf32, #tpu.memory_space<vmem>> -> memref<1x128x128xf32, #tpu.memory_space<vmem>>
    %dma_wait3A_97 = tpu.memref_squeeze %dma_wait3A_96 : memref<1x128x128xf32, #tpu.memory_space<vmem>> -> memref<128x128xf32, #tpu.memory_space<vmem>>
    %dma_wait3A_98 = arith.constant 0 : i32
    %dma_wait3A_99 = arith.constant 0 : i32
    %dma_wait3A_100 = tpu.memref_slice %arg2[%dma_wait3A_98, %dma_wait3A_99] : memref<10000x128xf32, #tpu.memory_space<hbm>> -> memref<128x128xf32, #tpu.memory_space<hbm>>
    %dma_wait3A_101 = arith.constant 0 : i32
    %dma_wait3A_102 = arith.constant 0 : i32
    %dma_wait3A_103 = tpu.memref_slice %arg7[%dma_wait3A, %dma_wait3A_101, %dma_wait3A_102] : memref<5x128x128xf32, #tpu.memory_space<vmem>> -> memref<1x128x128xf32, #tpu.memory_space<vmem>>
    %dma_wait3A_104 = tpu.memref_squeeze %dma_wait3A_103 : memref<1x128x128xf32, #tpu.memory_space<vmem>> -> memref<128x128xf32, #tpu.memory_space<vmem>>
    %dma_wait3A_105 = arith.constant 0 : i32
    %dma_wait3A_106 = arith.constant 0 : i32
    %dma_wait3A_107 = tpu.memref_slice %arg2[%dma_wait3A_105, %dma_wait3A_106] : memref<10000x128xf32, #tpu.memory_space<hbm>> -> memref<128x128xf32, #tpu.memory_space<hbm>>
    tpu.wait_dma2 semaphore(%arg8 : memref<!tpu.dma_semaphore, #tpu.memory_space<semaphore_mem>>) src(%dma_wait3A_107 : memref<128x128xf32, #tpu.memory_space<hbm>>) dst(%dma_wait3A_104 : memref<128x128xf32, #tpu.memory_space<vmem>>)
    %scan3A = arith.constant 0 : i32
    %scan3A_108 = arith.constant 0 : i32
    %scan3A_109 = arith.constant 64 : i32
    %scan3A_110 = arith.addi %scan3A_108, %scan3A_109 : i32
    %scan3A_111 = arith.constant 1 : i32
    scf.for %scan3A_832 = %scan3A_108 to %scan3A_110 step %scan3A_111  : i32 {
      %mul3A_833 = arith.constant 2 : i32
      %mul3A_834 = arith.muli %mul3A_833, %scan3A_832 : i32
      %add3A_835 = arith.constant 0 : i32
      %add3A_836 = arith.addi %mul3A_834, %add3A_835 : i32
      %get3A = arith.constant 0 : i32
      %get3A_837 = arith.index_cast %get3A : i32 to index
      %get3A_838 = arith.index_cast %add3A_836 : i32 to index
      %get3A_839 = arith.constant 0 : index
      %get3A_840 = tpu.vector_load %arg7[%get3A_837, %get3A_838, %get3A_839] {strides = array<i32>} : memref<5x128x128xf32, #tpu.memory_space<vmem>>, vector<1x1x16xf32>,
      %get3A_841 = vector.shape_cast %get3A_840 : vector<1x1x16xf32> to vector<16xf32>
      %broadcast_in_dim3A = vector.shape_cast %xor3A_6 : vector<16xi32> to vector<16x1xi32>
      %gather3A = vector.shape_cast %broadcast_in_dim3A : vector<16x1xi32> to vector<16xi32>
      %gather3A_842 = tpu.dynamic_gather %get3A_841[%gather3A] in [0] : vector<16xf32>, vector<16xi32> -> vector<16xf32>
      %mul3A_843 = arith.constant 2 : i32
      %mul3A_844 = arith.muli %mul3A_843, %scan3A_832 : i32
      %add3A_845 = arith.constant 0 : i32
      %add3A_846 = arith.addi %mul3A_844, %add3A_845 : i32
      %swap3A = arith.constant 0 : i32
      %swap3A_847 = arith.index_cast %swap3A : i32 to index
      %swap3A_848 = arith.index_cast %add3A_846 : i32 to index
      %swap3A_849 = arith.constant 0 : index
      %swap3A_850 = tpu.vector_load %arg7[%swap3A_847, %swap3A_848, %swap3A_849] {strides = array<i32>} : memref<5x128x128xf32, #tpu.memory_space<vmem>>, vector<1x1x16xf32>,
      %swap3A_851 = vector.shape_cast %swap3A_850 : vector<1x1x16xf32> to vector<16xf32>
      %swap3A_852 = vector.shape_cast %gather3A_842 : vector<16xf32> to vector<1x1x16xf32>
      tpu.vector_store %arg7[%swap3A_847, %swap3A_848, %swap3A_849], %swap3A_852 {strides = array<i32>} : memref<5x128x128xf32, #tpu.memory_space<vmem>>, vector<1x1x16xf32>,
      %mul3A_853 = arith.constant 2 : i32
      %mul3A_854 = arith.muli %mul3A_853, %scan3A_832 : i32
      %add3A_855 = arith.constant 0 : i32
      %add3A_856 = arith.addi %mul3A_854, %add3A_855 : i32
      %get3A_857 = arith.constant 0 : i32
      %get3A_858 = arith.index_cast %get3A_857 : i32 to index
      %get3A_859 = arith.index_cast %add3A_856 : i32 to index
      %get3A_860 = arith.constant 16 : index
      %get3A_861 = tpu.vector_load %arg7[%get3A_858, %get3A_859, %get3A_860] {strides = array<i32>} : memref<5x128x128xf32, #tpu.memory_space<vmem>>, vector<1x1x16xf32>,
      %get3A_862 = vector.shape_cast %get3A_861 : vector<1x1x16xf32> to vector<16xf32>
      %broadcast_in_dim3A_863 = vector.shape_cast %xor3A_6 : vector<16xi32> to vector<16x1xi32>
      %gather3A_864 = vector.shape_cast %broadcast_in_dim3A_863 : vector<16x1xi32> to vector<16xi32>
      %gather3A_865 = tpu.dynamic_gather %get3A_862[%gather3A_864] in [0] : vector<16xf32>, vector<16xi32> -> vector<16xf32>
      %mul3A_866 = arith.constant 2 : i32
      %mul3A_867 = arith.muli %mul3A_866, %scan3A_832 : i32
      %add3A_868 = arith.constant 0 : i32
      %add3A_869 = arith.addi %mul3A_867, %add3A_868 : i32
      %swap3A_870 = arith.constant 0 : i32
      %swap3A_871 = arith.index_cast %swap3A_870 : i32 to index
      %swap3A_872 = arith.index_cast %add3A_869 : i32 to index
      %swap3A_873 = arith.constant 16 : index
      %swap3A_874 = tpu.vector_load %arg7[%swap3A_871, %swap3A_872, %swap3A_873] {strides = array<i32>} : memref<5x128x128xf32, #tpu.memory_space<vmem>>, vector<1x1x16xf32>,
      %swap3A_875 = vector.shape_cast %swap3A_874 : vector<1x1x16xf32> to vector<16xf32>
      %swap3A_876 = vector.shape_cast %gather3A_865 : vector<16xf32> to vector<1x1x16xf32>
      tpu.vector_store %arg7[%swap3A_871, %swap3A_872, %swap3A_873], %swap3A_876 {strides = array<i32>} : memref<5x128x128xf32, #tpu.memory_space<vmem>>, vector<1x1x16xf32>,
      %mul3A_877 = arith.constant 2 : i32
      %mul3A_878 = arith.muli %mul3A_877, %scan3A_832 : i32
      %add3A_879 = arith.constant 0 : i32
      %add3A_880 = arith.addi %mul3A_878, %add3A_879 : i32
      %get3A_881 = arith.constant 0 : i32
      %get3A_882 = arith.index_cast %get3A_881 : i32 to index
      %get3A_883 = arith.index_cast %add3A_880 : i32 to index
      %get3A_884 = arith.constant 32 : index
      %get3A_885 = tpu.vector_load %arg7[%get3A_882, %get3A_883, %get3A_884] {strides = array<i32>} : memref<5x128x128xf32, #tpu.memory_space<vmem>>, vector<1x1x16xf32>,
      %get3A_886 = vector.shape_cast %get3A_885 : vector<1x1x16xf32> to vector<16xf32>
      %broadcast_in_dim3A_887 = vector.shape_cast %xor3A_6 : vector<16xi32> to vector<16x1xi32>
      %gather3A_888 = vector.shape_cast %broadcast_in_dim3A_887 : vector<16x1xi32> to vector<16xi32>
      %gather3A_889 = tpu.dynamic_gather %get3A_886[%gather3A_888] in [0] : vector<16xf32>, vector<16xi32> -> vector<16xf32>
      %mul3A_890 = arith.constant 2 : i32
      %mul3A_891 = arith.muli %mul3A_890, %scan3A_832 : i32
      %add3A_892 = arith.constant 0 : i32
      %add3A_893 = arith.addi %mul3A_891, %add3A_892 : i32
      %swap3A_894 = arith.constant 0 : i32
      %swap3A_895 = arith.index_cast %swap3A_894 : i32 to index
      %swap3A_896 = arith.index_cast %add3A_893 : i32 to index
      %swap3A_897 = arith.constant 32 : index
      %swap3A_898 = tpu.vector_load %arg7[%swap3A_895, %swap3A_896, %swap3A_897] {strides = array<i32>} : memref<5x128x128xf32, #tpu.memory_space<vmem>>, vector<1x1x16xf32>,
      %swap3A_899 = vector.shape_cast %swap3A_898 : vector<1x1x16xf32> to vector<16xf32>
      %swap3A_900 = vector.shape_cast %gather3A_889 : vector<16xf32> to vector<1x1x16xf32>
      tpu.vector_store %arg7[%swap3A_895, %swap3A_896, %swap3A_897], %swap3A_900 {strides = array<i32>} : memref<5x128x128xf32, #tpu.memory_space<vmem>>, vector<1x1x16xf32>,
      %mul3A_901 = arith.constant 2 : i32
      %mul3A_902 = arith.muli %mul3A_901, %scan3A_832 : i32
      %add3A_903 = arith.constant 0 : i32
      %add3A_904 = arith.addi %mul3A_902, %add3A_903 : i32
      %get3A_905 = arith.constant 0 : i32
      %get3A_906 = arith.index_cast %get3A_905 : i32 to index
      %get3A_907 = arith.index_cast %add3A_904 : i32 to index
      %get3A_908 = arith.constant 48 : index
      %get3A_909 = tpu.vector_load %arg7[%get3A_906, %get3A_907, %get3A_908] {strides = array<i32>} : memref<5x128x128xf32, #tpu.memory_space<vmem>>, vector<1x1x16xf32>,
      %get3A_910 = vector.shape_cast %get3A_909 : vector<1x1x16xf32> to vector<16xf32>
      %broadcast_in_dim3A_911 = vector.shape_cast %xor3A_6 : vector<16xi32> to vector<16x1xi32>
      %gather3A_912 = vector.shape_cast %broadcast_in_dim3A_911 : vector<16x1xi32> to vector<16xi32>
      %gather3A_913 = tpu.dynamic_gather %get3A_910[%gather3A_912] in [0] : vector<16xf32>, vector<16xi32> -> vector<16xf32>
      %mul3A_914 = arith.constant 2 : i32
      %mul3A_915 = arith.muli %mul3A_914, %scan3A_832 : i32
      %add3A_916 = arith.constant 0 : i32
      %add3A_917 = arith.addi %mul3A_915, %add3A_916 : i32
      %swap3A_918 = arith.constant 0 : i32
      %swap3A_919 = arith.index_cast %swap3A_918 : i32 to index
      %swap3A_920 = arith.index_cast %add3A_917 : i32 to index
      %swap3A_921 = arith.constant 48 : index
      %swap3A_922 = tpu.vector_load %arg7[%swap3A_919, %swap3A_920, %swap3A_921] {strides = array<i32>} : memref<5x128x128xf32, #tpu.memory_space<vmem>>, vector<1x1x16xf32>,
      %swap3A_923 = vector.shape_cast %swap3A_922 : vector<1x1x16xf32> to vector<16xf32>
      %swap3A_924 = vector.shape_cast %gather3A_913 : vector<16xf32> to vector<1x1x16xf32>
      tpu.vector_store %arg7[%swap3A_919, %swap3A_920, %swap3A_921], %swap3A_924 {strides = array<i32>} : memref<5x128x128xf32, #tpu.memory_space<vmem>>, vector<1x1x16xf32>,
      %mul3A_925 = arith.constant 2 : i32
      %mul3A_926 = arith.muli %mul3A_925, %scan3A_832 : i32
      %add3A_927 = arith.constant 0 : i32
      %add3A_928 = arith.addi %mul3A_926, %add3A_927 : i32
      %get3A_929 = arith.constant 0 : i32
      %get3A_930 = arith.index_cast %get3A_929 : i32 to index
      %get3A_931 = arith.index_cast %add3A_928 : i32 to index
      %get3A_932 = arith.constant 64 : index
      %get3A_933 = tpu.vector_load %arg7[%get3A_930, %get3A_931, %get3A_932] {strides = array<i32>} : memref<5x128x128xf32, #tpu.memory_space<vmem>>, vector<1x1x16xf32>,
      %get3A_934 = vector.shape_cast %get3A_933 : vector<1x1x16xf32> to vector<16xf32>
      %broadcast_in_dim3A_935 = vector.shape_cast %xor3A_6 : vector<16xi32> to vector<16x1xi32>
      %gather3A_936 = vector.shape_cast %broadcast_in_dim3A_935 : vector<16x1xi32> to vector<16xi32>
      %gather3A_937 = tpu.dynamic_gather %get3A_934[%gather3A_936] in [0] : vector<16xf32>, vector<16xi32> -> vector<16xf32>
      %mul3A_938 = arith.constant 2 : i32
      %mul3A_939 = arith.muli %mul3A_938, %scan3A_832 : i32
      %add3A_940 = arith.constant 0 : i32
      %add3A_941 = arith.addi %mul3A_939, %add3A_940 : i32
      %swap3A_942 = arith.constant 0 : i32
      %swap3A_943 = arith.index_cast %swap3A_942 : i32 to index
      %swap3A_944 = arith.index_cast %add3A_941 : i32 to index
      %swap3A_945 = arith.constant 64 : index
      %swap3A_946 = tpu.vector_load %arg7[%swap3A_943, %swap3A_944, %swap3A_945] {strides = array<i32>} : memref<5x128x128xf32, #tpu.memory_space<vmem>>, vector<1x1x16xf32>,
      %swap3A_947 = vector.shape_cast %swap3A_946 : vector<1x1x16xf32> to vector<16xf32>
      %swap3A_948 = vector.shape_cast %gather3A_937 : vector<16xf32> to vector<1x1x16xf32>
      tpu.vector_store %arg7[%swap3A_943, %swap3A_944, %swap3A_945], %swap3A_948 {strides = array<i32>} : memref<5x128x128xf32, #tpu.memory_space<vmem>>, vector<1x1x16xf32>,
      %mul3A_949 = arith.constant 2 : i32
      %mul3A_950 = arith.muli %mul3A_949, %scan3A_832 : i32
      %add3A_951 = arith.constant 0 : i32
      %add3A_952 = arith.addi %mul3A_950, %add3A_951 : i32
      %get3A_953 = arith.constant 0 : i32
      %get3A_954 = arith.index_cast %get3A_953 : i32 to index
      %get3A_955 = arith.index_cast %add3A_952 : i32 to index
      %get3A_956 = arith.constant 80 : index
      %get3A_957 = tpu.vector_load %arg7[%get3A_954, %get3A_955, %get3A_956] {strides = array<i32>} : memref<5x128x128xf32, #tpu.memory_space<vmem>>, vector<1x1x16xf32>,
      %get3A_958 = vector.shape_cast %get3A_957 : vector<1x1x16xf32> to vector<16xf32>
      %broadcast_in_dim3A_959 = vector.shape_cast %xor3A_6 : vector<16xi32> to vector<16x1xi32>
      %gather3A_960 = vector.shape_cast %broadcast_in_dim3A_959 : vector<16x1xi32> to vector<16xi32>
      %gather3A_961 = tpu.dynamic_gather %get3A_958[%gather3A_960] in [0] : vector<16xf32>, vector<16xi32> -> vector<16xf32>
      %mul3A_962 = arith.constant 2 : i32
      %mul3A_963 = arith.muli %mul3A_962, %scan3A_832 : i32
      %add3A_964 = arith.constant 0 : i32
      %add3A_965 = arith.addi %mul3A_963, %add3A_964 : i32
      %swap3A_966 = arith.constant 0 : i32
      %swap3A_967 = arith.index_cast %swap3A_966 : i32 to index
      %swap3A_968 = arith.index_cast %add3A_965 : i32 to index
      %swap3A_969 = arith.constant 80 : index
      %swap3A_970 = tpu.vector_load %arg7[%swap3A_967, %swap3A_968, %swap3A_969] {strides = array<i32>} : memref<5x128x128xf32, #tpu.memory_space<vmem>>, vector<1x1x16xf32>,
      %swap3A_971 = vector.shape_cast %swap3A_970 : vector<1x1x16xf32> to vector<16xf32>
      %swap3A_972 = vector.shape_cast %gather3A_961 : vector<16xf32> to vector<1x1x16xf32>
      tpu.vector_store %arg7[%swap3A_967, %swap3A_968, %swap3A_969], %swap3A_972 {strides = array<i32>} : memref<5x128x128xf32, #tpu.memory_space<vmem>>, vector<1x1x16xf32>,
      %mul3A_973 = arith.constant 2 : i32
      %mul3A_974 = arith.muli %mul3A_973, %scan3A_832 : i32
      %add3A_975 = arith.constant 0 : i32
      %add3A_976 = arith.addi %mul3A_974, %add3A_975 : i32
      %get3A_977 = arith.constant 0 : i32
      %get3A_978 = arith.index_cast %get3A_977 : i32 to index
      %get3A_979 = arith.index_cast %add3A_976 : i32 to index
      %get3A_980 = arith.constant 96 : index
      %get3A_981 = tpu.vector_load %arg7[%get3A_978, %get3A_979, %get3A_980] {strides = array<i32>} : memref<5x128x128xf32, #tpu.memory_space<vmem>>, vector<1x1x16xf32>,
      %get3A_982 = vector.shape_cast %get3A_981 : vector<1x1x16xf32> to vector<16xf32>
      %broadcast_in_dim3A_983 = vector.shape_cast %xor3A_6 : vector<16xi32> to vector<16x1xi32>
      %gather3A_984 = vector.shape_cast %broadcast_in_dim3A_983 : vector<16x1xi32> to vector<16xi32>
      %gather3A_985 = tpu.dynamic_gather %get3A_982[%gather3A_984] in [0] : vector<16xf32>, vector<16xi32> -> vector<16xf32>
      %mul3A_986 = arith.constant 2 : i32
      %mul3A_987 = arith.muli %mul3A_986, %scan3A_832 : i32
      %add3A_988 = arith.constant 0 : i32
      %add3A_989 = arith.addi %mul3A_987, %add3A_988 : i32
      %swap3A_990 = arith.constant 0 : i32
      %swap3A_991 = arith.index_cast %swap3A_990 : i32 to index
      %swap3A_992 = arith.index_cast %add3A_989 : i32 to index
      %swap3A_993 = arith.constant 96 : index
      %swap3A_994 = tpu.vector_load %arg7[%swap3A_991, %swap3A_992, %swap3A_993] {strides = array<i32>} : memref<5x128x128xf32, #tpu.memory_space<vmem>>, vector<1x1x16xf32>,
      %swap3A_995 = vector.shape_cast %swap3A_994 : vector<1x1x16xf32> to vector<16xf32>
      %swap3A_996 = vector.shape_cast %gather3A_985 : vector<16xf32> to vector<1x1x16xf32>
      tpu.vector_store %arg7[%swap3A_991, %swap3A_992, %swap3A_993], %swap3A_996 {strides = array<i32>} : memref<5x128x128xf32, #tpu.memory_space<vmem>>, vector<1x1x16xf32>,
      %mul3A_997 = arith.constant 2 : i32
      %mul3A_998 = arith.muli %mul3A_997, %scan3A_832 : i32
      %add3A_999 = arith.constant 0 : i32
      %add3A_1000 = arith.addi %mul3A_998, %add3A_999 : i32
      %get3A_1001 = arith.constant 0 : i32
      %get3A_1002 = arith.index_cast %get3A_1001 : i32 to index
      %get3A_1003 = arith.index_cast %add3A_1000 : i32 to index
      %get3A_1004 = arith.constant 112 : index
      %get3A_1005 = tpu.vector_load %arg7[%get3A_1002, %get3A_1003, %get3A_1004] {strides = array<i32>} : memref<5x128x128xf32, #tpu.memory_space<vmem>>, vector<1x1x16xf32>,
      %get3A_1006 = vector.shape_cast %get3A_1005 : vector<1x1x16xf32> to vector<16xf32>
      %broadcast_in_dim3A_1007 = vector.shape_cast %xor3A_6 : vector<16xi32> to vector<16x1xi32>
      %gather3A_1008 = vector.shape_cast %broadcast_in_dim3A_1007 : vector<16x1xi32> to vector<16xi32>
      %gather3A_1009 = tpu.dynamic_gather %get3A_1006[%gather3A_1008] in [0] : vector<16xf32>, vector<16xi32> -> vector<16xf32>
      %mul3A_1010 = arith.constant 2 : i32
      %mul3A_1011 = arith.muli %mul3A_1010, %scan3A_832 : i32
      %add3A_1012 = arith.constant 0 : i32
      %add3A_1013 = arith.addi %mul3A_1011, %add3A_1012 : i32
      %swap3A_1014 = arith.constant 0 : i32
      %swap3A_1015 = arith.index_cast %swap3A_1014 : i32 to index
      %swap3A_1016 = arith.index_cast %add3A_1013 : i32 to index
      %swap3A_1017 = arith.constant 112 : index
      %swap3A_1018 = tpu.vector_load %arg7[%swap3A_1015, %swap3A_1016, %swap3A_1017] {strides = array<i32>} : memref<5x128x128xf32, #tpu.memory_space<vmem>>, vector<1x1x16xf32>,
      %swap3A_1019 = vector.shape_cast %swap3A_1018 : vector<1x1x16xf32> to vector<16xf32>
      %swap3A_1020 = vector.shape_cast %gather3A_1009 : vector<16xf32> to vector<1x1x16xf32>
      tpu.vector_store %arg7[%swap3A_1015, %swap3A_1016, %swap3A_1017], %swap3A_1020 {strides = array<i32>} : memref<5x128x128xf32, #tpu.memory_space<vmem>>, vector<1x1x16xf32>,
      %mul3A_1021 = arith.constant 2 : i32
      %mul3A_1022 = arith.muli %mul3A_1021, %scan3A_832 : i32
      %add3A_1023 = arith.constant 1 : i32
      %add3A_1024 = arith.addi %mul3A_1022, %add3A_1023 : i32
      %get3A_1025 = arith.constant 0 : i32
      %get3A_1026 = arith.index_cast %get3A_1025 : i32 to index
      %get3A_1027 = arith.index_cast %add3A_1024 : i32 to index
      %get3A_1028 = arith.constant 0 : index
      %get3A_1029 = tpu.vector_load %arg7[%get3A_1026, %get3A_1027, %get3A_1028] {strides = array<i32>} : memref<5x128x128xf32, #tpu.memory_space<vmem>>, vector<1x1x16xf32>,
      %get3A_1030 = vector.shape_cast %get3A_1029 : vector<1x1x16xf32> to vector<16xf32>
      %broadcast_in_dim3A_1031 = vector.shape_cast %xor3A_6 : vector<16xi32> to vector<16x1xi32>
      %gather3A_1032 = vector.shape_cast %broadcast_in_dim3A_1031 : vector<16x1xi32> to vector<16xi32>
      %gather3A_1033 = tpu.dynamic_gather %get3A_1030[%gather3A_1032] in [0] : vector<16xf32>, vector<16xi32> -> vector<16xf32>
      %mul3A_1034 = arith.constant 2 : i32
      %mul3A_1035 = arith.muli %mul3A_1034, %scan3A_832 : i32
      %add3A_1036 = arith.constant 1 : i32
      %add3A_1037 = arith.addi %mul3A_1035, %add3A_1036 : i32
      %swap3A_1038 = arith.constant 0 : i32
      %swap3A_1039 = arith.index_cast %swap3A_1038 : i32 to index
      %swap3A_1040 = arith.index_cast %add3A_1037 : i32 to index
      %swap3A_1041 = arith.constant 0 : index
      %swap3A_1042 = tpu.vector_load %arg7[%swap3A_1039, %swap3A_1040, %swap3A_1041] {strides = array<i32>} : memref<5x128x128xf32, #tpu.memory_space<vmem>>, vector<1x1x16xf32>,
      %swap3A_1043 = vector.shape_cast %swap3A_1042 : vector<1x1x16xf32> to vector<16xf32>
      %swap3A_1044 = vector.shape_cast %gather3A_1033 : vector<16xf32> to vector<1x1x16xf32>
      tpu.vector_store %arg7[%swap3A_1039, %swap3A_1040, %swap3A_1041], %swap3A_1044 {strides = array<i32>} : memref<5x128x128xf32, #tpu.memory_space<vmem>>, vector<1x1x16xf32>,
      %mul3A_1045 = arith.constant 2 : i32
      %mul3A_1046 = arith.muli %mul3A_1045, %scan3A_832 : i32
      %add3A_1047 = arith.constant 1 : i32
      %add3A_1048 = arith.addi %mul3A_1046, %add3A_1047 : i32
      %get3A_1049 = arith.constant 0 : i32
      %get3A_1050 = arith.index_cast %get3A_1049 : i32 to index
      %get3A_1051 = arith.index_cast %add3A_1048 : i32 to index
      %get3A_1052 = arith.constant 16 : index
      %get3A_1053 = tpu.vector_load %arg7[%get3A_1050, %get3A_1051, %get3A_1052] {strides = array<i32>} : memref<5x128x128xf32, #tpu.memory_space<vmem>>, vector<1x1x16xf32>,
      %get3A_1054 = vector.shape_cast %get3A_1053 : vector<1x1x16xf32> to vector<16xf32>
      %broadcast_in_dim3A_1055 = vector.shape_cast %xor3A_6 : vector<16xi32> to vector<16x1xi32>
      %gather3A_1056 = vector.shape_cast %broadcast_in_dim3A_1055 : vector<16x1xi32> to vector<16xi32>
      %gather3A_1057 = tpu.dynamic_gather %get3A_1054[%gather3A_1056] in [0] : vector<16xf32>, vector<16xi32> -> vector<16xf32>
      %mul3A_1058 = arith.constant 2 : i32
      %mul3A_1059 = arith.muli %mul3A_1058, %scan3A_832 : i32
      %add3A_1060 = arith.constant 1 : i32
      %add3A_1061 = arith.addi %mul3A_1059, %add3A_1060 : i32
      %swap3A_1062 = arith.constant 0 : i32
      %swap3A_1063 = arith.index_cast %swap3A_1062 : i32 to index
      %swap3A_1064 = arith.index_cast %add3A_1061 : i32 to index
      %swap3A_1065 = arith.constant 16 : index
      %swap3A_1066 = tpu.vector_load %arg7[%swap3A_1063, %swap3A_1064, %swap3A_1065] {strides = array<i32>} : memref<5x128x128xf32, #tpu.memory_space<vmem>>, vector<1x1x16xf32>,
      %swap3A_1067 = vector.shape_cast %swap3A_1066 : vector<1x1x16xf32> to vector<16xf32>
      %swap3A_1068 = vector.shape_cast %gather3A_1057 : vector<16xf32> to vector<1x1x16xf32>
      tpu.vector_store %arg7[%swap3A_1063, %swap3A_1064, %swap3A_1065], %swap3A_1068 {strides = array<i32>} : memref<5x128x128xf32, #tpu.memory_space<vmem>>, vector<1x1x16xf32>,
      %mul3A_1069 = arith.constant 2 : i32
      %mul3A_1070 = arith.muli %mul3A_1069, %scan3A_832 : i32
      %add3A_1071 = arith.constant 1 : i32
      %add3A_1072 = arith.addi %mul3A_1070, %add3A_1071 : i32
      %get3A_1073 = arith.constant 0 : i32
      %get3A_1074 = arith.index_cast %get3A_1073 : i32 to index
      %get3A_1075 = arith.index_cast %add3A_1072 : i32 to index
      %get3A_1076 = arith.constant 32 : index
      %get3A_1077 = tpu.vector_load %arg7[%get3A_1074, %get3A_1075, %get3A_1076] {strides = array<i32>} : memref<5x128x128xf32, #tpu.memory_space<vmem>>, vector<1x1x16xf32>,
      %get3A_1078 = vector.shape_cast %get3A_1077 : vector<1x1x16xf32> to vector<16xf32>
      %broadcast_in_dim3A_1079 = vector.shape_cast %xor3A_6 : vector<16xi32> to vector<16x1xi32>
      %gather3A_1080 = vector.shape_cast %broadcast_in_dim3A_1079 : vector<16x1xi32> to vector<16xi32>
      %gather3A_1081 = tpu.dynamic_gather %get3A_1078[%gather3A_1080] in [0] : vector<16xf32>, vector<16xi32> -> vector<16xf32>
      %mul3A_1082 = arith.constant 2 : i32
      %mul3A_1083 = arith.muli %mul3A_1082, %scan3A_832 : i32
      %add3A_1084 = arith.constant 1 : i32
      %add3A_1085 = arith.addi %mul3A_1083, %add3A_1084 : i32
      %swap3A_1086 = arith.constant 0 : i32
      %swap3A_1087 = arith.index_cast %swap3A_1086 : i32 to index
      %swap3A_1088 = arith.index_cast %add3A_1085 : i32 to index
      %swap3A_1089 = arith.constant 32 : index
      %swap3A_1090 = tpu.vector_load %arg7[%swap3A_1087, %swap3A_1088, %swap3A_1089] {strides = array<i32>} : memref<5x128x128xf32, #tpu.memory_space<vmem>>, vector<1x1x16xf32>,
      %swap3A_1091 = vector.shape_cast %swap3A_1090 : vector<1x1x16xf32> to vector<16xf32>
      %swap3A_1092 = vector.shape_cast %gather3A_1081 : vector<16xf32> to vector<1x1x16xf32>
      tpu.vector_store %arg7[%swap3A_1087, %swap3A_1088, %swap3A_1089], %swap3A_1092 {strides = array<i32>} : memref<5x128x128xf32, #tpu.memory_space<vmem>>, vector<1x1x16xf32>,
      %mul3A_1093 = arith.constant 2 : i32
      %mul3A_1094 = arith.muli %mul3A_1093, %scan3A_832 : i32
      %add3A_1095 = arith.constant 1 : i32
      %add3A_1096 = arith.addi %mul3A_1094, %add3A_1095 : i32
      %get3A_1097 = arith.constant 0 : i32
      %get3A_1098 = arith.index_cast %get3A_1097 : i32 to index
      %get3A_1099 = arith.index_cast %add3A_1096 : i32 to index
      %get3A_1100 = arith.constant 48 : index
      %get3A_1101 = tpu.vector_load %arg7[%get3A_1098, %get3A_1099, %get3A_1100] {strides = array<i32>} : memref<5x128x128xf32, #tpu.memory_space<vmem>>, vector<1x1x16xf32>,
      %get3A_1102 = vector.shape_cast %get3A_1101 : vector<1x1x16xf32> to vector<16xf32>
      %broadcast_in_dim3A_1103 = vector.shape_cast %xor3A_6 : vector<16xi32> to vector<16x1xi32>
      %gather3A_1104 = vector.shape_cast %broadcast_in_dim3A_1103 : vector<16x1xi32> to vector<16xi32>
      %gather3A_1105 = tpu.dynamic_gather %get3A_1102[%gather3A_1104] in [0] : vector<16xf32>, vector<16xi32> -> vector<16xf32>
      %mul3A_1106 = arith.constant 2 : i32
      %mul3A_1107 = arith.muli %mul3A_1106, %scan3A_832 : i32
      %add3A_1108 = arith.constant 1 : i32
      %add3A_1109 = arith.addi %mul3A_1107, %add3A_1108 : i32
      %swap3A_1110 = arith.constant 0 : i32
      %swap3A_1111 = arith.index_cast %swap3A_1110 : i32 to index
      %swap3A_1112 = arith.index_cast %add3A_1109 : i32 to index
      %swap3A_1113 = arith.constant 48 : index
      %swap3A_1114 = tpu.vector_load %arg7[%swap3A_1111, %swap3A_1112, %swap3A_1113] {strides = array<i32>} : memref<5x128x128xf32, #tpu.memory_space<vmem>>, vector<1x1x16xf32>,
      %swap3A_1115 = vector.shape_cast %swap3A_1114 : vector<1x1x16xf32> to vector<16xf32>
      %swap3A_1116 = vector.shape_cast %gather3A_1105 : vector<16xf32> to vector<1x1x16xf32>
      tpu.vector_store %arg7[%swap3A_1111, %swap3A_1112, %swap3A_1113], %swap3A_1116 {strides = array<i32>} : memref<5x128x128xf32, #tpu.memory_space<vmem>>, vector<1x1x16xf32>,
      %mul3A_1117 = arith.constant 2 : i32
      %mul3A_1118 = arith.muli %mul3A_1117, %scan3A_832 : i32
      %add3A_1119 = arith.constant 1 : i32
      %add3A_1120 = arith.addi %mul3A_1118, %add3A_1119 : i32
      %get3A_1121 = arith.constant 0 : i32
      %get3A_1122 = arith.index_cast %get3A_1121 : i32 to index
      %get3A_1123 = arith.index_cast %add3A_1120 : i32 to index
      %get3A_1124 = arith.constant 64 : index
      %get3A_1125 = tpu.vector_load %arg7[%get3A_1122, %get3A_1123, %get3A_1124] {strides = array<i32>} : memref<5x128x128xf32, #tpu.memory_space<vmem>>, vector<1x1x16xf32>,
      %get3A_1126 = vector.shape_cast %get3A_1125 : vector<1x1x16xf32> to vector<16xf32>
      %broadcast_in_dim3A_1127 = vector.shape_cast %xor3A_6 : vector<16xi32> to vector<16x1xi32>
      %gather3A_1128 = vector.shape_cast %broadcast_in_dim3A_1127 : vector<16x1xi32> to vector<16xi32>
      %gather3A_1129 = tpu.dynamic_gather %get3A_1126[%gather3A_1128] in [0] : vector<16xf32>, vector<16xi32> -> vector<16xf32>
      %mul3A_1130 = arith.constant 2 : i32
      %mul3A_1131 = arith.muli %mul3A_1130, %scan3A_832 : i32
      %add3A_1132 = arith.constant 1 : i32
      %add3A_1133 = arith.addi %mul3A_1131, %add3A_1132 : i32
      %swap3A_1134 = arith.constant 0 : i32
      %swap3A_1135 = arith.index_cast %swap3A_1134 : i32 to index
      %swap3A_1136 = arith.index_cast %add3A_1133 : i32 to index
      %swap3A_1137 = arith.constant 64 : index
      %swap3A_1138 = tpu.vector_load %arg7[%swap3A_1135, %swap3A_1136, %swap3A_1137] {strides = array<i32>} : memref<5x128x128xf32, #tpu.memory_space<vmem>>, vector<1x1x16xf32>,
      %swap3A_1139 = vector.shape_cast %swap3A_1138 : vector<1x1x16xf32> to vector<16xf32>
      %swap3A_1140 = vector.shape_cast %gather3A_1129 : vector<16xf32> to vector<1x1x16xf32>
      tpu.vector_store %arg7[%swap3A_1135, %swap3A_1136, %swap3A_1137], %swap3A_1140 {strides = array<i32>} : memref<5x128x128xf32, #tpu.memory_space<vmem>>, vector<1x1x16xf32>,
      %mul3A_1141 = arith.constant 2 : i32
      %mul3A_1142 = arith.muli %mul3A_1141, %scan3A_832 : i32
      %add3A_1143 = arith.constant 1 : i32
      %add3A_1144 = arith.addi %mul3A_1142, %add3A_1143 : i32
      %get3A_1145 = arith.constant 0 : i32
      %get3A_1146 = arith.index_cast %get3A_1145 : i32 to index
      %get3A_1147 = arith.index_cast %add3A_1144 : i32 to index
      %get3A_1148 = arith.constant 80 : index
      %get3A_1149 = tpu.vector_load %arg7[%get3A_1146, %get3A_1147, %get3A_1148] {strides = array<i32>} : memref<5x128x128xf32, #tpu.memory_space<vmem>>, vector<1x1x16xf32>,
      %get3A_1150 = vector.shape_cast %get3A_1149 : vector<1x1x16xf32> to vector<16xf32>
      %broadcast_in_dim3A_1151 = vector.shape_cast %xor3A_6 : vector<16xi32> to vector<16x1xi32>
      %gather3A_1152 = vector.shape_cast %broadcast_in_dim3A_1151 : vector<16x1xi32> to vector<16xi32>
      %gather3A_1153 = tpu.dynamic_gather %get3A_1150[%gather3A_1152] in [0] : vector<16xf32>, vector<16xi32> -> vector<16xf32>
      %mul3A_1154 = arith.constant 2 : i32
      %mul3A_1155 = arith.muli %mul3A_1154, %scan3A_832 : i32
      %add3A_1156 = arith.constant 1 : i32
      %add3A_1157 = arith.addi %mul3A_1155, %add3A_1156 : i32
      %swap3A_1158 = arith.constant 0 : i32
      %swap3A_1159 = arith.index_cast %swap3A_1158 : i32 to index
      %swap3A_1160 = arith.index_cast %add3A_1157 : i32 to index
      %swap3A_1161 = arith.constant 80 : index
      %swap3A_1162 = tpu.vector_load %arg7[%swap3A_1159, %swap3A_1160, %swap3A_1161] {strides = array<i32>} : memref<5x128x128xf32, #tpu.memory_space<vmem>>, vector<1x1x16xf32>,
      %swap3A_1163 = vector.shape_cast %swap3A_1162 : vector<1x1x16xf32> to vector<16xf32>
      %swap3A_1164 = vector.shape_cast %gather3A_1153 : vector<16xf32> to vector<1x1x16xf32>
      tpu.vector_store %arg7[%swap3A_1159, %swap3A_1160, %swap3A_1161], %swap3A_1164 {strides = array<i32>} : memref<5x128x128xf32, #tpu.memory_space<vmem>>, vector<1x1x16xf32>,
      %mul3A_1165 = arith.constant 2 : i32
      %mul3A_1166 = arith.muli %mul3A_1165, %scan3A_832 : i32
      %add3A_1167 = arith.constant 1 : i32
      %add3A_1168 = arith.addi %mul3A_1166, %add3A_1167 : i32
      %get3A_1169 = arith.constant 0 : i32
      %get3A_1170 = arith.index_cast %get3A_1169 : i32 to index
      %get3A_1171 = arith.index_cast %add3A_1168 : i32 to index
      %get3A_1172 = arith.constant 96 : index
      %get3A_1173 = tpu.vector_load %arg7[%get3A_1170, %get3A_1171, %get3A_1172] {strides = array<i32>} : memref<5x128x128xf32, #tpu.memory_space<vmem>>, vector<1x1x16xf32>,
      %get3A_1174 = vector.shape_cast %get3A_1173 : vector<1x1x16xf32> to vector<16xf32>
      %broadcast_in_dim3A_1175 = vector.shape_cast %xor3A_6 : vector<16xi32> to vector<16x1xi32>
      %gather3A_1176 = vector.shape_cast %broadcast_in_dim3A_1175 : vector<16x1xi32> to vector<16xi32>
      %gather3A_1177 = tpu.dynamic_gather %get3A_1174[%gather3A_1176] in [0] : vector<16xf32>, vector<16xi32> -> vector<16xf32>
      %mul3A_1178 = arith.constant 2 : i32
      %mul3A_1179 = arith.muli %mul3A_1178, %scan3A_832 : i32
      %add3A_1180 = arith.constant 1 : i32
      %add3A_1181 = arith.addi %mul3A_1179, %add3A_1180 : i32
      %swap3A_1182 = arith.constant 0 : i32
      %swap3A_1183 = arith.index_cast %swap3A_1182 : i32 to index
      %swap3A_1184 = arith.index_cast %add3A_1181 : i32 to index
      %swap3A_1185 = arith.constant 96 : index
      %swap3A_1186 = tpu.vector_load %arg7[%swap3A_1183, %swap3A_1184, %swap3A_1185] {strides = array<i32>} : memref<5x128x128xf32, #tpu.memory_space<vmem>>, vector<1x1x16xf32>,
      %swap3A_1187 = vector.shape_cast %swap3A_1186 : vector<1x1x16xf32> to vector<16xf32>
      %swap3A_1188 = vector.shape_cast %gather3A_1177 : vector<16xf32> to vector<1x1x16xf32>
      tpu.vector_store %arg7[%swap3A_1183, %swap3A_1184, %swap3A_1185], %swap3A_1188 {strides = array<i32>} : memref<5x128x128xf32, #tpu.memory_space<vmem>>, vector<1x1x16xf32>,
      %mul3A_1189 = arith.constant 2 : i32
      %mul3A_1190 = arith.muli %mul3A_1189, %scan3A_832 : i32
      %add3A_1191 = arith.constant 1 : i32
      %add3A_1192 = arith.addi %mul3A_1190, %add3A_1191 : i32
      %get3A_1193 = arith.constant 0 : i32
      %get3A_1194 = arith.index_cast %get3A_1193 : i32 to index
      %get3A_1195 = arith.index_cast %add3A_1192 : i32 to index
      %get3A_1196 = arith.constant 112 : index
      %get3A_1197 = tpu.vector_load %arg7[%get3A_1194, %get3A_1195, %get3A_1196] {strides = array<i32>} : memref<5x128x128xf32, #tpu.memory_space<vmem>>, vector<1x1x16xf32>,
      %get3A_1198 = vector.shape_cast %get3A_1197 : vector<1x1x16xf32> to vector<16xf32>
      %broadcast_in_dim3A_1199 = vector.shape_cast %xor3A_6 : vector<16xi32> to vector<16x1xi32>
      %gather3A_1200 = vector.shape_cast %broadcast_in_dim3A_1199 : vector<16x1xi32> to vector<16xi32>
      %gather3A_1201 = tpu.dynamic_gather %get3A_1198[%gather3A_1200] in [0] : vector<16xf32>, vector<16xi32> -> vector<16xf32>
      %mul3A_1202 = arith.constant 2 : i32
      %mul3A_1203 = arith.muli %mul3A_1202, %scan3A_832 : i32
      %add3A_1204 = arith.constant 1 : i32
      %add3A_1205 = arith.addi %mul3A_1203, %add3A_1204 : i32
      %swap3A_1206 = arith.constant 0 : i32
      %swap3A_1207 = arith.index_cast %swap3A_1206 : i32 to index
      %swap3A_1208 = arith.index_cast %add3A_1205 : i32 to index
      %swap3A_1209 = arith.constant 112 : index
      %swap3A_1210 = tpu.vector_load %arg7[%swap3A_1207, %swap3A_1208, %swap3A_1209] {strides = array<i32>} : memref<5x128x128xf32, #tpu.memory_space<vmem>>, vector<1x1x16xf32>,
      %swap3A_1211 = vector.shape_cast %swap3A_1210 : vector<1x1x16xf32> to vector<16xf32>
      %swap3A_1212 = vector.shape_cast %gather3A_1201 : vector<16xf32> to vector<1x1x16xf32>
      tpu.vector_store %arg7[%swap3A_1207, %swap3A_1208, %swap3A_1209], %swap3A_1212 {strides = array<i32>} : memref<5x128x128xf32, #tpu.memory_space<vmem>>, vector<1x1x16xf32>,
    }
    %scan3A_112 = arith.constant 64 : i32
    %add3A_113 = arith.constant 0 : i32
    %add3A_114 = arith.addi %mul3A_4, %add3A_113 : i32
    %min3A_115 = arith.constant 9872 : i32
    %min3A_116 = arith.minsi %add3A_114, %min3A_115 : i32
    %multiple_of3A_117 = tpu.assume_multiple %min3A_116, 8 : i32
    %run_scoped3A = arith.constant 0 : i32
    "tpu.region"() ({
      %run_scoped3A_832 = tpu.sem_alloc : memref<!tpu.dma_semaphore, #tpu.memory_space<semaphore_mem>>
      %dma_start3A_833 = arith.constant 0 : i32
      %dma_start3A_834 = arith.constant 0 : i32
      %dma_start3A_835 = tpu.memref_slice %arg7[%run_scoped3A, %dma_start3A_833, %dma_start3A_834] : memref<5x128x128xf32, #tpu.memory_space<vmem>> -> memref<1x128x128xf32, #tpu.memory_space<vmem>>
      %dma_start3A_836 = tpu.memref_squeeze %dma_start3A_835 : memref<1x128x128xf32, #tpu.memory_space<vmem>> -> memref<128x128xf32, #tpu.memory_space<vmem>>
      %dma_start3A_837 = arith.constant 0 : i32
      %dma_start3A_838 = arith.constant 0 : i32
      %dma_start3A_839 = tpu.memref_slice %arg5[%arg0, %dma_start3A_837, %dma_start3A_838] : memref<2x10240x128xf32, #tpu.memory_space<hbm>> -> memref<1x10240x128xf32, #tpu.memory_space<hbm>>
      %dma_start3A_840 = tpu.memref_squeeze %dma_start3A_839 : memref<1x10240x128xf32, #tpu.memory_space<hbm>> -> memref<10240x128xf32, #tpu.memory_space<hbm>>
      %dma_start3A_841 = arith.constant 0 : i32
      %dma_start3A_842 = tpu.memref_slice %dma_start3A_840[%multiple_of3A_117, %dma_start3A_841] : memref<10240x128xf32, #tpu.memory_space<hbm>> -> memref<128x128xf32, #tpu.memory_space<hbm>>
      %dma_start3A_843 = arith.constant 0 : i32
      %dma_start3A_844 = arith.constant 0 : i32
      %dma_start3A_845 = tpu.memref_slice %arg5[%arg0, %dma_start3A_843, %dma_start3A_844] : memref<2x10240x128xf32, #tpu.memory_space<hbm>> -> memref<1x10240x128xf32, #tpu.memory_space<hbm>>
      %dma_start3A_846 = tpu.memref_squeeze %dma_start3A_845 : memref<1x10240x128xf32, #tpu.memory_space<hbm>> -> memref<10240x128xf32, #tpu.memory_space<hbm>>
      %dma_start3A_847 = arith.constant 0 : i32
      %dma_start3A_848 = tpu.memref_slice %dma_start3A_846[%multiple_of3A_117, %dma_start3A_847] : memref<10240x128xf32, #tpu.memory_space<hbm>> -> memref<128x128xf32, #tpu.memory_space<hbm>>
      %dma_start3A_849 = arith.constant 0 : i32
      %dma_start3A_850 = arith.constant 0 : i32
      %dma_start3A_851 = tpu.memref_slice %arg7[%run_scoped3A, %dma_start3A_849, %dma_start3A_850] : memref<5x128x128xf32, #tpu.memory_space<vmem>> -> memref<1x128x128xf32, #tpu.memory_space<vmem>>
      %dma_start3A_852 = tpu.memref_squeeze %dma_start3A_851 : memref<1x128x128xf32, #tpu.memory_space<vmem>> -> memref<128x128xf32, #tpu.memory_space<vmem>>
      tpu.enqueue_dma source(%dma_start3A_852 : memref<128x128xf32, #tpu.memory_space<vmem>>) target(%dma_start3A_848 : memref<128x128xf32, #tpu.memory_space<hbm>>) target_semaphore(%run_scoped3A_832 : memref<!tpu.dma_semaphore, #tpu.memory_space<semaphore_mem>>)
      %dma_wait3A_853 = arith.constant 0 : i32
      %dma_wait3A_854 = arith.constant 0 : i32
      %dma_wait3A_855 = tpu.memref_slice %arg7[%run_scoped3A, %dma_wait3A_853, %dma_wait3A_854] : memref<5x128x128xf32, #tpu.memory_space<vmem>> -> memref<1x128x128xf32, #tpu.memory_space<vmem>>
      %dma_wait3A_856 = tpu.memref_squeeze %dma_wait3A_855 : memref<1x128x128xf32, #tpu.memory_space<vmem>> -> memref<128x128xf32, #tpu.memory_space<vmem>>
      %dma_wait3A_857 = arith.constant 0 : i32
      %dma_wait3A_858 = arith.constant 0 : i32
      %dma_wait3A_859 = tpu.memref_slice %arg5[%arg0, %dma_wait3A_857, %dma_wait3A_858] : memref<2x10240x128xf32, #tpu.memory_space<hbm>> -> memref<1x10240x128xf32, #tpu.memory_space<hbm>>
      %dma_wait3A_860 = tpu.memref_squeeze %dma_wait3A_859 : memref<1x10240x128xf32, #tpu.memory_space<hbm>> -> memref<10240x128xf32, #tpu.memory_space<hbm>>
      %dma_wait3A_861 = arith.constant 0 : i32
      %dma_wait3A_862 = tpu.memref_slice %dma_wait3A_860[%multiple_of3A_117, %dma_wait3A_861] : memref<10240x128xf32, #tpu.memory_space<hbm>> -> memref<128x128xf32, #tpu.memory_space<hbm>>
      %dma_wait3A_863 = arith.constant 0 : i32
      %dma_wait3A_864 = arith.constant 0 : i32
      %dma_wait3A_865 = tpu.memref_slice %arg5[%arg0, %dma_wait3A_863, %dma_wait3A_864] : memref<2x10240x128xf32, #tpu.memory_space<hbm>> -> memref<1x10240x128xf32, #tpu.memory_space<hbm>>
      %dma_wait3A_866 = tpu.memref_squeeze %dma_wait3A_865 : memref<1x10240x128xf32, #tpu.memory_space<hbm>> -> memref<10240x128xf32, #tpu.memory_space<hbm>>
      %dma_wait3A_867 = arith.constant 0 : i32
      %dma_wait3A_868 = tpu.memref_slice %dma_wait3A_866[%multiple_of3A_117, %dma_wait3A_867] : memref<10240x128xf32, #tpu.memory_space<hbm>> -> memref<128x128xf32, #tpu.memory_space<hbm>>
      %dma_wait3A_869 = arith.constant 0 : i32
      %dma_wait3A_870 = arith.constant 0 : i32
      %dma_wait3A_871 = tpu.memref_slice %arg7[%run_scoped3A, %dma_wait3A_869, %dma_wait3A_870] : memref<5x128x128xf32, #tpu.memory_space<vmem>> -> memref<1x128x128xf32, #tpu.memory_space<vmem>>
      %dma_wait3A_872 = tpu.memref_squeeze %dma_wait3A_871 : memref<1x128x128xf32, #tpu.memory_space<vmem>> -> memref<128x128xf32, #tpu.memory_space<vmem>>
      tpu.wait_dma2 semaphore(%run_scoped3A_832 : memref<!tpu.dma_semaphore, #tpu.memory_space<semaphore_mem>>) src(%dma_wait3A_872 : memref<128x128xf32, #tpu.memory_space<vmem>>) dst(%dma_wait3A_868 : memref<128x128xf32, #tpu.memory_space<hbm>>)
      tpu.yield
    }) : () -> ()
    %dma_wait3A_118 = arith.constant 1 : i32
    %dma_wait3A_119 = arith.constant 0 : i32
    %dma_wait3A_120 = arith.constant 0 : i32
    %dma_wait3A_121 = tpu.memref_slice %arg7[%dma_wait3A_118, %dma_wait3A_119, %dma_wait3A_120] : memref<5x128x128xf32, #tpu.memory_space<vmem>> -> memref<1x128x128xf32, #tpu.memory_space<vmem>>
    %dma_wait3A_122 = tpu.memref_squeeze %dma_wait3A_121 : memref<1x128x128xf32, #tpu.memory_space<vmem>> -> memref<128x128xf32, #tpu.memory_space<vmem>>
    %dma_wait3A_123 = arith.constant 0 : i32
    %dma_wait3A_124 = arith.constant 0 : i32
    %dma_wait3A_125 = tpu.memref_slice %arg2[%dma_wait3A_123, %dma_wait3A_124] : memref<10000x128xf32, #tpu.memory_space<hbm>> -> memref<128x128xf32, #tpu.memory_space<hbm>>
    %dma_wait3A_126 = arith.constant 0 : i32
    %dma_wait3A_127 = arith.constant 0 : i32
    %dma_wait3A_128 = tpu.memref_slice %arg7[%dma_wait3A_118, %dma_wait3A_126, %dma_wait3A_127] : memref<5x128x128xf32, #tpu.memory_space<vmem>> -> memref<1x128x128xf32, #tpu.memory_space<vmem>>
    %dma_wait3A_129 = tpu.memref_squeeze %dma_wait3A_128 : memref<1x128x128xf32, #tpu.memory_space<vmem>> -> memref<128x128xf32, #tpu.memory_space<vmem>>
    %dma_wait3A_130 = arith.constant 0 : i32
    %dma_wait3A_131 = arith.constant 0 : i32
    %dma_wait3A_132 = tpu.memref_slice %arg2[%dma_wait3A_130, %dma_wait3A_131] : memref<10000x128xf32, #tpu.memory_space<hbm>> -> memref<128x128xf32, #tpu.memory_space<hbm>>
    tpu.wait_dma2 semaphore(%arg9 : memref<!tpu.dma_semaphore, #tpu.memory_space<semaphore_mem>>) src(%dma_wait3A_132 : memref<128x128xf32, #tpu.memory_space<hbm>>) dst(%dma_wait3A_129 : memref<128x128xf32, #tpu.memory_space<vmem>>)
    %scan3A_133 = arith.constant 0 : i32
    %scan3A_134 = arith.constant 0 : i32
    %scan3A_135 = arith.constant 64 : i32
    %scan3A_136 = arith.addi %scan3A_134, %scan3A_135 : i32
    %scan3A_137 = arith.constant 1 : i32
    scf.for %scan3A_832 = %scan3A_134 to %scan3A_136 step %scan3A_137  : i32 {
      %mul3A_833 = arith.constant 2 : i32
      %mul3A_834 = arith.muli %mul3A_833, %scan3A_832 : i32
      %add3A_835 = arith.constant 0 : i32
      %add3A_836 = arith.addi %mul3A_834, %add3A_835 : i32
      %get3A = arith.constant 1 : i32
      %get3A_837 = arith.index_cast %get3A : i32 to index
      %get3A_838 = arith.index_cast %add3A_836 : i32 to index
      %get3A_839 = arith.constant 0 : index
      %get3A_840 = tpu.vector_load %arg7[%get3A_837, %get3A_838, %get3A_839] {strides = array<i32>} : memref<5x128x128xf32, #tpu.memory_space<vmem>>, vector<1x1x16xf32>,
      %get3A_841 = vector.shape_cast %get3A_840 : vector<1x1x16xf32> to vector<16xf32>
      %broadcast_in_dim3A = vector.shape_cast %xor3A_6 : vector<16xi32> to vector<16x1xi32>
      %gather3A = vector.shape_cast %broadcast_in_dim3A : vector<16x1xi32> to vector<16xi32>
      %gather3A_842 = tpu.dynamic_gather %get3A_841[%gather3A] in [0] : vector<16xf32>, vector<16xi32> -> vector<16xf32>
      %mul3A_843 = arith.constant 2 : i32
      %mul3A_844 = arith.muli %mul3A_843, %scan3A_832 : i32
      %add3A_845 = arith.constant 0 : i32
      %add3A_846 = arith.addi %mul3A_844, %add3A_845 : i32
      %swap3A = arith.constant 1 : i32
      %swap3A_847 = arith.index_cast %swap3A : i32 to index
      %swap3A_848 = arith.index_cast %add3A_846 : i32 to index
      %swap3A_849 = arith.constant 0 : index
      %swap3A_850 = tpu.vector_load %arg7[%swap3A_847, %swap3A_848, %swap3A_849] {strides = array<i32>} : memref<5x128x128xf32, #tpu.memory_space<vmem>>, vector<1x1x16xf32>,
      %swap3A_851 = vector.shape_cast %swap3A_850 : vector<1x1x16xf32> to vector<16xf32>
      %swap3A_852 = vector.shape_cast %gather3A_842 : vector<16xf32> to vector<1x1x16xf32>
      tpu.vector_store %arg7[%swap3A_847, %swap3A_848, %swap3A_849], %swap3A_852 {strides = array<i32>} : memref<5x128x128xf32, #tpu.memory_space<vmem>>, vector<1x1x16xf32>,
      %mul3A_853 = arith.constant 2 : i32
      %mul3A_854 = arith.muli %mul3A_853, %scan3A_832 : i32
      %add3A_855 = arith.constant 0 : i32
      %add3A_856 = arith.addi %mul3A_854, %add3A_855 : i32
      %get3A_857 = arith.constant 1 : i32
      %get3A_858 = arith.index_cast %get3A_857 : i32 to index
      %get3A_859 = arith.index_cast %add3A_856 : i32 to index
      %get3A_860 = arith.constant 16 : index
      %get3A_861 = tpu.vector_load %arg7[%get3A_858, %get3A_859, %get3A_860] {strides = array<i32>} : memref<5x128x128xf32, #tpu.memory_space<vmem>>, vector<1x1x16xf32>,
      %get3A_862 = vector.shape_cast %get3A_861 : vector<1x1x16xf32> to vector<16xf32>
      %broadcast_in_dim3A_863 = vector.shape_cast %xor3A_6 : vector<16xi32> to vector<16x1xi32>
      %gather3A_864 = vector.shape_cast %broadcast_in_dim3A_863 : vector<16x1xi32> to vector<16xi32>
      %gather3A_865 = tpu.dynamic_gather %get3A_862[%gather3A_864] in [0] : vector<16xf32>, vector<16xi32> -> vector<16xf32>
      %mul3A_866 = arith.constant 2 : i32
      %mul3A_867 = arith.muli %mul3A_866, %scan3A_832 : i32
      %add3A_868 = arith.constant 0 : i32
      %add3A_869 = arith.addi %mul3A_867, %add3A_868 : i32
      %swap3A_870 = arith.constant 1 : i32
      %swap3A_871 = arith.index_cast %swap3A_870 : i32 to index
      %swap3A_872 = arith.index_cast %add3A_869 : i32 to index
      %swap3A_873 = arith.constant 16 : index
      %swap3A_874 = tpu.vector_load %arg7[%swap3A_871, %swap3A_872, %swap3A_873] {strides = array<i32>} : memref<5x128x128xf32, #tpu.memory_space<vmem>>, vector<1x1x16xf32>,
      %swap3A_875 = vector.shape_cast %swap3A_874 : vector<1x1x16xf32> to vector<16xf32>
      %swap3A_876 = vector.shape_cast %gather3A_865 : vector<16xf32> to vector<1x1x16xf32>
      tpu.vector_store %arg7[%swap3A_871, %swap3A_872, %swap3A_873], %swap3A_876 {strides = array<i32>} : memref<5x128x128xf32, #tpu.memory_space<vmem>>, vector<1x1x16xf32>,
      %mul3A_877 = arith.constant 2 : i32
      %mul3A_878 = arith.muli %mul3A_877, %scan3A_832 : i32
      %add3A_879 = arith.constant 0 : i32
      %add3A_880 = arith.addi %mul3A_878, %add3A_879 : i32
      %get3A_881 = arith.constant 1 : i32
      %get3A_882 = arith.index_cast %get3A_881 : i32 to index
      %get3A_883 = arith.index_cast %add3A_880 : i32 to index
      %get3A_884 = arith.constant 32 : index
      %get3A_885 = tpu.vector_load %arg7[%get3A_882, %get3A_883, %get3A_884] {strides = array<i32>} : memref<5x128x128xf32, #tpu.memory_space<vmem>>, vector<1x1x16xf32>,
      %get3A_886 = vector.shape_cast %get3A_885 : vector<1x1x16xf32> to vector<16xf32>
      %broadcast_in_dim3A_887 = vector.shape_cast %xor3A_6 : vector<16xi32> to vector<16x1xi32>
      %gather3A_888 = vector.shape_cast %broadcast_in_dim3A_887 : vector<16x1xi32> to vector<16xi32>
      %gather3A_889 = tpu.dynamic_gather %get3A_886[%gather3A_888] in [0] : vector<16xf32>, vector<16xi32> -> vector<16xf32>
      %mul3A_890 = arith.constant 2 : i32
      %mul3A_891 = arith.muli %mul3A_890, %scan3A_832 : i32
      %add3A_892 = arith.constant 0 : i32
      %add3A_893 = arith.addi %mul3A_891, %add3A_892 : i32
      %swap3A_894 = arith.constant 1 : i32
      %swap3A_895 = arith.index_cast %swap3A_894 : i32 to index
      %swap3A_896 = arith.index_cast %add3A_893 : i32 to index
      %swap3A_897 = arith.constant 32 : index
      %swap3A_898 = tpu.vector_load %arg7[%swap3A_895, %swap3A_896, %swap3A_897] {strides = array<i32>} : memref<5x128x128xf32, #tpu.memory_space<vmem>>, vector<1x1x16xf32>,
      %swap3A_899 = vector.shape_cast %swap3A_898 : vector<1x1x16xf32> to vector<16xf32>
      %swap3A_900 = vector.shape_cast %gather3A_889 : vector<16xf32> to vector<1x1x16xf32>
      tpu.vector_store %arg7[%swap3A_895, %swap3A_896, %swap3A_897], %swap3A_900 {strides = array<i32>} : memref<5x128x128xf32, #tpu.memory_space<vmem>>, vector<1x1x16xf32>,
      %mul3A_901 = arith.constant 2 : i32
      %mul3A_902 = arith.muli %mul3A_901, %scan3A_832 : i32
      %add3A_903 = arith.constant 0 : i32
      %add3A_904 = arith.addi %mul3A_902, %add3A_903 : i32
      %get3A_905 = arith.constant 1 : i32
      %get3A_906 = arith.index_cast %get3A_905 : i32 to index
      %get3A_907 = arith.index_cast %add3A_904 : i32 to index
      %get3A_908 = arith.constant 48 : index
      %get3A_909 = tpu.vector_load %arg7[%get3A_906, %get3A_907, %get3A_908] {strides = array<i32>} : memref<5x128x128xf32, #tpu.memory_space<vmem>>, vector<1x1x16xf32>,
      %get3A_910 = vector.shape_cast %get3A_909 : vector<1x1x16xf32> to vector<16xf32>
      %broadcast_in_dim3A_911 = vector.shape_cast %xor3A_6 : vector<16xi32> to vector<16x1xi32>
      %gather3A_912 = vector.shape_cast %broadcast_in_dim3A_911 : vector<16x1xi32> to vector<16xi32>
      %gather3A_913 = tpu.dynamic_gather %get3A_910[%gather3A_912] in [0] : vector<16xf32>, vector<16xi32> -> vector<16xf32>
      %mul3A_914 = arith.constant 2 : i32
      %mul3A_915 = arith.muli %mul3A_914, %scan3A_832 : i32
      %add3A_916 = arith.constant 0 : i32
      %add3A_917 = arith.addi %mul3A_915, %add3A_916 : i32
      %swap3A_918 = arith.constant 1 : i32
      %swap3A_919 = arith.index_cast %swap3A_918 : i32 to index
      %swap3A_920 = arith.index_cast %add3A_917 : i32 to index
      %swap3A_921 = arith.constant 48 : index
      %swap3A_922 = tpu.vector_load %arg7[%swap3A_919, %swap3A_920, %swap3A_921] {strides = array<i32>} : memref<5x128x128xf32, #tpu.memory_space<vmem>>, vector<1x1x16xf32>,
      %swap3A_923 = vector.shape_cast %swap3A_922 : vector<1x1x16xf32> to vector<16xf32>
      %swap3A_924 = vector.shape_cast %gather3A_913 : vector<16xf32> to vector<1x1x16xf32>
      tpu.vector_store %arg7[%swap3A_919, %swap3A_920, %swap3A_921], %swap3A_924 {strides = array<i32>} : memref<5x128x128xf32, #tpu.memory_space<vmem>>, vector<1x1x16xf32>,
      %mul3A_925 = arith.constant 2 : i32
      %mul3A_926 = arith.muli %mul3A_925, %scan3A_832 : i32
      %add3A_927 = arith.constant 0 : i32
      %add3A_928 = arith.addi %mul3A_926, %add3A_927 : i32
      %get3A_929 = arith.constant 1 : i32
      %get3A_930 = arith.index_cast %get3A_929 : i32 to index
      %get3A_931 = arith.index_cast %add3A_928 : i32 to index
      %get3A_932 = arith.constant 64 : index
      %get3A_933 = tpu.vector_load %arg7[%get3A_930, %get3A_931, %get3A_932] {strides = array<i32>} : memref<5x128x128xf32, #tpu.memory_space<vmem>>, vector<1x1x16xf32>,
      %get3A_934 = vector.shape_cast %get3A_933 : vector<1x1x16xf32> to vector<16xf32>
      %broadcast_in_dim3A_935 = vector.shape_cast %xor3A_6 : vector<16xi32> to vector<16x1xi32>
      %gather3A_936 = vector.shape_cast %broadcast_in_dim3A_935 : vector<16x1xi32> to vector<16xi32>
      %gather3A_937 = tpu.dynamic_gather %get3A_934[%gather3A_936] in [0] : vector<16xf32>, vector<16xi32> -> vector<16xf32>
      %mul3A_938 = arith.constant 2 : i32
      %mul3A_939 = arith.muli %mul3A_938, %scan3A_832 : i32
      %add3A_940 = arith.constant 0 : i32
      %add3A_941 = arith.addi %mul3A_939, %add3A_940 : i32
      %swap3A_942 = arith.constant 1 : i32
      %swap3A_943 = arith.index_cast %swap3A_942 : i32 to index
      %swap3A_944 = arith.index_cast %add3A_941 : i32 to index
      %swap3A_945 = arith.constant 64 : index
      %swap3A_946 = tpu.vector_load %arg7[%swap3A_943, %swap3A_944, %swap3A_945] {strides = array<i32>} : memref<5x128x128xf32, #tpu.memory_space<vmem>>, vector<1x1x16xf32>,
      %swap3A_947 = vector.shape_cast %swap3A_946 : vector<1x1x16xf32> to vector<16xf32>
      %swap3A_948 = vector.shape_cast %gather3A_937 : vector<16xf32> to vector<1x1x16xf32>
      tpu.vector_store %arg7[%swap3A_943, %swap3A_944, %swap3A_945], %swap3A_948 {strides = array<i32>} : memref<5x128x128xf32, #tpu.memory_space<vmem>>, vector<1x1x16xf32>,
      %mul3A_949 = arith.constant 2 : i32
      %mul3A_950 = arith.muli %mul3A_949, %scan3A_832 : i32
      %add3A_951 = arith.constant 0 : i32
      %add3A_952 = arith.addi %mul3A_950, %add3A_951 : i32
      %get3A_953 = arith.constant 1 : i32
      %get3A_954 = arith.index_cast %get3A_953 : i32 to index
      %get3A_955 = arith.index_cast %add3A_952 : i32 to index
      %get3A_956 = arith.constant 80 : index
      %get3A_957 = tpu.vector_load %arg7[%get3A_954, %get3A_955, %get3A_956] {strides = array<i32>} : memref<5x128x128xf32, #tpu.memory_space<vmem>>, vector<1x1x16xf32>,
      %get3A_958 = vector.shape_cast %get3A_957 : vector<1x1x16xf32> to vector<16xf32>
      %broadcast_in_dim3A_959 = vector.shape_cast %xor3A_6 : vector<16xi32> to vector<16x1xi32>
      %gather3A_960 = vector.shape_cast %broadcast_in_dim3A_959 : vector<16x1xi32> to vector<16xi32>
      %gather3A_961 = tpu.dynamic_gather %get3A_958[%gather3A_960] in [0] : vector<16xf32>, vector<16xi32> -> vector<16xf32>
      %mul3A_962 = arith.constant 2 : i32
      %mul3A_963 = arith.muli %mul3A_962, %scan3A_832 : i32
      %add3A_964 = arith.constant 0 : i32
      %add3A_965 = arith.addi %mul3A_963, %add3A_964 : i32
      %swap3A_966 = arith.constant 1 : i32
      %swap3A_967 = arith.index_cast %swap3A_966 : i32 to index
      %swap3A_968 = arith.index_cast %add3A_965 : i32 to index
      %swap3A_969 = arith.constant 80 : index
      %swap3A_970 = tpu.vector_load %arg7[%swap3A_967, %swap3A_968, %swap3A_969] {strides = array<i32>} : memref<5x128x128xf32, #tpu.memory_space<vmem>>, vector<1x1x16xf32>,
      %swap3A_971 = vector.shape_cast %swap3A_970 : vector<1x1x16xf32> to vector<16xf32>
      %swap3A_972 = vector.shape_cast %gather3A_961 : vector<16xf32> to vector<1x1x16xf32>
      tpu.vector_store %arg7[%swap3A_967, %swap3A_968, %swap3A_969], %swap3A_972 {strides = array<i32>} : memref<5x128x128xf32, #tpu.memory_space<vmem>>, vector<1x1x16xf32>,
      %mul3A_973 = arith.constant 2 : i32
      %mul3A_974 = arith.muli %mul3A_973, %scan3A_832 : i32
      %add3A_975 = arith.constant 0 : i32
      %add3A_976 = arith.addi %mul3A_974, %add3A_975 : i32
      %get3A_977 = arith.constant 1 : i32
      %get3A_978 = arith.index_cast %get3A_977 : i32 to index
      %get3A_979 = arith.index_cast %add3A_976 : i32 to index
      %get3A_980 = arith.constant 96 : index
      %get3A_981 = tpu.vector_load %arg7[%get3A_978, %get3A_979, %get3A_980] {strides = array<i32>} : memref<5x128x128xf32, #tpu.memory_space<vmem>>, vector<1x1x16xf32>,
      %get3A_982 = vector.shape_cast %get3A_981 : vector<1x1x16xf32> to vector<16xf32>
      %broadcast_in_dim3A_983 = vector.shape_cast %xor3A_6 : vector<16xi32> to vector<16x1xi32>
      %gather3A_984 = vector.shape_cast %broadcast_in_dim3A_983 : vector<16x1xi32> to vector<16xi32>
      %gather3A_985 = tpu.dynamic_gather %get3A_982[%gather3A_984] in [0] : vector<16xf32>, vector<16xi32> -> vector<16xf32>
      %mul3A_986 = arith.constant 2 : i32
      %mul3A_987 = arith.muli %mul3A_986, %scan3A_832 : i32
      %add3A_988 = arith.constant 0 : i32
      %add3A_989 = arith.addi %mul3A_987, %add3A_988 : i32
      %swap3A_990 = arith.constant 1 : i32
      %swap3A_991 = arith.index_cast %swap3A_990 : i32 to index
      %swap3A_992 = arith.index_cast %add3A_989 : i32 to index
      %swap3A_993 = arith.constant 96 : index
      %swap3A_994 = tpu.vector_load %arg7[%swap3A_991, %swap3A_992, %swap3A_993] {strides = array<i32>} : memref<5x128x128xf32, #tpu.memory_space<vmem>>, vector<1x1x16xf32>,
      %swap3A_995 = vector.shape_cast %swap3A_994 : vector<1x1x16xf32> to vector<16xf32>
      %swap3A_996 = vector.shape_cast %gather3A_985 : vector<16xf32> to vector<1x1x16xf32>
      tpu.vector_store %arg7[%swap3A_991, %swap3A_992, %swap3A_993], %swap3A_996 {strides = array<i32>} : memref<5x128x128xf32, #tpu.memory_space<vmem>>, vector<1x1x16xf32>,
      %mul3A_997 = arith.constant 2 : i32
      %mul3A_998 = arith.muli %mul3A_997, %scan3A_832 : i32
      %add3A_999 = arith.constant 0 : i32
      %add3A_1000 = arith.addi %mul3A_998, %add3A_999 : i32
      %get3A_1001 = arith.constant 1 : i32
      %get3A_1002 = arith.index_cast %get3A_1001 : i32 to index
      %get3A_1003 = arith.index_cast %add3A_1000 : i32 to index
      %get3A_1004 = arith.constant 112 : index
      %get3A_1005 = tpu.vector_load %arg7[%get3A_1002, %get3A_1003, %get3A_1004] {strides = array<i32>} : memref<5x128x128xf32, #tpu.memory_space<vmem>>, vector<1x1x16xf32>,
      %get3A_1006 = vector.shape_cast %get3A_1005 : vector<1x1x16xf32> to vector<16xf32>
      %broadcast_in_dim3A_1007 = vector.shape_cast %xor3A_6 : vector<16xi32> to vector<16x1xi32>
      %gather3A_1008 = vector.shape_cast %broadcast_in_dim3A_1007 : vector<16x1xi32> to vector<16xi32>
      %gather3A_1009 = tpu.dynamic_gather %get3A_1006[%gather3A_1008] in [0] : vector<16xf32>, vector<16xi32> -> vector<16xf32>
      %mul3A_1010 = arith.constant 2 : i32
      %mul3A_1011 = arith.muli %mul3A_1010, %scan3A_832 : i32
      %add3A_1012 = arith.constant 0 : i32
      %add3A_1013 = arith.addi %mul3A_1011, %add3A_1012 : i32
      %swap3A_1014 = arith.constant 1 : i32
      %swap3A_1015 = arith.index_cast %swap3A_1014 : i32 to index
      %swap3A_1016 = arith.index_cast %add3A_1013 : i32 to index
      %swap3A_1017 = arith.constant 112 : index
      %swap3A_1018 = tpu.vector_load %arg7[%swap3A_1015, %swap3A_1016, %swap3A_1017] {strides = array<i32>} : memref<5x128x128xf32, #tpu.memory_space<vmem>>, vector<1x1x16xf32>,
      %swap3A_1019 = vector.shape_cast %swap3A_1018 : vector<1x1x16xf32> to vector<16xf32>
      %swap3A_1020 = vector.shape_cast %gather3A_1009 : vector<16xf32> to vector<1x1x16xf32>
      tpu.vector_store %arg7[%swap3A_1015, %swap3A_1016, %swap3A_1017], %swap3A_1020 {strides = array<i32>} : memref<5x128x128xf32, #tpu.memory_space<vmem>>, vector<1x1x16xf32>,
      %mul3A_1021 = arith.constant 2 : i32
      %mul3A_1022 = arith.muli %mul3A_1021, %scan3A_832 : i32
      %add3A_1023 = arith.constant 1 : i32
      %add3A_1024 = arith.addi %mul3A_1022, %add3A_1023 : i32
      %get3A_1025 = arith.constant 1 : i32
      %get3A_1026 = arith.index_cast %get3A_1025 : i32 to index
      %get3A_1027 = arith.index_cast %add3A_1024 : i32 to index
      %get3A_1028 = arith.constant 0 : index
      %get3A_1029 = tpu.vector_load %arg7[%get3A_1026, %get3A_1027, %get3A_1028] {strides = array<i32>} : memref<5x128x128xf32, #tpu.memory_space<vmem>>, vector<1x1x16xf32>,
      %get3A_1030 = vector.shape_cast %get3A_1029 : vector<1x1x16xf32> to vector<16xf32>
      %broadcast_in_dim3A_1031 = vector.shape_cast %xor3A_6 : vector<16xi32> to vector<16x1xi32>
      %gather3A_1032 = vector.shape_cast %broadcast_in_dim3A_1031 : vector<16x1xi32> to vector<16xi32>
      %gather3A_1033 = tpu.dynamic_gather %get3A_1030[%gather3A_1032] in [0] : vector<16xf32>, vector<16xi32> -> vector<16xf32>
      %mul3A_1034 = arith.constant 2 : i32
      %mul3A_1035 = arith.muli %mul3A_1034, %scan3A_832 : i32
      %add3A_1036 = arith.constant 1 : i32
      %add3A_1037 = arith.addi %mul3A_1035, %add3A_1036 : i32
      %swap3A_1038 = arith.constant 1 : i32
      %swap3A_1039 = arith.index_cast %swap3A_1038 : i32 to index
      %swap3A_1040 = arith.index_cast %add3A_1037 : i32 to index
      %swap3A_1041 = arith.constant 0 : index
      %swap3A_1042 = tpu.vector_load %arg7[%swap3A_1039, %swap3A_1040, %swap3A_1041] {strides = array<i32>} : memref<5x128x128xf32, #tpu.memory_space<vmem>>, vector<1x1x16xf32>,
      %swap3A_1043 = vector.shape_cast %swap3A_1042 : vector<1x1x16xf32> to vector<16xf32>
      %swap3A_1044 = vector.shape_cast %gather3A_1033 : vector<16xf32> to vector<1x1x16xf32>
      tpu.vector_store %arg7[%swap3A_1039, %swap3A_1040, %swap3A_1041], %swap3A_1044 {strides = array<i32>} : memref<5x128x128xf32, #tpu.memory_space<vmem>>, vector<1x1x16xf32>,
      %mul3A_1045 = arith.constant 2 : i32
      %mul3A_1046 = arith.muli %mul3A_1045, %scan3A_832 : i32
      %add3A_1047 = arith.constant 1 : i32
      %add3A_1048 = arith.addi %mul3A_1046, %add3A_1047 : i32
      %get3A_1049 = arith.constant 1 : i32
      %get3A_1050 = arith.index_cast %get3A_1049 : i32 to index
      %get3A_1051 = arith.index_cast %add3A_1048 : i32 to index
      %get3A_1052 = arith.constant 16 : index
      %get3A_1053 = tpu.vector_load %arg7[%get3A_1050, %get3A_1051, %get3A_1052] {strides = array<i32>} : memref<5x128x128xf32, #tpu.memory_space<vmem>>, vector<1x1x16xf32>,
      %get3A_1054 = vector.shape_cast %get3A_1053 : vector<1x1x16xf32> to vector<16xf32>
      %broadcast_in_dim3A_1055 = vector.shape_cast %xor3A_6 : vector<16xi32> to vector<16x1xi32>
      %gather3A_1056 = vector.shape_cast %broadcast_in_dim3A_1055 : vector<16x1xi32> to vector<16xi32>
      %gather3A_1057 = tpu.dynamic_gather %get3A_1054[%gather3A_1056] in [0] : vector<16xf32>, vector<16xi32> -> vector<16xf32>
      %mul3A_1058 = arith.constant 2 : i32
      %mul3A_1059 = arith.muli %mul3A_1058, %scan3A_832 : i32
      %add3A_1060 = arith.constant 1 : i32
      %add3A_1061 = arith.addi %mul3A_1059, %add3A_1060 : i32
      %swap3A_1062 = arith.constant 1 : i32
      %swap3A_1063 = arith.index_cast %swap3A_1062 : i32 to index
      %swap3A_1064 = arith.index_cast %add3A_1061 : i32 to index
      %swap3A_1065 = arith.constant 16 : index
      %swap3A_1066 = tpu.vector_load %arg7[%swap3A_1063, %swap3A_1064, %swap3A_1065] {strides = array<i32>} : memref<5x128x128xf32, #tpu.memory_space<vmem>>, vector<1x1x16xf32>,
      %swap3A_1067 = vector.shape_cast %swap3A_1066 : vector<1x1x16xf32> to vector<16xf32>
      %swap3A_1068 = vector.shape_cast %gather3A_1057 : vector<16xf32> to vector<1x1x16xf32>
      tpu.vector_store %arg7[%swap3A_1063, %swap3A_1064, %swap3A_1065], %swap3A_1068 {strides = array<i32>} : memref<5x128x128xf32, #tpu.memory_space<vmem>>, vector<1x1x16xf32>,
      %mul3A_1069 = arith.constant 2 : i32
      %mul3A_1070 = arith.muli %mul3A_1069, %scan3A_832 : i32
      %add3A_1071 = arith.constant 1 : i32
      %add3A_1072 = arith.addi %mul3A_1070, %add3A_1071 : i32
      %get3A_1073 = arith.constant 1 : i32
      %get3A_1074 = arith.index_cast %get3A_1073 : i32 to index
      %get3A_1075 = arith.index_cast %add3A_1072 : i32 to index
      %get3A_1076 = arith.constant 32 : index
      %get3A_1077 = tpu.vector_load %arg7[%get3A_1074, %get3A_1075, %get3A_1076] {strides = array<i32>} : memref<5x128x128xf32, #tpu.memory_space<vmem>>, vector<1x1x16xf32>,
      %get3A_1078 = vector.shape_cast %get3A_1077 : vector<1x1x16xf32> to vector<16xf32>
      %broadcast_in_dim3A_1079 = vector.shape_cast %xor3A_6 : vector<16xi32> to vector<16x1xi32>
      %gather3A_1080 = vector.shape_cast %broadcast_in_dim3A_1079 : vector<16x1xi32> to vector<16xi32>
      %gather3A_1081 = tpu.dynamic_gather %get3A_1078[%gather3A_1080] in [0] : vector<16xf32>, vector<16xi32> -> vector<16xf32>
      %mul3A_1082 = arith.constant 2 : i32
      %mul3A_1083 = arith.muli %mul3A_1082, %scan3A_832 : i32
      %add3A_1084 = arith.constant 1 : i32
      %add3A_1085 = arith.addi %mul3A_1083, %add3A_1084 : i32
      %swap3A_1086 = arith.constant 1 : i32
      %swap3A_1087 = arith.index_cast %swap3A_1086 : i32 to index
      %swap3A_1088 = arith.index_cast %add3A_1085 : i32 to index
      %swap3A_1089 = arith.constant 32 : index
      %swap3A_1090 = tpu.vector_load %arg7[%swap3A_1087, %swap3A_1088, %swap3A_1089] {strides = array<i32>} : memref<5x128x128xf32, #tpu.memory_space<vmem>>, vector<1x1x16xf32>,
      %swap3A_1091 = vector.shape_cast %swap3A_1090 : vector<1x1x16xf32> to vector<16xf32>
      %swap3A_1092 = vector.shape_cast %gather3A_1081 : vector<16xf32> to vector<1x1x16xf32>
      tpu.vector_store %arg7[%swap3A_1087, %swap3A_1088, %swap3A_1089], %swap3A_1092 {strides = array<i32>} : memref<5x128x128xf32, #tpu.memory_space<vmem>>, vector<1x1x16xf32>,
      %mul3A_1093 = arith.constant 2 : i32
      %mul3A_1094 = arith.muli %mul3A_1093, %scan3A_832 : i32
      %add3A_1095 = arith.constant 1 : i32
      %add3A_1096 = arith.addi %mul3A_1094, %add3A_1095 : i32
      %get3A_1097 = arith.constant 1 : i32
      %get3A_1098 = arith.index_cast %get3A_1097 : i32 to index
      %get3A_1099 = arith.index_cast %add3A_1096 : i32 to index
      %get3A_1100 = arith.constant 48 : index
      %get3A_1101 = tpu.vector_load %arg7[%get3A_1098, %get3A_1099, %get3A_1100] {strides = array<i32>} : memref<5x128x128xf32, #tpu.memory_space<vmem>>, vector<1x1x16xf32>,
      %get3A_1102 = vector.shape_cast %get3A_1101 : vector<1x1x16xf32> to vector<16xf32>
      %broadcast_in_dim3A_1103 = vector.shape_cast %xor3A_6 : vector<16xi32> to vector<16x1xi32>
      %gather3A_1104 = vector.shape_cast %broadcast_in_dim3A_1103 : vector<16x1xi32> to vector<16xi32>
      %gather3A_1105 = tpu.dynamic_gather %get3A_1102[%gather3A_1104] in [0] : vector<16xf32>, vector<16xi32> -> vector<16xf32>
      %mul3A_1106 = arith.constant 2 : i32
      %mul3A_1107 = arith.muli %mul3A_1106, %scan3A_832 : i32
      %add3A_1108 = arith.constant 1 : i32
      %add3A_1109 = arith.addi %mul3A_1107, %add3A_1108 : i32
      %swap3A_1110 = arith.constant 1 : i32
      %swap3A_1111 = arith.index_cast %swap3A_1110 : i32 to index
      %swap3A_1112 = arith.index_cast %add3A_1109 : i32 to index
      %swap3A_1113 = arith.constant 48 : index
      %swap3A_1114 = tpu.vector_load %arg7[%swap3A_1111, %swap3A_1112, %swap3A_1113] {strides = array<i32>} : memref<5x128x128xf32, #tpu.memory_space<vmem>>, vector<1x1x16xf32>,
      %swap3A_1115 = vector.shape_cast %swap3A_1114 : vector<1x1x16xf32> to vector<16xf32>
      %swap3A_1116 = vector.shape_cast %gather3A_1105 : vector<16xf32> to vector<1x1x16xf32>
      tpu.vector_store %arg7[%swap3A_1111, %swap3A_1112, %swap3A_1113], %swap3A_1116 {strides = array<i32>} : memref<5x128x128xf32, #tpu.memory_space<vmem>>, vector<1x1x16xf32>,
      %mul3A_1117 = arith.constant 2 : i32
      %mul3A_1118 = arith.muli %mul3A_1117, %scan3A_832 : i32
      %add3A_1119 = arith.constant 1 : i32
      %add3A_1120 = arith.addi %mul3A_1118, %add3A_1119 : i32
      %get3A_1121 = arith.constant 1 : i32
      %get3A_1122 = arith.index_cast %get3A_1121 : i32 to index
      %get3A_1123 = arith.index_cast %add3A_1120 : i32 to index
      %get3A_1124 = arith.constant 64 : index
      %get3A_1125 = tpu.vector_load %arg7[%get3A_1122, %get3A_1123, %get3A_1124] {strides = array<i32>} : memref<5x128x128xf32, #tpu.memory_space<vmem>>, vector<1x1x16xf32>,
      %get3A_1126 = vector.shape_cast %get3A_1125 : vector<1x1x16xf32> to vector<16xf32>
      %broadcast_in_dim3A_1127 = vector.shape_cast %xor3A_6 : vector<16xi32> to vector<16x1xi32>
      %gather3A_1128 = vector.shape_cast %broadcast_in_dim3A_1127 : vector<16x1xi32> to vector<16xi32>
      %gather3A_1129 = tpu.dynamic_gather %get3A_1126[%gather3A_1128] in [0] : vector<16xf32>, vector<16xi32> -> vector<16xf32>
      %mul3A_1130 = arith.constant 2 : i32
      %mul3A_1131 = arith.muli %mul3A_1130, %scan3A_832 : i32
      %add3A_1132 = arith.constant 1 : i32
      %add3A_1133 = arith.addi %mul3A_1131, %add3A_1132 : i32
      %swap3A_1134 = arith.constant 1 : i32
      %swap3A_1135 = arith.index_cast %swap3A_1134 : i32 to index
      %swap3A_1136 = arith.index_cast %add3A_1133 : i32 to index
      %swap3A_1137 = arith.constant 64 : index
      %swap3A_1138 = tpu.vector_load %arg7[%swap3A_1135, %swap3A_1136, %swap3A_1137] {strides = array<i32>} : memref<5x128x128xf32, #tpu.memory_space<vmem>>, vector<1x1x16xf32>,
      %swap3A_1139 = vector.shape_cast %swap3A_1138 : vector<1x1x16xf32> to vector<16xf32>
      %swap3A_1140 = vector.shape_cast %gather3A_1129 : vector<16xf32> to vector<1x1x16xf32>
      tpu.vector_store %arg7[%swap3A_1135, %swap3A_1136, %swap3A_1137], %swap3A_1140 {strides = array<i32>} : memref<5x128x128xf32, #tpu.memory_space<vmem>>, vector<1x1x16xf32>,
      %mul3A_1141 = arith.constant 2 : i32
      %mul3A_1142 = arith.muli %mul3A_1141, %scan3A_832 : i32
      %add3A_1143 = arith.constant 1 : i32
      %add3A_1144 = arith.addi %mul3A_1142, %add3A_1143 : i32
      %get3A_1145 = arith.constant 1 : i32
      %get3A_1146 = arith.index_cast %get3A_1145 : i32 to index
      %get3A_1147 = arith.index_cast %add3A_1144 : i32 to index
      %get3A_1148 = arith.constant 80 : index
      %get3A_1149 = tpu.vector_load %arg7[%get3A_1146, %get3A_1147, %get3A_1148] {strides = array<i32>} : memref<5x128x128xf32, #tpu.memory_space<vmem>>, vector<1x1x16xf32>,
      %get3A_1150 = vector.shape_cast %get3A_1149 : vector<1x1x16xf32> to vector<16xf32>
      %broadcast_in_dim3A_1151 = vector.shape_cast %xor3A_6 : vector<16xi32> to vector<16x1xi32>
      %gather3A_1152 = vector.shape_cast %broadcast_in_dim3A_1151 : vector<16x1xi32> to vector<16xi32>
      %gather3A_1153 = tpu.dynamic_gather %get3A_1150[%gather3A_1152] in [0] : vector<16xf32>, vector<16xi32> -> vector<16xf32>
      %mul3A_1154 = arith.constant 2 : i32
      %mul3A_1155 = arith.muli %mul3A_1154, %scan3A_832 : i32
      %add3A_1156 = arith.constant 1 : i32
      %add3A_1157 = arith.addi %mul3A_1155, %add3A_1156 : i32
      %swap3A_1158 = arith.constant 1 : i32
      %swap3A_1159 = arith.index_cast %swap3A_1158 : i32 to index
      %swap3A_1160 = arith.index_cast %add3A_1157 : i32 to index
      %swap3A_1161 = arith.constant 80 : index
      %swap3A_1162 = tpu.vector_load %arg7[%swap3A_1159, %swap3A_1160, %swap3A_1161] {strides = array<i32>} : memref<5x128x128xf32, #tpu.memory_space<vmem>>, vector<1x1x16xf32>,
      %swap3A_1163 = vector.shape_cast %swap3A_1162 : vector<1x1x16xf32> to vector<16xf32>
      %swap3A_1164 = vector.shape_cast %gather3A_1153 : vector<16xf32> to vector<1x1x16xf32>
      tpu.vector_store %arg7[%swap3A_1159, %swap3A_1160, %swap3A_1161], %swap3A_1164 {strides = array<i32>} : memref<5x128x128xf32, #tpu.memory_space<vmem>>, vector<1x1x16xf32>,
      %mul3A_1165 = arith.constant 2 : i32
      %mul3A_1166 = arith.muli %mul3A_1165, %scan3A_832 : i32
      %add3A_1167 = arith.constant 1 : i32
      %add3A_1168 = arith.addi %mul3A_1166, %add3A_1167 : i32
      %get3A_1169 = arith.constant 1 : i32
      %get3A_1170 = arith.index_cast %get3A_1169 : i32 to index
      %get3A_1171 = arith.index_cast %add3A_1168 : i32 to index
      %get3A_1172 = arith.constant 96 : index
      %get3A_1173 = tpu.vector_load %arg7[%get3A_1170, %get3A_1171, %get3A_1172] {strides = array<i32>} : memref<5x128x128xf32, #tpu.memory_space<vmem>>, vector<1x1x16xf32>,
      %get3A_1174 = vector.shape_cast %get3A_1173 : vector<1x1x16xf32> to vector<16xf32>
      %broadcast_in_dim3A_1175 = vector.shape_cast %xor3A_6 : vector<16xi32> to vector<16x1xi32>
      %gather3A_1176 = vector.shape_cast %broadcast_in_dim3A_1175 : vector<16x1xi32> to vector<16xi32>
      %gather3A_1177 = tpu.dynamic_gather %get3A_1174[%gather3A_1176] in [0] : vector<16xf32>, vector<16xi32> -> vector<16xf32>
      %mul3A_1178 = arith.constant 2 : i32
      %mul3A_1179 = arith.muli %mul3A_1178, %scan3A_832 : i32
      %add3A_1180 = arith.constant 1 : i32
      %add3A_1181 = arith.addi %mul3A_1179, %add3A_1180 : i32
      %swap3A_1182 = arith.constant 1 : i32
      %swap3A_1183 = arith.index_cast %swap3A_1182 : i32 to index
      %swap3A_1184 = arith.index_cast %add3A_1181 : i32 to index
      %swap3A_1185 = arith.constant 96 : index
      %swap3A_1186 = tpu.vector_load %arg7[%swap3A_1183, %swap3A_1184, %swap3A_1185] {strides = array<i32>} : memref<5x128x128xf32, #tpu.memory_space<vmem>>, vector<1x1x16xf32>,
      %swap3A_1187 = vector.shape_cast %swap3A_1186 : vector<1x1x16xf32> to vector<16xf32>
      %swap3A_1188 = vector.shape_cast %gather3A_1177 : vector<16xf32> to vector<1x1x16xf32>
      tpu.vector_store %arg7[%swap3A_1183, %swap3A_1184, %swap3A_1185], %swap3A_1188 {strides = array<i32>} : memref<5x128x128xf32, #tpu.memory_space<vmem>>, vector<1x1x16xf32>,
      %mul3A_1189 = arith.constant 2 : i32
      %mul3A_1190 = arith.muli %mul3A_1189, %scan3A_832 : i32
      %add3A_1191 = arith.constant 1 : i32
      %add3A_1192 = arith.addi %mul3A_1190, %add3A_1191 : i32
      %get3A_1193 = arith.constant 1 : i32
      %get3A_1194 = arith.index_cast %get3A_1193 : i32 to index
      %get3A_1195 = arith.index_cast %add3A_1192 : i32 to index
      %get3A_1196 = arith.constant 112 : index
      %get3A_1197 = tpu.vector_load %arg7[%get3A_1194, %get3A_1195, %get3A_1196] {strides = array<i32>} : memref<5x128x128xf32, #tpu.memory_space<vmem>>, vector<1x1x16xf32>,
      %get3A_1198 = vector.shape_cast %get3A_1197 : vector<1x1x16xf32> to vector<16xf32>
      %broadcast_in_dim3A_1199 = vector.shape_cast %xor3A_6 : vector<16xi32> to vector<16x1xi32>
      %gather3A_1200 = vector.shape_cast %broadcast_in_dim3A_1199 : vector<16x1xi32> to vector<16xi32>
      %gather3A_1201 = tpu.dynamic_gather %get3A_1198[%gather3A_1200] in [0] : vector<16xf32>, vector<16xi32> -> vector<16xf32>
      %mul3A_1202 = arith.constant 2 : i32
      %mul3A_1203 = arith.muli %mul3A_1202, %scan3A_832 : i32
      %add3A_1204 = arith.constant 1 : i32
      %add3A_1205 = arith.addi %mul3A_1203, %add3A_1204 : i32
      %swap3A_1206 = arith.constant 1 : i32
      %swap3A_1207 = arith.index_cast %swap3A_1206 : i32 to index
      %swap3A_1208 = arith.index_cast %add3A_1205 : i32 to index
      %swap3A_1209 = arith.constant 112 : index
      %swap3A_1210 = tpu.vector_load %arg7[%swap3A_1207, %swap3A_1208, %swap3A_1209] {strides = array<i32>} : memref<5x128x128xf32, #tpu.memory_space<vmem>>, vector<1x1x16xf32>,
      %swap3A_1211 = vector.shape_cast %swap3A_1210 : vector<1x1x16xf32> to vector<16xf32>
      %swap3A_1212 = vector.shape_cast %gather3A_1201 : vector<16xf32> to vector<1x1x16xf32>
      tpu.vector_store %arg7[%swap3A_1207, %swap3A_1208, %swap3A_1209], %swap3A_1212 {strides = array<i32>} : memref<5x128x128xf32, #tpu.memory_space<vmem>>, vector<1x1x16xf32>,
    }
    %scan3A_138 = arith.constant 64 : i32
    %add3A_139 = arith.constant 128 : i32
    %add3A_140 = arith.addi %mul3A_4, %add3A_139 : i32
    %min3A_141 = arith.constant 9872 : i32
    %min3A_142 = arith.minsi %add3A_140, %min3A_141 : i32
    %multiple_of3A_143 = tpu.assume_multiple %min3A_142, 8 : i32
    %run_scoped3A_144 = arith.constant 1 : i32
    "tpu.region"() ({
      %run_scoped3A_832 = tpu.sem_alloc : memref<!tpu.dma_semaphore, #tpu.memory_space<semaphore_mem>>
      %dma_start3A_833 = arith.constant 0 : i32
      %dma_start3A_834 = arith.constant 0 : i32
      %dma_start3A_835 = tpu.memref_slice %arg7[%run_scoped3A_144, %dma_start3A_833, %dma_start3A_834] : memref<5x128x128xf32, #tpu.memory_space<vmem>> -> memref<1x128x128xf32, #tpu.memory_space<vmem>>
      %dma_start3A_836 = tpu.memref_squeeze %dma_start3A_835 : memref<1x128x128xf32, #tpu.memory_space<vmem>> -> memref<128x128xf32, #tpu.memory_space<vmem>>
      %dma_start3A_837 = arith.constant 0 : i32
      %dma_start3A_838 = arith.constant 0 : i32
      %dma_start3A_839 = tpu.memref_slice %arg5[%arg0, %dma_start3A_837, %dma_start3A_838] : memref<2x10240x128xf32, #tpu.memory_space<hbm>> -> memref<1x10240x128xf32, #tpu.memory_space<hbm>>
      %dma_start3A_840 = tpu.memref_squeeze %dma_start3A_839 : memref<1x10240x128xf32, #tpu.memory_space<hbm>> -> memref<10240x128xf32, #tpu.memory_space<hbm>>
      %dma_start3A_841 = arith.constant 0 : i32
      %dma_start3A_842 = tpu.memref_slice %dma_start3A_840[%multiple_of3A_143, %dma_start3A_841] : memref<10240x128xf32, #tpu.memory_space<hbm>> -> memref<128x128xf32, #tpu.memory_space<hbm>>
      %dma_start3A_843 = arith.constant 0 : i32
      %dma_start3A_844 = arith.constant 0 : i32
      %dma_start3A_845 = tpu.memref_slice %arg5[%arg0, %dma_start3A_843, %dma_start3A_844] : memref<2x10240x128xf32, #tpu.memory_space<hbm>> -> memref<1x10240x128xf32, #tpu.memory_space<hbm>>
      %dma_start3A_846 = tpu.memref_squeeze %dma_start3A_845 : memref<1x10240x128xf32, #tpu.memory_space<hbm>> -> memref<10240x128xf32, #tpu.memory_space<hbm>>
      %dma_start3A_847 = arith.constant 0 : i32
      %dma_start3A_848 = tpu.memref_slice %dma_start3A_846[%multiple_of3A_143, %dma_start3A_847] : memref<10240x128xf32, #tpu.memory_space<hbm>> -> memref<128x128xf32, #tpu.memory_space<hbm>>
      %dma_start3A_849 = arith.constant 0 : i32
      %dma_start3A_850 = arith.constant 0 : i32
      %dma_start3A_851 = tpu.memref_slice %arg7[%run_scoped3A_144, %dma_start3A_849, %dma_start3A_850] : memref<5x128x128xf32, #tpu.memory_space<vmem>> -> memref<1x128x128xf32, #tpu.memory_space<vmem>>
      %dma_start3A_852 = tpu.memref_squeeze %dma_start3A_851 : memref<1x128x128xf32, #tpu.memory_space<vmem>> -> memref<128x128xf32, #tpu.memory_space<vmem>>
      tpu.enqueue_dma source(%dma_start3A_852 : memref<128x128xf32, #tpu.memory_space<vmem>>) target(%dma_start3A_848 : memref<128x128xf32, #tpu.memory_space<hbm>>) target_semaphore(%run_scoped3A_832 : memref<!tpu.dma_semaphore, #tpu.memory_space<semaphore_mem>>)
      %dma_wait3A_853 = arith.constant 0 : i32
      %dma_wait3A_854 = arith.constant 0 : i32
      %dma_wait3A_855 = tpu.memref_slice %arg7[%run_scoped3A_144, %dma_wait3A_853, %dma_wait3A_854] : memref<5x128x128xf32, #tpu.memory_space<vmem>> -> memref<1x128x128xf32, #tpu.memory_space<vmem>>
      %dma_wait3A_856 = tpu.memref_squeeze %dma_wait3A_855 : memref<1x128x128xf32, #tpu.memory_space<vmem>> -> memref<128x128xf32, #tpu.memory_space<vmem>>
      %dma_wait3A_857 = arith.constant 0 : i32
      %dma_wait3A_858 = arith.constant 0 : i32
      %dma_wait3A_859 = tpu.memref_slice %arg5[%arg0, %dma_wait3A_857, %dma_wait3A_858] : memref<2x10240x128xf32, #tpu.memory_space<hbm>> -> memref<1x10240x128xf32, #tpu.memory_space<hbm>>
      %dma_wait3A_860 = tpu.memref_squeeze %dma_wait3A_859 : memref<1x10240x128xf32, #tpu.memory_space<hbm>> -> memref<10240x128xf32, #tpu.memory_space<hbm>>
      %dma_wait3A_861 = arith.constant 0 : i32
      %dma_wait3A_862 = tpu.memref_slice %dma_wait3A_860[%multiple_of3A_143, %dma_wait3A_861] : memref<10240x128xf32, #tpu.memory_space<hbm>> -> memref<128x128xf32, #tpu.memory_space<hbm>>
      %dma_wait3A_863 = arith.constant 0 : i32
      %dma_wait3A_864 = arith.constant 0 : i32
      %dma_wait3A_865 = tpu.memref_slice %arg5[%arg0, %dma_wait3A_863, %dma_wait3A_864] : memref<2x10240x128xf32, #tpu.memory_space<hbm>> -> memref<1x10240x128xf32, #tpu.memory_space<hbm>>
      %dma_wait3A_866 = tpu.memref_squeeze %dma_wait3A_865 : memref<1x10240x128xf32, #tpu.memory_space<hbm>> -> memref<10240x128xf32, #tpu.memory_space<hbm>>
      %dma_wait3A_867 = arith.constant 0 : i32
      %dma_wait3A_868 = tpu.memref_slice %dma_wait3A_866[%multiple_of3A_143, %dma_wait3A_867] : memref<10240x128xf32, #tpu.memory_space<hbm>> -> memref<128x128xf32, #tpu.memory_space<hbm>>
      %dma_wait3A_869 = arith.constant 0 : i32
      %dma_wait3A_870 = arith.constant 0 : i32
      %dma_wait3A_871 = tpu.memref_slice %arg7[%run_scoped3A_144, %dma_wait3A_869, %dma_wait3A_870] : memref<5x128x128xf32, #tpu.memory_space<vmem>> -> memref<1x128x128xf32, #tpu.memory_space<vmem>>
      %dma_wait3A_872 = tpu.memref_squeeze %dma_wait3A_871 : memref<1x128x128xf32, #tpu.memory_space<vmem>> -> memref<128x128xf32, #tpu.memory_space<vmem>>
      tpu.wait_dma2 semaphore(%run_scoped3A_832 : memref<!tpu.dma_semaphore, #tpu.memory_space<semaphore_mem>>) src(%dma_wait3A_872 : memref<128x128xf32, #tpu.memory_space<vmem>>) dst(%dma_wait3A_868 : memref<128x128xf32, #tpu.memory_space<hbm>>)
      tpu.yield
    }) : () -> ()
    %dma_wait3A_145 = arith.constant 2 : i32
    %dma_wait3A_146 = arith.constant 0 : i32
    %dma_wait3A_147 = arith.constant 0 : i32
    %dma_wait3A_148 = tpu.memref_slice %arg7[%dma_wait3A_145, %dma_wait3A_146, %dma_wait3A_147] : memref<5x128x128xf32, #tpu.memory_space<vmem>> -> memref<1x128x128xf32, #tpu.memory_space<vmem>>
    %dma_wait3A_149 = tpu.memref_squeeze %dma_wait3A_148 : memref<1x128x128xf32, #tpu.memory_space<vmem>> -> memref<128x128xf32, #tpu.memory_space<vmem>>
    %dma_wait3A_150 = arith.constant 0 : i32
    %dma_wait3A_151 = arith.constant 0 : i32
    %dma_wait3A_152 = tpu.memref_slice %arg2[%dma_wait3A_150, %dma_wait3A_151] : memref<10000x128xf32, #tpu.memory_space<hbm>> -> memref<128x128xf32, #tpu.memory_space<hbm>>
    %dma_wait3A_153 = arith.constant 0 : i32
    %dma_wait3A_154 = arith.constant 0 : i32
    %dma_wait3A_155 = tpu.memref_slice %arg7[%dma_wait3A_145, %dma_wait3A_153, %dma_wait3A_154] : memref<5x128x128xf32, #tpu.memory_space<vmem>> -> memref<1x128x128xf32, #tpu.memory_space<vmem>>
    %dma_wait3A_156 = tpu.memref_squeeze %dma_wait3A_155 : memref<1x128x128xf32, #tpu.memory_space<vmem>> -> memref<128x128xf32, #tpu.memory_space<vmem>>
    %dma_wait3A_157 = arith.constant 0 : i32
    %dma_wait3A_158 = arith.constant 0 : i32
    %dma_wait3A_159 = tpu.memref_slice %arg2[%dma_wait3A_157, %dma_wait3A_158] : memref<10000x128xf32, #tpu.memory_space<hbm>> -> memref<128x128xf32, #tpu.memory_space<hbm>>
    tpu.wait_dma2 semaphore(%arg10 : memref<!tpu.dma_semaphore, #tpu.memory_space<semaphore_mem>>) src(%dma_wait3A_159 : memref<128x128xf32, #tpu.memory_space<hbm>>) dst(%dma_wait3A_156 : memref<128x128xf32, #tpu.memory_space<vmem>>)
    %scan3A_160 = arith.constant 0 : i32
    %scan3A_161 = arith.constant 0 : i32
    %scan3A_162 = arith.constant 64 : i32
    %scan3A_163 = arith.addi %scan3A_161, %scan3A_162 : i32
    %scan3A_164 = arith.constant 1 : i32
    scf.for %scan3A_832 = %scan3A_161 to %scan3A_163 step %scan3A_164  : i32 {
      %mul3A_833 = arith.constant 2 : i32
      %mul3A_834 = arith.muli %mul3A_833, %scan3A_832 : i32
      %add3A_835 = arith.constant 0 : i32
      %add3A_836 = arith.addi %mul3A_834, %add3A_835 : i32
      %get3A = arith.constant 2 : i32
      %get3A_837 = arith.index_cast %get3A : i32 to index
      %get3A_838 = arith.index_cast %add3A_836 : i32 to index
      %get3A_839 = arith.constant 0 : index
      %get3A_840 = tpu.vector_load %arg7[%get3A_837, %get3A_838, %get3A_839] {strides = array<i32>} : memref<5x128x128xf32, #tpu.memory_space<vmem>>, vector<1x1x16xf32>,
      %get3A_841 = vector.shape_cast %get3A_840 : vector<1x1x16xf32> to vector<16xf32>
      %broadcast_in_dim3A = vector.shape_cast %xor3A_6 : vector<16xi32> to vector<16x1xi32>
      %gather3A = vector.shape_cast %broadcast_in_dim3A : vector<16x1xi32> to vector<16xi32>
      %gather3A_842 = tpu.dynamic_gather %get3A_841[%gather3A] in [0] : vector<16xf32>, vector<16xi32> -> vector<16xf32>
      %mul3A_843 = arith.constant 2 : i32
      %mul3A_844 = arith.muli %mul3A_843, %scan3A_832 : i32
      %add3A_845 = arith.constant 0 : i32
      %add3A_846 = arith.addi %mul3A_844, %add3A_845 : i32
      %swap3A = arith.constant 2 : i32
      %swap3A_847 = arith.index_cast %swap3A : i32 to index
      %swap3A_848 = arith.index_cast %add3A_846 : i32 to index
      %swap3A_849 = arith.constant 0 : index
      %swap3A_850 = tpu.vector_load %arg7[%swap3A_847, %swap3A_848, %swap3A_849] {strides = array<i32>} : memref<5x128x128xf32, #tpu.memory_space<vmem>>, vector<1x1x16xf32>,
      %swap3A_851 = vector.shape_cast %swap3A_850 : vector<1x1x16xf32> to vector<16xf32>
      %swap3A_852 = vector.shape_cast %gather3A_842 : vector<16xf32> to vector<1x1x16xf32>
      tpu.vector_store %arg7[%swap3A_847, %swap3A_848, %swap3A_849], %swap3A_852 {strides = array<i32>} : memref<5x128x128xf32, #tpu.memory_space<vmem>>, vector<1x1x16xf32>,
      %mul3A_853 = arith.constant 2 : i32
      %mul3A_854 = arith.muli %mul3A_853, %scan3A_832 : i32
      %add3A_855 = arith.constant 0 : i32
      %add3A_856 = arith.addi %mul3A_854, %add3A_855 : i32
      %get3A_857 = arith.constant 2 : i32
      %get3A_858 = arith.index_cast %get3A_857 : i32 to index
      %get3A_859 = arith.index_cast %add3A_856 : i32 to index
      %get3A_860 = arith.constant 16 : index
      %get3A_861 = tpu.vector_load %arg7[%get3A_858, %get3A_859, %get3A_860] {strides = array<i32>} : memref<5x128x128xf32, #tpu.memory_space<vmem>>, vector<1x1x16xf32>,
      %get3A_862 = vector.shape_cast %get3A_861 : vector<1x1x16xf32> to vector<16xf32>
      %broadcast_in_dim3A_863 = vector.shape_cast %xor3A_6 : vector<16xi32> to vector<16x1xi32>
      %gather3A_864 = vector.shape_cast %broadcast_in_dim3A_863 : vector<16x1xi32> to vector<16xi32>
      %gather3A_865 = tpu.dynamic_gather %get3A_862[%gather3A_864] in [0] : vector<16xf32>, vector<16xi32> -> vector<16xf32>
      %mul3A_866 = arith.constant 2 : i32
      %mul3A_867 = arith.muli %mul3A_866, %scan3A_832 : i32
      %add3A_868 = arith.constant 0 : i32
      %add3A_869 = arith.addi %mul3A_867, %add3A_868 : i32
      %swap3A_870 = arith.constant 2 : i32
      %swap3A_871 = arith.index_cast %swap3A_870 : i32 to index
      %swap3A_872 = arith.index_cast %add3A_869 : i32 to index
      %swap3A_873 = arith.constant 16 : index
      %swap3A_874 = tpu.vector_load %arg7[%swap3A_871, %swap3A_872, %swap3A_873] {strides = array<i32>} : memref<5x128x128xf32, #tpu.memory_space<vmem>>, vector<1x1x16xf32>,
      %swap3A_875 = vector.shape_cast %swap3A_874 : vector<1x1x16xf32> to vector<16xf32>
      %swap3A_876 = vector.shape_cast %gather3A_865 : vector<16xf32> to vector<1x1x16xf32>
      tpu.vector_store %arg7[%swap3A_871, %swap3A_872, %swap3A_873], %swap3A_876 {strides = array<i32>} : memref<5x128x128xf32, #tpu.memory_space<vmem>>, vector<1x1x16xf32>,
      %mul3A_877 = arith.constant 2 : i32
      %mul3A_878 = arith.muli %mul3A_877, %scan3A_832 : i32
      %add3A_879 = arith.constant 0 : i32
      %add3A_880 = arith.addi %mul3A_878, %add3A_879 : i32
      %get3A_881 = arith.constant 2 : i32
      %get3A_882 = arith.index_cast %get3A_881 : i32 to index
      %get3A_883 = arith.index_cast %add3A_880 : i32 to index
      %get3A_884 = arith.constant 32 : index
      %get3A_885 = tpu.vector_load %arg7[%get3A_882, %get3A_883, %get3A_884] {strides = array<i32>} : memref<5x128x128xf32, #tpu.memory_space<vmem>>, vector<1x1x16xf32>,
      %get3A_886 = vector.shape_cast %get3A_885 : vector<1x1x16xf32> to vector<16xf32>
      %broadcast_in_dim3A_887 = vector.shape_cast %xor3A_6 : vector<16xi32> to vector<16x1xi32>
      %gather3A_888 = vector.shape_cast %broadcast_in_dim3A_887 : vector<16x1xi32> to vector<16xi32>
      %gather3A_889 = tpu.dynamic_gather %get3A_886[%gather3A_888] in [0] : vector<16xf32>, vector<16xi32> -> vector<16xf32>
      %mul3A_890 = arith.constant 2 : i32
      %mul3A_891 = arith.muli %mul3A_890, %scan3A_832 : i32
      %add3A_892 = arith.constant 0 : i32
      %add3A_893 = arith.addi %mul3A_891, %add3A_892 : i32
      %swap3A_894 = arith.constant 2 : i32
      %swap3A_895 = arith.index_cast %swap3A_894 : i32 to index
      %swap3A_896 = arith.index_cast %add3A_893 : i32 to index
      %swap3A_897 = arith.constant 32 : index
      %swap3A_898 = tpu.vector_load %arg7[%swap3A_895, %swap3A_896, %swap3A_897] {strides = array<i32>} : memref<5x128x128xf32, #tpu.memory_space<vmem>>, vector<1x1x16xf32>,
      %swap3A_899 = vector.shape_cast %swap3A_898 : vector<1x1x16xf32> to vector<16xf32>
      %swap3A_900 = vector.shape_cast %gather3A_889 : vector<16xf32> to vector<1x1x16xf32>
      tpu.vector_store %arg7[%swap3A_895, %swap3A_896, %swap3A_897], %swap3A_900 {strides = array<i32>} : memref<5x128x128xf32, #tpu.memory_space<vmem>>, vector<1x1x16xf32>,
      %mul3A_901 = arith.constant 2 : i32
      %mul3A_902 = arith.muli %mul3A_901, %scan3A_832 : i32
      %add3A_903 = arith.constant 0 : i32
      %add3A_904 = arith.addi %mul3A_902, %add3A_903 : i32
      %get3A_905 = arith.constant 2 : i32
      %get3A_906 = arith.index_cast %get3A_905 : i32 to index
      %get3A_907 = arith.index_cast %add3A_904 : i32 to index
      %get3A_908 = arith.constant 48 : index
      %get3A_909 = tpu.vector_load %arg7[%get3A_906, %get3A_907, %get3A_908] {strides = array<i32>} : memref<5x128x128xf32, #tpu.memory_space<vmem>>, vector<1x1x16xf32>,
      %get3A_910 = vector.shape_cast %get3A_909 : vector<1x1x16xf32> to vector<16xf32>
      %broadcast_in_dim3A_911 = vector.shape_cast %xor3A_6 : vector<16xi32> to vector<16x1xi32>
      %gather3A_912 = vector.shape_cast %broadcast_in_dim3A_911 : vector<16x1xi32> to vector<16xi32>
      %gather3A_913 = tpu.dynamic_gather %get3A_910[%gather3A_912] in [0] : vector<16xf32>, vector<16xi32> -> vector<16xf32>
      %mul3A_914 = arith.constant 2 : i32
      %mul3A_915 = arith.muli %mul3A_914, %scan3A_832 : i32
      %add3A_916 = arith.constant 0 : i32
      %add3A_917 = arith.addi %mul3A_915, %add3A_916 : i32
      %swap3A_918 = arith.constant 2 : i32
      %swap3A_919 = arith.index_cast %swap3A_918 : i32 to index
      %swap3A_920 = arith.index_cast %add3A_917 : i32 to index
      %swap3A_921 = arith.constant 48 : index
      %swap3A_922 = tpu.vector_load %arg7[%swap3A_919, %swap3A_920, %swap3A_921] {strides = array<i32>} : memref<5x128x128xf32, #tpu.memory_space<vmem>>, vector<1x1x16xf32>,
      %swap3A_923 = vector.shape_cast %swap3A_922 : vector<1x1x16xf32> to vector<16xf32>
      %swap3A_924 = vector.shape_cast %gather3A_913 : vector<16xf32> to vector<1x1x16xf32>
      tpu.vector_store %arg7[%swap3A_919, %swap3A_920, %swap3A_921], %swap3A_924 {strides = array<i32>} : memref<5x128x128xf32, #tpu.memory_space<vmem>>, vector<1x1x16xf32>,
      %mul3A_925 = arith.constant 2 : i32
      %mul3A_926 = arith.muli %mul3A_925, %scan3A_832 : i32
      %add3A_927 = arith.constant 0 : i32
      %add3A_928 = arith.addi %mul3A_926, %add3A_927 : i32
      %get3A_929 = arith.constant 2 : i32
      %get3A_930 = arith.index_cast %get3A_929 : i32 to index
      %get3A_931 = arith.index_cast %add3A_928 : i32 to index
      %get3A_932 = arith.constant 64 : index
      %get3A_933 = tpu.vector_load %arg7[%get3A_930, %get3A_931, %get3A_932] {strides = array<i32>} : memref<5x128x128xf32, #tpu.memory_space<vmem>>, vector<1x1x16xf32>,
      %get3A_934 = vector.shape_cast %get3A_933 : vector<1x1x16xf32> to vector<16xf32>
      %broadcast_in_dim3A_935 = vector.shape_cast %xor3A_6 : vector<16xi32> to vector<16x1xi32>
      %gather3A_936 = vector.shape_cast %broadcast_in_dim3A_935 : vector<16x1xi32> to vector<16xi32>
      %gather3A_937 = tpu.dynamic_gather %get3A_934[%gather3A_936] in [0] : vector<16xf32>, vector<16xi32> -> vector<16xf32>
      %mul3A_938 = arith.constant 2 : i32
      %mul3A_939 = arith.muli %mul3A_938, %scan3A_832 : i32
      %add3A_940 = arith.constant 0 : i32
      %add3A_941 = arith.addi %mul3A_939, %add3A_940 : i32
      %swap3A_942 = arith.constant 2 : i32
      %swap3A_943 = arith.index_cast %swap3A_942 : i32 to index
      %swap3A_944 = arith.index_cast %add3A_941 : i32 to index
      %swap3A_945 = arith.constant 64 : index
      %swap3A_946 = tpu.vector_load %arg7[%swap3A_943, %swap3A_944, %swap3A_945] {strides = array<i32>} : memref<5x128x128xf32, #tpu.memory_space<vmem>>, vector<1x1x16xf32>,
      %swap3A_947 = vector.shape_cast %swap3A_946 : vector<1x1x16xf32> to vector<16xf32>
      %swap3A_948 = vector.shape_cast %gather3A_937 : vector<16xf32> to vector<1x1x16xf32>
      tpu.vector_store %arg7[%swap3A_943, %swap3A_944, %swap3A_945], %swap3A_948 {strides = array<i32>} : memref<5x128x128xf32, #tpu.memory_space<vmem>>, vector<1x1x16xf32>,
      %mul3A_949 = arith.constant 2 : i32
      %mul3A_950 = arith.muli %mul3A_949, %scan3A_832 : i32
      %add3A_951 = arith.constant 0 : i32
      %add3A_952 = arith.addi %mul3A_950, %add3A_951 : i32
      %get3A_953 = arith.constant 2 : i32
      %get3A_954 = arith.index_cast %get3A_953 : i32 to index
      %get3A_955 = arith.index_cast %add3A_952 : i32 to index
      %get3A_956 = arith.constant 80 : index
      %get3A_957 = tpu.vector_load %arg7[%get3A_954, %get3A_955, %get3A_956] {strides = array<i32>} : memref<5x128x128xf32, #tpu.memory_space<vmem>>, vector<1x1x16xf32>,
      %get3A_958 = vector.shape_cast %get3A_957 : vector<1x1x16xf32> to vector<16xf32>
      %broadcast_in_dim3A_959 = vector.shape_cast %xor3A_6 : vector<16xi32> to vector<16x1xi32>
      %gather3A_960 = vector.shape_cast %broadcast_in_dim3A_959 : vector<16x1xi32> to vector<16xi32>
      %gather3A_961 = tpu.dynamic_gather %get3A_958[%gather3A_960] in [0] : vector<16xf32>, vector<16xi32> -> vector<16xf32>
      %mul3A_962 = arith.constant 2 : i32
      %mul3A_963 = arith.muli %mul3A_962, %scan3A_832 : i32
      %add3A_964 = arith.constant 0 : i32
      %add3A_965 = arith.addi %mul3A_963, %add3A_964 : i32
      %swap3A_966 = arith.constant 2 : i32
      %swap3A_967 = arith.index_cast %swap3A_966 : i32 to index
      %swap3A_968 = arith.index_cast %add3A_965 : i32 to index
      %swap3A_969 = arith.constant 80 : index
      %swap3A_970 = tpu.vector_load %arg7[%swap3A_967, %swap3A_968, %swap3A_969] {strides = array<i32>} : memref<5x128x128xf32, #tpu.memory_space<vmem>>, vector<1x1x16xf32>,
      %swap3A_971 = vector.shape_cast %swap3A_970 : vector<1x1x16xf32> to vector<16xf32>
      %swap3A_972 = vector.shape_cast %gather3A_961 : vector<16xf32> to vector<1x1x16xf32>
      tpu.vector_store %arg7[%swap3A_967, %swap3A_968, %swap3A_969], %swap3A_972 {strides = array<i32>} : memref<5x128x128xf32, #tpu.memory_space<vmem>>, vector<1x1x16xf32>,
      %mul3A_973 = arith.constant 2 : i32
      %mul3A_974 = arith.muli %mul3A_973, %scan3A_832 : i32
      %add3A_975 = arith.constant 0 : i32
      %add3A_976 = arith.addi %mul3A_974, %add3A_975 : i32
      %get3A_977 = arith.constant 2 : i32
      %get3A_978 = arith.index_cast %get3A_977 : i32 to index
      %get3A_979 = arith.index_cast %add3A_976 : i32 to index
      %get3A_980 = arith.constant 96 : index
      %get3A_981 = tpu.vector_load %arg7[%get3A_978, %get3A_979, %get3A_980] {strides = array<i32>} : memref<5x128x128xf32, #tpu.memory_space<vmem>>, vector<1x1x16xf32>,
      %get3A_982 = vector.shape_cast %get3A_981 : vector<1x1x16xf32> to vector<16xf32>
      %broadcast_in_dim3A_983 = vector.shape_cast %xor3A_6 : vector<16xi32> to vector<16x1xi32>
      %gather3A_984 = vector.shape_cast %broadcast_in_dim3A_983 : vector<16x1xi32> to vector<16xi32>
      %gather3A_985 = tpu.dynamic_gather %get3A_982[%gather3A_984] in [0] : vector<16xf32>, vector<16xi32> -> vector<16xf32>
      %mul3A_986 = arith.constant 2 : i32
      %mul3A_987 = arith.muli %mul3A_986, %scan3A_832 : i32
      %add3A_988 = arith.constant 0 : i32
      %add3A_989 = arith.addi %mul3A_987, %add3A_988 : i32
      %swap3A_990 = arith.constant 2 : i32
      %swap3A_991 = arith.index_cast %swap3A_990 : i32 to index
      %swap3A_992 = arith.index_cast %add3A_989 : i32 to index
      %swap3A_993 = arith.constant 96 : index
      %swap3A_994 = tpu.vector_load %arg7[%swap3A_991, %swap3A_992, %swap3A_993] {strides = array<i32>} : memref<5x128x128xf32, #tpu.memory_space<vmem>>, vector<1x1x16xf32>,
      %swap3A_995 = vector.shape_cast %swap3A_994 : vector<1x1x16xf32> to vector<16xf32>
      %swap3A_996 = vector.shape_cast %gather3A_985 : vector<16xf32> to vector<1x1x16xf32>
      tpu.vector_store %arg7[%swap3A_991, %swap3A_992, %swap3A_993], %swap3A_996 {strides = array<i32>} : memref<5x128x128xf32, #tpu.memory_space<vmem>>, vector<1x1x16xf32>,
      %mul3A_997 = arith.constant 2 : i32
      %mul3A_998 = arith.muli %mul3A_997, %scan3A_832 : i32
      %add3A_999 = arith.constant 0 : i32
      %add3A_1000 = arith.addi %mul3A_998, %add3A_999 : i32
      %get3A_1001 = arith.constant 2 : i32
      %get3A_1002 = arith.index_cast %get3A_1001 : i32 to index
      %get3A_1003 = arith.index_cast %add3A_1000 : i32 to index
      %get3A_1004 = arith.constant 112 : index
      %get3A_1005 = tpu.vector_load %arg7[%get3A_1002, %get3A_1003, %get3A_1004] {strides = array<i32>} : memref<5x128x128xf32, #tpu.memory_space<vmem>>, vector<1x1x16xf32>,
      %get3A_1006 = vector.shape_cast %get3A_1005 : vector<1x1x16xf32> to vector<16xf32>
      %broadcast_in_dim3A_1007 = vector.shape_cast %xor3A_6 : vector<16xi32> to vector<16x1xi32>
      %gather3A_1008 = vector.shape_cast %broadcast_in_dim3A_1007 : vector<16x1xi32> to vector<16xi32>
      %gather3A_1009 = tpu.dynamic_gather %get3A_1006[%gather3A_1008] in [0] : vector<16xf32>, vector<16xi32> -> vector<16xf32>
      %mul3A_1010 = arith.constant 2 : i32
      %mul3A_1011 = arith.muli %mul3A_1010, %scan3A_832 : i32
      %add3A_1012 = arith.constant 0 : i32
      %add3A_1013 = arith.addi %mul3A_1011, %add3A_1012 : i32
      %swap3A_1014 = arith.constant 2 : i32
      %swap3A_1015 = arith.index_cast %swap3A_1014 : i32 to index
      %swap3A_1016 = arith.index_cast %add3A_1013 : i32 to index
      %swap3A_1017 = arith.constant 112 : index
      %swap3A_1018 = tpu.vector_load %arg7[%swap3A_1015, %swap3A_1016, %swap3A_1017] {strides = array<i32>} : memref<5x128x128xf32, #tpu.memory_space<vmem>>, vector<1x1x16xf32>,
      %swap3A_1019 = vector.shape_cast %swap3A_1018 : vector<1x1x16xf32> to vector<16xf32>
      %swap3A_1020 = vector.shape_cast %gather3A_1009 : vector<16xf32> to vector<1x1x16xf32>
      tpu.vector_store %arg7[%swap3A_1015, %swap3A_1016, %swap3A_1017], %swap3A_1020 {strides = array<i32>} : memref<5x128x128xf32, #tpu.memory_space<vmem>>, vector<1x1x16xf32>,
      %mul3A_1021 = arith.constant 2 : i32
      %mul3A_1022 = arith.muli %mul3A_1021, %scan3A_832 : i32
      %add3A_1023 = arith.constant 1 : i32
      %add3A_1024 = arith.addi %mul3A_1022, %add3A_1023 : i32
      %get3A_1025 = arith.constant 2 : i32
      %get3A_1026 = arith.index_cast %get3A_1025 : i32 to index
      %get3A_1027 = arith.index_cast %add3A_1024 : i32 to index
      %get3A_1028 = arith.constant 0 : index
      %get3A_1029 = tpu.vector_load %arg7[%get3A_1026, %get3A_1027, %get3A_1028] {strides = array<i32>} : memref<5x128x128xf32, #tpu.memory_space<vmem>>, vector<1x1x16xf32>,
      %get3A_1030 = vector.shape_cast %get3A_1029 : vector<1x1x16xf32> to vector<16xf32>
      %broadcast_in_dim3A_1031 = vector.shape_cast %xor3A_6 : vector<16xi32> to vector<16x1xi32>
      %gather3A_1032 = vector.shape_cast %broadcast_in_dim3A_1031 : vector<16x1xi32> to vector<16xi32>
      %gather3A_1033 = tpu.dynamic_gather %get3A_1030[%gather3A_1032] in [0] : vector<16xf32>, vector<16xi32> -> vector<16xf32>
      %mul3A_1034 = arith.constant 2 : i32
      %mul3A_1035 = arith.muli %mul3A_1034, %scan3A_832 : i32
      %add3A_1036 = arith.constant 1 : i32
      %add3A_1037 = arith.addi %mul3A_1035, %add3A_1036 : i32
      %swap3A_1038 = arith.constant 2 : i32
      %swap3A_1039 = arith.index_cast %swap3A_1038 : i32 to index
      %swap3A_1040 = arith.index_cast %add3A_1037 : i32 to index
      %swap3A_1041 = arith.constant 0 : index
      %swap3A_1042 = tpu.vector_load %arg7[%swap3A_1039, %swap3A_1040, %swap3A_1041] {strides = array<i32>} : memref<5x128x128xf32, #tpu.memory_space<vmem>>, vector<1x1x16xf32>,
      %swap3A_1043 = vector.shape_cast %swap3A_1042 : vector<1x1x16xf32> to vector<16xf32>
      %swap3A_1044 = vector.shape_cast %gather3A_1033 : vector<16xf32> to vector<1x1x16xf32>
      tpu.vector_store %arg7[%swap3A_1039, %swap3A_1040, %swap3A_1041], %swap3A_1044 {strides = array<i32>} : memref<5x128x128xf32, #tpu.memory_space<vmem>>, vector<1x1x16xf32>,
      %mul3A_1045 = arith.constant 2 : i32
      %mul3A_1046 = arith.muli %mul3A_1045, %scan3A_832 : i32
      %add3A_1047 = arith.constant 1 : i32
      %add3A_1048 = arith.addi %mul3A_1046, %add3A_1047 : i32
      %get3A_1049 = arith.constant 2 : i32
      %get3A_1050 = arith.index_cast %get3A_1049 : i32 to index
      %get3A_1051 = arith.index_cast %add3A_1048 : i32 to index
      %get3A_1052 = arith.constant 16 : index
      %get3A_1053 = tpu.vector_load %arg7[%get3A_1050, %get3A_1051, %get3A_1052] {strides = array<i32>} : memref<5x128x128xf32, #tpu.memory_space<vmem>>, vector<1x1x16xf32>,
      %get3A_1054 = vector.shape_cast %get3A_1053 : vector<1x1x16xf32> to vector<16xf32>
      %broadcast_in_dim3A_1055 = vector.shape_cast %xor3A_6 : vector<16xi32> to vector<16x1xi32>
      %gather3A_1056 = vector.shape_cast %broadcast_in_dim3A_1055 : vector<16x1xi32> to vector<16xi32>
      %gather3A_1057 = tpu.dynamic_gather %get3A_1054[%gather3A_1056] in [0] : vector<16xf32>, vector<16xi32> -> vector<16xf32>
      %mul3A_1058 = arith.constant 2 : i32
      %mul3A_1059 = arith.muli %mul3A_1058, %scan3A_832 : i32
      %add3A_1060 = arith.constant 1 : i32
      %add3A_1061 = arith.addi %mul3A_1059, %add3A_1060 : i32
      %swap3A_1062 = arith.constant 2 : i32
      %swap3A_1063 = arith.index_cast %swap3A_1062 : i32 to index
      %swap3A_1064 = arith.index_cast %add3A_1061 : i32 to index
      %swap3A_1065 = arith.constant 16 : index
      %swap3A_1066 = tpu.vector_load %arg7[%swap3A_1063, %swap3A_1064, %swap3A_1065] {strides = array<i32>} : memref<5x128x128xf32, #tpu.memory_space<vmem>>, vector<1x1x16xf32>,
      %swap3A_1067 = vector.shape_cast %swap3A_1066 : vector<1x1x16xf32> to vector<16xf32>
      %swap3A_1068 = vector.shape_cast %gather3A_1057 : vector<16xf32> to vector<1x1x16xf32>
      tpu.vector_store %arg7[%swap3A_1063, %swap3A_1064, %swap3A_1065], %swap3A_1068 {strides = array<i32>} : memref<5x128x128xf32, #tpu.memory_space<vmem>>, vector<1x1x16xf32>,
      %mul3A_1069 = arith.constant 2 : i32
      %mul3A_1070 = arith.muli %mul3A_1069, %scan3A_832 : i32
      %add3A_1071 = arith.constant 1 : i32
      %add3A_1072 = arith.addi %mul3A_1070, %add3A_1071 : i32
      %get3A_1073 = arith.constant 2 : i32
      %get3A_1074 = arith.index_cast %get3A_1073 : i32 to index
      %get3A_1075 = arith.index_cast %add3A_1072 : i32 to index
      %get3A_1076 = arith.constant 32 : index
      %get3A_1077 = tpu.vector_load %arg7[%get3A_1074, %get3A_1075, %get3A_1076] {strides = array<i32>} : memref<5x128x128xf32, #tpu.memory_space<vmem>>, vector<1x1x16xf32>,
      %get3A_1078 = vector.shape_cast %get3A_1077 : vector<1x1x16xf32> to vector<16xf32>
      %broadcast_in_dim3A_1079 = vector.shape_cast %xor3A_6 : vector<16xi32> to vector<16x1xi32>
      %gather3A_1080 = vector.shape_cast %broadcast_in_dim3A_1079 : vector<16x1xi32> to vector<16xi32>
      %gather3A_1081 = tpu.dynamic_gather %get3A_1078[%gather3A_1080] in [0] : vector<16xf32>, vector<16xi32> -> vector<16xf32>
      %mul3A_1082 = arith.constant 2 : i32
      %mul3A_1083 = arith.muli %mul3A_1082, %scan3A_832 : i32
      %add3A_1084 = arith.constant 1 : i32
      %add3A_1085 = arith.addi %mul3A_1083, %add3A_1084 : i32
      %swap3A_1086 = arith.constant 2 : i32
      %swap3A_1087 = arith.index_cast %swap3A_1086 : i32 to index
      %swap3A_1088 = arith.index_cast %add3A_1085 : i32 to index
      %swap3A_1089 = arith.constant 32 : index
      %swap3A_1090 = tpu.vector_load %arg7[%swap3A_1087, %swap3A_1088, %swap3A_1089] {strides = array<i32>} : memref<5x128x128xf32, #tpu.memory_space<vmem>>, vector<1x1x16xf32>,
      %swap3A_1091 = vector.shape_cast %swap3A_1090 : vector<1x1x16xf32> to vector<16xf32>
      %swap3A_1092 = vector.shape_cast %gather3A_1081 : vector<16xf32> to vector<1x1x16xf32>
      tpu.vector_store %arg7[%swap3A_1087, %swap3A_1088, %swap3A_1089], %swap3A_1092 {strides = array<i32>} : memref<5x128x128xf32, #tpu.memory_space<vmem>>, vector<1x1x16xf32>,
      %mul3A_1093 = arith.constant 2 : i32
      %mul3A_1094 = arith.muli %mul3A_1093, %scan3A_832 : i32
      %add3A_1095 = arith.constant 1 : i32
      %add3A_1096 = arith.addi %mul3A_1094, %add3A_1095 : i32
      %get3A_1097 = arith.constant 2 : i32
      %get3A_1098 = arith.index_cast %get3A_1097 : i32 to index
      %get3A_1099 = arith.index_cast %add3A_1096 : i32 to index
      %get3A_1100 = arith.constant 48 : index
      %get3A_1101 = tpu.vector_load %arg7[%get3A_1098, %get3A_1099, %get3A_1100] {strides = array<i32>} : memref<5x128x128xf32, #tpu.memory_space<vmem>>, vector<1x1x16xf32>,
      %get3A_1102 = vector.shape_cast %get3A_1101 : vector<1x1x16xf32> to vector<16xf32>
      %broadcast_in_dim3A_1103 = vector.shape_cast %xor3A_6 : vector<16xi32> to vector<16x1xi32>
      %gather3A_1104 = vector.shape_cast %broadcast_in_dim3A_1103 : vector<16x1xi32> to vector<16xi32>
      %gather3A_1105 = tpu.dynamic_gather %get3A_1102[%gather3A_1104] in [0] : vector<16xf32>, vector<16xi32> -> vector<16xf32>
      %mul3A_1106 = arith.constant 2 : i32
      %mul3A_1107 = arith.muli %mul3A_1106, %scan3A_832 : i32
      %add3A_1108 = arith.constant 1 : i32
      %add3A_1109 = arith.addi %mul3A_1107, %add3A_1108 : i32
      %swap3A_1110 = arith.constant 2 : i32
      %swap3A_1111 = arith.index_cast %swap3A_1110 : i32 to index
      %swap3A_1112 = arith.index_cast %add3A_1109 : i32 to index
      %swap3A_1113 = arith.constant 48 : index
      %swap3A_1114 = tpu.vector_load %arg7[%swap3A_1111, %swap3A_1112, %swap3A_1113] {strides = array<i32>} : memref<5x128x128xf32, #tpu.memory_space<vmem>>, vector<1x1x16xf32>,
      %swap3A_1115 = vector.shape_cast %swap3A_1114 : vector<1x1x16xf32> to vector<16xf32>
      %swap3A_1116 = vector.shape_cast %gather3A_1105 : vector<16xf32> to vector<1x1x16xf32>
      tpu.vector_store %arg7[%swap3A_1111, %swap3A_1112, %swap3A_1113], %swap3A_1116 {strides = array<i32>} : memref<5x128x128xf32, #tpu.memory_space<vmem>>, vector<1x1x16xf32>,
      %mul3A_1117 = arith.constant 2 : i32
      %mul3A_1118 = arith.muli %mul3A_1117, %scan3A_832 : i32
      %add3A_1119 = arith.constant 1 : i32
      %add3A_1120 = arith.addi %mul3A_1118, %add3A_1119 : i32
      %get3A_1121 = arith.constant 2 : i32
      %get3A_1122 = arith.index_cast %get3A_1121 : i32 to index
      %get3A_1123 = arith.index_cast %add3A_1120 : i32 to index
      %get3A_1124 = arith.constant 64 : index
      %get3A_1125 = tpu.vector_load %arg7[%get3A_1122, %get3A_1123, %get3A_1124] {strides = array<i32>} : memref<5x128x128xf32, #tpu.memory_space<vmem>>, vector<1x1x16xf32>,
      %get3A_1126 = vector.shape_cast %get3A_1125 : vector<1x1x16xf32> to vector<16xf32>
      %broadcast_in_dim3A_1127 = vector.shape_cast %xor3A_6 : vector<16xi32> to vector<16x1xi32>
      %gather3A_1128 = vector.shape_cast %broadcast_in_dim3A_1127 : vector<16x1xi32> to vector<16xi32>
      %gather3A_1129 = tpu.dynamic_gather %get3A_1126[%gather3A_1128] in [0] : vector<16xf32>, vector<16xi32> -> vector<16xf32>
      %mul3A_1130 = arith.constant 2 : i32
      %mul3A_1131 = arith.muli %mul3A_1130, %scan3A_832 : i32
      %add3A_1132 = arith.constant 1 : i32
      %add3A_1133 = arith.addi %mul3A_1131, %add3A_1132 : i32
      %swap3A_1134 = arith.constant 2 : i32
      %swap3A_1135 = arith.index_cast %swap3A_1134 : i32 to index
      %swap3A_1136 = arith.index_cast %add3A_1133 : i32 to index
      %swap3A_1137 = arith.constant 64 : index
      %swap3A_1138 = tpu.vector_load %arg7[%swap3A_1135, %swap3A_1136, %swap3A_1137] {strides = array<i32>} : memref<5x128x128xf32, #tpu.memory_space<vmem>>, vector<1x1x16xf32>,
      %swap3A_1139 = vector.shape_cast %swap3A_1138 : vector<1x1x16xf32> to vector<16xf32>
      %swap3A_1140 = vector.shape_cast %gather3A_1129 : vector<16xf32> to vector<1x1x16xf32>
      tpu.vector_store %arg7[%swap3A_1135, %swap3A_1136, %swap3A_1137], %swap3A_1140 {strides = array<i32>} : memref<5x128x128xf32, #tpu.memory_space<vmem>>, vector<1x1x16xf32>,
      %mul3A_1141 = arith.constant 2 : i32
      %mul3A_1142 = arith.muli %mul3A_1141, %scan3A_832 : i32
      %add3A_1143 = arith.constant 1 : i32
      %add3A_1144 = arith.addi %mul3A_1142, %add3A_1143 : i32
      %get3A_1145 = arith.constant 2 : i32
      %get3A_1146 = arith.index_cast %get3A_1145 : i32 to index
      %get3A_1147 = arith.index_cast %add3A_1144 : i32 to index
      %get3A_1148 = arith.constant 80 : index
      %get3A_1149 = tpu.vector_load %arg7[%get3A_1146, %get3A_1147, %get3A_1148] {strides = array<i32>} : memref<5x128x128xf32, #tpu.memory_space<vmem>>, vector<1x1x16xf32>,
      %get3A_1150 = vector.shape_cast %get3A_1149 : vector<1x1x16xf32> to vector<16xf32>
      %broadcast_in_dim3A_1151 = vector.shape_cast %xor3A_6 : vector<16xi32> to vector<16x1xi32>
      %gather3A_1152 = vector.shape_cast %broadcast_in_dim3A_1151 : vector<16x1xi32> to vector<16xi32>
      %gather3A_1153 = tpu.dynamic_gather %get3A_1150[%gather3A_1152] in [0] : vector<16xf32>, vector<16xi32> -> vector<16xf32>
      %mul3A_1154 = arith.constant 2 : i32
      %mul3A_1155 = arith.muli %mul3A_1154, %scan3A_832 : i32
      %add3A_1156 = arith.constant 1 : i32
      %add3A_1157 = arith.addi %mul3A_1155, %add3A_1156 : i32
      %swap3A_1158 = arith.constant 2 : i32
      %swap3A_1159 = arith.index_cast %swap3A_1158 : i32 to index
      %swap3A_1160 = arith.index_cast %add3A_1157 : i32 to index
      %swap3A_1161 = arith.constant 80 : index
      %swap3A_1162 = tpu.vector_load %arg7[%swap3A_1159, %swap3A_1160, %swap3A_1161] {strides = array<i32>} : memref<5x128x128xf32, #tpu.memory_space<vmem>>, vector<1x1x16xf32>,
      %swap3A_1163 = vector.shape_cast %swap3A_1162 : vector<1x1x16xf32> to vector<16xf32>
      %swap3A_1164 = vector.shape_cast %gather3A_1153 : vector<16xf32> to vector<1x1x16xf32>
      tpu.vector_store %arg7[%swap3A_1159, %swap3A_1160, %swap3A_1161], %swap3A_1164 {strides = array<i32>} : memref<5x128x128xf32, #tpu.memory_space<vmem>>, vector<1x1x16xf32>,
      %mul3A_1165 = arith.constant 2 : i32
      %mul3A_1166 = arith.muli %mul3A_1165, %scan3A_832 : i32
      %add3A_1167 = arith.constant 1 : i32
      %add3A_1168 = arith.addi %mul3A_1166, %add3A_1167 : i32
      %get3A_1169 = arith.constant 2 : i32
      %get3A_1170 = arith.index_cast %get3A_1169 : i32 to index
      %get3A_1171 = arith.index_cast %add3A_1168 : i32 to index
      %get3A_1172 = arith.constant 96 : index
      %get3A_1173 = tpu.vector_load %arg7[%get3A_1170, %get3A_1171, %get3A_1172] {strides = array<i32>} : memref<5x128x128xf32, #tpu.memory_space<vmem>>, vector<1x1x16xf32>,
      %get3A_1174 = vector.shape_cast %get3A_1173 : vector<1x1x16xf32> to vector<16xf32>
      %broadcast_in_dim3A_1175 = vector.shape_cast %xor3A_6 : vector<16xi32> to vector<16x1xi32>
      %gather3A_1176 = vector.shape_cast %broadcast_in_dim3A_1175 : vector<16x1xi32> to vector<16xi32>
      %gather3A_1177 = tpu.dynamic_gather %get3A_1174[%gather3A_1176] in [0] : vector<16xf32>, vector<16xi32> -> vector<16xf32>
      %mul3A_1178 = arith.constant 2 : i32
      %mul3A_1179 = arith.muli %mul3A_1178, %scan3A_832 : i32
      %add3A_1180 = arith.constant 1 : i32
      %add3A_1181 = arith.addi %mul3A_1179, %add3A_1180 : i32
      %swap3A_1182 = arith.constant 2 : i32
      %swap3A_1183 = arith.index_cast %swap3A_1182 : i32 to index
      %swap3A_1184 = arith.index_cast %add3A_1181 : i32 to index
      %swap3A_1185 = arith.constant 96 : index
      %swap3A_1186 = tpu.vector_load %arg7[%swap3A_1183, %swap3A_1184, %swap3A_1185] {strides = array<i32>} : memref<5x128x128xf32, #tpu.memory_space<vmem>>, vector<1x1x16xf32>,
      %swap3A_1187 = vector.shape_cast %swap3A_1186 : vector<1x1x16xf32> to vector<16xf32>
      %swap3A_1188 = vector.shape_cast %gather3A_1177 : vector<16xf32> to vector<1x1x16xf32>
      tpu.vector_store %arg7[%swap3A_1183, %swap3A_1184, %swap3A_1185], %swap3A_1188 {strides = array<i32>} : memref<5x128x128xf32, #tpu.memory_space<vmem>>, vector<1x1x16xf32>,
      %mul3A_1189 = arith.constant 2 : i32
      %mul3A_1190 = arith.muli %mul3A_1189, %scan3A_832 : i32
      %add3A_1191 = arith.constant 1 : i32
      %add3A_1192 = arith.addi %mul3A_1190, %add3A_1191 : i32
      %get3A_1193 = arith.constant 2 : i32
      %get3A_1194 = arith.index_cast %get3A_1193 : i32 to index
      %get3A_1195 = arith.index_cast %add3A_1192 : i32 to index
      %get3A_1196 = arith.constant 112 : index
      %get3A_1197 = tpu.vector_load %arg7[%get3A_1194, %get3A_1195, %get3A_1196] {strides = array<i32>} : memref<5x128x128xf32, #tpu.memory_space<vmem>>, vector<1x1x16xf32>,
      %get3A_1198 = vector.shape_cast %get3A_1197 : vector<1x1x16xf32> to vector<16xf32>
      %broadcast_in_dim3A_1199 = vector.shape_cast %xor3A_6 : vector<16xi32> to vector<16x1xi32>
      %gather3A_1200 = vector.shape_cast %broadcast_in_dim3A_1199 : vector<16x1xi32> to vector<16xi32>
      %gather3A_1201 = tpu.dynamic_gather %get3A_1198[%gather3A_1200] in [0] : vector<16xf32>, vector<16xi32> -> vector<16xf32>
      %mul3A_1202 = arith.constant 2 : i32
      %mul3A_1203 = arith.muli %mul3A_1202, %scan3A_832 : i32
      %add3A_1204 = arith.constant 1 : i32
      %add3A_1205 = arith.addi %mul3A_1203, %add3A_1204 : i32
      %swap3A_1206 = arith.constant 2 : i32
      %swap3A_1207 = arith.index_cast %swap3A_1206 : i32 to index
      %swap3A_1208 = arith.index_cast %add3A_1205 : i32 to index
      %swap3A_1209 = arith.constant 112 : index
      %swap3A_1210 = tpu.vector_load %arg7[%swap3A_1207, %swap3A_1208, %swap3A_1209] {strides = array<i32>} : memref<5x128x128xf32, #tpu.memory_space<vmem>>, vector<1x1x16xf32>,
      %swap3A_1211 = vector.shape_cast %swap3A_1210 : vector<1x1x16xf32> to vector<16xf32>
      %swap3A_1212 = vector.shape_cast %gather3A_1201 : vector<16xf32> to vector<1x1x16xf32>
      tpu.vector_store %arg7[%swap3A_1207, %swap3A_1208, %swap3A_1209], %swap3A_1212 {strides = array<i32>} : memref<5x128x128xf32, #tpu.memory_space<vmem>>, vector<1x1x16xf32>,
    }
    %scan3A_165 = arith.constant 64 : i32
    %add3A_166 = arith.constant 256 : i32
    %add3A_167 = arith.addi %mul3A_4, %add3A_166 : i32
    %min3A_168 = arith.constant 9872 : i32
    %min3A_169 = arith.minsi %add3A_167, %min3A_168 : i32
    %multiple_of3A_170 = tpu.assume_multiple %min3A_169, 8 : i32
    %run_scoped3A_171 = arith.constant 2 : i32
    "tpu.region"() ({
      %run_scoped3A_832 = tpu.sem_alloc : memref<!tpu.dma_semaphore, #tpu.memory_space<semaphore_mem>>
      %dma_start3A_833 = arith.constant 0 : i32
      %dma_start3A_834 = arith.constant 0 : i32
      %dma_start3A_835 = tpu.memref_slice %arg7[%run_scoped3A_171, %dma_start3A_833, %dma_start3A_834] : memref<5x128x128xf32, #tpu.memory_space<vmem>> -> memref<1x128x128xf32, #tpu.memory_space<vmem>>
      %dma_start3A_836 = tpu.memref_squeeze %dma_start3A_835 : memref<1x128x128xf32, #tpu.memory_space<vmem>> -> memref<128x128xf32, #tpu.memory_space<vmem>>
      %dma_start3A_837 = arith.constant 0 : i32
      %dma_start3A_838 = arith.constant 0 : i32
      %dma_start3A_839 = tpu.memref_slice %arg5[%arg0, %dma_start3A_837, %dma_start3A_838] : memref<2x10240x128xf32, #tpu.memory_space<hbm>> -> memref<1x10240x128xf32, #tpu.memory_space<hbm>>
      %dma_start3A_840 = tpu.memref_squeeze %dma_start3A_839 : memref<1x10240x128xf32, #tpu.memory_space<hbm>> -> memref<10240x128xf32, #tpu.memory_space<hbm>>
      %dma_start3A_841 = arith.constant 0 : i32
      %dma_start3A_842 = tpu.memref_slice %dma_start3A_840[%multiple_of3A_170, %dma_start3A_841] : memref<10240x128xf32, #tpu.memory_space<hbm>> -> memref<128x128xf32, #tpu.memory_space<hbm>>
      %dma_start3A_843 = arith.constant 0 : i32
      %dma_start3A_844 = arith.constant 0 : i32
      %dma_start3A_845 = tpu.memref_slice %arg5[%arg0, %dma_start3A_843, %dma_start3A_844] : memref<2x10240x128xf32, #tpu.memory_space<hbm>> -> memref<1x10240x128xf32, #tpu.memory_space<hbm>>
      %dma_start3A_846 = tpu.memref_squeeze %dma_start3A_845 : memref<1x10240x128xf32, #tpu.memory_space<hbm>> -> memref<10240x128xf32, #tpu.memory_space<hbm>>
      %dma_start3A_847 = arith.constant 0 : i32
      %dma_start3A_848 = tpu.memref_slice %dma_start3A_846[%multiple_of3A_170, %dma_start3A_847] : memref<10240x128xf32, #tpu.memory_space<hbm>> -> memref<128x128xf32, #tpu.memory_space<hbm>>
      %dma_start3A_849 = arith.constant 0 : i32
      %dma_start3A_850 = arith.constant 0 : i32
      %dma_start3A_851 = tpu.memref_slice %arg7[%run_scoped3A_171, %dma_start3A_849, %dma_start3A_850] : memref<5x128x128xf32, #tpu.memory_space<vmem>> -> memref<1x128x128xf32, #tpu.memory_space<vmem>>
      %dma_start3A_852 = tpu.memref_squeeze %dma_start3A_851 : memref<1x128x128xf32, #tpu.memory_space<vmem>> -> memref<128x128xf32, #tpu.memory_space<vmem>>
      tpu.enqueue_dma source(%dma_start3A_852 : memref<128x128xf32, #tpu.memory_space<vmem>>) target(%dma_start3A_848 : memref<128x128xf32, #tpu.memory_space<hbm>>) target_semaphore(%run_scoped3A_832 : memref<!tpu.dma_semaphore, #tpu.memory_space<semaphore_mem>>)
      %dma_wait3A_853 = arith.constant 0 : i32
      %dma_wait3A_854 = arith.constant 0 : i32
      %dma_wait3A_855 = tpu.memref_slice %arg7[%run_scoped3A_171, %dma_wait3A_853, %dma_wait3A_854] : memref<5x128x128xf32, #tpu.memory_space<vmem>> -> memref<1x128x128xf32, #tpu.memory_space<vmem>>
      %dma_wait3A_856 = tpu.memref_squeeze %dma_wait3A_855 : memref<1x128x128xf32, #tpu.memory_space<vmem>> -> memref<128x128xf32, #tpu.memory_space<vmem>>
      %dma_wait3A_857 = arith.constant 0 : i32
      %dma_wait3A_858 = arith.constant 0 : i32
      %dma_wait3A_859 = tpu.memref_slice %arg5[%arg0, %dma_wait3A_857, %dma_wait3A_858] : memref<2x10240x128xf32, #tpu.memory_space<hbm>> -> memref<1x10240x128xf32, #tpu.memory_space<hbm>>
      %dma_wait3A_860 = tpu.memref_squeeze %dma_wait3A_859 : memref<1x10240x128xf32, #tpu.memory_space<hbm>> -> memref<10240x128xf32, #tpu.memory_space<hbm>>
      %dma_wait3A_861 = arith.constant 0 : i32
      %dma_wait3A_862 = tpu.memref_slice %dma_wait3A_860[%multiple_of3A_170, %dma_wait3A_861] : memref<10240x128xf32, #tpu.memory_space<hbm>> -> memref<128x128xf32, #tpu.memory_space<hbm>>
      %dma_wait3A_863 = arith.constant 0 : i32
      %dma_wait3A_864 = arith.constant 0 : i32
      %dma_wait3A_865 = tpu.memref_slice %arg5[%arg0, %dma_wait3A_863, %dma_wait3A_864] : memref<2x10240x128xf32, #tpu.memory_space<hbm>> -> memref<1x10240x128xf32, #tpu.memory_space<hbm>>
      %dma_wait3A_866 = tpu.memref_squeeze %dma_wait3A_865 : memref<1x10240x128xf32, #tpu.memory_space<hbm>> -> memref<10240x128xf32, #tpu.memory_space<hbm>>
      %dma_wait3A_867 = arith.constant 0 : i32
      %dma_wait3A_868 = tpu.memref_slice %dma_wait3A_866[%multiple_of3A_170, %dma_wait3A_867] : memref<10240x128xf32, #tpu.memory_space<hbm>> -> memref<128x128xf32, #tpu.memory_space<hbm>>
      %dma_wait3A_869 = arith.constant 0 : i32
      %dma_wait3A_870 = arith.constant 0 : i32
      %dma_wait3A_871 = tpu.memref_slice %arg7[%run_scoped3A_171, %dma_wait3A_869, %dma_wait3A_870] : memref<5x128x128xf32, #tpu.memory_space<vmem>> -> memref<1x128x128xf32, #tpu.memory_space<vmem>>
      %dma_wait3A_872 = tpu.memref_squeeze %dma_wait3A_871 : memref<1x128x128xf32, #tpu.memory_space<vmem>> -> memref<128x128xf32, #tpu.memory_space<vmem>>
      tpu.wait_dma2 semaphore(%run_scoped3A_832 : memref<!tpu.dma_semaphore, #tpu.memory_space<semaphore_mem>>) src(%dma_wait3A_872 : memref<128x128xf32, #tpu.memory_space<vmem>>) dst(%dma_wait3A_868 : memref<128x128xf32, #tpu.memory_space<hbm>>)
      tpu.yield
    }) : () -> ()
    %dma_wait3A_172 = arith.constant 3 : i32
    %dma_wait3A_173 = arith.constant 0 : i32
    %dma_wait3A_174 = arith.constant 0 : i32
    %dma_wait3A_175 = tpu.memref_slice %arg7[%dma_wait3A_172, %dma_wait3A_173, %dma_wait3A_174] : memref<5x128x128xf32, #tpu.memory_space<vmem>> -> memref<1x128x128xf32, #tpu.memory_space<vmem>>
    %dma_wait3A_176 = tpu.memref_squeeze %dma_wait3A_175 : memref<1x128x128xf32, #tpu.memory_space<vmem>> -> memref<128x128xf32, #tpu.memory_space<vmem>>
    %dma_wait3A_177 = arith.constant 0 : i32
    %dma_wait3A_178 = arith.constant 0 : i32
    %dma_wait3A_179 = tpu.memref_slice %arg2[%dma_wait3A_177, %dma_wait3A_178] : memref<10000x128xf32, #tpu.memory_space<hbm>> -> memref<128x128xf32, #tpu.memory_space<hbm>>
    %dma_wait3A_180 = arith.constant 0 : i32
    %dma_wait3A_181 = arith.constant 0 : i32
    %dma_wait3A_182 = tpu.memref_slice %arg7[%dma_wait3A_172, %dma_wait3A_180, %dma_wait3A_181] : memref<5x128x128xf32, #tpu.memory_space<vmem>> -> memref<1x128x128xf32, #tpu.memory_space<vmem>>
    %dma_wait3A_183 = tpu.memref_squeeze %dma_wait3A_182 : memref<1x128x128xf32, #tpu.memory_space<vmem>> -> memref<128x128xf32, #tpu.memory_space<vmem>>
    %dma_wait3A_184 = arith.constant 0 : i32
    %dma_wait3A_185 = arith.constant 0 : i32
    %dma_wait3A_186 = tpu.memref_slice %arg2[%dma_wait3A_184, %dma_wait3A_185] : memref<10000x128xf32, #tpu.memory_space<hbm>> -> memref<128x128xf32, #tpu.memory_space<hbm>>
    tpu.wait_dma2 semaphore(%arg11 : memref<!tpu.dma_semaphore, #tpu.memory_space<semaphore_mem>>) src(%dma_wait3A_186 : memref<128x128xf32, #tpu.memory_space<hbm>>) dst(%dma_wait3A_183 : memref<128x128xf32, #tpu.memory_space<vmem>>)
    %scan3A_187 = arith.constant 0 : i32
    %scan3A_188 = arith.constant 0 : i32
    %scan3A_189 = arith.constant 64 : i32
    %scan3A_190 = arith.addi %scan3A_188, %scan3A_189 : i32
    %scan3A_191 = arith.constant 1 : i32
    scf.for %scan3A_832 = %scan3A_188 to %scan3A_190 step %scan3A_191  : i32 {
      %mul3A_833 = arith.constant 2 : i32
      %mul3A_834 = arith.muli %mul3A_833, %scan3A_832 : i32
      %add3A_835 = arith.constant 0 : i32
      %add3A_836 = arith.addi %mul3A_834, %add3A_835 : i32
      %get3A = arith.constant 3 : i32
      %get3A_837 = arith.index_cast %get3A : i32 to index
      %get3A_838 = arith.index_cast %add3A_836 : i32 to index
      %get3A_839 = arith.constant 0 : index
      %get3A_840 = tpu.vector_load %arg7[%get3A_837, %get3A_838, %get3A_839] {strides = array<i32>} : memref<5x128x128xf32, #tpu.memory_space<vmem>>, vector<1x1x16xf32>,
      %get3A_841 = vector.shape_cast %get3A_840 : vector<1x1x16xf32> to vector<16xf32>
      %broadcast_in_dim3A = vector.shape_cast %xor3A_6 : vector<16xi32> to vector<16x1xi32>
      %gather3A = vector.shape_cast %broadcast_in_dim3A : vector<16x1xi32> to vector<16xi32>
      %gather3A_842 = tpu.dynamic_gather %get3A_841[%gather3A] in [0] : vector<16xf32>, vector<16xi32> -> vector<16xf32>
      %mul3A_843 = arith.constant 2 : i32
      %mul3A_844 = arith.muli %mul3A_843, %scan3A_832 : i32
      %add3A_845 = arith.constant 0 : i32
      %add3A_846 = arith.addi %mul3A_844, %add3A_845 : i32
      %swap3A = arith.constant 3 : i32
      %swap3A_847 = arith.index_cast %swap3A : i32 to index
      %swap3A_848 = arith.index_cast %add3A_846 : i32 to index
      %swap3A_849 = arith.constant 0 : index
      %swap3A_850 = tpu.vector_load %arg7[%swap3A_847, %swap3A_848, %swap3A_849] {strides = array<i32>} : memref<5x128x128xf32, #tpu.memory_space<vmem>>, vector<1x1x16xf32>,
      %swap3A_851 = vector.shape_cast %swap3A_850 : vector<1x1x16xf32> to vector<16xf32>
      %swap3A_852 = vector.shape_cast %gather3A_842 : vector<16xf32> to vector<1x1x16xf32>
      tpu.vector_store %arg7[%swap3A_847, %swap3A_848, %swap3A_849], %swap3A_852 {strides = array<i32>} : memref<5x128x128xf32, #tpu.memory_space<vmem>>, vector<1x1x16xf32>,
      %mul3A_853 = arith.constant 2 : i32
      %mul3A_854 = arith.muli %mul3A_853, %scan3A_832 : i32
      %add3A_855 = arith.constant 0 : i32
      %add3A_856 = arith.addi %mul3A_854, %add3A_855 : i32
      %get3A_857 = arith.constant 3 : i32
      %get3A_858 = arith.index_cast %get3A_857 : i32 to index
      %get3A_859 = arith.index_cast %add3A_856 : i32 to index
      %get3A_860 = arith.constant 16 : index
      %get3A_861 = tpu.vector_load %arg7[%get3A_858, %get3A_859, %get3A_860] {strides = array<i32>} : memref<5x128x128xf32, #tpu.memory_space<vmem>>, vector<1x1x16xf32>,
      %get3A_862 = vector.shape_cast %get3A_861 : vector<1x1x16xf32> to vector<16xf32>
      %broadcast_in_dim3A_863 = vector.shape_cast %xor3A_6 : vector<16xi32> to vector<16x1xi32>
      %gather3A_864 = vector.shape_cast %broadcast_in_dim3A_863 : vector<16x1xi32> to vector<16xi32>
      %gather3A_865 = tpu.dynamic_gather %get3A_862[%gather3A_864] in [0] : vector<16xf32>, vector<16xi32> -> vector<16xf32>
      %mul3A_866 = arith.constant 2 : i32
      %mul3A_867 = arith.muli %mul3A_866, %scan3A_832 : i32
      %add3A_868 = arith.constant 0 : i32
      %add3A_869 = arith.addi %mul3A_867, %add3A_868 : i32
      %swap3A_870 = arith.constant 3 : i32
      %swap3A_871 = arith.index_cast %swap3A_870 : i32 to index
      %swap3A_872 = arith.index_cast %add3A_869 : i32 to index
      %swap3A_873 = arith.constant 16 : index
      %swap3A_874 = tpu.vector_load %arg7[%swap3A_871, %swap3A_872, %swap3A_873] {strides = array<i32>} : memref<5x128x128xf32, #tpu.memory_space<vmem>>, vector<1x1x16xf32>,
      %swap3A_875 = vector.shape_cast %swap3A_874 : vector<1x1x16xf32> to vector<16xf32>
      %swap3A_876 = vector.shape_cast %gather3A_865 : vector<16xf32> to vector<1x1x16xf32>
      tpu.vector_store %arg7[%swap3A_871, %swap3A_872, %swap3A_873], %swap3A_876 {strides = array<i32>} : memref<5x128x128xf32, #tpu.memory_space<vmem>>, vector<1x1x16xf32>,
      %mul3A_877 = arith.constant 2 : i32
      %mul3A_878 = arith.muli %mul3A_877, %scan3A_832 : i32
      %add3A_879 = arith.constant 0 : i32
      %add3A_880 = arith.addi %mul3A_878, %add3A_879 : i32
      %get3A_881 = arith.constant 3 : i32
      %get3A_882 = arith.index_cast %get3A_881 : i32 to index
      %get3A_883 = arith.index_cast %add3A_880 : i32 to index
      %get3A_884 = arith.constant 32 : index
      %get3A_885 = tpu.vector_load %arg7[%get3A_882, %get3A_883, %get3A_884] {strides = array<i32>} : memref<5x128x128xf32, #tpu.memory_space<vmem>>, vector<1x1x16xf32>,
      %get3A_886 = vector.shape_cast %get3A_885 : vector<1x1x16xf32> to vector<16xf32>
      %broadcast_in_dim3A_887 = vector.shape_cast %xor3A_6 : vector<16xi32> to vector<16x1xi32>
      %gather3A_888 = vector.shape_cast %broadcast_in_dim3A_887 : vector<16x1xi32> to vector<16xi32>
      %gather3A_889 = tpu.dynamic_gather %get3A_886[%gather3A_888] in [0] : vector<16xf32>, vector<16xi32> -> vector<16xf32>
      %mul3A_890 = arith.constant 2 : i32
      %mul3A_891 = arith.muli %mul3A_890, %scan3A_832 : i32
      %add3A_892 = arith.constant 0 : i32
      %add3A_893 = arith.addi %mul3A_891, %add3A_892 : i32
      %swap3A_894 = arith.constant 3 : i32
      %swap3A_895 = arith.index_cast %swap3A_894 : i32 to index
      %swap3A_896 = arith.index_cast %add3A_893 : i32 to index
      %swap3A_897 = arith.constant 32 : index
      %swap3A_898 = tpu.vector_load %arg7[%swap3A_895, %swap3A_896, %swap3A_897] {strides = array<i32>} : memref<5x128x128xf32, #tpu.memory_space<vmem>>, vector<1x1x16xf32>,
      %swap3A_899 = vector.shape_cast %swap3A_898 : vector<1x1x16xf32> to vector<16xf32>
      %swap3A_900 = vector.shape_cast %gather3A_889 : vector<16xf32> to vector<1x1x16xf32>
      tpu.vector_store %arg7[%swap3A_895, %swap3A_896, %swap3A_897], %swap3A_900 {strides = array<i32>} : memref<5x128x128xf32, #tpu.memory_space<vmem>>, vector<1x1x16xf32>,
      %mul3A_901 = arith.constant 2 : i32
      %mul3A_902 = arith.muli %mul3A_901, %scan3A_832 : i32
      %add3A_903 = arith.constant 0 : i32
      %add3A_904 = arith.addi %mul3A_902, %add3A_903 : i32
      %get3A_905 = arith.constant 3 : i32
      %get3A_906 = arith.index_cast %get3A_905 : i32 to index
      %get3A_907 = arith.index_cast %add3A_904 : i32 to index
      %get3A_908 = arith.constant 48 : index
      %get3A_909 = tpu.vector_load %arg7[%get3A_906, %get3A_907, %get3A_908] {strides = array<i32>} : memref<5x128x128xf32, #tpu.memory_space<vmem>>, vector<1x1x16xf32>,
      %get3A_910 = vector.shape_cast %get3A_909 : vector<1x1x16xf32> to vector<16xf32>
      %broadcast_in_dim3A_911 = vector.shape_cast %xor3A_6 : vector<16xi32> to vector<16x1xi32>
      %gather3A_912 = vector.shape_cast %broadcast_in_dim3A_911 : vector<16x1xi32> to vector<16xi32>
      %gather3A_913 = tpu.dynamic_gather %get3A_910[%gather3A_912] in [0] : vector<16xf32>, vector<16xi32> -> vector<16xf32>
      %mul3A_914 = arith.constant 2 : i32
      %mul3A_915 = arith.muli %mul3A_914, %scan3A_832 : i32
      %add3A_916 = arith.constant 0 : i32
      %add3A_917 = arith.addi %mul3A_915, %add3A_916 : i32
      %swap3A_918 = arith.constant 3 : i32
      %swap3A_919 = arith.index_cast %swap3A_918 : i32 to index
      %swap3A_920 = arith.index_cast %add3A_917 : i32 to index
      %swap3A_921 = arith.constant 48 : index
      %swap3A_922 = tpu.vector_load %arg7[%swap3A_919, %swap3A_920, %swap3A_921] {strides = array<i32>} : memref<5x128x128xf32, #tpu.memory_space<vmem>>, vector<1x1x16xf32>,
      %swap3A_923 = vector.shape_cast %swap3A_922 : vector<1x1x16xf32> to vector<16xf32>
      %swap3A_924 = vector.shape_cast %gather3A_913 : vector<16xf32> to vector<1x1x16xf32>
      tpu.vector_store %arg7[%swap3A_919, %swap3A_920, %swap3A_921], %swap3A_924 {strides = array<i32>} : memref<5x128x128xf32, #tpu.memory_space<vmem>>, vector<1x1x16xf32>,
      %mul3A_925 = arith.constant 2 : i32
      %mul3A_926 = arith.muli %mul3A_925, %scan3A_832 : i32
      %add3A_927 = arith.constant 0 : i32
      %add3A_928 = arith.addi %mul3A_926, %add3A_927 : i32
      %get3A_929 = arith.constant 3 : i32
      %get3A_930 = arith.index_cast %get3A_929 : i32 to index
      %get3A_931 = arith.index_cast %add3A_928 : i32 to index
      %get3A_932 = arith.constant 64 : index
      %get3A_933 = tpu.vector_load %arg7[%get3A_930, %get3A_931, %get3A_932] {strides = array<i32>} : memref<5x128x128xf32, #tpu.memory_space<vmem>>, vector<1x1x16xf32>,
      %get3A_934 = vector.shape_cast %get3A_933 : vector<1x1x16xf32> to vector<16xf32>
      %broadcast_in_dim3A_935 = vector.shape_cast %xor3A_6 : vector<16xi32> to vector<16x1xi32>
      %gather3A_936 = vector.shape_cast %broadcast_in_dim3A_935 : vector<16x1xi32> to vector<16xi32>
      %gather3A_937 = tpu.dynamic_gather %get3A_934[%gather3A_936] in [0] : vector<16xf32>, vector<16xi32> -> vector<16xf32>
      %mul3A_938 = arith.constant 2 : i32
      %mul3A_939 = arith.muli %mul3A_938, %scan3A_832 : i32
      %add3A_940 = arith.constant 0 : i32
      %add3A_941 = arith.addi %mul3A_939, %add3A_940 : i32
      %swap3A_942 = arith.constant 3 : i32
      %swap3A_943 = arith.index_cast %swap3A_942 : i32 to index
      %swap3A_944 = arith.index_cast %add3A_941 : i32 to index
      %swap3A_945 = arith.constant 64 : index
      %swap3A_946 = tpu.vector_load %arg7[%swap3A_943, %swap3A_944, %swap3A_945] {strides = array<i32>} : memref<5x128x128xf32, #tpu.memory_space<vmem>>, vector<1x1x16xf32>,
      %swap3A_947 = vector.shape_cast %swap3A_946 : vector<1x1x16xf32> to vector<16xf32>
      %swap3A_948 = vector.shape_cast %gather3A_937 : vector<16xf32> to vector<1x1x16xf32>
      tpu.vector_store %arg7[%swap3A_943, %swap3A_944, %swap3A_945], %swap3A_948 {strides = array<i32>} : memref<5x128x128xf32, #tpu.memory_space<vmem>>, vector<1x1x16xf32>,
      %mul3A_949 = arith.constant 2 : i32
      %mul3A_950 = arith.muli %mul3A_949, %scan3A_832 : i32
      %add3A_951 = arith.constant 0 : i32
      %add3A_952 = arith.addi %mul3A_950, %add3A_951 : i32
      %get3A_953 = arith.constant 3 : i32
      %get3A_954 = arith.index_cast %get3A_953 : i32 to index
      %get3A_955 = arith.index_cast %add3A_952 : i32 to index
      %get3A_956 = arith.constant 80 : index
      %get3A_957 = tpu.vector_load %arg7[%get3A_954, %get3A_955, %get3A_956] {strides = array<i32>} : memref<5x128x128xf32, #tpu.memory_space<vmem>>, vector<1x1x16xf32>,
      %get3A_958 = vector.shape_cast %get3A_957 : vector<1x1x16xf32> to vector<16xf32>
      %broadcast_in_dim3A_959 = vector.shape_cast %xor3A_6 : vector<16xi32> to vector<16x1xi32>
      %gather3A_960 = vector.shape_cast %broadcast_in_dim3A_959 : vector<16x1xi32> to vector<16xi32>
      %gather3A_961 = tpu.dynamic_gather %get3A_958[%gather3A_960] in [0] : vector<16xf32>, vector<16xi32> -> vector<16xf32>
      %mul3A_962 = arith.constant 2 : i32
      %mul3A_963 = arith.muli %mul3A_962, %scan3A_832 : i32
      %add3A_964 = arith.constant 0 : i32
      %add3A_965 = arith.addi %mul3A_963, %add3A_964 : i32
      %swap3A_966 = arith.constant 3 : i32
      %swap3A_967 = arith.index_cast %swap3A_966 : i32 to index
      %swap3A_968 = arith.index_cast %add3A_965 : i32 to index
      %swap3A_969 = arith.constant 80 : index
      %swap3A_970 = tpu.vector_load %arg7[%swap3A_967, %swap3A_968, %swap3A_969] {strides = array<i32>} : memref<5x128x128xf32, #tpu.memory_space<vmem>>, vector<1x1x16xf32>,
      %swap3A_971 = vector.shape_cast %swap3A_970 : vector<1x1x16xf32> to vector<16xf32>
      %swap3A_972 = vector.shape_cast %gather3A_961 : vector<16xf32> to vector<1x1x16xf32>
      tpu.vector_store %arg7[%swap3A_967, %swap3A_968, %swap3A_969], %swap3A_972 {strides = array<i32>} : memref<5x128x128xf32, #tpu.memory_space<vmem>>, vector<1x1x16xf32>,
      %mul3A_973 = arith.constant 2 : i32
      %mul3A_974 = arith.muli %mul3A_973, %scan3A_832 : i32
      %add3A_975 = arith.constant 0 : i32
      %add3A_976 = arith.addi %mul3A_974, %add3A_975 : i32
      %get3A_977 = arith.constant 3 : i32
      %get3A_978 = arith.index_cast %get3A_977 : i32 to index
      %get3A_979 = arith.index_cast %add3A_976 : i32 to index
      %get3A_980 = arith.constant 96 : index
      %get3A_981 = tpu.vector_load %arg7[%get3A_978, %get3A_979, %get3A_980] {strides = array<i32>} : memref<5x128x128xf32, #tpu.memory_space<vmem>>, vector<1x1x16xf32>,
      %get3A_982 = vector.shape_cast %get3A_981 : vector<1x1x16xf32> to vector<16xf32>
      %broadcast_in_dim3A_983 = vector.shape_cast %xor3A_6 : vector<16xi32> to vector<16x1xi32>
      %gather3A_984 = vector.shape_cast %broadcast_in_dim3A_983 : vector<16x1xi32> to vector<16xi32>
      %gather3A_985 = tpu.dynamic_gather %get3A_982[%gather3A_984] in [0] : vector<16xf32>, vector<16xi32> -> vector<16xf32>
      %mul3A_986 = arith.constant 2 : i32
      %mul3A_987 = arith.muli %mul3A_986, %scan3A_832 : i32
      %add3A_988 = arith.constant 0 : i32
      %add3A_989 = arith.addi %mul3A_987, %add3A_988 : i32
      %swap3A_990 = arith.constant 3 : i32
      %swap3A_991 = arith.index_cast %swap3A_990 : i32 to index
      %swap3A_992 = arith.index_cast %add3A_989 : i32 to index
      %swap3A_993 = arith.constant 96 : index
      %swap3A_994 = tpu.vector_load %arg7[%swap3A_991, %swap3A_992, %swap3A_993] {strides = array<i32>} : memref<5x128x128xf32, #tpu.memory_space<vmem>>, vector<1x1x16xf32>,
      %swap3A_995 = vector.shape_cast %swap3A_994 : vector<1x1x16xf32> to vector<16xf32>
      %swap3A_996 = vector.shape_cast %gather3A_985 : vector<16xf32> to vector<1x1x16xf32>
      tpu.vector_store %arg7[%swap3A_991, %swap3A_992, %swap3A_993], %swap3A_996 {strides = array<i32>} : memref<5x128x128xf32, #tpu.memory_space<vmem>>, vector<1x1x16xf32>,
      %mul3A_997 = arith.constant 2 : i32
      %mul3A_998 = arith.muli %mul3A_997, %scan3A_832 : i32
      %add3A_999 = arith.constant 0 : i32
      %add3A_1000 = arith.addi %mul3A_998, %add3A_999 : i32
      %get3A_1001 = arith.constant 3 : i32
      %get3A_1002 = arith.index_cast %get3A_1001 : i32 to index
      %get3A_1003 = arith.index_cast %add3A_1000 : i32 to index
      %get3A_1004 = arith.constant 112 : index
      %get3A_1005 = tpu.vector_load %arg7[%get3A_1002, %get3A_1003, %get3A_1004] {strides = array<i32>} : memref<5x128x128xf32, #tpu.memory_space<vmem>>, vector<1x1x16xf32>,
      %get3A_1006 = vector.shape_cast %get3A_1005 : vector<1x1x16xf32> to vector<16xf32>
      %broadcast_in_dim3A_1007 = vector.shape_cast %xor3A_6 : vector<16xi32> to vector<16x1xi32>
      %gather3A_1008 = vector.shape_cast %broadcast_in_dim3A_1007 : vector<16x1xi32> to vector<16xi32>
      %gather3A_1009 = tpu.dynamic_gather %get3A_1006[%gather3A_1008] in [0] : vector<16xf32>, vector<16xi32> -> vector<16xf32>
      %mul3A_1010 = arith.constant 2 : i32
      %mul3A_1011 = arith.muli %mul3A_1010, %scan3A_832 : i32
      %add3A_1012 = arith.constant 0 : i32
      %add3A_1013 = arith.addi %mul3A_1011, %add3A_1012 : i32
      %swap3A_1014 = arith.constant 3 : i32
      %swap3A_1015 = arith.index_cast %swap3A_1014 : i32 to index
      %swap3A_1016 = arith.index_cast %add3A_1013 : i32 to index
      %swap3A_1017 = arith.constant 112 : index
      %swap3A_1018 = tpu.vector_load %arg7[%swap3A_1015, %swap3A_1016, %swap3A_1017] {strides = array<i32>} : memref<5x128x128xf32, #tpu.memory_space<vmem>>, vector<1x1x16xf32>,
      %swap3A_1019 = vector.shape_cast %swap3A_1018 : vector<1x1x16xf32> to vector<16xf32>
      %swap3A_1020 = vector.shape_cast %gather3A_1009 : vector<16xf32> to vector<1x1x16xf32>
      tpu.vector_store %arg7[%swap3A_1015, %swap3A_1016, %swap3A_1017], %swap3A_1020 {strides = array<i32>} : memref<5x128x128xf32, #tpu.memory_space<vmem>>, vector<1x1x16xf32>,
      %mul3A_1021 = arith.constant 2 : i32
      %mul3A_1022 = arith.muli %mul3A_1021, %scan3A_832 : i32
      %add3A_1023 = arith.constant 1 : i32
      %add3A_1024 = arith.addi %mul3A_1022, %add3A_1023 : i32
      %get3A_1025 = arith.constant 3 : i32
      %get3A_1026 = arith.index_cast %get3A_1025 : i32 to index
      %get3A_1027 = arith.index_cast %add3A_1024 : i32 to index
      %get3A_1028 = arith.constant 0 : index
      %get3A_1029 = tpu.vector_load %arg7[%get3A_1026, %get3A_1027, %get3A_1028] {strides = array<i32>} : memref<5x128x128xf32, #tpu.memory_space<vmem>>, vector<1x1x16xf32>,
      %get3A_1030 = vector.shape_cast %get3A_1029 : vector<1x1x16xf32> to vector<16xf32>
      %broadcast_in_dim3A_1031 = vector.shape_cast %xor3A_6 : vector<16xi32> to vector<16x1xi32>
      %gather3A_1032 = vector.shape_cast %broadcast_in_dim3A_1031 : vector<16x1xi32> to vector<16xi32>
      %gather3A_1033 = tpu.dynamic_gather %get3A_1030[%gather3A_1032] in [0] : vector<16xf32>, vector<16xi32> -> vector<16xf32>
      %mul3A_1034 = arith.constant 2 : i32
      %mul3A_1035 = arith.muli %mul3A_1034, %scan3A_832 : i32
      %add3A_1036 = arith.constant 1 : i32
      %add3A_1037 = arith.addi %mul3A_1035, %add3A_1036 : i32
      %swap3A_1038 = arith.constant 3 : i32
      %swap3A_1039 = arith.index_cast %swap3A_1038 : i32 to index
      %swap3A_1040 = arith.index_cast %add3A_1037 : i32 to index
      %swap3A_1041 = arith.constant 0 : index
      %swap3A_1042 = tpu.vector_load %arg7[%swap3A_1039, %swap3A_1040, %swap3A_1041] {strides = array<i32>} : memref<5x128x128xf32, #tpu.memory_space<vmem>>, vector<1x1x16xf32>,
      %swap3A_1043 = vector.shape_cast %swap3A_1042 : vector<1x1x16xf32> to vector<16xf32>
      %swap3A_1044 = vector.shape_cast %gather3A_1033 : vector<16xf32> to vector<1x1x16xf32>
      tpu.vector_store %arg7[%swap3A_1039, %swap3A_1040, %swap3A_1041], %swap3A_1044 {strides = array<i32>} : memref<5x128x128xf32, #tpu.memory_space<vmem>>, vector<1x1x16xf32>,
      %mul3A_1045 = arith.constant 2 : i32
      %mul3A_1046 = arith.muli %mul3A_1045, %scan3A_832 : i32
      %add3A_1047 = arith.constant 1 : i32
      %add3A_1048 = arith.addi %mul3A_1046, %add3A_1047 : i32
      %get3A_1049 = arith.constant 3 : i32
      %get3A_1050 = arith.index_cast %get3A_1049 : i32 to index
      %get3A_1051 = arith.index_cast %add3A_1048 : i32 to index
      %get3A_1052 = arith.constant 16 : index
      %get3A_1053 = tpu.vector_load %arg7[%get3A_1050, %get3A_1051, %get3A_1052] {strides = array<i32>} : memref<5x128x128xf32, #tpu.memory_space<vmem>>, vector<1x1x16xf32>,
      %get3A_1054 = vector.shape_cast %get3A_1053 : vector<1x1x16xf32> to vector<16xf32>
      %broadcast_in_dim3A_1055 = vector.shape_cast %xor3A_6 : vector<16xi32> to vector<16x1xi32>
      %gather3A_1056 = vector.shape_cast %broadcast_in_dim3A_1055 : vector<16x1xi32> to vector<16xi32>
      %gather3A_1057 = tpu.dynamic_gather %get3A_1054[%gather3A_1056] in [0] : vector<16xf32>, vector<16xi32> -> vector<16xf32>
      %mul3A_1058 = arith.constant 2 : i32
      %mul3A_1059 = arith.muli %mul3A_1058, %scan3A_832 : i32
      %add3A_1060 = arith.constant 1 : i32
      %add3A_1061 = arith.addi %mul3A_1059, %add3A_1060 : i32
      %swap3A_1062 = arith.constant 3 : i32
      %swap3A_1063 = arith.index_cast %swap3A_1062 : i32 to index
      %swap3A_1064 = arith.index_cast %add3A_1061 : i32 to index
      %swap3A_1065 = arith.constant 16 : index
      %swap3A_1066 = tpu.vector_load %arg7[%swap3A_1063, %swap3A_1064, %swap3A_1065] {strides = array<i32>} : memref<5x128x128xf32, #tpu.memory_space<vmem>>, vector<1x1x16xf32>,
      %swap3A_1067 = vector.shape_cast %swap3A_1066 : vector<1x1x16xf32> to vector<16xf32>
      %swap3A_1068 = vector.shape_cast %gather3A_1057 : vector<16xf32> to vector<1x1x16xf32>
      tpu.vector_store %arg7[%swap3A_1063, %swap3A_1064, %swap3A_1065], %swap3A_1068 {strides = array<i32>} : memref<5x128x128xf32, #tpu.memory_space<vmem>>, vector<1x1x16xf32>,
      %mul3A_1069 = arith.constant 2 : i32
      %mul3A_1070 = arith.muli %mul3A_1069, %scan3A_832 : i32
      %add3A_1071 = arith.constant 1 : i32
      %add3A_1072 = arith.addi %mul3A_1070, %add3A_1071 : i32
      %get3A_1073 = arith.constant 3 : i32
      %get3A_1074 = arith.index_cast %get3A_1073 : i32 to index
      %get3A_1075 = arith.index_cast %add3A_1072 : i32 to index
      %get3A_1076 = arith.constant 32 : index
      %get3A_1077 = tpu.vector_load %arg7[%get3A_1074, %get3A_1075, %get3A_1076] {strides = array<i32>} : memref<5x128x128xf32, #tpu.memory_space<vmem>>, vector<1x1x16xf32>,
      %get3A_1078 = vector.shape_cast %get3A_1077 : vector<1x1x16xf32> to vector<16xf32>
      %broadcast_in_dim3A_1079 = vector.shape_cast %xor3A_6 : vector<16xi32> to vector<16x1xi32>
      %gather3A_1080 = vector.shape_cast %broadcast_in_dim3A_1079 : vector<16x1xi32> to vector<16xi32>
      %gather3A_1081 = tpu.dynamic_gather %get3A_1078[%gather3A_1080] in [0] : vector<16xf32>, vector<16xi32> -> vector<16xf32>
      %mul3A_1082 = arith.constant 2 : i32
      %mul3A_1083 = arith.muli %mul3A_1082, %scan3A_832 : i32
      %add3A_1084 = arith.constant 1 : i32
      %add3A_1085 = arith.addi %mul3A_1083, %add3A_1084 : i32
      %swap3A_1086 = arith.constant 3 : i32
      %swap3A_1087 = arith.index_cast %swap3A_1086 : i32 to index
      %swap3A_1088 = arith.index_cast %add3A_1085 : i32 to index
      %swap3A_1089 = arith.constant 32 : index
      %swap3A_1090 = tpu.vector_load %arg7[%swap3A_1087, %swap3A_1088, %swap3A_1089] {strides = array<i32>} : memref<5x128x128xf32, #tpu.memory_space<vmem>>, vector<1x1x16xf32>,
      %swap3A_1091 = vector.shape_cast %swap3A_1090 : vector<1x1x16xf32> to vector<16xf32>
      %swap3A_1092 = vector.shape_cast %gather3A_1081 : vector<16xf32> to vector<1x1x16xf32>
      tpu.vector_store %arg7[%swap3A_1087, %swap3A_1088, %swap3A_1089], %swap3A_1092 {strides = array<i32>} : memref<5x128x128xf32, #tpu.memory_space<vmem>>, vector<1x1x16xf32>,
      %mul3A_1093 = arith.constant 2 : i32
      %mul3A_1094 = arith.muli %mul3A_1093, %scan3A_832 : i32
      %add3A_1095 = arith.constant 1 : i32
      %add3A_1096 = arith.addi %mul3A_1094, %add3A_1095 : i32
      %get3A_1097 = arith.constant 3 : i32
      %get3A_1098 = arith.index_cast %get3A_1097 : i32 to index
      %get3A_1099 = arith.index_cast %add3A_1096 : i32 to index
      %get3A_1100 = arith.constant 48 : index
      %get3A_1101 = tpu.vector_load %arg7[%get3A_1098, %get3A_1099, %get3A_1100] {strides = array<i32>} : memref<5x128x128xf32, #tpu.memory_space<vmem>>, vector<1x1x16xf32>,
      %get3A_1102 = vector.shape_cast %get3A_1101 : vector<1x1x16xf32> to vector<16xf32>
      %broadcast_in_dim3A_1103 = vector.shape_cast %xor3A_6 : vector<16xi32> to vector<16x1xi32>
      %gather3A_1104 = vector.shape_cast %broadcast_in_dim3A_1103 : vector<16x1xi32> to vector<16xi32>
      %gather3A_1105 = tpu.dynamic_gather %get3A_1102[%gather3A_1104] in [0] : vector<16xf32>, vector<16xi32> -> vector<16xf32>
      %mul3A_1106 = arith.constant 2 : i32
      %mul3A_1107 = arith.muli %mul3A_1106, %scan3A_832 : i32
      %add3A_1108 = arith.constant 1 : i32
      %add3A_1109 = arith.addi %mul3A_1107, %add3A_1108 : i32
      %swap3A_1110 = arith.constant 3 : i32
      %swap3A_1111 = arith.index_cast %swap3A_1110 : i32 to index
      %swap3A_1112 = arith.index_cast %add3A_1109 : i32 to index
      %swap3A_1113 = arith.constant 48 : index
      %swap3A_1114 = tpu.vector_load %arg7[%swap3A_1111, %swap3A_1112, %swap3A_1113] {strides = array<i32>} : memref<5x128x128xf32, #tpu.memory_space<vmem>>, vector<1x1x16xf32>,
      %swap3A_1115 = vector.shape_cast %swap3A_1114 : vector<1x1x16xf32> to vector<16xf32>
      %swap3A_1116 = vector.shape_cast %gather3A_1105 : vector<16xf32> to vector<1x1x16xf32>
      tpu.vector_store %arg7[%swap3A_1111, %swap3A_1112, %swap3A_1113], %swap3A_1116 {strides = array<i32>} : memref<5x128x128xf32, #tpu.memory_space<vmem>>, vector<1x1x16xf32>,
      %mul3A_1117 = arith.constant 2 : i32
      %mul3A_1118 = arith.muli %mul3A_1117, %scan3A_832 : i32
      %add3A_1119 = arith.constant 1 : i32
      %add3A_1120 = arith.addi %mul3A_1118, %add3A_1119 : i32
      %get3A_1121 = arith.constant 3 : i32
      %get3A_1122 = arith.index_cast %get3A_1121 : i32 to index
      %get3A_1123 = arith.index_cast %add3A_1120 : i32 to index
      %get3A_1124 = arith.constant 64 : index
      %get3A_1125 = tpu.vector_load %arg7[%get3A_1122, %get3A_1123, %get3A_1124] {strides = array<i32>} : memref<5x128x128xf32, #tpu.memory_space<vmem>>, vector<1x1x16xf32>,
      %get3A_1126 = vector.shape_cast %get3A_1125 : vector<1x1x16xf32> to vector<16xf32>
      %broadcast_in_dim3A_1127 = vector.shape_cast %xor3A_6 : vector<16xi32> to vector<16x1xi32>
      %gather3A_1128 = vector.shape_cast %broadcast_in_dim3A_1127 : vector<16x1xi32> to vector<16xi32>
      %gather3A_1129 = tpu.dynamic_gather %get3A_1126[%gather3A_1128] in [0] : vector<16xf32>, vector<16xi32> -> vector<16xf32>
      %mul3A_1130 = arith.constant 2 : i32
      %mul3A_1131 = arith.muli %mul3A_1130, %scan3A_832 : i32
      %add3A_1132 = arith.constant 1 : i32
      %add3A_1133 = arith.addi %mul3A_1131, %add3A_1132 : i32
      %swap3A_1134 = arith.constant 3 : i32
      %swap3A_1135 = arith.index_cast %swap3A_1134 : i32 to index
      %swap3A_1136 = arith.index_cast %add3A_1133 : i32 to index
      %swap3A_1137 = arith.constant 64 : index
      %swap3A_1138 = tpu.vector_load %arg7[%swap3A_1135, %swap3A_1136, %swap3A_1137] {strides = array<i32>} : memref<5x128x128xf32, #tpu.memory_space<vmem>>, vector<1x1x16xf32>,
      %swap3A_1139 = vector.shape_cast %swap3A_1138 : vector<1x1x16xf32> to vector<16xf32>
      %swap3A_1140 = vector.shape_cast %gather3A_1129 : vector<16xf32> to vector<1x1x16xf32>
      tpu.vector_store %arg7[%swap3A_1135, %swap3A_1136, %swap3A_1137], %swap3A_1140 {strides = array<i32>} : memref<5x128x128xf32, #tpu.memory_space<vmem>>, vector<1x1x16xf32>,
      %mul3A_1141 = arith.constant 2 : i32
      %mul3A_1142 = arith.muli %mul3A_1141, %scan3A_832 : i32
      %add3A_1143 = arith.constant 1 : i32
      %add3A_1144 = arith.addi %mul3A_1142, %add3A_1143 : i32
      %get3A_1145 = arith.constant 3 : i32
      %get3A_1146 = arith.index_cast %get3A_1145 : i32 to index
      %get3A_1147 = arith.index_cast %add3A_1144 : i32 to index
      %get3A_1148 = arith.constant 80 : index
      %get3A_1149 = tpu.vector_load %arg7[%get3A_1146, %get3A_1147, %get3A_1148] {strides = array<i32>} : memref<5x128x128xf32, #tpu.memory_space<vmem>>, vector<1x1x16xf32>,
      %get3A_1150 = vector.shape_cast %get3A_1149 : vector<1x1x16xf32> to vector<16xf32>
      %broadcast_in_dim3A_1151 = vector.shape_cast %xor3A_6 : vector<16xi32> to vector<16x1xi32>
      %gather3A_1152 = vector.shape_cast %broadcast_in_dim3A_1151 : vector<16x1xi32> to vector<16xi32>
      %gather3A_1153 = tpu.dynamic_gather %get3A_1150[%gather3A_1152] in [0] : vector<16xf32>, vector<16xi32> -> vector<16xf32>
      %mul3A_1154 = arith.constant 2 : i32
      %mul3A_1155 = arith.muli %mul3A_1154, %scan3A_832 : i32
      %add3A_1156 = arith.constant 1 : i32
      %add3A_1157 = arith.addi %mul3A_1155, %add3A_1156 : i32
      %swap3A_1158 = arith.constant 3 : i32
      %swap3A_1159 = arith.index_cast %swap3A_1158 : i32 to index
      %swap3A_1160 = arith.index_cast %add3A_1157 : i32 to index
      %swap3A_1161 = arith.constant 80 : index
      %swap3A_1162 = tpu.vector_load %arg7[%swap3A_1159, %swap3A_1160, %swap3A_1161] {strides = array<i32>} : memref<5x128x128xf32, #tpu.memory_space<vmem>>, vector<1x1x16xf32>,
      %swap3A_1163 = vector.shape_cast %swap3A_1162 : vector<1x1x16xf32> to vector<16xf32>
      %swap3A_1164 = vector.shape_cast %gather3A_1153 : vector<16xf32> to vector<1x1x16xf32>
      tpu.vector_store %arg7[%swap3A_1159, %swap3A_1160, %swap3A_1161], %swap3A_1164 {strides = array<i32>} : memref<5x128x128xf32, #tpu.memory_space<vmem>>, vector<1x1x16xf32>,
      %mul3A_1165 = arith.constant 2 : i32
      %mul3A_1166 = arith.muli %mul3A_1165, %scan3A_832 : i32
      %add3A_1167 = arith.constant 1 : i32
      %add3A_1168 = arith.addi %mul3A_1166, %add3A_1167 : i32
      %get3A_1169 = arith.constant 3 : i32
      %get3A_1170 = arith.index_cast %get3A_1169 : i32 to index
      %get3A_1171 = arith.index_cast %add3A_1168 : i32 to index
      %get3A_1172 = arith.constant 96 : index
      %get3A_1173 = tpu.vector_load %arg7[%get3A_1170, %get3A_1171, %get3A_1172] {strides = array<i32>} : memref<5x128x128xf32, #tpu.memory_space<vmem>>, vector<1x1x16xf32>,
      %get3A_1174 = vector.shape_cast %get3A_1173 : vector<1x1x16xf32> to vector<16xf32>
      %broadcast_in_dim3A_1175 = vector.shape_cast %xor3A_6 : vector<16xi32> to vector<16x1xi32>
      %gather3A_1176 = vector.shape_cast %broadcast_in_dim3A_1175 : vector<16x1xi32> to vector<16xi32>
      %gather3A_1177 = tpu.dynamic_gather %get3A_1174[%gather3A_1176] in [0] : vector<16xf32>, vector<16xi32> -> vector<16xf32>
      %mul3A_1178 = arith.constant 2 : i32
      %mul3A_1179 = arith.muli %mul3A_1178, %scan3A_832 : i32
      %add3A_1180 = arith.constant 1 : i32
      %add3A_1181 = arith.addi %mul3A_1179, %add3A_1180 : i32
      %swap3A_1182 = arith.constant 3 : i32
      %swap3A_1183 = arith.index_cast %swap3A_1182 : i32 to index
      %swap3A_1184 = arith.index_cast %add3A_1181 : i32 to index
      %swap3A_1185 = arith.constant 96 : index
      %swap3A_1186 = tpu.vector_load %arg7[%swap3A_1183, %swap3A_1184, %swap3A_1185] {strides = array<i32>} : memref<5x128x128xf32, #tpu.memory_space<vmem>>, vector<1x1x16xf32>,
      %swap3A_1187 = vector.shape_cast %swap3A_1186 : vector<1x1x16xf32> to vector<16xf32>
      %swap3A_1188 = vector.shape_cast %gather3A_1177 : vector<16xf32> to vector<1x1x16xf32>
      tpu.vector_store %arg7[%swap3A_1183, %swap3A_1184, %swap3A_1185], %swap3A_1188 {strides = array<i32>} : memref<5x128x128xf32, #tpu.memory_space<vmem>>, vector<1x1x16xf32>,
      %mul3A_1189 = arith.constant 2 : i32
      %mul3A_1190 = arith.muli %mul3A_1189, %scan3A_832 : i32
      %add3A_1191 = arith.constant 1 : i32
      %add3A_1192 = arith.addi %mul3A_1190, %add3A_1191 : i32
      %get3A_1193 = arith.constant 3 : i32
      %get3A_1194 = arith.index_cast %get3A_1193 : i32 to index
      %get3A_1195 = arith.index_cast %add3A_1192 : i32 to index
      %get3A_1196 = arith.constant 112 : index
      %get3A_1197 = tpu.vector_load %arg7[%get3A_1194, %get3A_1195, %get3A_1196] {strides = array<i32>} : memref<5x128x128xf32, #tpu.memory_space<vmem>>, vector<1x1x16xf32>,
      %get3A_1198 = vector.shape_cast %get3A_1197 : vector<1x1x16xf32> to vector<16xf32>
      %broadcast_in_dim3A_1199 = vector.shape_cast %xor3A_6 : vector<16xi32> to vector<16x1xi32>
      %gather3A_1200 = vector.shape_cast %broadcast_in_dim3A_1199 : vector<16x1xi32> to vector<16xi32>
      %gather3A_1201 = tpu.dynamic_gather %get3A_1198[%gather3A_1200] in [0] : vector<16xf32>, vector<16xi32> -> vector<16xf32>
      %mul3A_1202 = arith.constant 2 : i32
      %mul3A_1203 = arith.muli %mul3A_1202, %scan3A_832 : i32
      %add3A_1204 = arith.constant 1 : i32
      %add3A_1205 = arith.addi %mul3A_1203, %add3A_1204 : i32
      %swap3A_1206 = arith.constant 3 : i32
      %swap3A_1207 = arith.index_cast %swap3A_1206 : i32 to index
      %swap3A_1208 = arith.index_cast %add3A_1205 : i32 to index
      %swap3A_1209 = arith.constant 112 : index
      %swap3A_1210 = tpu.vector_load %arg7[%swap3A_1207, %swap3A_1208, %swap3A_1209] {strides = array<i32>} : memref<5x128x128xf32, #tpu.memory_space<vmem>>, vector<1x1x16xf32>,
      %swap3A_1211 = vector.shape_cast %swap3A_1210 : vector<1x1x16xf32> to vector<16xf32>
      %swap3A_1212 = vector.shape_cast %gather3A_1201 : vector<16xf32> to vector<1x1x16xf32>
      tpu.vector_store %arg7[%swap3A_1207, %swap3A_1208, %swap3A_1209], %swap3A_1212 {strides = array<i32>} : memref<5x128x128xf32, #tpu.memory_space<vmem>>, vector<1x1x16xf32>,
    }
    %scan3A_192 = arith.constant 64 : i32
    %add3A_193 = arith.constant 384 : i32
    %add3A_194 = arith.addi %mul3A_4, %add3A_193 : i32
    %min3A_195 = arith.constant 9872 : i32
    %min3A_196 = arith.minsi %add3A_194, %min3A_195 : i32
    %multiple_of3A_197 = tpu.assume_multiple %min3A_196, 8 : i32
    %run_scoped3A_198 = arith.constant 3 : i32
    "tpu.region"() ({
      %run_scoped3A_832 = tpu.sem_alloc : memref<!tpu.dma_semaphore, #tpu.memory_space<semaphore_mem>>
      %dma_start3A_833 = arith.constant 0 : i32
      %dma_start3A_834 = arith.constant 0 : i32
      %dma_start3A_835 = tpu.memref_slice %arg7[%run_scoped3A_198, %dma_start3A_833, %dma_start3A_834] : memref<5x128x128xf32, #tpu.memory_space<vmem>> -> memref<1x128x128xf32, #tpu.memory_space<vmem>>
      %dma_start3A_836 = tpu.memref_squeeze %dma_start3A_835 : memref<1x128x128xf32, #tpu.memory_space<vmem>> -> memref<128x128xf32, #tpu.memory_space<vmem>>
      %dma_start3A_837 = arith.constant 0 : i32
      %dma_start3A_838 = arith.constant 0 : i32
      %dma_start3A_839 = tpu.memref_slice %arg5[%arg0, %dma_start3A_837, %dma_start3A_838] : memref<2x10240x128xf32, #tpu.memory_space<hbm>> -> memref<1x10240x128xf32, #tpu.memory_space<hbm>>
      %dma_start3A_840 = tpu.memref_squeeze %dma_start3A_839 : memref<1x10240x128xf32, #tpu.memory_space<hbm>> -> memref<10240x128xf32, #tpu.memory_space<hbm>>
      %dma_start3A_841 = arith.constant 0 : i32
      %dma_start3A_842 = tpu.memref_slice %dma_start3A_840[%multiple_of3A_197, %dma_start3A_841] : memref<10240x128xf32, #tpu.memory_space<hbm>> -> memref<128x128xf32, #tpu.memory_space<hbm>>
      %dma_start3A_843 = arith.constant 0 : i32
      %dma_start3A_844 = arith.constant 0 : i32
      %dma_start3A_845 = tpu.memref_slice %arg5[%arg0, %dma_start3A_843, %dma_start3A_844] : memref<2x10240x128xf32, #tpu.memory_space<hbm>> -> memref<1x10240x128xf32, #tpu.memory_space<hbm>>
      %dma_start3A_846 = tpu.memref_squeeze %dma_start3A_845 : memref<1x10240x128xf32, #tpu.memory_space<hbm>> -> memref<10240x128xf32, #tpu.memory_space<hbm>>
      %dma_start3A_847 = arith.constant 0 : i32
      %dma_start3A_848 = tpu.memref_slice %dma_start3A_846[%multiple_of3A_197, %dma_start3A_847] : memref<10240x128xf32, #tpu.memory_space<hbm>> -> memref<128x128xf32, #tpu.memory_space<hbm>>
      %dma_start3A_849 = arith.constant 0 : i32
      %dma_start3A_850 = arith.constant 0 : i32
      %dma_start3A_851 = tpu.memref_slice %arg7[%run_scoped3A_198, %dma_start3A_849, %dma_start3A_850] : memref<5x128x128xf32, #tpu.memory_space<vmem>> -> memref<1x128x128xf32, #tpu.memory_space<vmem>>
      %dma_start3A_852 = tpu.memref_squeeze %dma_start3A_851 : memref<1x128x128xf32, #tpu.memory_space<vmem>> -> memref<128x128xf32, #tpu.memory_space<vmem>>
      tpu.enqueue_dma source(%dma_start3A_852 : memref<128x128xf32, #tpu.memory_space<vmem>>) target(%dma_start3A_848 : memref<128x128xf32, #tpu.memory_space<hbm>>) target_semaphore(%run_scoped3A_832 : memref<!tpu.dma_semaphore, #tpu.memory_space<semaphore_mem>>)
      %dma_wait3A_853 = arith.constant 0 : i32
      %dma_wait3A_854 = arith.constant 0 : i32
      %dma_wait3A_855 = tpu.memref_slice %arg7[%run_scoped3A_198, %dma_wait3A_853, %dma_wait3A_854] : memref<5x128x128xf32, #tpu.memory_space<vmem>> -> memref<1x128x128xf32, #tpu.memory_space<vmem>>
      %dma_wait3A_856 = tpu.memref_squeeze %dma_wait3A_855 : memref<1x128x128xf32, #tpu.memory_space<vmem>> -> memref<128x128xf32, #tpu.memory_space<vmem>>
      %dma_wait3A_857 = arith.constant 0 : i32
      %dma_wait3A_858 = arith.constant 0 : i32
      %dma_wait3A_859 = tpu.memref_slice %arg5[%arg0, %dma_wait3A_857, %dma_wait3A_858] : memref<2x10240x128xf32, #tpu.memory_space<hbm>> -> memref<1x10240x128xf32, #tpu.memory_space<hbm>>
      %dma_wait3A_860 = tpu.memref_squeeze %dma_wait3A_859 : memref<1x10240x128xf32, #tpu.memory_space<hbm>> -> memref<10240x128xf32, #tpu.memory_space<hbm>>
      %dma_wait3A_861 = arith.constant 0 : i32
      %dma_wait3A_862 = tpu.memref_slice %dma_wait3A_860[%multiple_of3A_197, %dma_wait3A_861] : memref<10240x128xf32, #tpu.memory_space<hbm>> -> memref<128x128xf32, #tpu.memory_space<hbm>>
      %dma_wait3A_863 = arith.constant 0 : i32
      %dma_wait3A_864 = arith.constant 0 : i32
      %dma_wait3A_865 = tpu.memref_slice %arg5[%arg0, %dma_wait3A_863, %dma_wait3A_864] : memref<2x10240x128xf32, #tpu.memory_space<hbm>> -> memref<1x10240x128xf32, #tpu.memory_space<hbm>>
      %dma_wait3A_866 = tpu.memref_squeeze %dma_wait3A_865 : memref<1x10240x128xf32, #tpu.memory_space<hbm>> -> memref<10240x128xf32, #tpu.memory_space<hbm>>
      %dma_wait3A_867 = arith.constant 0 : i32
      %dma_wait3A_868 = tpu.memref_slice %dma_wait3A_866[%multiple_of3A_197, %dma_wait3A_867] : memref<10240x128xf32, #tpu.memory_space<hbm>> -> memref<128x128xf32, #tpu.memory_space<hbm>>
      %dma_wait3A_869 = arith.constant 0 : i32
      %dma_wait3A_870 = arith.constant 0 : i32
      %dma_wait3A_871 = tpu.memref_slice %arg7[%run_scoped3A_198, %dma_wait3A_869, %dma_wait3A_870] : memref<5x128x128xf32, #tpu.memory_space<vmem>> -> memref<1x128x128xf32, #tpu.memory_space<vmem>>
      %dma_wait3A_872 = tpu.memref_squeeze %dma_wait3A_871 : memref<1x128x128xf32, #tpu.memory_space<vmem>> -> memref<128x128xf32, #tpu.memory_space<vmem>>
      tpu.wait_dma2 semaphore(%run_scoped3A_832 : memref<!tpu.dma_semaphore, #tpu.memory_space<semaphore_mem>>) src(%dma_wait3A_872 : memref<128x128xf32, #tpu.memory_space<vmem>>) dst(%dma_wait3A_868 : memref<128x128xf32, #tpu.memory_space<hbm>>)
      tpu.yield
    }) : () -> ()
    %dma_wait3A_199 = arith.constant 4 : i32
    %dma_wait3A_200 = arith.constant 0 : i32
    %dma_wait3A_201 = arith.constant 0 : i32
    %dma_wait3A_202 = tpu.memref_slice %arg7[%dma_wait3A_199, %dma_wait3A_200, %dma_wait3A_201] : memref<5x128x128xf32, #tpu.memory_space<vmem>> -> memref<1x128x128xf32, #tpu.memory_space<vmem>>
    %dma_wait3A_203 = tpu.memref_squeeze %dma_wait3A_202 : memref<1x128x128xf32, #tpu.memory_space<vmem>> -> memref<128x128xf32, #tpu.memory_space<vmem>>
    %dma_wait3A_204 = arith.constant 0 : i32
    %dma_wait3A_205 = arith.constant 0 : i32
    %dma_wait3A_206 = tpu.memref_slice %arg2[%dma_wait3A_204, %dma_wait3A_205] : memref<10000x128xf32, #tpu.memory_space<hbm>> -> memref<128x128xf32, #tpu.memory_space<hbm>>
    %dma_wait3A_207 = arith.constant 0 : i32
    %dma_wait3A_208 = arith.constant 0 : i32
    %dma_wait3A_209 = tpu.memref_slice %arg7[%dma_wait3A_199, %dma_wait3A_207, %dma_wait3A_208] : memref<5x128x128xf32, #tpu.memory_space<vmem>> -> memref<1x128x128xf32, #tpu.memory_space<vmem>>
    %dma_wait3A_210 = tpu.memref_squeeze %dma_wait3A_209 : memref<1x128x128xf32, #tpu.memory_space<vmem>> -> memref<128x128xf32, #tpu.memory_space<vmem>>
    %dma_wait3A_211 = arith.constant 0 : i32
    %dma_wait3A_212 = arith.constant 0 : i32
    %dma_wait3A_213 = tpu.memref_slice %arg2[%dma_wait3A_211, %dma_wait3A_212] : memref<10000x128xf32, #tpu.memory_space<hbm>> -> memref<128x128xf32, #tpu.memory_space<hbm>>
    tpu.wait_dma2 semaphore(%arg12 : memref<!tpu.dma_semaphore, #tpu.memory_space<semaphore_mem>>) src(%dma_wait3A_213 : memref<128x128xf32, #tpu.memory_space<hbm>>) dst(%dma_wait3A_210 : memref<128x128xf32, #tpu.memory_space<vmem>>)
    %scan3A_214 = arith.constant 0 : i32
    %scan3A_215 = arith.constant 0 : i32
    %scan3A_216 = arith.constant 64 : i32
    %scan3A_217 = arith.addi %scan3A_215, %scan3A_216 : i32
    %scan3A_218 = arith.constant 1 : i32
    scf.for %scan3A_832 = %scan3A_215 to %scan3A_217 step %scan3A_218  : i32 {
      %mul3A_833 = arith.constant 2 : i32
      %mul3A_834 = arith.muli %mul3A_833, %scan3A_832 : i32
      %add3A_835 = arith.constant 0 : i32
      %add3A_836 = arith.addi %mul3A_834, %add3A_835 : i32
      %get3A = arith.constant 4 : i32
      %get3A_837 = arith.index_cast %get3A : i32 to index
      %get3A_838 = arith.index_cast %add3A_836 : i32 to index
      %get3A_839 = arith.constant 0 : index
      %get3A_840 = tpu.vector_load %arg7[%get3A_837, %get3A_838, %get3A_839] {strides = array<i32>} : memref<5x128x128xf32, #tpu.memory_space<vmem>>, vector<1x1x16xf32>,
      %get3A_841 = vector.shape_cast %get3A_840 : vector<1x1x16xf32> to vector<16xf32>
      %broadcast_in_dim3A = vector.shape_cast %xor3A_6 : vector<16xi32> to vector<16x1xi32>
      %gather3A = vector.shape_cast %broadcast_in_dim3A : vector<16x1xi32> to vector<16xi32>
      %gather3A_842 = tpu.dynamic_gather %get3A_841[%gather3A] in [0] : vector<16xf32>, vector<16xi32> -> vector<16xf32>
      %mul3A_843 = arith.constant 2 : i32
      %mul3A_844 = arith.muli %mul3A_843, %scan3A_832 : i32
      %add3A_845 = arith.constant 0 : i32
      %add3A_846 = arith.addi %mul3A_844, %add3A_845 : i32
      %swap3A = arith.constant 4 : i32
      %swap3A_847 = arith.index_cast %swap3A : i32 to index
      %swap3A_848 = arith.index_cast %add3A_846 : i32 to index
      %swap3A_849 = arith.constant 0 : index
      %swap3A_850 = tpu.vector_load %arg7[%swap3A_847, %swap3A_848, %swap3A_849] {strides = array<i32>} : memref<5x128x128xf32, #tpu.memory_space<vmem>>, vector<1x1x16xf32>,
      %swap3A_851 = vector.shape_cast %swap3A_850 : vector<1x1x16xf32> to vector<16xf32>
      %swap3A_852 = vector.shape_cast %gather3A_842 : vector<16xf32> to vector<1x1x16xf32>
      tpu.vector_store %arg7[%swap3A_847, %swap3A_848, %swap3A_849], %swap3A_852 {strides = array<i32>} : memref<5x128x128xf32, #tpu.memory_space<vmem>>, vector<1x1x16xf32>,
      %mul3A_853 = arith.constant 2 : i32
      %mul3A_854 = arith.muli %mul3A_853, %scan3A_832 : i32
      %add3A_855 = arith.constant 0 : i32
      %add3A_856 = arith.addi %mul3A_854, %add3A_855 : i32
      %get3A_857 = arith.constant 4 : i32
      %get3A_858 = arith.index_cast %get3A_857 : i32 to index
      %get3A_859 = arith.index_cast %add3A_856 : i32 to index
      %get3A_860 = arith.constant 16 : index
      %get3A_861 = tpu.vector_load %arg7[%get3A_858, %get3A_859, %get3A_860] {strides = array<i32>} : memref<5x128x128xf32, #tpu.memory_space<vmem>>, vector<1x1x16xf32>,
      %get3A_862 = vector.shape_cast %get3A_861 : vector<1x1x16xf32> to vector<16xf32>
      %broadcast_in_dim3A_863 = vector.shape_cast %xor3A_6 : vector<16xi32> to vector<16x1xi32>
      %gather3A_864 = vector.shape_cast %broadcast_in_dim3A_863 : vector<16x1xi32> to vector<16xi32>
      %gather3A_865 = tpu.dynamic_gather %get3A_862[%gather3A_864] in [0] : vector<16xf32>, vector<16xi32> -> vector<16xf32>
      %mul3A_866 = arith.constant 2 : i32
      %mul3A_867 = arith.muli %mul3A_866, %scan3A_832 : i32
      %add3A_868 = arith.constant 0 : i32
      %add3A_869 = arith.addi %mul3A_867, %add3A_868 : i32
      %swap3A_870 = arith.constant 4 : i32
      %swap3A_871 = arith.index_cast %swap3A_870 : i32 to index
      %swap3A_872 = arith.index_cast %add3A_869 : i32 to index
      %swap3A_873 = arith.constant 16 : index
      %swap3A_874 = tpu.vector_load %arg7[%swap3A_871, %swap3A_872, %swap3A_873] {strides = array<i32>} : memref<5x128x128xf32, #tpu.memory_space<vmem>>, vector<1x1x16xf32>,
      %swap3A_875 = vector.shape_cast %swap3A_874 : vector<1x1x16xf32> to vector<16xf32>
      %swap3A_876 = vector.shape_cast %gather3A_865 : vector<16xf32> to vector<1x1x16xf32>
      tpu.vector_store %arg7[%swap3A_871, %swap3A_872, %swap3A_873], %swap3A_876 {strides = array<i32>} : memref<5x128x128xf32, #tpu.memory_space<vmem>>, vector<1x1x16xf32>,
      %mul3A_877 = arith.constant 2 : i32
      %mul3A_878 = arith.muli %mul3A_877, %scan3A_832 : i32
      %add3A_879 = arith.constant 0 : i32
      %add3A_880 = arith.addi %mul3A_878, %add3A_879 : i32
      %get3A_881 = arith.constant 4 : i32
      %get3A_882 = arith.index_cast %get3A_881 : i32 to index
      %get3A_883 = arith.index_cast %add3A_880 : i32 to index
      %get3A_884 = arith.constant 32 : index
      %get3A_885 = tpu.vector_load %arg7[%get3A_882, %get3A_883, %get3A_884] {strides = array<i32>} : memref<5x128x128xf32, #tpu.memory_space<vmem>>, vector<1x1x16xf32>,
      %get3A_886 = vector.shape_cast %get3A_885 : vector<1x1x16xf32> to vector<16xf32>
      %broadcast_in_dim3A_887 = vector.shape_cast %xor3A_6 : vector<16xi32> to vector<16x1xi32>
      %gather3A_888 = vector.shape_cast %broadcast_in_dim3A_887 : vector<16x1xi32> to vector<16xi32>
      %gather3A_889 = tpu.dynamic_gather %get3A_886[%gather3A_888] in [0] : vector<16xf32>, vector<16xi32> -> vector<16xf32>
      %mul3A_890 = arith.constant 2 : i32
      %mul3A_891 = arith.muli %mul3A_890, %scan3A_832 : i32
      %add3A_892 = arith.constant 0 : i32
      %add3A_893 = arith.addi %mul3A_891, %add3A_892 : i32
      %swap3A_894 = arith.constant 4 : i32
      %swap3A_895 = arith.index_cast %swap3A_894 : i32 to index
      %swap3A_896 = arith.index_cast %add3A_893 : i32 to index
      %swap3A_897 = arith.constant 32 : index
      %swap3A_898 = tpu.vector_load %arg7[%swap3A_895, %swap3A_896, %swap3A_897] {strides = array<i32>} : memref<5x128x128xf32, #tpu.memory_space<vmem>>, vector<1x1x16xf32>,
      %swap3A_899 = vector.shape_cast %swap3A_898 : vector<1x1x16xf32> to vector<16xf32>
      %swap3A_900 = vector.shape_cast %gather3A_889 : vector<16xf32> to vector<1x1x16xf32>
      tpu.vector_store %arg7[%swap3A_895, %swap3A_896, %swap3A_897], %swap3A_900 {strides = array<i32>} : memref<5x128x128xf32, #tpu.memory_space<vmem>>, vector<1x1x16xf32>,
      %mul3A_901 = arith.constant 2 : i32
      %mul3A_902 = arith.muli %mul3A_901, %scan3A_832 : i32
      %add3A_903 = arith.constant 0 : i32
      %add3A_904 = arith.addi %mul3A_902, %add3A_903 : i32
      %get3A_905 = arith.constant 4 : i32
      %get3A_906 = arith.index_cast %get3A_905 : i32 to index
      %get3A_907 = arith.index_cast %add3A_904 : i32 to index
      %get3A_908 = arith.constant 48 : index
      %get3A_909 = tpu.vector_load %arg7[%get3A_906, %get3A_907, %get3A_908] {strides = array<i32>} : memref<5x128x128xf32, #tpu.memory_space<vmem>>, vector<1x1x16xf32>,
      %get3A_910 = vector.shape_cast %get3A_909 : vector<1x1x16xf32> to vector<16xf32>
      %broadcast_in_dim3A_911 = vector.shape_cast %xor3A_6 : vector<16xi32> to vector<16x1xi32>
      %gather3A_912 = vector.shape_cast %broadcast_in_dim3A_911 : vector<16x1xi32> to vector<16xi32>
      %gather3A_913 = tpu.dynamic_gather %get3A_910[%gather3A_912] in [0] : vector<16xf32>, vector<16xi32> -> vector<16xf32>
      %mul3A_914 = arith.constant 2 : i32
      %mul3A_915 = arith.muli %mul3A_914, %scan3A_832 : i32
      %add3A_916 = arith.constant 0 : i32
      %add3A_917 = arith.addi %mul3A_915, %add3A_916 : i32
      %swap3A_918 = arith.constant 4 : i32
      %swap3A_919 = arith.index_cast %swap3A_918 : i32 to index
      %swap3A_920 = arith.index_cast %add3A_917 : i32 to index
      %swap3A_921 = arith.constant 48 : index
      %swap3A_922 = tpu.vector_load %arg7[%swap3A_919, %swap3A_920, %swap3A_921] {strides = array<i32>} : memref<5x128x128xf32, #tpu.memory_space<vmem>>, vector<1x1x16xf32>,
      %swap3A_923 = vector.shape_cast %swap3A_922 : vector<1x1x16xf32> to vector<16xf32>
      %swap3A_924 = vector.shape_cast %gather3A_913 : vector<16xf32> to vector<1x1x16xf32>
      tpu.vector_store %arg7[%swap3A_919, %swap3A_920, %swap3A_921], %swap3A_924 {strides = array<i32>} : memref<5x128x128xf32, #tpu.memory_space<vmem>>, vector<1x1x16xf32>,
      %mul3A_925 = arith.constant 2 : i32
      %mul3A_926 = arith.muli %mul3A_925, %scan3A_832 : i32
      %add3A_927 = arith.constant 0 : i32
      %add3A_928 = arith.addi %mul3A_926, %add3A_927 : i32
      %get3A_929 = arith.constant 4 : i32
      %get3A_930 = arith.index_cast %get3A_929 : i32 to index
      %get3A_931 = arith.index_cast %add3A_928 : i32 to index
      %get3A_932 = arith.constant 64 : index
      %get3A_933 = tpu.vector_load %arg7[%get3A_930, %get3A_931, %get3A_932] {strides = array<i32>} : memref<5x128x128xf32, #tpu.memory_space<vmem>>, vector<1x1x16xf32>,
      %get3A_934 = vector.shape_cast %get3A_933 : vector<1x1x16xf32> to vector<16xf32>
      %broadcast_in_dim3A_935 = vector.shape_cast %xor3A_6 : vector<16xi32> to vector<16x1xi32>
      %gather3A_936 = vector.shape_cast %broadcast_in_dim3A_935 : vector<16x1xi32> to vector<16xi32>
      %gather3A_937 = tpu.dynamic_gather %get3A_934[%gather3A_936] in [0] : vector<16xf32>, vector<16xi32> -> vector<16xf32>
      %mul3A_938 = arith.constant 2 : i32
      %mul3A_939 = arith.muli %mul3A_938, %scan3A_832 : i32
      %add3A_940 = arith.constant 0 : i32
      %add3A_941 = arith.addi %mul3A_939, %add3A_940 : i32
      %swap3A_942 = arith.constant 4 : i32
      %swap3A_943 = arith.index_cast %swap3A_942 : i32 to index
      %swap3A_944 = arith.index_cast %add3A_941 : i32 to index
      %swap3A_945 = arith.constant 64 : index
      %swap3A_946 = tpu.vector_load %arg7[%swap3A_943, %swap3A_944, %swap3A_945] {strides = array<i32>} : memref<5x128x128xf32, #tpu.memory_space<vmem>>, vector<1x1x16xf32>,
      %swap3A_947 = vector.shape_cast %swap3A_946 : vector<1x1x16xf32> to vector<16xf32>
      %swap3A_948 = vector.shape_cast %gather3A_937 : vector<16xf32> to vector<1x1x16xf32>
      tpu.vector_store %arg7[%swap3A_943, %swap3A_944, %swap3A_945], %swap3A_948 {strides = array<i32>} : memref<5x128x128xf32, #tpu.memory_space<vmem>>, vector<1x1x16xf32>,
      %mul3A_949 = arith.constant 2 : i32
      %mul3A_950 = arith.muli %mul3A_949, %scan3A_832 : i32
      %add3A_951 = arith.constant 0 : i32
      %add3A_952 = arith.addi %mul3A_950, %add3A_951 : i32
      %get3A_953 = arith.constant 4 : i32
      %get3A_954 = arith.index_cast %get3A_953 : i32 to index
      %get3A_955 = arith.index_cast %add3A_952 : i32 to index
      %get3A_956 = arith.constant 80 : index
      %get3A_957 = tpu.vector_load %arg7[%get3A_954, %get3A_955, %get3A_956] {strides = array<i32>} : memref<5x128x128xf32, #tpu.memory_space<vmem>>, vector<1x1x16xf32>,
      %get3A_958 = vector.shape_cast %get3A_957 : vector<1x1x16xf32> to vector<16xf32>
      %broadcast_in_dim3A_959 = vector.shape_cast %xor3A_6 : vector<16xi32> to vector<16x1xi32>
      %gather3A_960 = vector.shape_cast %broadcast_in_dim3A_959 : vector<16x1xi32> to vector<16xi32>
      %gather3A_961 = tpu.dynamic_gather %get3A_958[%gather3A_960] in [0] : vector<16xf32>, vector<16xi32> -> vector<16xf32>
      %mul3A_962 = arith.constant 2 : i32
      %mul3A_963 = arith.muli %mul3A_962, %scan3A_832 : i32
      %add3A_964 = arith.constant 0 : i32
      %add3A_965 = arith.addi %mul3A_963, %add3A_964 : i32
      %swap3A_966 = arith.constant 4 : i32
      %swap3A_967 = arith.index_cast %swap3A_966 : i32 to index
      %swap3A_968 = arith.index_cast %add3A_965 : i32 to index
      %swap3A_969 = arith.constant 80 : index
      %swap3A_970 = tpu.vector_load %arg7[%swap3A_967, %swap3A_968, %swap3A_969] {strides = array<i32>} : memref<5x128x128xf32, #tpu.memory_space<vmem>>, vector<1x1x16xf32>,
      %swap3A_971 = vector.shape_cast %swap3A_970 : vector<1x1x16xf32> to vector<16xf32>
      %swap3A_972 = vector.shape_cast %gather3A_961 : vector<16xf32> to vector<1x1x16xf32>
      tpu.vector_store %arg7[%swap3A_967, %swap3A_968, %swap3A_969], %swap3A_972 {strides = array<i32>} : memref<5x128x128xf32, #tpu.memory_space<vmem>>, vector<1x1x16xf32>,
      %mul3A_973 = arith.constant 2 : i32
      %mul3A_974 = arith.muli %mul3A_973, %scan3A_832 : i32
      %add3A_975 = arith.constant 0 : i32
      %add3A_976 = arith.addi %mul3A_974, %add3A_975 : i32
      %get3A_977 = arith.constant 4 : i32
      %get3A_978 = arith.index_cast %get3A_977 : i32 to index
      %get3A_979 = arith.index_cast %add3A_976 : i32 to index
      %get3A_980 = arith.constant 96 : index
      %get3A_981 = tpu.vector_load %arg7[%get3A_978, %get3A_979, %get3A_980] {strides = array<i32>} : memref<5x128x128xf32, #tpu.memory_space<vmem>>, vector<1x1x16xf32>,
      %get3A_982 = vector.shape_cast %get3A_981 : vector<1x1x16xf32> to vector<16xf32>
      %broadcast_in_dim3A_983 = vector.shape_cast %xor3A_6 : vector<16xi32> to vector<16x1xi32>
      %gather3A_984 = vector.shape_cast %broadcast_in_dim3A_983 : vector<16x1xi32> to vector<16xi32>
      %gather3A_985 = tpu.dynamic_gather %get3A_982[%gather3A_984] in [0] : vector<16xf32>, vector<16xi32> -> vector<16xf32>
      %mul3A_986 = arith.constant 2 : i32
      %mul3A_987 = arith.muli %mul3A_986, %scan3A_832 : i32
      %add3A_988 = arith.constant 0 : i32
      %add3A_989 = arith.addi %mul3A_987, %add3A_988 : i32
      %swap3A_990 = arith.constant 4 : i32
      %swap3A_991 = arith.index_cast %swap3A_990 : i32 to index
      %swap3A_992 = arith.index_cast %add3A_989 : i32 to index
      %swap3A_993 = arith.constant 96 : index
      %swap3A_994 = tpu.vector_load %arg7[%swap3A_991, %swap3A_992, %swap3A_993] {strides = array<i32>} : memref<5x128x128xf32, #tpu.memory_space<vmem>>, vector<1x1x16xf32>,
      %swap3A_995 = vector.shape_cast %swap3A_994 : vector<1x1x16xf32> to vector<16xf32>
      %swap3A_996 = vector.shape_cast %gather3A_985 : vector<16xf32> to vector<1x1x16xf32>
      tpu.vector_store %arg7[%swap3A_991, %swap3A_992, %swap3A_993], %swap3A_996 {strides = array<i32>} : memref<5x128x128xf32, #tpu.memory_space<vmem>>, vector<1x1x16xf32>,
      %mul3A_997 = arith.constant 2 : i32
      %mul3A_998 = arith.muli %mul3A_997, %scan3A_832 : i32
      %add3A_999 = arith.constant 0 : i32
      %add3A_1000 = arith.addi %mul3A_998, %add3A_999 : i32
      %get3A_1001 = arith.constant 4 : i32
      %get3A_1002 = arith.index_cast %get3A_1001 : i32 to index
      %get3A_1003 = arith.index_cast %add3A_1000 : i32 to index
      %get3A_1004 = arith.constant 112 : index
      %get3A_1005 = tpu.vector_load %arg7[%get3A_1002, %get3A_1003, %get3A_1004] {strides = array<i32>} : memref<5x128x128xf32, #tpu.memory_space<vmem>>, vector<1x1x16xf32>,
      %get3A_1006 = vector.shape_cast %get3A_1005 : vector<1x1x16xf32> to vector<16xf32>
      %broadcast_in_dim3A_1007 = vector.shape_cast %xor3A_6 : vector<16xi32> to vector<16x1xi32>
      %gather3A_1008 = vector.shape_cast %broadcast_in_dim3A_1007 : vector<16x1xi32> to vector<16xi32>
      %gather3A_1009 = tpu.dynamic_gather %get3A_1006[%gather3A_1008] in [0] : vector<16xf32>, vector<16xi32> -> vector<16xf32>
      %mul3A_1010 = arith.constant 2 : i32
      %mul3A_1011 = arith.muli %mul3A_1010, %scan3A_832 : i32
      %add3A_1012 = arith.constant 0 : i32
      %add3A_1013 = arith.addi %mul3A_1011, %add3A_1012 : i32
      %swap3A_1014 = arith.constant 4 : i32
      %swap3A_1015 = arith.index_cast %swap3A_1014 : i32 to index
      %swap3A_1016 = arith.index_cast %add3A_1013 : i32 to index
      %swap3A_1017 = arith.constant 112 : index
      %swap3A_1018 = tpu.vector_load %arg7[%swap3A_1015, %swap3A_1016, %swap3A_1017] {strides = array<i32>} : memref<5x128x128xf32, #tpu.memory_space<vmem>>, vector<1x1x16xf32>,
      %swap3A_1019 = vector.shape_cast %swap3A_1018 : vector<1x1x16xf32> to vector<16xf32>
      %swap3A_1020 = vector.shape_cast %gather3A_1009 : vector<16xf32> to vector<1x1x16xf32>
      tpu.vector_store %arg7[%swap3A_1015, %swap3A_1016, %swap3A_1017], %swap3A_1020 {strides = array<i32>} : memref<5x128x128xf32, #tpu.memory_space<vmem>>, vector<1x1x16xf32>,
      %mul3A_1021 = arith.constant 2 : i32
      %mul3A_1022 = arith.muli %mul3A_1021, %scan3A_832 : i32
      %add3A_1023 = arith.constant 1 : i32
      %add3A_1024 = arith.addi %mul3A_1022, %add3A_1023 : i32
      %get3A_1025 = arith.constant 4 : i32
      %get3A_1026 = arith.index_cast %get3A_1025 : i32 to index
      %get3A_1027 = arith.index_cast %add3A_1024 : i32 to index
      %get3A_1028 = arith.constant 0 : index
      %get3A_1029 = tpu.vector_load %arg7[%get3A_1026, %get3A_1027, %get3A_1028] {strides = array<i32>} : memref<5x128x128xf32, #tpu.memory_space<vmem>>, vector<1x1x16xf32>,
      %get3A_1030 = vector.shape_cast %get3A_1029 : vector<1x1x16xf32> to vector<16xf32>
      %broadcast_in_dim3A_1031 = vector.shape_cast %xor3A_6 : vector<16xi32> to vector<16x1xi32>
      %gather3A_1032 = vector.shape_cast %broadcast_in_dim3A_1031 : vector<16x1xi32> to vector<16xi32>
      %gather3A_1033 = tpu.dynamic_gather %get3A_1030[%gather3A_1032] in [0] : vector<16xf32>, vector<16xi32> -> vector<16xf32>
      %mul3A_1034 = arith.constant 2 : i32
      %mul3A_1035 = arith.muli %mul3A_1034, %scan3A_832 : i32
      %add3A_1036 = arith.constant 1 : i32
      %add3A_1037 = arith.addi %mul3A_1035, %add3A_1036 : i32
      %swap3A_1038 = arith.constant 4 : i32
      %swap3A_1039 = arith.index_cast %swap3A_1038 : i32 to index
      %swap3A_1040 = arith.index_cast %add3A_1037 : i32 to index
      %swap3A_1041 = arith.constant 0 : index
      %swap3A_1042 = tpu.vector_load %arg7[%swap3A_1039, %swap3A_1040, %swap3A_1041] {strides = array<i32>} : memref<5x128x128xf32, #tpu.memory_space<vmem>>, vector<1x1x16xf32>,
      %swap3A_1043 = vector.shape_cast %swap3A_1042 : vector<1x1x16xf32> to vector<16xf32>
      %swap3A_1044 = vector.shape_cast %gather3A_1033 : vector<16xf32> to vector<1x1x16xf32>
      tpu.vector_store %arg7[%swap3A_1039, %swap3A_1040, %swap3A_1041], %swap3A_1044 {strides = array<i32>} : memref<5x128x128xf32, #tpu.memory_space<vmem>>, vector<1x1x16xf32>,
      %mul3A_1045 = arith.constant 2 : i32
      %mul3A_1046 = arith.muli %mul3A_1045, %scan3A_832 : i32
      %add3A_1047 = arith.constant 1 : i32
      %add3A_1048 = arith.addi %mul3A_1046, %add3A_1047 : i32
      %get3A_1049 = arith.constant 4 : i32
      %get3A_1050 = arith.index_cast %get3A_1049 : i32 to index
      %get3A_1051 = arith.index_cast %add3A_1048 : i32 to index
      %get3A_1052 = arith.constant 16 : index
      %get3A_1053 = tpu.vector_load %arg7[%get3A_1050, %get3A_1051, %get3A_1052] {strides = array<i32>} : memref<5x128x128xf32, #tpu.memory_space<vmem>>, vector<1x1x16xf32>,
      %get3A_1054 = vector.shape_cast %get3A_1053 : vector<1x1x16xf32> to vector<16xf32>
      %broadcast_in_dim3A_1055 = vector.shape_cast %xor3A_6 : vector<16xi32> to vector<16x1xi32>
      %gather3A_1056 = vector.shape_cast %broadcast_in_dim3A_1055 : vector<16x1xi32> to vector<16xi32>
      %gather3A_1057 = tpu.dynamic_gather %get3A_1054[%gather3A_1056] in [0] : vector<16xf32>, vector<16xi32> -> vector<16xf32>
      %mul3A_1058 = arith.constant 2 : i32
      %mul3A_1059 = arith.muli %mul3A_1058, %scan3A_832 : i32
      %add3A_1060 = arith.constant 1 : i32
      %add3A_1061 = arith.addi %mul3A_1059, %add3A_1060 : i32
      %swap3A_1062 = arith.constant 4 : i32
      %swap3A_1063 = arith.index_cast %swap3A_1062 : i32 to index
      %swap3A_1064 = arith.index_cast %add3A_1061 : i32 to index
      %swap3A_1065 = arith.constant 16 : index
      %swap3A_1066 = tpu.vector_load %arg7[%swap3A_1063, %swap3A_1064, %swap3A_1065] {strides = array<i32>} : memref<5x128x128xf32, #tpu.memory_space<vmem>>, vector<1x1x16xf32>,
      %swap3A_1067 = vector.shape_cast %swap3A_1066 : vector<1x1x16xf32> to vector<16xf32>
      %swap3A_1068 = vector.shape_cast %gather3A_1057 : vector<16xf32> to vector<1x1x16xf32>
      tpu.vector_store %arg7[%swap3A_1063, %swap3A_1064, %swap3A_1065], %swap3A_1068 {strides = array<i32>} : memref<5x128x128xf32, #tpu.memory_space<vmem>>, vector<1x1x16xf32>,
      %mul3A_1069 = arith.constant 2 : i32
      %mul3A_1070 = arith.muli %mul3A_1069, %scan3A_832 : i32
      %add3A_1071 = arith.constant 1 : i32
      %add3A_1072 = arith.addi %mul3A_1070, %add3A_1071 : i32
      %get3A_1073 = arith.constant 4 : i32
      %get3A_1074 = arith.index_cast %get3A_1073 : i32 to index
      %get3A_1075 = arith.index_cast %add3A_1072 : i32 to index
      %get3A_1076 = arith.constant 32 : index
      %get3A_1077 = tpu.vector_load %arg7[%get3A_1074, %get3A_1075, %get3A_1076] {strides = array<i32>} : memref<5x128x128xf32, #tpu.memory_space<vmem>>, vector<1x1x16xf32>,
      %get3A_1078 = vector.shape_cast %get3A_1077 : vector<1x1x16xf32> to vector<16xf32>
      %broadcast_in_dim3A_1079 = vector.shape_cast %xor3A_6 : vector<16xi32> to vector<16x1xi32>
      %gather3A_1080 = vector.shape_cast %broadcast_in_dim3A_1079 : vector<16x1xi32> to vector<16xi32>
      %gather3A_1081 = tpu.dynamic_gather %get3A_1078[%gather3A_1080] in [0] : vector<16xf32>, vector<16xi32> -> vector<16xf32>
      %mul3A_1082 = arith.constant 2 : i32
      %mul3A_1083 = arith.muli %mul3A_1082, %scan3A_832 : i32
      %add3A_1084 = arith.constant 1 : i32
      %add3A_1085 = arith.addi %mul3A_1083, %add3A_1084 : i32
      %swap3A_1086 = arith.constant 4 : i32
      %swap3A_1087 = arith.index_cast %swap3A_1086 : i32 to index
      %swap3A_1088 = arith.index_cast %add3A_1085 : i32 to index
      %swap3A_1089 = arith.constant 32 : index
      %swap3A_1090 = tpu.vector_load %arg7[%swap3A_1087, %swap3A_1088, %swap3A_1089] {strides = array<i32>} : memref<5x128x128xf32, #tpu.memory_space<vmem>>, vector<1x1x16xf32>,
      %swap3A_1091 = vector.shape_cast %swap3A_1090 : vector<1x1x16xf32> to vector<16xf32>
      %swap3A_1092 = vector.shape_cast %gather3A_1081 : vector<16xf32> to vector<1x1x16xf32>
      tpu.vector_store %arg7[%swap3A_1087, %swap3A_1088, %swap3A_1089], %swap3A_1092 {strides = array<i32>} : memref<5x128x128xf32, #tpu.memory_space<vmem>>, vector<1x1x16xf32>,
      %mul3A_1093 = arith.constant 2 : i32
      %mul3A_1094 = arith.muli %mul3A_1093, %scan3A_832 : i32
      %add3A_1095 = arith.constant 1 : i32
      %add3A_1096 = arith.addi %mul3A_1094, %add3A_1095 : i32
      %get3A_1097 = arith.constant 4 : i32
      %get3A_1098 = arith.index_cast %get3A_1097 : i32 to index
      %get3A_1099 = arith.index_cast %add3A_1096 : i32 to index
      %get3A_1100 = arith.constant 48 : index
      %get3A_1101 = tpu.vector_load %arg7[%get3A_1098, %get3A_1099, %get3A_1100] {strides = array<i32>} : memref<5x128x128xf32, #tpu.memory_space<vmem>>, vector<1x1x16xf32>,
      %get3A_1102 = vector.shape_cast %get3A_1101 : vector<1x1x16xf32> to vector<16xf32>
      %broadcast_in_dim3A_1103 = vector.shape_cast %xor3A_6 : vector<16xi32> to vector<16x1xi32>
      %gather3A_1104 = vector.shape_cast %broadcast_in_dim3A_1103 : vector<16x1xi32> to vector<16xi32>
      %gather3A_1105 = tpu.dynamic_gather %get3A_1102[%gather3A_1104] in [0] : vector<16xf32>, vector<16xi32> -> vector<16xf32>
      %mul3A_1106 = arith.constant 2 : i32
      %mul3A_1107 = arith.muli %mul3A_1106, %scan3A_832 : i32
      %add3A_1108 = arith.constant 1 : i32
      %add3A_1109 = arith.addi %mul3A_1107, %add3A_1108 : i32
      %swap3A_1110 = arith.constant 4 : i32
      %swap3A_1111 = arith.index_cast %swap3A_1110 : i32 to index
      %swap3A_1112 = arith.index_cast %add3A_1109 : i32 to index
      %swap3A_1113 = arith.constant 48 : index
      %swap3A_1114 = tpu.vector_load %arg7[%swap3A_1111, %swap3A_1112, %swap3A_1113] {strides = array<i32>} : memref<5x128x128xf32, #tpu.memory_space<vmem>>, vector<1x1x16xf32>,
      %swap3A_1115 = vector.shape_cast %swap3A_1114 : vector<1x1x16xf32> to vector<16xf32>
      %swap3A_1116 = vector.shape_cast %gather3A_1105 : vector<16xf32> to vector<1x1x16xf32>
      tpu.vector_store %arg7[%swap3A_1111, %swap3A_1112, %swap3A_1113], %swap3A_1116 {strides = array<i32>} : memref<5x128x128xf32, #tpu.memory_space<vmem>>, vector<1x1x16xf32>,
      %mul3A_1117 = arith.constant 2 : i32
      %mul3A_1118 = arith.muli %mul3A_1117, %scan3A_832 : i32
      %add3A_1119 = arith.constant 1 : i32
      %add3A_1120 = arith.addi %mul3A_1118, %add3A_1119 : i32
      %get3A_1121 = arith.constant 4 : i32
      %get3A_1122 = arith.index_cast %get3A_1121 : i32 to index
      %get3A_1123 = arith.index_cast %add3A_1120 : i32 to index
      %get3A_1124 = arith.constant 64 : index
      %get3A_1125 = tpu.vector_load %arg7[%get3A_1122, %get3A_1123, %get3A_1124] {strides = array<i32>} : memref<5x128x128xf32, #tpu.memory_space<vmem>>, vector<1x1x16xf32>,
      %get3A_1126 = vector.shape_cast %get3A_1125 : vector<1x1x16xf32> to vector<16xf32>
      %broadcast_in_dim3A_1127 = vector.shape_cast %xor3A_6 : vector<16xi32> to vector<16x1xi32>
      %gather3A_1128 = vector.shape_cast %broadcast_in_dim3A_1127 : vector<16x1xi32> to vector<16xi32>
      %gather3A_1129 = tpu.dynamic_gather %get3A_1126[%gather3A_1128] in [0] : vector<16xf32>, vector<16xi32> -> vector<16xf32>
      %mul3A_1130 = arith.constant 2 : i32
      %mul3A_1131 = arith.muli %mul3A_1130, %scan3A_832 : i32
      %add3A_1132 = arith.constant 1 : i32
      %add3A_1133 = arith.addi %mul3A_1131, %add3A_1132 : i32
      %swap3A_1134 = arith.constant 4 : i32
      %swap3A_1135 = arith.index_cast %swap3A_1134 : i32 to index
      %swap3A_1136 = arith.index_cast %add3A_1133 : i32 to index
      %swap3A_1137 = arith.constant 64 : index
      %swap3A_1138 = tpu.vector_load %arg7[%swap3A_1135, %swap3A_1136, %swap3A_1137] {strides = array<i32>} : memref<5x128x128xf32, #tpu.memory_space<vmem>>, vector<1x1x16xf32>,
      %swap3A_1139 = vector.shape_cast %swap3A_1138 : vector<1x1x16xf32> to vector<16xf32>
      %swap3A_1140 = vector.shape_cast %gather3A_1129 : vector<16xf32> to vector<1x1x16xf32>
      tpu.vector_store %arg7[%swap3A_1135, %swap3A_1136, %swap3A_1137], %swap3A_1140 {strides = array<i32>} : memref<5x128x128xf32, #tpu.memory_space<vmem>>, vector<1x1x16xf32>,
      %mul3A_1141 = arith.constant 2 : i32
      %mul3A_1142 = arith.muli %mul3A_1141, %scan3A_832 : i32
      %add3A_1143 = arith.constant 1 : i32
      %add3A_1144 = arith.addi %mul3A_1142, %add3A_1143 : i32
      %get3A_1145 = arith.constant 4 : i32
      %get3A_1146 = arith.index_cast %get3A_1145 : i32 to index
      %get3A_1147 = arith.index_cast %add3A_1144 : i32 to index
      %get3A_1148 = arith.constant 80 : index
      %get3A_1149 = tpu.vector_load %arg7[%get3A_1146, %get3A_1147, %get3A_1148] {strides = array<i32>} : memref<5x128x128xf32, #tpu.memory_space<vmem>>, vector<1x1x16xf32>,
      %get3A_1150 = vector.shape_cast %get3A_1149 : vector<1x1x16xf32> to vector<16xf32>
      %broadcast_in_dim3A_1151 = vector.shape_cast %xor3A_6 : vector<16xi32> to vector<16x1xi32>
      %gather3A_1152 = vector.shape_cast %broadcast_in_dim3A_1151 : vector<16x1xi32> to vector<16xi32>
      %gather3A_1153 = tpu.dynamic_gather %get3A_1150[%gather3A_1152] in [0] : vector<16xf32>, vector<16xi32> -> vector<16xf32>
      %mul3A_1154 = arith.constant 2 : i32
      %mul3A_1155 = arith.muli %mul3A_1154, %scan3A_832 : i32
      %add3A_1156 = arith.constant 1 : i32
      %add3A_1157 = arith.addi %mul3A_1155, %add3A_1156 : i32
      %swap3A_1158 = arith.constant 4 : i32
      %swap3A_1159 = arith.index_cast %swap3A_1158 : i32 to index
      %swap3A_1160 = arith.index_cast %add3A_1157 : i32 to index
      %swap3A_1161 = arith.constant 80 : index
      %swap3A_1162 = tpu.vector_load %arg7[%swap3A_1159, %swap3A_1160, %swap3A_1161] {strides = array<i32>} : memref<5x128x128xf32, #tpu.memory_space<vmem>>, vector<1x1x16xf32>,
      %swap3A_1163 = vector.shape_cast %swap3A_1162 : vector<1x1x16xf32> to vector<16xf32>
      %swap3A_1164 = vector.shape_cast %gather3A_1153 : vector<16xf32> to vector<1x1x16xf32>
      tpu.vector_store %arg7[%swap3A_1159, %swap3A_1160, %swap3A_1161], %swap3A_1164 {strides = array<i32>} : memref<5x128x128xf32, #tpu.memory_space<vmem>>, vector<1x1x16xf32>,
      %mul3A_1165 = arith.constant 2 : i32
      %mul3A_1166 = arith.muli %mul3A_1165, %scan3A_832 : i32
      %add3A_1167 = arith.constant 1 : i32
      %add3A_1168 = arith.addi %mul3A_1166, %add3A_1167 : i32
      %get3A_1169 = arith.constant 4 : i32
      %get3A_1170 = arith.index_cast %get3A_1169 : i32 to index
      %get3A_1171 = arith.index_cast %add3A_1168 : i32 to index
      %get3A_1172 = arith.constant 96 : index
      %get3A_1173 = tpu.vector_load %arg7[%get3A_1170, %get3A_1171, %get3A_1172] {strides = array<i32>} : memref<5x128x128xf32, #tpu.memory_space<vmem>>, vector<1x1x16xf32>,
      %get3A_1174 = vector.shape_cast %get3A_1173 : vector<1x1x16xf32> to vector<16xf32>
      %broadcast_in_dim3A_1175 = vector.shape_cast %xor3A_6 : vector<16xi32> to vector<16x1xi32>
      %gather3A_1176 = vector.shape_cast %broadcast_in_dim3A_1175 : vector<16x1xi32> to vector<16xi32>
      %gather3A_1177 = tpu.dynamic_gather %get3A_1174[%gather3A_1176] in [0] : vector<16xf32>, vector<16xi32> -> vector<16xf32>
      %mul3A_1178 = arith.constant 2 : i32
      %mul3A_1179 = arith.muli %mul3A_1178, %scan3A_832 : i32
      %add3A_1180 = arith.constant 1 : i32
      %add3A_1181 = arith.addi %mul3A_1179, %add3A_1180 : i32
      %swap3A_1182 = arith.constant 4 : i32
      %swap3A_1183 = arith.index_cast %swap3A_1182 : i32 to index
      %swap3A_1184 = arith.index_cast %add3A_1181 : i32 to index
      %swap3A_1185 = arith.constant 96 : index
      %swap3A_1186 = tpu.vector_load %arg7[%swap3A_1183, %swap3A_1184, %swap3A_1185] {strides = array<i32>} : memref<5x128x128xf32, #tpu.memory_space<vmem>>, vector<1x1x16xf32>,
      %swap3A_1187 = vector.shape_cast %swap3A_1186 : vector<1x1x16xf32> to vector<16xf32>
      %swap3A_1188 = vector.shape_cast %gather3A_1177 : vector<16xf32> to vector<1x1x16xf32>
      tpu.vector_store %arg7[%swap3A_1183, %swap3A_1184, %swap3A_1185], %swap3A_1188 {strides = array<i32>} : memref<5x128x128xf32, #tpu.memory_space<vmem>>, vector<1x1x16xf32>,
      %mul3A_1189 = arith.constant 2 : i32
      %mul3A_1190 = arith.muli %mul3A_1189, %scan3A_832 : i32
      %add3A_1191 = arith.constant 1 : i32
      %add3A_1192 = arith.addi %mul3A_1190, %add3A_1191 : i32
      %get3A_1193 = arith.constant 4 : i32
      %get3A_1194 = arith.index_cast %get3A_1193 : i32 to index
      %get3A_1195 = arith.index_cast %add3A_1192 : i32 to index
      %get3A_1196 = arith.constant 112 : index
      %get3A_1197 = tpu.vector_load %arg7[%get3A_1194, %get3A_1195, %get3A_1196] {strides = array<i32>} : memref<5x128x128xf32, #tpu.memory_space<vmem>>, vector<1x1x16xf32>,
      %get3A_1198 = vector.shape_cast %get3A_1197 : vector<1x1x16xf32> to vector<16xf32>
      %broadcast_in_dim3A_1199 = vector.shape_cast %xor3A_6 : vector<16xi32> to vector<16x1xi32>
      %gather3A_1200 = vector.shape_cast %broadcast_in_dim3A_1199 : vector<16x1xi32> to vector<16xi32>
      %gather3A_1201 = tpu.dynamic_gather %get3A_1198[%gather3A_1200] in [0] : vector<16xf32>, vector<16xi32> -> vector<16xf32>
      %mul3A_1202 = arith.constant 2 : i32
      %mul3A_1203 = arith.muli %mul3A_1202, %scan3A_832 : i32
      %add3A_1204 = arith.constant 1 : i32
      %add3A_1205 = arith.addi %mul3A_1203, %add3A_1204 : i32
      %swap3A_1206 = arith.constant 4 : i32
      %swap3A_1207 = arith.index_cast %swap3A_1206 : i32 to index
      %swap3A_1208 = arith.index_cast %add3A_1205 : i32 to index
      %swap3A_1209 = arith.constant 112 : index
      %swap3A_1210 = tpu.vector_load %arg7[%swap3A_1207, %swap3A_1208, %swap3A_1209] {strides = array<i32>} : memref<5x128x128xf32, #tpu.memory_space<vmem>>, vector<1x1x16xf32>,
      %swap3A_1211 = vector.shape_cast %swap3A_1210 : vector<1x1x16xf32> to vector<16xf32>
      %swap3A_1212 = vector.shape_cast %gather3A_1201 : vector<16xf32> to vector<1x1x16xf32>
      tpu.vector_store %arg7[%swap3A_1207, %swap3A_1208, %swap3A_1209], %swap3A_1212 {strides = array<i32>} : memref<5x128x128xf32, #tpu.memory_space<vmem>>, vector<1x1x16xf32>,
    }
    %scan3A_219 = arith.constant 64 : i32
    %add3A_220 = arith.constant 512 : i32
    %add3A_221 = arith.addi %mul3A_4, %add3A_220 : i32
    %min3A_222 = arith.constant 9872 : i32
    %min3A_223 = arith.minsi %add3A_221, %min3A_222 : i32
    %multiple_of3A_224 = tpu.assume_multiple %min3A_223, 8 : i32
    %run_scoped3A_225 = arith.constant 4 : i32
    "tpu.region"() ({
      %run_scoped3A_832 = tpu.sem_alloc : memref<!tpu.dma_semaphore, #tpu.memory_space<semaphore_mem>>
      %dma_start3A_833 = arith.constant 0 : i32
      %dma_start3A_834 = arith.constant 0 : i32
      %dma_start3A_835 = tpu.memref_slice %arg7[%run_scoped3A_225, %dma_start3A_833, %dma_start3A_834] : memref<5x128x128xf32, #tpu.memory_space<vmem>> -> memref<1x128x128xf32, #tpu.memory_space<vmem>>
      %dma_start3A_836 = tpu.memref_squeeze %dma_start3A_835 : memref<1x128x128xf32, #tpu.memory_space<vmem>> -> memref<128x128xf32, #tpu.memory_space<vmem>>
      %dma_start3A_837 = arith.constant 0 : i32
      %dma_start3A_838 = arith.constant 0 : i32
      %dma_start3A_839 = tpu.memref_slice %arg5[%arg0, %dma_start3A_837, %dma_start3A_838] : memref<2x10240x128xf32, #tpu.memory_space<hbm>> -> memref<1x10240x128xf32, #tpu.memory_space<hbm>>
      %dma_start3A_840 = tpu.memref_squeeze %dma_start3A_839 : memref<1x10240x128xf32, #tpu.memory_space<hbm>> -> memref<10240x128xf32, #tpu.memory_space<hbm>>
      %dma_start3A_841 = arith.constant 0 : i32
      %dma_start3A_842 = tpu.memref_slice %dma_start3A_840[%multiple_of3A_224, %dma_start3A_841] : memref<10240x128xf32, #tpu.memory_space<hbm>> -> memref<128x128xf32, #tpu.memory_space<hbm>>
      %dma_start3A_843 = arith.constant 0 : i32
      %dma_start3A_844 = arith.constant 0 : i32
      %dma_start3A_845 = tpu.memref_slice %arg5[%arg0, %dma_start3A_843, %dma_start3A_844] : memref<2x10240x128xf32, #tpu.memory_space<hbm>> -> memref<1x10240x128xf32, #tpu.memory_space<hbm>>
      %dma_start3A_846 = tpu.memref_squeeze %dma_start3A_845 : memref<1x10240x128xf32, #tpu.memory_space<hbm>> -> memref<10240x128xf32, #tpu.memory_space<hbm>>
      %dma_start3A_847 = arith.constant 0 : i32
      %dma_start3A_848 = tpu.memref_slice %dma_start3A_846[%multiple_of3A_224, %dma_start3A_847] : memref<10240x128xf32, #tpu.memory_space<hbm>> -> memref<128x128xf32, #tpu.memory_space<hbm>>
      %dma_start3A_849 = arith.constant 0 : i32
      %dma_start3A_850 = arith.constant 0 : i32
      %dma_start3A_851 = tpu.memref_slice %arg7[%run_scoped3A_225, %dma_start3A_849, %dma_start3A_850] : memref<5x128x128xf32, #tpu.memory_space<vmem>> -> memref<1x128x128xf32, #tpu.memory_space<vmem>>
      %dma_start3A_852 = tpu.memref_squeeze %dma_start3A_851 : memref<1x128x128xf32, #tpu.memory_space<vmem>> -> memref<128x128xf32, #tpu.memory_space<vmem>>
      tpu.enqueue_dma source(%dma_start3A_852 : memref<128x128xf32, #tpu.memory_space<vmem>>) target(%dma_start3A_848 : memref<128x128xf32, #tpu.memory_space<hbm>>) target_semaphore(%run_scoped3A_832 : memref<!tpu.dma_semaphore, #tpu.memory_space<semaphore_mem>>)
      %dma_wait3A_853 = arith.constant 0 : i32
      %dma_wait3A_854 = arith.constant 0 : i32
      %dma_wait3A_855 = tpu.memref_slice %arg7[%run_scoped3A_225, %dma_wait3A_853, %dma_wait3A_854] : memref<5x128x128xf32, #tpu.memory_space<vmem>> -> memref<1x128x128xf32, #tpu.memory_space<vmem>>
      %dma_wait3A_856 = tpu.memref_squeeze %dma_wait3A_855 : memref<1x128x128xf32, #tpu.memory_space<vmem>> -> memref<128x128xf32, #tpu.memory_space<vmem>>
      %dma_wait3A_857 = arith.constant 0 : i32
      %dma_wait3A_858 = arith.constant 0 : i32
      %dma_wait3A_859 = tpu.memref_slice %arg5[%arg0, %dma_wait3A_857, %dma_wait3A_858] : memref<2x10240x128xf32, #tpu.memory_space<hbm>> -> memref<1x10240x128xf32, #tpu.memory_space<hbm>>
      %dma_wait3A_860 = tpu.memref_squeeze %dma_wait3A_859 : memref<1x10240x128xf32, #tpu.memory_space<hbm>> -> memref<10240x128xf32, #tpu.memory_space<hbm>>
      %dma_wait3A_861 = arith.constant 0 : i32
      %dma_wait3A_862 = tpu.memref_slice %dma_wait3A_860[%multiple_of3A_224, %dma_wait3A_861] : memref<10240x128xf32, #tpu.memory_space<hbm>> -> memref<128x128xf32, #tpu.memory_space<hbm>>
      %dma_wait3A_863 = arith.constant 0 : i32
      %dma_wait3A_864 = arith.constant 0 : i32
      %dma_wait3A_865 = tpu.memref_slice %arg5[%arg0, %dma_wait3A_863, %dma_wait3A_864] : memref<2x10240x128xf32, #tpu.memory_space<hbm>> -> memref<1x10240x128xf32, #tpu.memory_space<hbm>>
      %dma_wait3A_866 = tpu.memref_squeeze %dma_wait3A_865 : memref<1x10240x128xf32, #tpu.memory_space<hbm>> -> memref<10240x128xf32, #tpu.memory_space<hbm>>
      %dma_wait3A_867 = arith.constant 0 : i32
      %dma_wait3A_868 = tpu.memref_slice %dma_wait3A_866[%multiple_of3A_224, %dma_wait3A_867] : memref<10240x128xf32, #tpu.memory_space<hbm>> -> memref<128x128xf32, #tpu.memory_space<hbm>>
      %dma_wait3A_869 = arith.constant 0 : i32
      %dma_wait3A_870 = arith.constant 0 : i32
      %dma_wait3A_871 = tpu.memref_slice %arg7[%run_scoped3A_225, %dma_wait3A_869, %dma_wait3A_870] : memref<5x128x128xf32, #tpu.memory_space<vmem>> -> memref<1x128x128xf32, #tpu.memory_space<vmem>>
      %dma_wait3A_872 = tpu.memref_squeeze %dma_wait3A_871 : memref<1x128x128xf32, #tpu.memory_space<vmem>> -> memref<128x128xf32, #tpu.memory_space<vmem>>
      tpu.wait_dma2 semaphore(%run_scoped3A_832 : memref<!tpu.dma_semaphore, #tpu.memory_space<semaphore_mem>>) src(%dma_wait3A_872 : memref<128x128xf32, #tpu.memory_space<vmem>>) dst(%dma_wait3A_868 : memref<128x128xf32, #tpu.memory_space<hbm>>)
      tpu.yield
    }) : () -> ()
    %barrier3A = arith.constant 0 : index
    tpu.barrier barrier_id(%barrier3A)
    %dma_start3A_226 = arith.constant 0 : i32
    %dma_start3A_227 = arith.constant 0 : i32
    %dma_start3A_228 = arith.constant 0 : i32
    %dma_start3A_229 = arith.constant 0 : i32
    %dma_start3A_230 = tpu.memref_slice %arg7[%dma_start3A_227, %dma_start3A_228, %dma_start3A_229] : memref<5x128x128xf32, #tpu.memory_space<vmem>> -> memref<1x128x128xf32, #tpu.memory_space<vmem>>
    %dma_start3A_231 = tpu.memref_squeeze %dma_start3A_230 : memref<1x128x128xf32, #tpu.memory_space<vmem>> -> memref<128x128xf32, #tpu.memory_space<vmem>>
    %dma_start3A_232 = arith.constant 0 : i32
    %dma_start3A_233 = tpu.memref_slice %arg6[%dma_start3A_226, %dma_start3A_232] : memref<50x128xi32, #tpu.memory_space<vmem>> -> memref<1x128xi32, #tpu.memory_space<vmem>>
    %dma_start3A_234 = tpu.memref_squeeze %dma_start3A_233 : memref<1x128xi32, #tpu.memory_space<vmem>> -> memref<128xi32, #tpu.memory_space<vmem>>
    %dma_start3A_235 = arith.constant 0 : i32
    %dma_start3A_236 = arith.constant 0 : i32
    %dma_start3A_237 = tpu.memref_slice %arg5[%arg0, %dma_start3A_235, %dma_start3A_236] : memref<2x10240x128xf32, #tpu.memory_space<hbm>> -> memref<1x10240x128xf32, #tpu.memory_space<hbm>>
    %dma_start3A_238 = tpu.memref_squeeze %dma_start3A_237 : memref<1x10240x128xf32, #tpu.memory_space<hbm>> -> memref<10240x128xf32, #tpu.memory_space<hbm>>
    %dma_start3A_239 = arith.constant 0 : i32
    %dma_start3A_240 = arith.constant 0 : i32
    %dma_start3A_241 = tpu.memref_slice %dma_start3A_238[%dma_start3A_239, %dma_start3A_240] : memref<10240x128xf32, #tpu.memory_space<hbm>> -> memref<10240x128xf32, #tpu.memory_space<hbm>>
    tpu.enqueue_indirect_dma source(%dma_start3A_241 : memref<10240x128xf32, #tpu.memory_space<hbm>>) target(%dma_start3A_231 : memref<128x128xf32, #tpu.memory_space<vmem>>) offsets(%dma_start3A_234 : memref<128xi32, #tpu.memory_space<vmem>>) semaphore(%arg8 : memref<!tpu.dma_semaphore, #tpu.memory_space<semaphore_mem>>)
    %dma_start3A_242 = arith.constant 1 : i32
    %dma_start3A_243 = arith.constant 1 : i32
    %dma_start3A_244 = arith.constant 0 : i32
    %dma_start3A_245 = arith.constant 0 : i32
    %dma_start3A_246 = tpu.memref_slice %arg7[%dma_start3A_243, %dma_start3A_244, %dma_start3A_245] : memref<5x128x128xf32, #tpu.memory_space<vmem>> -> memref<1x128x128xf32, #tpu.memory_space<vmem>>
    %dma_start3A_247 = tpu.memref_squeeze %dma_start3A_246 : memref<1x128x128xf32, #tpu.memory_space<vmem>> -> memref<128x128xf32, #tpu.memory_space<vmem>>
    %dma_start3A_248 = arith.constant 0 : i32
    %dma_start3A_249 = tpu.memref_slice %arg6[%dma_start3A_242, %dma_start3A_248] : memref<50x128xi32, #tpu.memory_space<vmem>> -> memref<1x128xi32, #tpu.memory_space<vmem>>
    %dma_start3A_250 = tpu.memref_squeeze %dma_start3A_249 : memref<1x128xi32, #tpu.memory_space<vmem>> -> memref<128xi32, #tpu.memory_space<vmem>>
    %dma_start3A_251 = arith.constant 0 : i32
    %dma_start3A_252 = arith.constant 0 : i32
    %dma_start3A_253 = tpu.memref_slice %arg5[%arg0, %dma_start3A_251, %dma_start3A_252] : memref<2x10240x128xf32, #tpu.memory_space<hbm>> -> memref<1x10240x128xf32, #tpu.memory_space<hbm>>
    %dma_start3A_254 = tpu.memref_squeeze %dma_start3A_253 : memref<1x10240x128xf32, #tpu.memory_space<hbm>> -> memref<10240x128xf32, #tpu.memory_space<hbm>>
    %dma_start3A_255 = arith.constant 0 : i32
    %dma_start3A_256 = arith.constant 0 : i32
    %dma_start3A_257 = tpu.memref_slice %dma_start3A_254[%dma_start3A_255, %dma_start3A_256] : memref<10240x128xf32, #tpu.memory_space<hbm>> -> memref<10240x128xf32, #tpu.memory_space<hbm>>
    tpu.enqueue_indirect_dma source(%dma_start3A_257 : memref<10240x128xf32, #tpu.memory_space<hbm>>) target(%dma_start3A_247 : memref<128x128xf32, #tpu.memory_space<vmem>>) offsets(%dma_start3A_250 : memref<128xi32, #tpu.memory_space<vmem>>) semaphore(%arg9 : memref<!tpu.dma_semaphore, #tpu.memory_space<semaphore_mem>>)
    %dma_start3A_258 = arith.constant 2 : i32
    %dma_start3A_259 = arith.constant 2 : i32
    %dma_start3A_260 = arith.constant 0 : i32
    %dma_start3A_261 = arith.constant 0 : i32
    %dma_start3A_262 = tpu.memref_slice %arg7[%dma_start3A_259, %dma_start3A_260, %dma_start3A_261] : memref<5x128x128xf32, #tpu.memory_space<vmem>> -> memref<1x128x128xf32, #tpu.memory_space<vmem>>
    %dma_start3A_263 = tpu.memref_squeeze %dma_start3A_262 : memref<1x128x128xf32, #tpu.memory_space<vmem>> -> memref<128x128xf32, #tpu.memory_space<vmem>>
    %dma_start3A_264 = arith.constant 0 : i32
    %dma_start3A_265 = tpu.memref_slice %arg6[%dma_start3A_258, %dma_start3A_264] : memref<50x128xi32, #tpu.memory_space<vmem>> -> memref<1x128xi32, #tpu.memory_space<vmem>>
    %dma_start3A_266 = tpu.memref_squeeze %dma_start3A_265 : memref<1x128xi32, #tpu.memory_space<vmem>> -> memref<128xi32, #tpu.memory_space<vmem>>
    %dma_start3A_267 = arith.constant 0 : i32
    %dma_start3A_268 = arith.constant 0 : i32
    %dma_start3A_269 = tpu.memref_slice %arg5[%arg0, %dma_start3A_267, %dma_start3A_268] : memref<2x10240x128xf32, #tpu.memory_space<hbm>> -> memref<1x10240x128xf32, #tpu.memory_space<hbm>>
    %dma_start3A_270 = tpu.memref_squeeze %dma_start3A_269 : memref<1x10240x128xf32, #tpu.memory_space<hbm>> -> memref<10240x128xf32, #tpu.memory_space<hbm>>
    %dma_start3A_271 = arith.constant 0 : i32
    %dma_start3A_272 = arith.constant 0 : i32
    %dma_start3A_273 = tpu.memref_slice %dma_start3A_270[%dma_start3A_271, %dma_start3A_272] : memref<10240x128xf32, #tpu.memory_space<hbm>> -> memref<10240x128xf32, #tpu.memory_space<hbm>>
    tpu.enqueue_indirect_dma source(%dma_start3A_273 : memref<10240x128xf32, #tpu.memory_space<hbm>>) target(%dma_start3A_263 : memref<128x128xf32, #tpu.memory_space<vmem>>) offsets(%dma_start3A_266 : memref<128xi32, #tpu.memory_space<vmem>>) semaphore(%arg10 : memref<!tpu.dma_semaphore, #tpu.memory_space<semaphore_mem>>)
    %dma_wait3A_274 = arith.constant 0 : i32
    %dma_wait3A_275 = arith.constant 0 : i32
    %dma_wait3A_276 = arith.constant 0 : i32
    %dma_wait3A_277 = arith.constant 0 : i32
    %dma_wait3A_278 = tpu.memref_slice %arg7[%dma_wait3A_275, %dma_wait3A_276, %dma_wait3A_277] : memref<5x128x128xf32, #tpu.memory_space<vmem>> -> memref<1x128x128xf32, #tpu.memory_space<vmem>>
    %dma_wait3A_279 = tpu.memref_squeeze %dma_wait3A_278 : memref<1x128x128xf32, #tpu.memory_space<vmem>> -> memref<128x128xf32, #tpu.memory_space<vmem>>
    %dma_wait3A_280 = arith.constant 0 : i32
    %dma_wait3A_281 = tpu.memref_slice %arg6[%dma_wait3A_274, %dma_wait3A_280] : memref<50x128xi32, #tpu.memory_space<vmem>> -> memref<1x128xi32, #tpu.memory_space<vmem>>
    %dma_wait3A_282 = tpu.memref_squeeze %dma_wait3A_281 : memref<1x128xi32, #tpu.memory_space<vmem>> -> memref<128xi32, #tpu.memory_space<vmem>>
    %dma_wait3A_283 = arith.constant 0 : i32
    %dma_wait3A_284 = arith.constant 0 : i32
    %dma_wait3A_285 = tpu.memref_slice %arg5[%arg0, %dma_wait3A_283, %dma_wait3A_284] : memref<2x10240x128xf32, #tpu.memory_space<hbm>> -> memref<1x10240x128xf32, #tpu.memory_space<hbm>>
    %dma_wait3A_286 = tpu.memref_squeeze %dma_wait3A_285 : memref<1x10240x128xf32, #tpu.memory_space<hbm>> -> memref<10240x128xf32, #tpu.memory_space<hbm>>
    %dma_wait3A_287 = arith.constant 0 : i32
    %dma_wait3A_288 = arith.constant 0 : i32
    %dma_wait3A_289 = tpu.memref_slice %dma_wait3A_286[%dma_wait3A_287, %dma_wait3A_288] : memref<10240x128xf32, #tpu.memory_space<hbm>> -> memref<10240x128xf32, #tpu.memory_space<hbm>>
    tpu.wait_indirect_dma semaphore(%arg8 : memref<!tpu.dma_semaphore, #tpu.memory_space<semaphore_mem>>) src(%dma_wait3A_289 : memref<10240x128xf32, #tpu.memory_space<hbm>>) dst(%dma_wait3A_279 : memref<128x128xf32, #tpu.memory_space<vmem>>)
    %add3A_290 = arith.constant 0 : i32
    %add3A_291 = arith.addi %mul3A_2, %add3A_290 : i32
    %dma_start3A_292 = arith.constant 0 : i32
    %dma_start3A_293 = arith.constant 0 : i32
    %dma_start3A_294 = arith.constant 0 : i32
    %dma_start3A_295 = tpu.memref_slice %arg7[%dma_start3A_292, %dma_start3A_293, %dma_start3A_294] : memref<5x128x128xf32, #tpu.memory_space<vmem>> -> memref<1x128x128xf32, #tpu.memory_space<vmem>>
    %dma_start3A_296 = tpu.memref_squeeze %dma_start3A_295 : memref<1x128x128xf32, #tpu.memory_space<vmem>> -> memref<128x128xf32, #tpu.memory_space<vmem>>
    %dma_start3A_297 = arith.constant 0 : i32
    %dma_start3A_298 = tpu.memref_slice %arg4[%add3A_291, %dma_start3A_297] : memref<204800x128xf32, #tpu.memory_space<hbm>> -> memref<128x128xf32, #tpu.memory_space<hbm>>
    %dma_start3A_299 = arith.constant 0 : i32
    %dma_start3A_300 = tpu.memref_slice %arg4[%add3A_291, %dma_start3A_299] : memref<204800x128xf32, #tpu.memory_space<hbm>> -> memref<128x128xf32, #tpu.memory_space<hbm>>
    %dma_start3A_301 = arith.constant 0 : i32
    %dma_start3A_302 = arith.constant 0 : i32
    %dma_start3A_303 = tpu.memref_slice %arg7[%dma_start3A_292, %dma_start3A_301, %dma_start3A_302] : memref<5x128x128xf32, #tpu.memory_space<vmem>> -> memref<1x128x128xf32, #tpu.memory_space<vmem>>
    %dma_start3A_304 = tpu.memref_squeeze %dma_start3A_303 : memref<1x128x128xf32, #tpu.memory_space<vmem>> -> memref<128x128xf32, #tpu.memory_space<vmem>>
    tpu.enqueue_dma source(%dma_start3A_304 : memref<128x128xf32, #tpu.memory_space<vmem>>) target(%dma_start3A_300 : memref<128x128xf32, #tpu.memory_space<hbm>>) target_semaphore(%arg13 : memref<!tpu.dma_semaphore, #tpu.memory_space<semaphore_mem>>)
    %dma_start3A_305 = arith.constant 3 : i32
    %dma_start3A_306 = arith.constant 3 : i32
    %dma_start3A_307 = arith.constant 0 : i32
    %dma_start3A_308 = arith.constant 0 : i32
    %dma_start3A_309 = tpu.memref_slice %arg7[%dma_start3A_306, %dma_start3A_307, %dma_start3A_308] : memref<5x128x128xf32, #tpu.memory_space<vmem>> -> memref<1x128x128xf32, #tpu.memory_space<vmem>>
    %dma_start3A_310 = tpu.memref_squeeze %dma_start3A_309 : memref<1x128x128xf32, #tpu.memory_space<vmem>> -> memref<128x128xf32, #tpu.memory_space<vmem>>
    %dma_start3A_311 = arith.constant 0 : i32
    %dma_start3A_312 = tpu.memref_slice %arg6[%dma_start3A_305, %dma_start3A_311] : memref<50x128xi32, #tpu.memory_space<vmem>> -> memref<1x128xi32, #tpu.memory_space<vmem>>
    %dma_start3A_313 = tpu.memref_squeeze %dma_start3A_312 : memref<1x128xi32, #tpu.memory_space<vmem>> -> memref<128xi32, #tpu.memory_space<vmem>>
    %dma_start3A_314 = arith.constant 0 : i32
    %dma_start3A_315 = arith.constant 0 : i32
    %dma_start3A_316 = tpu.memref_slice %arg5[%arg0, %dma_start3A_314, %dma_start3A_315] : memref<2x10240x128xf32, #tpu.memory_space<hbm>> -> memref<1x10240x128xf32, #tpu.memory_space<hbm>>
    %dma_start3A_317 = tpu.memref_squeeze %dma_start3A_316 : memref<1x10240x128xf32, #tpu.memory_space<hbm>> -> memref<10240x128xf32, #tpu.memory_space<hbm>>
    %dma_start3A_318 = arith.constant 0 : i32
    %dma_start3A_319 = arith.constant 0 : i32
    %dma_start3A_320 = tpu.memref_slice %dma_start3A_317[%dma_start3A_318, %dma_start3A_319] : memref<10240x128xf32, #tpu.memory_space<hbm>> -> memref<10240x128xf32, #tpu.memory_space<hbm>>
    tpu.enqueue_indirect_dma source(%dma_start3A_320 : memref<10240x128xf32, #tpu.memory_space<hbm>>) target(%dma_start3A_310 : memref<128x128xf32, #tpu.memory_space<vmem>>) offsets(%dma_start3A_313 : memref<128xi32, #tpu.memory_space<vmem>>) semaphore(%arg11 : memref<!tpu.dma_semaphore, #tpu.memory_space<semaphore_mem>>)
    %dma_wait3A_321 = arith.constant 0 : i32
    %dma_wait3A_322 = arith.constant 1 : i32
    %dma_wait3A_323 = arith.constant 0 : i32
    %dma_wait3A_324 = arith.constant 0 : i32
    %dma_wait3A_325 = tpu.memref_slice %arg7[%dma_wait3A_322, %dma_wait3A_323, %dma_wait3A_324] : memref<5x128x128xf32, #tpu.memory_space<vmem>> -> memref<1x128x128xf32, #tpu.memory_space<vmem>>
    %dma_wait3A_326 = tpu.memref_squeeze %dma_wait3A_325 : memref<1x128x128xf32, #tpu.memory_space<vmem>> -> memref<128x128xf32, #tpu.memory_space<vmem>>
    %dma_wait3A_327 = arith.constant 0 : i32
    %dma_wait3A_328 = tpu.memref_slice %arg6[%dma_wait3A_321, %dma_wait3A_327] : memref<50x128xi32, #tpu.memory_space<vmem>> -> memref<1x128xi32, #tpu.memory_space<vmem>>
    %dma_wait3A_329 = tpu.memref_squeeze %dma_wait3A_328 : memref<1x128xi32, #tpu.memory_space<vmem>> -> memref<128xi32, #tpu.memory_space<vmem>>
    %dma_wait3A_330 = arith.constant 0 : i32
    %dma_wait3A_331 = arith.constant 0 : i32
    %dma_wait3A_332 = tpu.memref_slice %arg5[%arg0, %dma_wait3A_330, %dma_wait3A_331] : memref<2x10240x128xf32, #tpu.memory_space<hbm>> -> memref<1x10240x128xf32, #tpu.memory_space<hbm>>
    %dma_wait3A_333 = tpu.memref_squeeze %dma_wait3A_332 : memref<1x10240x128xf32, #tpu.memory_space<hbm>> -> memref<10240x128xf32, #tpu.memory_space<hbm>>
    %dma_wait3A_334 = arith.constant 0 : i32
    %dma_wait3A_335 = arith.constant 0 : i32
    %dma_wait3A_336 = tpu.memref_slice %dma_wait3A_333[%dma_wait3A_334, %dma_wait3A_335] : memref<10240x128xf32, #tpu.memory_space<hbm>> -> memref<10240x128xf32, #tpu.memory_space<hbm>>
    tpu.wait_indirect_dma semaphore(%arg9 : memref<!tpu.dma_semaphore, #tpu.memory_space<semaphore_mem>>) src(%dma_wait3A_336 : memref<10240x128xf32, #tpu.memory_space<hbm>>) dst(%dma_wait3A_326 : memref<128x128xf32, #tpu.memory_space<vmem>>)
    %add3A_337 = arith.constant 128 : i32
    %add3A_338 = arith.addi %mul3A_2, %add3A_337 : i32
    %dma_start3A_339 = arith.constant 1 : i32
    %dma_start3A_340 = arith.constant 0 : i32
    %dma_start3A_341 = arith.constant 0 : i32
    %dma_start3A_342 = tpu.memref_slice %arg7[%dma_start3A_339, %dma_start3A_340, %dma_start3A_341] : memref<5x128x128xf32, #tpu.memory_space<vmem>> -> memref<1x128x128xf32, #tpu.memory_space<vmem>>
    %dma_start3A_343 = tpu.memref_squeeze %dma_start3A_342 : memref<1x128x128xf32, #tpu.memory_space<vmem>> -> memref<128x128xf32, #tpu.memory_space<vmem>>
    %dma_start3A_344 = arith.constant 0 : i32
    %dma_start3A_345 = tpu.memref_slice %arg4[%add3A_338, %dma_start3A_344] : memref<204800x128xf32, #tpu.memory_space<hbm>> -> memref<128x128xf32, #tpu.memory_space<hbm>>
    %dma_start3A_346 = arith.constant 0 : i32
    %dma_start3A_347 = tpu.memref_slice %arg4[%add3A_338, %dma_start3A_346] : memref<204800x128xf32, #tpu.memory_space<hbm>> -> memref<128x128xf32, #tpu.memory_space<hbm>>
    %dma_start3A_348 = arith.constant 0 : i32
    %dma_start3A_349 = arith.constant 0 : i32
    %dma_start3A_350 = tpu.memref_slice %arg7[%dma_start3A_339, %dma_start3A_348, %dma_start3A_349] : memref<5x128x128xf32, #tpu.memory_space<vmem>> -> memref<1x128x128xf32, #tpu.memory_space<vmem>>
    %dma_start3A_351 = tpu.memref_squeeze %dma_start3A_350 : memref<1x128x128xf32, #tpu.memory_space<vmem>> -> memref<128x128xf32, #tpu.memory_space<vmem>>
    tpu.enqueue_dma source(%dma_start3A_351 : memref<128x128xf32, #tpu.memory_space<vmem>>) target(%dma_start3A_347 : memref<128x128xf32, #tpu.memory_space<hbm>>) target_semaphore(%arg14 : memref<!tpu.dma_semaphore, #tpu.memory_space<semaphore_mem>>)
    %dma_start3A_352 = arith.constant 4 : i32
    %dma_start3A_353 = arith.constant 4 : i32
    %dma_start3A_354 = arith.constant 0 : i32
    %dma_start3A_355 = arith.constant 0 : i32
    %dma_start3A_356 = tpu.memref_slice %arg7[%dma_start3A_353, %dma_start3A_354, %dma_start3A_355] : memref<5x128x128xf32, #tpu.memory_space<vmem>> -> memref<1x128x128xf32, #tpu.memory_space<vmem>>
    %dma_start3A_357 = tpu.memref_squeeze %dma_start3A_356 : memref<1x128x128xf32, #tpu.memory_space<vmem>> -> memref<128x128xf32, #tpu.memory_space<vmem>>
    %dma_start3A_358 = arith.constant 0 : i32
    %dma_start3A_359 = tpu.memref_slice %arg6[%dma_start3A_352, %dma_start3A_358] : memref<50x128xi32, #tpu.memory_space<vmem>> -> memref<1x128xi32, #tpu.memory_space<vmem>>
    %dma_start3A_360 = tpu.memref_squeeze %dma_start3A_359 : memref<1x128xi32, #tpu.memory_space<vmem>> -> memref<128xi32, #tpu.memory_space<vmem>>
    %dma_start3A_361 = arith.constant 0 : i32
    %dma_start3A_362 = arith.constant 0 : i32
    %dma_start3A_363 = tpu.memref_slice %arg5[%arg0, %dma_start3A_361, %dma_start3A_362] : memref<2x10240x128xf32, #tpu.memory_space<hbm>> -> memref<1x10240x128xf32, #tpu.memory_space<hbm>>
    %dma_start3A_364 = tpu.memref_squeeze %dma_start3A_363 : memref<1x10240x128xf32, #tpu.memory_space<hbm>> -> memref<10240x128xf32, #tpu.memory_space<hbm>>
    %dma_start3A_365 = arith.constant 0 : i32
    %dma_start3A_366 = arith.constant 0 : i32
    %dma_start3A_367 = tpu.memref_slice %dma_start3A_364[%dma_start3A_365, %dma_start3A_366] : memref<10240x128xf32, #tpu.memory_space<hbm>> -> memref<10240x128xf32, #tpu.memory_space<hbm>>
    tpu.enqueue_indirect_dma source(%dma_start3A_367 : memref<10240x128xf32, #tpu.memory_space<hbm>>) target(%dma_start3A_357 : memref<128x128xf32, #tpu.memory_space<vmem>>) offsets(%dma_start3A_360 : memref<128xi32, #tpu.memory_space<vmem>>) semaphore(%arg12 : memref<!tpu.dma_semaphore, #tpu.memory_space<semaphore_mem>>)
    %dma_wait3A_368 = arith.constant 0 : i32
    %dma_wait3A_369 = arith.constant 2 : i32
    %dma_wait3A_370 = arith.constant 0 : i32
    %dma_wait3A_371 = arith.constant 0 : i32
    %dma_wait3A_372 = tpu.memref_slice %arg7[%dma_wait3A_369, %dma_wait3A_370, %dma_wait3A_371] : memref<5x128x128xf32, #tpu.memory_space<vmem>> -> memref<1x128x128xf32, #tpu.memory_space<vmem>>
    %dma_wait3A_373 = tpu.memref_squeeze %dma_wait3A_372 : memref<1x128x128xf32, #tpu.memory_space<vmem>> -> memref<128x128xf32, #tpu.memory_space<vmem>>
    %dma_wait3A_374 = arith.constant 0 : i32
    %dma_wait3A_375 = tpu.memref_slice %arg6[%dma_wait3A_368, %dma_wait3A_374] : memref<50x128xi32, #tpu.memory_space<vmem>> -> memref<1x128xi32, #tpu.memory_space<vmem>>
    %dma_wait3A_376 = tpu.memref_squeeze %dma_wait3A_375 : memref<1x128xi32, #tpu.memory_space<vmem>> -> memref<128xi32, #tpu.memory_space<vmem>>
    %dma_wait3A_377 = arith.constant 0 : i32
    %dma_wait3A_378 = arith.constant 0 : i32
    %dma_wait3A_379 = tpu.memref_slice %arg5[%arg0, %dma_wait3A_377, %dma_wait3A_378] : memref<2x10240x128xf32, #tpu.memory_space<hbm>> -> memref<1x10240x128xf32, #tpu.memory_space<hbm>>
    %dma_wait3A_380 = tpu.memref_squeeze %dma_wait3A_379 : memref<1x10240x128xf32, #tpu.memory_space<hbm>> -> memref<10240x128xf32, #tpu.memory_space<hbm>>
    %dma_wait3A_381 = arith.constant 0 : i32
    %dma_wait3A_382 = arith.constant 0 : i32
    %dma_wait3A_383 = tpu.memref_slice %dma_wait3A_380[%dma_wait3A_381, %dma_wait3A_382] : memref<10240x128xf32, #tpu.memory_space<hbm>> -> memref<10240x128xf32, #tpu.memory_space<hbm>>
    tpu.wait_indirect_dma semaphore(%arg10 : memref<!tpu.dma_semaphore, #tpu.memory_space<semaphore_mem>>) src(%dma_wait3A_383 : memref<10240x128xf32, #tpu.memory_space<hbm>>) dst(%dma_wait3A_373 : memref<128x128xf32, #tpu.memory_space<vmem>>)
    %add3A_384 = arith.constant 256 : i32
    %add3A_385 = arith.addi %mul3A_2, %add3A_384 : i32
    %dma_start3A_386 = arith.constant 2 : i32
    %dma_start3A_387 = arith.constant 0 : i32
    %dma_start3A_388 = arith.constant 0 : i32
    %dma_start3A_389 = tpu.memref_slice %arg7[%dma_start3A_386, %dma_start3A_387, %dma_start3A_388] : memref<5x128x128xf32, #tpu.memory_space<vmem>> -> memref<1x128x128xf32, #tpu.memory_space<vmem>>
    %dma_start3A_390 = tpu.memref_squeeze %dma_start3A_389 : memref<1x128x128xf32, #tpu.memory_space<vmem>> -> memref<128x128xf32, #tpu.memory_space<vmem>>
    %dma_start3A_391 = arith.constant 0 : i32
    %dma_start3A_392 = tpu.memref_slice %arg4[%add3A_385, %dma_start3A_391] : memref<204800x128xf32, #tpu.memory_space<hbm>> -> memref<128x128xf32, #tpu.memory_space<hbm>>
    %dma_start3A_393 = arith.constant 0 : i32
    %dma_start3A_394 = tpu.memref_slice %arg4[%add3A_385, %dma_start3A_393] : memref<204800x128xf32, #tpu.memory_space<hbm>> -> memref<128x128xf32, #tpu.memory_space<hbm>>
    %dma_start3A_395 = arith.constant 0 : i32
    %dma_start3A_396 = arith.constant 0 : i32
    %dma_start3A_397 = tpu.memref_slice %arg7[%dma_start3A_386, %dma_start3A_395, %dma_start3A_396] : memref<5x128x128xf32, #tpu.memory_space<vmem>> -> memref<1x128x128xf32, #tpu.memory_space<vmem>>
    %dma_start3A_398 = tpu.memref_squeeze %dma_start3A_397 : memref<1x128x128xf32, #tpu.memory_space<vmem>> -> memref<128x128xf32, #tpu.memory_space<vmem>>
    tpu.enqueue_dma source(%dma_start3A_398 : memref<128x128xf32, #tpu.memory_space<vmem>>) target(%dma_start3A_394 : memref<128x128xf32, #tpu.memory_space<hbm>>) target_semaphore(%arg15 : memref<!tpu.dma_semaphore, #tpu.memory_space<semaphore_mem>>)
    %dma_wait3A_399 = arith.constant 0 : i32
    %dma_wait3A_400 = arith.constant 0 : i32
    %dma_wait3A_401 = arith.constant 0 : i32
    %dma_wait3A_402 = tpu.memref_slice %arg7[%dma_wait3A_399, %dma_wait3A_400, %dma_wait3A_401] : memref<5x128x128xf32, #tpu.memory_space<vmem>> -> memref<1x128x128xf32, #tpu.memory_space<vmem>>
    %dma_wait3A_403 = tpu.memref_squeeze %dma_wait3A_402 : memref<1x128x128xf32, #tpu.memory_space<vmem>> -> memref<128x128xf32, #tpu.memory_space<vmem>>
    %dma_wait3A_404 = arith.constant 0 : i32
    %dma_wait3A_405 = tpu.memref_slice %arg4[%mul3A_2, %dma_wait3A_404] : memref<204800x128xf32, #tpu.memory_space<hbm>> -> memref<128x128xf32, #tpu.memory_space<hbm>>
    %dma_wait3A_406 = arith.constant 0 : i32
    %dma_wait3A_407 = tpu.memref_slice %arg4[%mul3A_2, %dma_wait3A_406] : memref<204800x128xf32, #tpu.memory_space<hbm>> -> memref<128x128xf32, #tpu.memory_space<hbm>>
    %dma_wait3A_408 = arith.constant 0 : i32
    %dma_wait3A_409 = arith.constant 0 : i32
    %dma_wait3A_410 = tpu.memref_slice %arg7[%dma_wait3A_399, %dma_wait3A_408, %dma_wait3A_409] : memref<5x128x128xf32, #tpu.memory_space<vmem>> -> memref<1x128x128xf32, #tpu.memory_space<vmem>>
    %dma_wait3A_411 = tpu.memref_squeeze %dma_wait3A_410 : memref<1x128x128xf32, #tpu.memory_space<vmem>> -> memref<128x128xf32, #tpu.memory_space<vmem>>
    tpu.wait_dma2 semaphore(%arg13 : memref<!tpu.dma_semaphore, #tpu.memory_space<semaphore_mem>>) src(%dma_wait3A_411 : memref<128x128xf32, #tpu.memory_space<vmem>>) dst(%dma_wait3A_407 : memref<128x128xf32, #tpu.memory_space<hbm>>)
    %dma_start3A_412 = arith.constant 5 : i32
    %dma_start3A_413 = arith.constant 0 : i32
    %dma_start3A_414 = arith.constant 0 : i32
    %dma_start3A_415 = arith.constant 0 : i32
    %dma_start3A_416 = tpu.memref_slice %arg7[%dma_start3A_413, %dma_start3A_414, %dma_start3A_415] : memref<5x128x128xf32, #tpu.memory_space<vmem>> -> memref<1x128x128xf32, #tpu.memory_space<vmem>>
    %dma_start3A_417 = tpu.memref_squeeze %dma_start3A_416 : memref<1x128x128xf32, #tpu.memory_space<vmem>> -> memref<128x128xf32, #tpu.memory_space<vmem>>
    %dma_start3A_418 = arith.constant 0 : i32
    %dma_start3A_419 = tpu.memref_slice %arg6[%dma_start3A_412, %dma_start3A_418] : memref<50x128xi32, #tpu.memory_space<vmem>> -> memref<1x128xi32, #tpu.memory_space<vmem>>
    %dma_start3A_420 = tpu.memref_squeeze %dma_start3A_419 : memref<1x128xi32, #tpu.memory_space<vmem>> -> memref<128xi32, #tpu.memory_space<vmem>>
    %dma_start3A_421 = arith.constant 0 : i32
    %dma_start3A_422 = arith.constant 0 : i32
    %dma_start3A_423 = tpu.memref_slice %arg5[%arg0, %dma_start3A_421, %dma_start3A_422] : memref<2x10240x128xf32, #tpu.memory_space<hbm>> -> memref<1x10240x128xf32, #tpu.memory_space<hbm>>
    %dma_start3A_424 = tpu.memref_squeeze %dma_start3A_423 : memref<1x10240x128xf32, #tpu.memory_space<hbm>> -> memref<10240x128xf32, #tpu.memory_space<hbm>>
    %dma_start3A_425 = arith.constant 0 : i32
    %dma_start3A_426 = arith.constant 0 : i32
    %dma_start3A_427 = tpu.memref_slice %dma_start3A_424[%dma_start3A_425, %dma_start3A_426] : memref<10240x128xf32, #tpu.memory_space<hbm>> -> memref<10240x128xf32, #tpu.memory_space<hbm>>
    tpu.enqueue_indirect_dma source(%dma_start3A_427 : memref<10240x128xf32, #tpu.memory_space<hbm>>) target(%dma_start3A_417 : memref<128x128xf32, #tpu.memory_space<vmem>>) offsets(%dma_start3A_420 : memref<128xi32, #tpu.memory_space<vmem>>) semaphore(%arg8 : memref<!tpu.dma_semaphore, #tpu.memory_space<semaphore_mem>>)
    %dma_wait3A_428 = arith.constant 0 : i32
    %dma_wait3A_429 = arith.constant 3 : i32
    %dma_wait3A_430 = arith.constant 0 : i32
    %dma_wait3A_431 = arith.constant 0 : i32
    %dma_wait3A_432 = tpu.memref_slice %arg7[%dma_wait3A_429, %dma_wait3A_430, %dma_wait3A_431] : memref<5x128x128xf32, #tpu.memory_space<vmem>> -> memref<1x128x128xf32, #tpu.memory_space<vmem>>
    %dma_wait3A_433 = tpu.memref_squeeze %dma_wait3A_432 : memref<1x128x128xf32, #tpu.memory_space<vmem>> -> memref<128x128xf32, #tpu.memory_space<vmem>>
    %dma_wait3A_434 = arith.constant 0 : i32
    %dma_wait3A_435 = tpu.memref_slice %arg6[%dma_wait3A_428, %dma_wait3A_434] : memref<50x128xi32, #tpu.memory_space<vmem>> -> memref<1x128xi32, #tpu.memory_space<vmem>>
    %dma_wait3A_436 = tpu.memref_squeeze %dma_wait3A_435 : memref<1x128xi32, #tpu.memory_space<vmem>> -> memref<128xi32, #tpu.memory_space<vmem>>
    %dma_wait3A_437 = arith.constant 0 : i32
    %dma_wait3A_438 = arith.constant 0 : i32
    %dma_wait3A_439 = tpu.memref_slice %arg5[%arg0, %dma_wait3A_437, %dma_wait3A_438] : memref<2x10240x128xf32, #tpu.memory_space<hbm>> -> memref<1x10240x128xf32, #tpu.memory_space<hbm>>
    %dma_wait3A_440 = tpu.memref_squeeze %dma_wait3A_439 : memref<1x10240x128xf32, #tpu.memory_space<hbm>> -> memref<10240x128xf32, #tpu.memory_space<hbm>>
    %dma_wait3A_441 = arith.constant 0 : i32
    %dma_wait3A_442 = arith.constant 0 : i32
    %dma_wait3A_443 = tpu.memref_slice %dma_wait3A_440[%dma_wait3A_441, %dma_wait3A_442] : memref<10240x128xf32, #tpu.memory_space<hbm>> -> memref<10240x128xf32, #tpu.memory_space<hbm>>
    tpu.wait_indirect_dma semaphore(%arg11 : memref<!tpu.dma_semaphore, #tpu.memory_space<semaphore_mem>>) src(%dma_wait3A_443 : memref<10240x128xf32, #tpu.memory_space<hbm>>) dst(%dma_wait3A_433 : memref<128x128xf32, #tpu.memory_space<vmem>>)
    %add3A_444 = arith.constant 384 : i32
    %add3A_445 = arith.addi %mul3A_2, %add3A_444 : i32
    %dma_start3A_446 = arith.constant 3 : i32
    %dma_start3A_447 = arith.constant 0 : i32
    %dma_start3A_448 = arith.constant 0 : i32
    %dma_start3A_449 = tpu.memref_slice %arg7[%dma_start3A_446, %dma_start3A_447, %dma_start3A_448] : memref<5x128x128xf32, #tpu.memory_space<vmem>> -> memref<1x128x128xf32, #tpu.memory_space<vmem>>
    %dma_start3A_450 = tpu.memref_squeeze %dma_start3A_449 : memref<1x128x128xf32, #tpu.memory_space<vmem>> -> memref<128x128xf32, #tpu.memory_space<vmem>>
    %dma_start3A_451 = arith.constant 0 : i32
    %dma_start3A_452 = tpu.memref_slice %arg4[%add3A_445, %dma_start3A_451] : memref<204800x128xf32, #tpu.memory_space<hbm>> -> memref<128x128xf32, #tpu.memory_space<hbm>>
    %dma_start3A_453 = arith.constant 0 : i32
    %dma_start3A_454 = tpu.memref_slice %arg4[%add3A_445, %dma_start3A_453] : memref<204800x128xf32, #tpu.memory_space<hbm>> -> memref<128x128xf32, #tpu.memory_space<hbm>>
    %dma_start3A_455 = arith.constant 0 : i32
    %dma_start3A_456 = arith.constant 0 : i32
    %dma_start3A_457 = tpu.memref_slice %arg7[%dma_start3A_446, %dma_start3A_455, %dma_start3A_456] : memref<5x128x128xf32, #tpu.memory_space<vmem>> -> memref<1x128x128xf32, #tpu.memory_space<vmem>>
    %dma_start3A_458 = tpu.memref_squeeze %dma_start3A_457 : memref<1x128x128xf32, #tpu.memory_space<vmem>> -> memref<128x128xf32, #tpu.memory_space<vmem>>
    tpu.enqueue_dma source(%dma_start3A_458 : memref<128x128xf32, #tpu.memory_space<vmem>>) target(%dma_start3A_454 : memref<128x128xf32, #tpu.memory_space<hbm>>) target_semaphore(%arg16 : memref<!tpu.dma_semaphore, #tpu.memory_space<semaphore_mem>>)
    %dma_wait3A_459 = arith.constant 1 : i32
    %dma_wait3A_460 = arith.constant 0 : i32
    %dma_wait3A_461 = arith.constant 0 : i32
    %dma_wait3A_462 = tpu.memref_slice %arg7[%dma_wait3A_459, %dma_wait3A_460, %dma_wait3A_461] : memref<5x128x128xf32, #tpu.memory_space<vmem>> -> memref<1x128x128xf32, #tpu.memory_space<vmem>>
    %dma_wait3A_463 = tpu.memref_squeeze %dma_wait3A_462 : memref<1x128x128xf32, #tpu.memory_space<vmem>> -> memref<128x128xf32, #tpu.memory_space<vmem>>
    %dma_wait3A_464 = arith.constant 0 : i32
    %dma_wait3A_465 = tpu.memref_slice %arg4[%mul3A_2, %dma_wait3A_464] : memref<204800x128xf32, #tpu.memory_space<hbm>> -> memref<128x128xf32, #tpu.memory_space<hbm>>
    %dma_wait3A_466 = arith.constant 0 : i32
    %dma_wait3A_467 = tpu.memref_slice %arg4[%mul3A_2, %dma_wait3A_466] : memref<204800x128xf32, #tpu.memory_space<hbm>> -> memref<128x128xf32, #tpu.memory_space<hbm>>
    %dma_wait3A_468 = arith.constant 0 : i32
    %dma_wait3A_469 = arith.constant 0 : i32
    %dma_wait3A_470 = tpu.memref_slice %arg7[%dma_wait3A_459, %dma_wait3A_468, %dma_wait3A_469] : memref<5x128x128xf32, #tpu.memory_space<vmem>> -> memref<1x128x128xf32, #tpu.memory_space<vmem>>
    %dma_wait3A_471 = tpu.memref_squeeze %dma_wait3A_470 : memref<1x128x128xf32, #tpu.memory_space<vmem>> -> memref<128x128xf32, #tpu.memory_space<vmem>>
    tpu.wait_dma2 semaphore(%arg14 : memref<!tpu.dma_semaphore, #tpu.memory_space<semaphore_mem>>) src(%dma_wait3A_471 : memref<128x128xf32, #tpu.memory_space<vmem>>) dst(%dma_wait3A_467 : memref<128x128xf32, #tpu.memory_space<hbm>>)
    %dma_start3A_472 = arith.constant 6 : i32
    %dma_start3A_473 = arith.constant 1 : i32
    %dma_start3A_474 = arith.constant 0 : i32
    %dma_start3A_475 = arith.constant 0 : i32
    %dma_start3A_476 = tpu.memref_slice %arg7[%dma_start3A_473, %dma_start3A_474, %dma_start3A_475] : memref<5x128x128xf32, #tpu.memory_space<vmem>> -> memref<1x128x128xf32, #tpu.memory_space<vmem>>
    %dma_start3A_477 = tpu.memref_squeeze %dma_start3A_476 : memref<1x128x128xf32, #tpu.memory_space<vmem>> -> memref<128x128xf32, #tpu.memory_space<vmem>>
    %dma_start3A_478 = arith.constant 0 : i32
    %dma_start3A_479 = tpu.memref_slice %arg6[%dma_start3A_472, %dma_start3A_478] : memref<50x128xi32, #tpu.memory_space<vmem>> -> memref<1x128xi32, #tpu.memory_space<vmem>>
    %dma_start3A_480 = tpu.memref_squeeze %dma_start3A_479 : memref<1x128xi32, #tpu.memory_space<vmem>> -> memref<128xi32, #tpu.memory_space<vmem>>
    %dma_start3A_481 = arith.constant 0 : i32
    %dma_start3A_482 = arith.constant 0 : i32
    %dma_start3A_483 = tpu.memref_slice %arg5[%arg0, %dma_start3A_481, %dma_start3A_482] : memref<2x10240x128xf32, #tpu.memory_space<hbm>> -> memref<1x10240x128xf32, #tpu.memory_space<hbm>>
    %dma_start3A_484 = tpu.memref_squeeze %dma_start3A_483 : memref<1x10240x128xf32, #tpu.memory_space<hbm>> -> memref<10240x128xf32, #tpu.memory_space<hbm>>
    %dma_start3A_485 = arith.constant 0 : i32
    %dma_start3A_486 = arith.constant 0 : i32
    %dma_start3A_487 = tpu.memref_slice %dma_start3A_484[%dma_start3A_485, %dma_start3A_486] : memref<10240x128xf32, #tpu.memory_space<hbm>> -> memref<10240x128xf32, #tpu.memory_space<hbm>>
    tpu.enqueue_indirect_dma source(%dma_start3A_487 : memref<10240x128xf32, #tpu.memory_space<hbm>>) target(%dma_start3A_477 : memref<128x128xf32, #tpu.memory_space<vmem>>) offsets(%dma_start3A_480 : memref<128xi32, #tpu.memory_space<vmem>>) semaphore(%arg9 : memref<!tpu.dma_semaphore, #tpu.memory_space<semaphore_mem>>)
    %dma_wait3A_488 = arith.constant 0 : i32
    %dma_wait3A_489 = arith.constant 4 : i32
    %dma_wait3A_490 = arith.constant 0 : i32
    %dma_wait3A_491 = arith.constant 0 : i32
    %dma_wait3A_492 = tpu.memref_slice %arg7[%dma_wait3A_489, %dma_wait3A_490, %dma_wait3A_491] : memref<5x128x128xf32, #tpu.memory_space<vmem>> -> memref<1x128x128xf32, #tpu.memory_space<vmem>>
    %dma_wait3A_493 = tpu.memref_squeeze %dma_wait3A_492 : memref<1x128x128xf32, #tpu.memory_space<vmem>> -> memref<128x128xf32, #tpu.memory_space<vmem>>
    %dma_wait3A_494 = arith.constant 0 : i32
    %dma_wait3A_495 = tpu.memref_slice %arg6[%dma_wait3A_488, %dma_wait3A_494] : memref<50x128xi32, #tpu.memory_space<vmem>> -> memref<1x128xi32, #tpu.memory_space<vmem>>
    %dma_wait3A_496 = tpu.memref_squeeze %dma_wait3A_495 : memref<1x128xi32, #tpu.memory_space<vmem>> -> memref<128xi32, #tpu.memory_space<vmem>>
    %dma_wait3A_497 = arith.constant 0 : i32
    %dma_wait3A_498 = arith.constant 0 : i32
    %dma_wait3A_499 = tpu.memref_slice %arg5[%arg0, %dma_wait3A_497, %dma_wait3A_498] : memref<2x10240x128xf32, #tpu.memory_space<hbm>> -> memref<1x10240x128xf32, #tpu.memory_space<hbm>>
    %dma_wait3A_500 = tpu.memref_squeeze %dma_wait3A_499 : memref<1x10240x128xf32, #tpu.memory_space<hbm>> -> memref<10240x128xf32, #tpu.memory_space<hbm>>
    %dma_wait3A_501 = arith.constant 0 : i32
    %dma_wait3A_502 = arith.constant 0 : i32
    %dma_wait3A_503 = tpu.memref_slice %dma_wait3A_500[%dma_wait3A_501, %dma_wait3A_502] : memref<10240x128xf32, #tpu.memory_space<hbm>> -> memref<10240x128xf32, #tpu.memory_space<hbm>>
    tpu.wait_indirect_dma semaphore(%arg12 : memref<!tpu.dma_semaphore, #tpu.memory_space<semaphore_mem>>) src(%dma_wait3A_503 : memref<10240x128xf32, #tpu.memory_space<hbm>>) dst(%dma_wait3A_493 : memref<128x128xf32, #tpu.memory_space<vmem>>)
    %add3A_504 = arith.constant 512 : i32
    %add3A_505 = arith.addi %mul3A_2, %add3A_504 : i32
    %dma_start3A_506 = arith.constant 4 : i32
    %dma_start3A_507 = arith.constant 0 : i32
    %dma_start3A_508 = arith.constant 0 : i32
    %dma_start3A_509 = tpu.memref_slice %arg7[%dma_start3A_506, %dma_start3A_507, %dma_start3A_508] : memref<5x128x128xf32, #tpu.memory_space<vmem>> -> memref<1x128x128xf32, #tpu.memory_space<vmem>>
    %dma_start3A_510 = tpu.memref_squeeze %dma_start3A_509 : memref<1x128x128xf32, #tpu.memory_space<vmem>> -> memref<128x128xf32, #tpu.memory_space<vmem>>
    %dma_start3A_511 = arith.constant 0 : i32
    %dma_start3A_512 = tpu.memref_slice %arg4[%add3A_505, %dma_start3A_511] : memref<204800x128xf32, #tpu.memory_space<hbm>> -> memref<128x128xf32, #tpu.memory_space<hbm>>
    %dma_start3A_513 = arith.constant 0 : i32
    %dma_start3A_514 = tpu.memref_slice %arg4[%add3A_505, %dma_start3A_513] : memref<204800x128xf32, #tpu.memory_space<hbm>> -> memref<128x128xf32, #tpu.memory_space<hbm>>
    %dma_start3A_515 = arith.constant 0 : i32
    %dma_start3A_516 = arith.constant 0 : i32
    %dma_start3A_517 = tpu.memref_slice %arg7[%dma_start3A_506, %dma_start3A_515, %dma_start3A_516] : memref<5x128x128xf32, #tpu.memory_space<vmem>> -> memref<1x128x128xf32, #tpu.memory_space<vmem>>
    %dma_start3A_518 = tpu.memref_squeeze %dma_start3A_517 : memref<1x128x128xf32, #tpu.memory_space<vmem>> -> memref<128x128xf32, #tpu.memory_space<vmem>>
    tpu.enqueue_dma source(%dma_start3A_518 : memref<128x128xf32, #tpu.memory_space<vmem>>) target(%dma_start3A_514 : memref<128x128xf32, #tpu.memory_space<hbm>>) target_semaphore(%arg17 : memref<!tpu.dma_semaphore, #tpu.memory_space<semaphore_mem>>)
    %dma_wait3A_519 = arith.constant 2 : i32
    %dma_wait3A_520 = arith.constant 0 : i32
    %dma_wait3A_521 = arith.constant 0 : i32
    %dma_wait3A_522 = tpu.memref_slice %arg7[%dma_wait3A_519, %dma_wait3A_520, %dma_wait3A_521] : memref<5x128x128xf32, #tpu.memory_space<vmem>> -> memref<1x128x128xf32, #tpu.memory_space<vmem>>
    %dma_wait3A_523 = tpu.memref_squeeze %dma_wait3A_522 : memref<1x128x128xf32, #tpu.memory_space<vmem>> -> memref<128x128xf32, #tpu.memory_space<vmem>>
    %dma_wait3A_524 = arith.constant 0 : i32
    %dma_wait3A_525 = tpu.memref_slice %arg4[%mul3A_2, %dma_wait3A_524] : memref<204800x128xf32, #tpu.memory_space<hbm>> -> memref<128x128xf32, #tpu.memory_space<hbm>>
    %dma_wait3A_526 = arith.constant 0 : i32
    %dma_wait3A_527 = tpu.memref_slice %arg4[%mul3A_2, %dma_wait3A_526] : memref<204800x128xf32, #tpu.memory_space<hbm>> -> memref<128x128xf32, #tpu.memory_space<hbm>>
    %dma_wait3A_528 = arith.constant 0 : i32
    %dma_wait3A_529 = arith.constant 0 : i32
    %dma_wait3A_530 = tpu.memref_slice %arg7[%dma_wait3A_519, %dma_wait3A_528, %dma_wait3A_529] : memref<5x128x128xf32, #tpu.memory_space<vmem>> -> memref<1x128x128xf32, #tpu.memory_space<vmem>>
    %dma_wait3A_531 = tpu.memref_squeeze %dma_wait3A_530 : memref<1x128x128xf32, #tpu.memory_space<vmem>> -> memref<128x128xf32, #tpu.memory_space<vmem>>
    tpu.wait_dma2 semaphore(%arg15 : memref<!tpu.dma_semaphore, #tpu.memory_space<semaphore_mem>>) src(%dma_wait3A_531 : memref<128x128xf32, #tpu.memory_space<vmem>>) dst(%dma_wait3A_527 : memref<128x128xf32, #tpu.memory_space<hbm>>)
    %dma_start3A_532 = arith.constant 7 : i32
    %dma_start3A_533 = arith.constant 2 : i32
    %dma_start3A_534 = arith.constant 0 : i32
    %dma_start3A_535 = arith.constant 0 : i32
    %dma_start3A_536 = tpu.memref_slice %arg7[%dma_start3A_533, %dma_start3A_534, %dma_start3A_535] : memref<5x128x128xf32, #tpu.memory_space<vmem>> -> memref<1x128x128xf32, #tpu.memory_space<vmem>>
    %dma_start3A_537 = tpu.memref_squeeze %dma_start3A_536 : memref<1x128x128xf32, #tpu.memory_space<vmem>> -> memref<128x128xf32, #tpu.memory_space<vmem>>
    %dma_start3A_538 = arith.constant 0 : i32
    %dma_start3A_539 = tpu.memref_slice %arg6[%dma_start3A_532, %dma_start3A_538] : memref<50x128xi32, #tpu.memory_space<vmem>> -> memref<1x128xi32, #tpu.memory_space<vmem>>
    %dma_start3A_540 = tpu.memref_squeeze %dma_start3A_539 : memref<1x128xi32, #tpu.memory_space<vmem>> -> memref<128xi32, #tpu.memory_space<vmem>>
    %dma_start3A_541 = arith.constant 0 : i32
    %dma_start3A_542 = arith.constant 0 : i32
    %dma_start3A_543 = tpu.memref_slice %arg5[%arg0, %dma_start3A_541, %dma_start3A_542] : memref<2x10240x128xf32, #tpu.memory_space<hbm>> -> memref<1x10240x128xf32, #tpu.memory_space<hbm>>
    %dma_start3A_544 = tpu.memref_squeeze %dma_start3A_543 : memref<1x10240x128xf32, #tpu.memory_space<hbm>> -> memref<10240x128xf32, #tpu.memory_space<hbm>>
    %dma_start3A_545 = arith.constant 0 : i32
    %dma_start3A_546 = arith.constant 0 : i32
    %dma_start3A_547 = tpu.memref_slice %dma_start3A_544[%dma_start3A_545, %dma_start3A_546] : memref<10240x128xf32, #tpu.memory_space<hbm>> -> memref<10240x128xf32, #tpu.memory_space<hbm>>
    tpu.enqueue_indirect_dma source(%dma_start3A_547 : memref<10240x128xf32, #tpu.memory_space<hbm>>) target(%dma_start3A_537 : memref<128x128xf32, #tpu.memory_space<vmem>>) offsets(%dma_start3A_540 : memref<128xi32, #tpu.memory_space<vmem>>) semaphore(%arg10 : memref<!tpu.dma_semaphore, #tpu.memory_space<semaphore_mem>>)
    %scan3A_548 = arith.constant 0 : i32
    %scan3A_549 = arith.constant 1 : i32
    %scan3A_550 = arith.constant 8 : i32
    %scan3A_551 = arith.addi %scan3A_549, %scan3A_550 : i32
    %scan3A_552 = arith.constant 1 : i32
    scf.for %scan3A_832 = %scan3A_549 to %scan3A_551 step %scan3A_552  : i32 {
      %mul3A_833 = arith.constant 5 : i32
      %mul3A_834 = arith.muli %scan3A_832, %mul3A_833 : i32
      %add3A_835 = arith.constant 0 : i32
      %add3A_836 = arith.addi %mul3A_834, %add3A_835 : i32
      %dma_wait3A_837 = arith.constant 0 : i32
      %dma_wait3A_838 = arith.constant 0 : i32
      %dma_wait3A_839 = arith.constant 0 : i32
      %dma_wait3A_840 = arith.constant 0 : i32
      %dma_wait3A_841 = tpu.memref_slice %arg7[%dma_wait3A_838, %dma_wait3A_839, %dma_wait3A_840] : memref<5x128x128xf32, #tpu.memory_space<vmem>> -> memref<1x128x128xf32, #tpu.memory_space<vmem>>
      %dma_wait3A_842 = tpu.memref_squeeze %dma_wait3A_841 : memref<1x128x128xf32, #tpu.memory_space<vmem>> -> memref<128x128xf32, #tpu.memory_space<vmem>>
      %dma_wait3A_843 = arith.constant 0 : i32
      %dma_wait3A_844 = tpu.memref_slice %arg6[%dma_wait3A_837, %dma_wait3A_843] : memref<50x128xi32, #tpu.memory_space<vmem>> -> memref<1x128xi32, #tpu.memory_space<vmem>>
      %dma_wait3A_845 = tpu.memref_squeeze %dma_wait3A_844 : memref<1x128xi32, #tpu.memory_space<vmem>> -> memref<128xi32, #tpu.memory_space<vmem>>
      %dma_wait3A_846 = arith.constant 0 : i32
      %dma_wait3A_847 = arith.constant 0 : i32
      %dma_wait3A_848 = tpu.memref_slice %arg5[%arg0, %dma_wait3A_846, %dma_wait3A_847] : memref<2x10240x128xf32, #tpu.memory_space<hbm>> -> memref<1x10240x128xf32, #tpu.memory_space<hbm>>
      %dma_wait3A_849 = tpu.memref_squeeze %dma_wait3A_848 : memref<1x10240x128xf32, #tpu.memory_space<hbm>> -> memref<10240x128xf32, #tpu.memory_space<hbm>>
      %dma_wait3A_850 = arith.constant 0 : i32
      %dma_wait3A_851 = arith.constant 0 : i32
      %dma_wait3A_852 = tpu.memref_slice %dma_wait3A_849[%dma_wait3A_850, %dma_wait3A_851] : memref<10240x128xf32, #tpu.memory_space<hbm>> -> memref<10240x128xf32, #tpu.memory_space<hbm>>
      tpu.wait_indirect_dma semaphore(%arg8 : memref<!tpu.dma_semaphore, #tpu.memory_space<semaphore_mem>>) src(%dma_wait3A_852 : memref<10240x128xf32, #tpu.memory_space<hbm>>) dst(%dma_wait3A_842 : memref<128x128xf32, #tpu.memory_space<vmem>>)
      %mul3A_853 = arith.constant 128 : i32
      %mul3A_854 = arith.muli %add3A_836, %mul3A_853 : i32
      %add3A_855 = arith.addi %mul3A_2, %mul3A_854 : i32
      %dma_start3A_856 = arith.constant 0 : i32
      %dma_start3A_857 = arith.constant 0 : i32
      %dma_start3A_858 = arith.constant 0 : i32
      %dma_start3A_859 = tpu.memref_slice %arg7[%dma_start3A_856, %dma_start3A_857, %dma_start3A_858] : memref<5x128x128xf32, #tpu.memory_space<vmem>> -> memref<1x128x128xf32, #tpu.memory_space<vmem>>
      %dma_start3A_860 = tpu.memref_squeeze %dma_start3A_859 : memref<1x128x128xf32, #tpu.memory_space<vmem>> -> memref<128x128xf32, #tpu.memory_space<vmem>>
      %dma_start3A_861 = arith.constant 0 : i32
      %dma_start3A_862 = tpu.memref_slice %arg4[%add3A_855, %dma_start3A_861] : memref<204800x128xf32, #tpu.memory_space<hbm>> -> memref<128x128xf32, #tpu.memory_space<hbm>>
      %dma_start3A_863 = arith.constant 0 : i32
      %dma_start3A_864 = tpu.memref_slice %arg4[%add3A_855, %dma_start3A_863] : memref<204800x128xf32, #tpu.memory_space<hbm>> -> memref<128x128xf32, #tpu.memory_space<hbm>>
      %dma_start3A_865 = arith.constant 0 : i32
      %dma_start3A_866 = arith.constant 0 : i32
      %dma_start3A_867 = tpu.memref_slice %arg7[%dma_start3A_856, %dma_start3A_865, %dma_start3A_866] : memref<5x128x128xf32, #tpu.memory_space<vmem>> -> memref<1x128x128xf32, #tpu.memory_space<vmem>>
      %dma_start3A_868 = tpu.memref_squeeze %dma_start3A_867 : memref<1x128x128xf32, #tpu.memory_space<vmem>> -> memref<128x128xf32, #tpu.memory_space<vmem>>
      tpu.enqueue_dma source(%dma_start3A_868 : memref<128x128xf32, #tpu.memory_space<vmem>>) target(%dma_start3A_864 : memref<128x128xf32, #tpu.memory_space<hbm>>) target_semaphore(%arg13 : memref<!tpu.dma_semaphore, #tpu.memory_space<semaphore_mem>>)
      %add3A_869 = arith.constant 3 : i32
      %add3A_870 = arith.addi %add3A_836, %add3A_869 : i32
      %dma_wait3A_871 = arith.constant 3 : i32
      %dma_wait3A_872 = arith.constant 0 : i32
      %dma_wait3A_873 = arith.constant 0 : i32
      %dma_wait3A_874 = tpu.memref_slice %arg7[%dma_wait3A_871, %dma_wait3A_872, %dma_wait3A_873] : memref<5x128x128xf32, #tpu.memory_space<vmem>> -> memref<1x128x128xf32, #tpu.memory_space<vmem>>
      %dma_wait3A_875 = tpu.memref_squeeze %dma_wait3A_874 : memref<1x128x128xf32, #tpu.memory_space<vmem>> -> memref<128x128xf32, #tpu.memory_space<vmem>>
      %dma_wait3A_876 = arith.constant 0 : i32
      %dma_wait3A_877 = tpu.memref_slice %arg4[%mul3A_2, %dma_wait3A_876] : memref<204800x128xf32, #tpu.memory_space<hbm>> -> memref<128x128xf32, #tpu.memory_space<hbm>>
      %dma_wait3A_878 = arith.constant 0 : i32
      %dma_wait3A_879 = tpu.memref_slice %arg4[%mul3A_2, %dma_wait3A_878] : memref<204800x128xf32, #tpu.memory_space<hbm>> -> memref<128x128xf32, #tpu.memory_space<hbm>>
      %dma_wait3A_880 = arith.constant 0 : i32
      %dma_wait3A_881 = arith.constant 0 : i32
      %dma_wait3A_882 = tpu.memref_slice %arg7[%dma_wait3A_871, %dma_wait3A_880, %dma_wait3A_881] : memref<5x128x128xf32, #tpu.memory_space<vmem>> -> memref<1x128x128xf32, #tpu.memory_space<vmem>>
      %dma_wait3A_883 = tpu.memref_squeeze %dma_wait3A_882 : memref<1x128x128xf32, #tpu.memory_space<vmem>> -> memref<128x128xf32, #tpu.memory_space<vmem>>
      tpu.wait_dma2 semaphore(%arg16 : memref<!tpu.dma_semaphore, #tpu.memory_space<semaphore_mem>>) src(%dma_wait3A_883 : memref<128x128xf32, #tpu.memory_space<vmem>>) dst(%dma_wait3A_879 : memref<128x128xf32, #tpu.memory_space<hbm>>)
      %dma_start3A_884 = arith.constant 3 : i32
      %dma_start3A_885 = arith.constant 0 : i32
      %dma_start3A_886 = arith.constant 0 : i32
      %dma_start3A_887 = tpu.memref_slice %arg7[%dma_start3A_884, %dma_start3A_885, %dma_start3A_886] : memref<5x128x128xf32, #tpu.memory_space<vmem>> -> memref<1x128x128xf32, #tpu.memory_space<vmem>>
      %dma_start3A_888 = tpu.memref_squeeze %dma_start3A_887 : memref<1x128x128xf32, #tpu.memory_space<vmem>> -> memref<128x128xf32, #tpu.memory_space<vmem>>
      %dma_start3A_889 = arith.constant 0 : i32
      %dma_start3A_890 = tpu.memref_slice %arg6[%add3A_870, %dma_start3A_889] : memref<50x128xi32, #tpu.memory_space<vmem>> -> memref<1x128xi32, #tpu.memory_space<vmem>>
      %dma_start3A_891 = tpu.memref_squeeze %dma_start3A_890 : memref<1x128xi32, #tpu.memory_space<vmem>> -> memref<128xi32, #tpu.memory_space<vmem>>
      %dma_start3A_892 = arith.constant 0 : i32
      %dma_start3A_893 = arith.constant 0 : i32
      %dma_start3A_894 = tpu.memref_slice %arg5[%arg0, %dma_start3A_892, %dma_start3A_893] : memref<2x10240x128xf32, #tpu.memory_space<hbm>> -> memref<1x10240x128xf32, #tpu.memory_space<hbm>>
      %dma_start3A_895 = tpu.memref_squeeze %dma_start3A_894 : memref<1x10240x128xf32, #tpu.memory_space<hbm>> -> memref<10240x128xf32, #tpu.memory_space<hbm>>
      %dma_start3A_896 = arith.constant 0 : i32
      %dma_start3A_897 = arith.constant 0 : i32
      %dma_start3A_898 = tpu.memref_slice %dma_start3A_895[%dma_start3A_896, %dma_start3A_897] : memref<10240x128xf32, #tpu.memory_space<hbm>> -> memref<10240x128xf32, #tpu.memory_space<hbm>>
      tpu.enqueue_indirect_dma source(%dma_start3A_898 : memref<10240x128xf32, #tpu.memory_space<hbm>>) target(%dma_start3A_888 : memref<128x128xf32, #tpu.memory_space<vmem>>) offsets(%dma_start3A_891 : memref<128xi32, #tpu.memory_space<vmem>>) semaphore(%arg11 : memref<!tpu.dma_semaphore, #tpu.memory_space<semaphore_mem>>)
      %add3A_899 = arith.constant 1 : i32
      %add3A_900 = arith.addi %mul3A_834, %add3A_899 : i32
      %dma_wait3A_901 = arith.constant 0 : i32
      %dma_wait3A_902 = arith.constant 1 : i32
      %dma_wait3A_903 = arith.constant 0 : i32
      %dma_wait3A_904 = arith.constant 0 : i32
      %dma_wait3A_905 = tpu.memref_slice %arg7[%dma_wait3A_902, %dma_wait3A_903, %dma_wait3A_904] : memref<5x128x128xf32, #tpu.memory_space<vmem>> -> memref<1x128x128xf32, #tpu.memory_space<vmem>>
      %dma_wait3A_906 = tpu.memref_squeeze %dma_wait3A_905 : memref<1x128x128xf32, #tpu.memory_space<vmem>> -> memref<128x128xf32, #tpu.memory_space<vmem>>
      %dma_wait3A_907 = arith.constant 0 : i32
      %dma_wait3A_908 = tpu.memref_slice %arg6[%dma_wait3A_901, %dma_wait3A_907] : memref<50x128xi32, #tpu.memory_space<vmem>> -> memref<1x128xi32, #tpu.memory_space<vmem>>
      %dma_wait3A_909 = tpu.memref_squeeze %dma_wait3A_908 : memref<1x128xi32, #tpu.memory_space<vmem>> -> memref<128xi32, #tpu.memory_space<vmem>>
      %dma_wait3A_910 = arith.constant 0 : i32
      %dma_wait3A_911 = arith.constant 0 : i32
      %dma_wait3A_912 = tpu.memref_slice %arg5[%arg0, %dma_wait3A_910, %dma_wait3A_911] : memref<2x10240x128xf32, #tpu.memory_space<hbm>> -> memref<1x10240x128xf32, #tpu.memory_space<hbm>>
      %dma_wait3A_913 = tpu.memref_squeeze %dma_wait3A_912 : memref<1x10240x128xf32, #tpu.memory_space<hbm>> -> memref<10240x128xf32, #tpu.memory_space<hbm>>
      %dma_wait3A_914 = arith.constant 0 : i32
      %dma_wait3A_915 = arith.constant 0 : i32
      %dma_wait3A_916 = tpu.memref_slice %dma_wait3A_913[%dma_wait3A_914, %dma_wait3A_915] : memref<10240x128xf32, #tpu.memory_space<hbm>> -> memref<10240x128xf32, #tpu.memory_space<hbm>>
      tpu.wait_indirect_dma semaphore(%arg9 : memref<!tpu.dma_semaphore, #tpu.memory_space<semaphore_mem>>) src(%dma_wait3A_916 : memref<10240x128xf32, #tpu.memory_space<hbm>>) dst(%dma_wait3A_906 : memref<128x128xf32, #tpu.memory_space<vmem>>)
      %mul3A_917 = arith.constant 128 : i32
      %mul3A_918 = arith.muli %add3A_900, %mul3A_917 : i32
      %add3A_919 = arith.addi %mul3A_2, %mul3A_918 : i32
      %dma_start3A_920 = arith.constant 1 : i32
      %dma_start3A_921 = arith.constant 0 : i32
      %dma_start3A_922 = arith.constant 0 : i32
      %dma_start3A_923 = tpu.memref_slice %arg7[%dma_start3A_920, %dma_start3A_921, %dma_start3A_922] : memref<5x128x128xf32, #tpu.memory_space<vmem>> -> memref<1x128x128xf32, #tpu.memory_space<vmem>>
      %dma_start3A_924 = tpu.memref_squeeze %dma_start3A_923 : memref<1x128x128xf32, #tpu.memory_space<vmem>> -> memref<128x128xf32, #tpu.memory_space<vmem>>
      %dma_start3A_925 = arith.constant 0 : i32
      %dma_start3A_926 = tpu.memref_slice %arg4[%add3A_919, %dma_start3A_925] : memref<204800x128xf32, #tpu.memory_space<hbm>> -> memref<128x128xf32, #tpu.memory_space<hbm>>
      %dma_start3A_927 = arith.constant 0 : i32
      %dma_start3A_928 = tpu.memref_slice %arg4[%add3A_919, %dma_start3A_927] : memref<204800x128xf32, #tpu.memory_space<hbm>> -> memref<128x128xf32, #tpu.memory_space<hbm>>
      %dma_start3A_929 = arith.constant 0 : i32
      %dma_start3A_930 = arith.constant 0 : i32
      %dma_start3A_931 = tpu.memref_slice %arg7[%dma_start3A_920, %dma_start3A_929, %dma_start3A_930] : memref<5x128x128xf32, #tpu.memory_space<vmem>> -> memref<1x128x128xf32, #tpu.memory_space<vmem>>
      %dma_start3A_932 = tpu.memref_squeeze %dma_start3A_931 : memref<1x128x128xf32, #tpu.memory_space<vmem>> -> memref<128x128xf32, #tpu.memory_space<vmem>>
      tpu.enqueue_dma source(%dma_start3A_932 : memref<128x128xf32, #tpu.memory_space<vmem>>) target(%dma_start3A_928 : memref<128x128xf32, #tpu.memory_space<hbm>>) target_semaphore(%arg14 : memref<!tpu.dma_semaphore, #tpu.memory_space<semaphore_mem>>)
      %add3A_933 = arith.constant 3 : i32
      %add3A_934 = arith.addi %add3A_900, %add3A_933 : i32
      %dma_wait3A_935 = arith.constant 4 : i32
      %dma_wait3A_936 = arith.constant 0 : i32
      %dma_wait3A_937 = arith.constant 0 : i32
      %dma_wait3A_938 = tpu.memref_slice %arg7[%dma_wait3A_935, %dma_wait3A_936, %dma_wait3A_937] : memref<5x128x128xf32, #tpu.memory_space<vmem>> -> memref<1x128x128xf32, #tpu.memory_space<vmem>>
      %dma_wait3A_939 = tpu.memref_squeeze %dma_wait3A_938 : memref<1x128x128xf32, #tpu.memory_space<vmem>> -> memref<128x128xf32, #tpu.memory_space<vmem>>
      %dma_wait3A_940 = arith.constant 0 : i32
      %dma_wait3A_941 = tpu.memref_slice %arg4[%mul3A_2, %dma_wait3A_940] : memref<204800x128xf32, #tpu.memory_space<hbm>> -> memref<128x128xf32, #tpu.memory_space<hbm>>
      %dma_wait3A_942 = arith.constant 0 : i32
      %dma_wait3A_943 = tpu.memref_slice %arg4[%mul3A_2, %dma_wait3A_942] : memref<204800x128xf32, #tpu.memory_space<hbm>> -> memref<128x128xf32, #tpu.memory_space<hbm>>
      %dma_wait3A_944 = arith.constant 0 : i32
      %dma_wait3A_945 = arith.constant 0 : i32
      %dma_wait3A_946 = tpu.memref_slice %arg7[%dma_wait3A_935, %dma_wait3A_944, %dma_wait3A_945] : memref<5x128x128xf32, #tpu.memory_space<vmem>> -> memref<1x128x128xf32, #tpu.memory_space<vmem>>
      %dma_wait3A_947 = tpu.memref_squeeze %dma_wait3A_946 : memref<1x128x128xf32, #tpu.memory_space<vmem>> -> memref<128x128xf32, #tpu.memory_space<vmem>>
      tpu.wait_dma2 semaphore(%arg17 : memref<!tpu.dma_semaphore, #tpu.memory_space<semaphore_mem>>) src(%dma_wait3A_947 : memref<128x128xf32, #tpu.memory_space<vmem>>) dst(%dma_wait3A_943 : memref<128x128xf32, #tpu.memory_space<hbm>>)
      %dma_start3A_948 = arith.constant 4 : i32
      %dma_start3A_949 = arith.constant 0 : i32
      %dma_start3A_950 = arith.constant 0 : i32
      %dma_start3A_951 = tpu.memref_slice %arg7[%dma_start3A_948, %dma_start3A_949, %dma_start3A_950] : memref<5x128x128xf32, #tpu.memory_space<vmem>> -> memref<1x128x128xf32, #tpu.memory_space<vmem>>
      %dma_start3A_952 = tpu.memref_squeeze %dma_start3A_951 : memref<1x128x128xf32, #tpu.memory_space<vmem>> -> memref<128x128xf32, #tpu.memory_space<vmem>>
      %dma_start3A_953 = arith.constant 0 : i32
      %dma_start3A_954 = tpu.memref_slice %arg6[%add3A_934, %dma_start3A_953] : memref<50x128xi32, #tpu.memory_space<vmem>> -> memref<1x128xi32, #tpu.memory_space<vmem>>
      %dma_start3A_955 = tpu.memref_squeeze %dma_start3A_954 : memref<1x128xi32, #tpu.memory_space<vmem>> -> memref<128xi32, #tpu.memory_space<vmem>>
      %dma_start3A_956 = arith.constant 0 : i32
      %dma_start3A_957 = arith.constant 0 : i32
      %dma_start3A_958 = tpu.memref_slice %arg5[%arg0, %dma_start3A_956, %dma_start3A_957] : memref<2x10240x128xf32, #tpu.memory_space<hbm>> -> memref<1x10240x128xf32, #tpu.memory_space<hbm>>
      %dma_start3A_959 = tpu.memref_squeeze %dma_start3A_958 : memref<1x10240x128xf32, #tpu.memory_space<hbm>> -> memref<10240x128xf32, #tpu.memory_space<hbm>>
      %dma_start3A_960 = arith.constant 0 : i32
      %dma_start3A_961 = arith.constant 0 : i32
      %dma_start3A_962 = tpu.memref_slice %dma_start3A_959[%dma_start3A_960, %dma_start3A_961] : memref<10240x128xf32, #tpu.memory_space<hbm>> -> memref<10240x128xf32, #tpu.memory_space<hbm>>
      tpu.enqueue_indirect_dma source(%dma_start3A_962 : memref<10240x128xf32, #tpu.memory_space<hbm>>) target(%dma_start3A_952 : memref<128x128xf32, #tpu.memory_space<vmem>>) offsets(%dma_start3A_955 : memref<128xi32, #tpu.memory_space<vmem>>) semaphore(%arg12 : memref<!tpu.dma_semaphore, #tpu.memory_space<semaphore_mem>>)
      %add3A_963 = arith.constant 2 : i32
      %add3A_964 = arith.addi %mul3A_834, %add3A_963 : i32
      %dma_wait3A_965 = arith.constant 0 : i32
      %dma_wait3A_966 = arith.constant 2 : i32
      %dma_wait3A_967 = arith.constant 0 : i32
      %dma_wait3A_968 = arith.constant 0 : i32
      %dma_wait3A_969 = tpu.memref_slice %arg7[%dma_wait3A_966, %dma_wait3A_967, %dma_wait3A_968] : memref<5x128x128xf32, #tpu.memory_space<vmem>> -> memref<1x128x128xf32, #tpu.memory_space<vmem>>
      %dma_wait3A_970 = tpu.memref_squeeze %dma_wait3A_969 : memref<1x128x128xf32, #tpu.memory_space<vmem>> -> memref<128x128xf32, #tpu.memory_space<vmem>>
      %dma_wait3A_971 = arith.constant 0 : i32
      %dma_wait3A_972 = tpu.memref_slice %arg6[%dma_wait3A_965, %dma_wait3A_971] : memref<50x128xi32, #tpu.memory_space<vmem>> -> memref<1x128xi32, #tpu.memory_space<vmem>>
      %dma_wait3A_973 = tpu.memref_squeeze %dma_wait3A_972 : memref<1x128xi32, #tpu.memory_space<vmem>> -> memref<128xi32, #tpu.memory_space<vmem>>
      %dma_wait3A_974 = arith.constant 0 : i32
      %dma_wait3A_975 = arith.constant 0 : i32
      %dma_wait3A_976 = tpu.memref_slice %arg5[%arg0, %dma_wait3A_974, %dma_wait3A_975] : memref<2x10240x128xf32, #tpu.memory_space<hbm>> -> memref<1x10240x128xf32, #tpu.memory_space<hbm>>
      %dma_wait3A_977 = tpu.memref_squeeze %dma_wait3A_976 : memref<1x10240x128xf32, #tpu.memory_space<hbm>> -> memref<10240x128xf32, #tpu.memory_space<hbm>>
      %dma_wait3A_978 = arith.constant 0 : i32
      %dma_wait3A_979 = arith.constant 0 : i32
      %dma_wait3A_980 = tpu.memref_slice %dma_wait3A_977[%dma_wait3A_978, %dma_wait3A_979] : memref<10240x128xf32, #tpu.memory_space<hbm>> -> memref<10240x128xf32, #tpu.memory_space<hbm>>
      tpu.wait_indirect_dma semaphore(%arg10 : memref<!tpu.dma_semaphore, #tpu.memory_space<semaphore_mem>>) src(%dma_wait3A_980 : memref<10240x128xf32, #tpu.memory_space<hbm>>) dst(%dma_wait3A_970 : memref<128x128xf32, #tpu.memory_space<vmem>>)
      %mul3A_981 = arith.constant 128 : i32
      %mul3A_982 = arith.muli %add3A_964, %mul3A_981 : i32
      %add3A_983 = arith.addi %mul3A_2, %mul3A_982 : i32
      %dma_start3A_984 = arith.constant 2 : i32
      %dma_start3A_985 = arith.constant 0 : i32
      %dma_start3A_986 = arith.constant 0 : i32
      %dma_start3A_987 = tpu.memref_slice %arg7[%dma_start3A_984, %dma_start3A_985, %dma_start3A_986] : memref<5x128x128xf32, #tpu.memory_space<vmem>> -> memref<1x128x128xf32, #tpu.memory_space<vmem>>
      %dma_start3A_988 = tpu.memref_squeeze %dma_start3A_987 : memref<1x128x128xf32, #tpu.memory_space<vmem>> -> memref<128x128xf32, #tpu.memory_space<vmem>>
      %dma_start3A_989 = arith.constant 0 : i32
      %dma_start3A_990 = tpu.memref_slice %arg4[%add3A_983, %dma_start3A_989] : memref<204800x128xf32, #tpu.memory_space<hbm>> -> memref<128x128xf32, #tpu.memory_space<hbm>>
      %dma_start3A_991 = arith.constant 0 : i32
      %dma_start3A_992 = tpu.memref_slice %arg4[%add3A_983, %dma_start3A_991] : memref<204800x128xf32, #tpu.memory_space<hbm>> -> memref<128x128xf32, #tpu.memory_space<hbm>>
      %dma_start3A_993 = arith.constant 0 : i32
      %dma_start3A_994 = arith.constant 0 : i32
      %dma_start3A_995 = tpu.memref_slice %arg7[%dma_start3A_984, %dma_start3A_993, %dma_start3A_994] : memref<5x128x128xf32, #tpu.memory_space<vmem>> -> memref<1x128x128xf32, #tpu.memory_space<vmem>>
      %dma_start3A_996 = tpu.memref_squeeze %dma_start3A_995 : memref<1x128x128xf32, #tpu.memory_space<vmem>> -> memref<128x128xf32, #tpu.memory_space<vmem>>
      tpu.enqueue_dma source(%dma_start3A_996 : memref<128x128xf32, #tpu.memory_space<vmem>>) target(%dma_start3A_992 : memref<128x128xf32, #tpu.memory_space<hbm>>) target_semaphore(%arg15 : memref<!tpu.dma_semaphore, #tpu.memory_space<semaphore_mem>>)
      %add3A_997 = arith.constant 3 : i32
      %add3A_998 = arith.addi %add3A_964, %add3A_997 : i32
      %dma_wait3A_999 = arith.constant 0 : i32
      %dma_wait3A_1000 = arith.constant 0 : i32
      %dma_wait3A_1001 = arith.constant 0 : i32
      %dma_wait3A_1002 = tpu.memref_slice %arg7[%dma_wait3A_999, %dma_wait3A_1000, %dma_wait3A_1001] : memref<5x128x128xf32, #tpu.memory_space<vmem>> -> memref<1x128x128xf32, #tpu.memory_space<vmem>>
      %dma_wait3A_1003 = tpu.memref_squeeze %dma_wait3A_1002 : memref<1x128x128xf32, #tpu.memory_space<vmem>> -> memref<128x128xf32, #tpu.memory_space<vmem>>
      %dma_wait3A_1004 = arith.constant 0 : i32
      %dma_wait3A_1005 = tpu.memref_slice %arg4[%mul3A_2, %dma_wait3A_1004] : memref<204800x128xf32, #tpu.memory_space<hbm>> -> memref<128x128xf32, #tpu.memory_space<hbm>>
      %dma_wait3A_1006 = arith.constant 0 : i32
      %dma_wait3A_1007 = tpu.memref_slice %arg4[%mul3A_2, %dma_wait3A_1006] : memref<204800x128xf32, #tpu.memory_space<hbm>> -> memref<128x128xf32, #tpu.memory_space<hbm>>
      %dma_wait3A_1008 = arith.constant 0 : i32
      %dma_wait3A_1009 = arith.constant 0 : i32
      %dma_wait3A_1010 = tpu.memref_slice %arg7[%dma_wait3A_999, %dma_wait3A_1008, %dma_wait3A_1009] : memref<5x128x128xf32, #tpu.memory_space<vmem>> -> memref<1x128x128xf32, #tpu.memory_space<vmem>>
      %dma_wait3A_1011 = tpu.memref_squeeze %dma_wait3A_1010 : memref<1x128x128xf32, #tpu.memory_space<vmem>> -> memref<128x128xf32, #tpu.memory_space<vmem>>
      tpu.wait_dma2 semaphore(%arg13 : memref<!tpu.dma_semaphore, #tpu.memory_space<semaphore_mem>>) src(%dma_wait3A_1011 : memref<128x128xf32, #tpu.memory_space<vmem>>) dst(%dma_wait3A_1007 : memref<128x128xf32, #tpu.memory_space<hbm>>)
      %dma_start3A_1012 = arith.constant 0 : i32
      %dma_start3A_1013 = arith.constant 0 : i32
      %dma_start3A_1014 = arith.constant 0 : i32
      %dma_start3A_1015 = tpu.memref_slice %arg7[%dma_start3A_1012, %dma_start3A_1013, %dma_start3A_1014] : memref<5x128x128xf32, #tpu.memory_space<vmem>> -> memref<1x128x128xf32, #tpu.memory_space<vmem>>
      %dma_start3A_1016 = tpu.memref_squeeze %dma_start3A_1015 : memref<1x128x128xf32, #tpu.memory_space<vmem>> -> memref<128x128xf32, #tpu.memory_space<vmem>>
      %dma_start3A_1017 = arith.constant 0 : i32
      %dma_start3A_1018 = tpu.memref_slice %arg6[%add3A_998, %dma_start3A_1017] : memref<50x128xi32, #tpu.memory_space<vmem>> -> memref<1x128xi32, #tpu.memory_space<vmem>>
      %dma_start3A_1019 = tpu.memref_squeeze %dma_start3A_1018 : memref<1x128xi32, #tpu.memory_space<vmem>> -> memref<128xi32, #tpu.memory_space<vmem>>
      %dma_start3A_1020 = arith.constant 0 : i32
      %dma_start3A_1021 = arith.constant 0 : i32
      %dma_start3A_1022 = tpu.memref_slice %arg5[%arg0, %dma_start3A_1020, %dma_start3A_1021] : memref<2x10240x128xf32, #tpu.memory_space<hbm>> -> memref<1x10240x128xf32, #tpu.memory_space<hbm>>
      %dma_start3A_1023 = tpu.memref_squeeze %dma_start3A_1022 : memref<1x10240x128xf32, #tpu.memory_space<hbm>> -> memref<10240x128xf32, #tpu.memory_space<hbm>>
      %dma_start3A_1024 = arith.constant 0 : i32
      %dma_start3A_1025 = arith.constant 0 : i32
      %dma_start3A_1026 = tpu.memref_slice %dma_start3A_1023[%dma_start3A_1024, %dma_start3A_1025] : memref<10240x128xf32, #tpu.memory_space<hbm>> -> memref<10240x128xf32, #tpu.memory_space<hbm>>
      tpu.enqueue_indirect_dma source(%dma_start3A_1026 : memref<10240x128xf32, #tpu.memory_space<hbm>>) target(%dma_start3A_1016 : memref<128x128xf32, #tpu.memory_space<vmem>>) offsets(%dma_start3A_1019 : memref<128xi32, #tpu.memory_space<vmem>>) semaphore(%arg8 : memref<!tpu.dma_semaphore, #tpu.memory_space<semaphore_mem>>)
      %add3A_1027 = arith.constant 3 : i32
      %add3A_1028 = arith.addi %mul3A_834, %add3A_1027 : i32
      %dma_wait3A_1029 = arith.constant 0 : i32
      %dma_wait3A_1030 = arith.constant 3 : i32
      %dma_wait3A_1031 = arith.constant 0 : i32
      %dma_wait3A_1032 = arith.constant 0 : i32
      %dma_wait3A_1033 = tpu.memref_slice %arg7[%dma_wait3A_1030, %dma_wait3A_1031, %dma_wait3A_1032] : memref<5x128x128xf32, #tpu.memory_space<vmem>> -> memref<1x128x128xf32, #tpu.memory_space<vmem>>
      %dma_wait3A_1034 = tpu.memref_squeeze %dma_wait3A_1033 : memref<1x128x128xf32, #tpu.memory_space<vmem>> -> memref<128x128xf32, #tpu.memory_space<vmem>>
      %dma_wait3A_1035 = arith.constant 0 : i32
      %dma_wait3A_1036 = tpu.memref_slice %arg6[%dma_wait3A_1029, %dma_wait3A_1035] : memref<50x128xi32, #tpu.memory_space<vmem>> -> memref<1x128xi32, #tpu.memory_space<vmem>>
      %dma_wait3A_1037 = tpu.memref_squeeze %dma_wait3A_1036 : memref<1x128xi32, #tpu.memory_space<vmem>> -> memref<128xi32, #tpu.memory_space<vmem>>
      %dma_wait3A_1038 = arith.constant 0 : i32
      %dma_wait3A_1039 = arith.constant 0 : i32
      %dma_wait3A_1040 = tpu.memref_slice %arg5[%arg0, %dma_wait3A_1038, %dma_wait3A_1039] : memref<2x10240x128xf32, #tpu.memory_space<hbm>> -> memref<1x10240x128xf32, #tpu.memory_space<hbm>>
      %dma_wait3A_1041 = tpu.memref_squeeze %dma_wait3A_1040 : memref<1x10240x128xf32, #tpu.memory_space<hbm>> -> memref<10240x128xf32, #tpu.memory_space<hbm>>
      %dma_wait3A_1042 = arith.constant 0 : i32
      %dma_wait3A_1043 = arith.constant 0 : i32
      %dma_wait3A_1044 = tpu.memref_slice %dma_wait3A_1041[%dma_wait3A_1042, %dma_wait3A_1043] : memref<10240x128xf32, #tpu.memory_space<hbm>> -> memref<10240x128xf32, #tpu.memory_space<hbm>>
      tpu.wait_indirect_dma semaphore(%arg11 : memref<!tpu.dma_semaphore, #tpu.memory_space<semaphore_mem>>) src(%dma_wait3A_1044 : memref<10240x128xf32, #tpu.memory_space<hbm>>) dst(%dma_wait3A_1034 : memref<128x128xf32, #tpu.memory_space<vmem>>)
      %mul3A_1045 = arith.constant 128 : i32
      %mul3A_1046 = arith.muli %add3A_1028, %mul3A_1045 : i32
      %add3A_1047 = arith.addi %mul3A_2, %mul3A_1046 : i32
      %dma_start3A_1048 = arith.constant 3 : i32
      %dma_start3A_1049 = arith.constant 0 : i32
      %dma_start3A_1050 = arith.constant 0 : i32
      %dma_start3A_1051 = tpu.memref_slice %arg7[%dma_start3A_1048, %dma_start3A_1049, %dma_start3A_1050] : memref<5x128x128xf32, #tpu.memory_space<vmem>> -> memref<1x128x128xf32, #tpu.memory_space<vmem>>
      %dma_start3A_1052 = tpu.memref_squeeze %dma_start3A_1051 : memref<1x128x128xf32, #tpu.memory_space<vmem>> -> memref<128x128xf32, #tpu.memory_space<vmem>>
      %dma_start3A_1053 = arith.constant 0 : i32
      %dma_start3A_1054 = tpu.memref_slice %arg4[%add3A_1047, %dma_start3A_1053] : memref<204800x128xf32, #tpu.memory_space<hbm>> -> memref<128x128xf32, #tpu.memory_space<hbm>>
      %dma_start3A_1055 = arith.constant 0 : i32
      %dma_start3A_1056 = tpu.memref_slice %arg4[%add3A_1047, %dma_start3A_1055] : memref<204800x128xf32, #tpu.memory_space<hbm>> -> memref<128x128xf32, #tpu.memory_space<hbm>>
      %dma_start3A_1057 = arith.constant 0 : i32
      %dma_start3A_1058 = arith.constant 0 : i32
      %dma_start3A_1059 = tpu.memref_slice %arg7[%dma_start3A_1048, %dma_start3A_1057, %dma_start3A_1058] : memref<5x128x128xf32, #tpu.memory_space<vmem>> -> memref<1x128x128xf32, #tpu.memory_space<vmem>>
      %dma_start3A_1060 = tpu.memref_squeeze %dma_start3A_1059 : memref<1x128x128xf32, #tpu.memory_space<vmem>> -> memref<128x128xf32, #tpu.memory_space<vmem>>
      tpu.enqueue_dma source(%dma_start3A_1060 : memref<128x128xf32, #tpu.memory_space<vmem>>) target(%dma_start3A_1056 : memref<128x128xf32, #tpu.memory_space<hbm>>) target_semaphore(%arg16 : memref<!tpu.dma_semaphore, #tpu.memory_space<semaphore_mem>>)
      %add3A_1061 = arith.constant 3 : i32
      %add3A_1062 = arith.addi %add3A_1028, %add3A_1061 : i32
      %dma_wait3A_1063 = arith.constant 1 : i32
      %dma_wait3A_1064 = arith.constant 0 : i32
      %dma_wait3A_1065 = arith.constant 0 : i32
      %dma_wait3A_1066 = tpu.memref_slice %arg7[%dma_wait3A_1063, %dma_wait3A_1064, %dma_wait3A_1065] : memref<5x128x128xf32, #tpu.memory_space<vmem>> -> memref<1x128x128xf32, #tpu.memory_space<vmem>>
      %dma_wait3A_1067 = tpu.memref_squeeze %dma_wait3A_1066 : memref<1x128x128xf32, #tpu.memory_space<vmem>> -> memref<128x128xf32, #tpu.memory_space<vmem>>
      %dma_wait3A_1068 = arith.constant 0 : i32
      %dma_wait3A_1069 = tpu.memref_slice %arg4[%mul3A_2, %dma_wait3A_1068] : memref<204800x128xf32, #tpu.memory_space<hbm>> -> memref<128x128xf32, #tpu.memory_space<hbm>>
      %dma_wait3A_1070 = arith.constant 0 : i32
      %dma_wait3A_1071 = tpu.memref_slice %arg4[%mul3A_2, %dma_wait3A_1070] : memref<204800x128xf32, #tpu.memory_space<hbm>> -> memref<128x128xf32, #tpu.memory_space<hbm>>
      %dma_wait3A_1072 = arith.constant 0 : i32
      %dma_wait3A_1073 = arith.constant 0 : i32
      %dma_wait3A_1074 = tpu.memref_slice %arg7[%dma_wait3A_1063, %dma_wait3A_1072, %dma_wait3A_1073] : memref<5x128x128xf32, #tpu.memory_space<vmem>> -> memref<1x128x128xf32, #tpu.memory_space<vmem>>
      %dma_wait3A_1075 = tpu.memref_squeeze %dma_wait3A_1074 : memref<1x128x128xf32, #tpu.memory_space<vmem>> -> memref<128x128xf32, #tpu.memory_space<vmem>>
      tpu.wait_dma2 semaphore(%arg14 : memref<!tpu.dma_semaphore, #tpu.memory_space<semaphore_mem>>) src(%dma_wait3A_1075 : memref<128x128xf32, #tpu.memory_space<vmem>>) dst(%dma_wait3A_1071 : memref<128x128xf32, #tpu.memory_space<hbm>>)
      %dma_start3A_1076 = arith.constant 1 : i32
      %dma_start3A_1077 = arith.constant 0 : i32
      %dma_start3A_1078 = arith.constant 0 : i32
      %dma_start3A_1079 = tpu.memref_slice %arg7[%dma_start3A_1076, %dma_start3A_1077, %dma_start3A_1078] : memref<5x128x128xf32, #tpu.memory_space<vmem>> -> memref<1x128x128xf32, #tpu.memory_space<vmem>>
      %dma_start3A_1080 = tpu.memref_squeeze %dma_start3A_1079 : memref<1x128x128xf32, #tpu.memory_space<vmem>> -> memref<128x128xf32, #tpu.memory_space<vmem>>
      %dma_start3A_1081 = arith.constant 0 : i32
      %dma_start3A_1082 = tpu.memref_slice %arg6[%add3A_1062, %dma_start3A_1081] : memref<50x128xi32, #tpu.memory_space<vmem>> -> memref<1x128xi32, #tpu.memory_space<vmem>>
      %dma_start3A_1083 = tpu.memref_squeeze %dma_start3A_1082 : memref<1x128xi32, #tpu.memory_space<vmem>> -> memref<128xi32, #tpu.memory_space<vmem>>
      %dma_start3A_1084 = arith.constant 0 : i32
      %dma_start3A_1085 = arith.constant 0 : i32
      %dma_start3A_1086 = tpu.memref_slice %arg5[%arg0, %dma_start3A_1084, %dma_start3A_1085] : memref<2x10240x128xf32, #tpu.memory_space<hbm>> -> memref<1x10240x128xf32, #tpu.memory_space<hbm>>
      %dma_start3A_1087 = tpu.memref_squeeze %dma_start3A_1086 : memref<1x10240x128xf32, #tpu.memory_space<hbm>> -> memref<10240x128xf32, #tpu.memory_space<hbm>>
      %dma_start3A_1088 = arith.constant 0 : i32
      %dma_start3A_1089 = arith.constant 0 : i32
      %dma_start3A_1090 = tpu.memref_slice %dma_start3A_1087[%dma_start3A_1088, %dma_start3A_1089] : memref<10240x128xf32, #tpu.memory_space<hbm>> -> memref<10240x128xf32, #tpu.memory_space<hbm>>
      tpu.enqueue_indirect_dma source(%dma_start3A_1090 : memref<10240x128xf32, #tpu.memory_space<hbm>>) target(%dma_start3A_1080 : memref<128x128xf32, #tpu.memory_space<vmem>>) offsets(%dma_start3A_1083 : memref<128xi32, #tpu.memory_space<vmem>>) semaphore(%arg9 : memref<!tpu.dma_semaphore, #tpu.memory_space<semaphore_mem>>)
      %add3A_1091 = arith.constant 4 : i32
      %add3A_1092 = arith.addi %mul3A_834, %add3A_1091 : i32
      %dma_wait3A_1093 = arith.constant 0 : i32
      %dma_wait3A_1094 = arith.constant 4 : i32
      %dma_wait3A_1095 = arith.constant 0 : i32
      %dma_wait3A_1096 = arith.constant 0 : i32
      %dma_wait3A_1097 = tpu.memref_slice %arg7[%dma_wait3A_1094, %dma_wait3A_1095, %dma_wait3A_1096] : memref<5x128x128xf32, #tpu.memory_space<vmem>> -> memref<1x128x128xf32, #tpu.memory_space<vmem>>
      %dma_wait3A_1098 = tpu.memref_squeeze %dma_wait3A_1097 : memref<1x128x128xf32, #tpu.memory_space<vmem>> -> memref<128x128xf32, #tpu.memory_space<vmem>>
      %dma_wait3A_1099 = arith.constant 0 : i32
      %dma_wait3A_1100 = tpu.memref_slice %arg6[%dma_wait3A_1093, %dma_wait3A_1099] : memref<50x128xi32, #tpu.memory_space<vmem>> -> memref<1x128xi32, #tpu.memory_space<vmem>>
      %dma_wait3A_1101 = tpu.memref_squeeze %dma_wait3A_1100 : memref<1x128xi32, #tpu.memory_space<vmem>> -> memref<128xi32, #tpu.memory_space<vmem>>
      %dma_wait3A_1102 = arith.constant 0 : i32
      %dma_wait3A_1103 = arith.constant 0 : i32
      %dma_wait3A_1104 = tpu.memref_slice %arg5[%arg0, %dma_wait3A_1102, %dma_wait3A_1103] : memref<2x10240x128xf32, #tpu.memory_space<hbm>> -> memref<1x10240x128xf32, #tpu.memory_space<hbm>>
      %dma_wait3A_1105 = tpu.memref_squeeze %dma_wait3A_1104 : memref<1x10240x128xf32, #tpu.memory_space<hbm>> -> memref<10240x128xf32, #tpu.memory_space<hbm>>
      %dma_wait3A_1106 = arith.constant 0 : i32
      %dma_wait3A_1107 = arith.constant 0 : i32
      %dma_wait3A_1108 = tpu.memref_slice %dma_wait3A_1105[%dma_wait3A_1106, %dma_wait3A_1107] : memref<10240x128xf32, #tpu.memory_space<hbm>> -> memref<10240x128xf32, #tpu.memory_space<hbm>>
      tpu.wait_indirect_dma semaphore(%arg12 : memref<!tpu.dma_semaphore, #tpu.memory_space<semaphore_mem>>) src(%dma_wait3A_1108 : memref<10240x128xf32, #tpu.memory_space<hbm>>) dst(%dma_wait3A_1098 : memref<128x128xf32, #tpu.memory_space<vmem>>)
      %mul3A_1109 = arith.constant 128 : i32
      %mul3A_1110 = arith.muli %add3A_1092, %mul3A_1109 : i32
      %add3A_1111 = arith.addi %mul3A_2, %mul3A_1110 : i32
      %dma_start3A_1112 = arith.constant 4 : i32
      %dma_start3A_1113 = arith.constant 0 : i32
      %dma_start3A_1114 = arith.constant 0 : i32
      %dma_start3A_1115 = tpu.memref_slice %arg7[%dma_start3A_1112, %dma_start3A_1113, %dma_start3A_1114] : memref<5x128x128xf32, #tpu.memory_space<vmem>> -> memref<1x128x128xf32, #tpu.memory_space<vmem>>
      %dma_start3A_1116 = tpu.memref_squeeze %dma_start3A_1115 : memref<1x128x128xf32, #tpu.memory_space<vmem>> -> memref<128x128xf32, #tpu.memory_space<vmem>>
      %dma_start3A_1117 = arith.constant 0 : i32
      %dma_start3A_1118 = tpu.memref_slice %arg4[%add3A_1111, %dma_start3A_1117] : memref<204800x128xf32, #tpu.memory_space<hbm>> -> memref<128x128xf32, #tpu.memory_space<hbm>>
      %dma_start3A_1119 = arith.constant 0 : i32
      %dma_start3A_1120 = tpu.memref_slice %arg4[%add3A_1111, %dma_start3A_1119] : memref<204800x128xf32, #tpu.memory_space<hbm>> -> memref<128x128xf32, #tpu.memory_space<hbm>>
      %dma_start3A_1121 = arith.constant 0 : i32
      %dma_start3A_1122 = arith.constant 0 : i32
      %dma_start3A_1123 = tpu.memref_slice %arg7[%dma_start3A_1112, %dma_start3A_1121, %dma_start3A_1122] : memref<5x128x128xf32, #tpu.memory_space<vmem>> -> memref<1x128x128xf32, #tpu.memory_space<vmem>>
      %dma_start3A_1124 = tpu.memref_squeeze %dma_start3A_1123 : memref<1x128x128xf32, #tpu.memory_space<vmem>> -> memref<128x128xf32, #tpu.memory_space<vmem>>
      tpu.enqueue_dma source(%dma_start3A_1124 : memref<128x128xf32, #tpu.memory_space<vmem>>) target(%dma_start3A_1120 : memref<128x128xf32, #tpu.memory_space<hbm>>) target_semaphore(%arg17 : memref<!tpu.dma_semaphore, #tpu.memory_space<semaphore_mem>>)
      %add3A_1125 = arith.constant 3 : i32
      %add3A_1126 = arith.addi %add3A_1092, %add3A_1125 : i32
      %dma_wait3A_1127 = arith.constant 2 : i32
      %dma_wait3A_1128 = arith.constant 0 : i32
      %dma_wait3A_1129 = arith.constant 0 : i32
      %dma_wait3A_1130 = tpu.memref_slice %arg7[%dma_wait3A_1127, %dma_wait3A_1128, %dma_wait3A_1129] : memref<5x128x128xf32, #tpu.memory_space<vmem>> -> memref<1x128x128xf32, #tpu.memory_space<vmem>>
      %dma_wait3A_1131 = tpu.memref_squeeze %dma_wait3A_1130 : memref<1x128x128xf32, #tpu.memory_space<vmem>> -> memref<128x128xf32, #tpu.memory_space<vmem>>
      %dma_wait3A_1132 = arith.constant 0 : i32
      %dma_wait3A_1133 = tpu.memref_slice %arg4[%mul3A_2, %dma_wait3A_1132] : memref<204800x128xf32, #tpu.memory_space<hbm>> -> memref<128x128xf32, #tpu.memory_space<hbm>>
      %dma_wait3A_1134 = arith.constant 0 : i32
      %dma_wait3A_1135 = tpu.memref_slice %arg4[%mul3A_2, %dma_wait3A_1134] : memref<204800x128xf32, #tpu.memory_space<hbm>> -> memref<128x128xf32, #tpu.memory_space<hbm>>
      %dma_wait3A_1136 = arith.constant 0 : i32
      %dma_wait3A_1137 = arith.constant 0 : i32
      %dma_wait3A_1138 = tpu.memref_slice %arg7[%dma_wait3A_1127, %dma_wait3A_1136, %dma_wait3A_1137] : memref<5x128x128xf32, #tpu.memory_space<vmem>> -> memref<1x128x128xf32, #tpu.memory_space<vmem>>
      %dma_wait3A_1139 = tpu.memref_squeeze %dma_wait3A_1138 : memref<1x128x128xf32, #tpu.memory_space<vmem>> -> memref<128x128xf32, #tpu.memory_space<vmem>>
      tpu.wait_dma2 semaphore(%arg15 : memref<!tpu.dma_semaphore, #tpu.memory_space<semaphore_mem>>) src(%dma_wait3A_1139 : memref<128x128xf32, #tpu.memory_space<vmem>>) dst(%dma_wait3A_1135 : memref<128x128xf32, #tpu.memory_space<hbm>>)
      %dma_start3A_1140 = arith.constant 2 : i32
      %dma_start3A_1141 = arith.constant 0 : i32
      %dma_start3A_1142 = arith.constant 0 : i32
      %dma_start3A_1143 = tpu.memref_slice %arg7[%dma_start3A_1140, %dma_start3A_1141, %dma_start3A_1142] : memref<5x128x128xf32, #tpu.memory_space<vmem>> -> memref<1x128x128xf32, #tpu.memory_space<vmem>>
      %dma_start3A_1144 = tpu.memref_squeeze %dma_start3A_1143 : memref<1x128x128xf32, #tpu.memory_space<vmem>> -> memref<128x128xf32, #tpu.memory_space<vmem>>
      %dma_start3A_1145 = arith.constant 0 : i32
      %dma_start3A_1146 = tpu.memref_slice %arg6[%add3A_1126, %dma_start3A_1145] : memref<50x128xi32, #tpu.memory_space<vmem>> -> memref<1x128xi32, #tpu.memory_space<vmem>>
      %dma_start3A_1147 = tpu.memref_squeeze %dma_start3A_1146 : memref<1x128xi32, #tpu.memory_space<vmem>> -> memref<128xi32, #tpu.memory_space<vmem>>
      %dma_start3A_1148 = arith.constant 0 : i32
      %dma_start3A_1149 = arith.constant 0 : i32
      %dma_start3A_1150 = tpu.memref_slice %arg5[%arg0, %dma_start3A_1148, %dma_start3A_1149] : memref<2x10240x128xf32, #tpu.memory_space<hbm>> -> memref<1x10240x128xf32, #tpu.memory_space<hbm>>
      %dma_start3A_1151 = tpu.memref_squeeze %dma_start3A_1150 : memref<1x10240x128xf32, #tpu.memory_space<hbm>> -> memref<10240x128xf32, #tpu.memory_space<hbm>>
      %dma_start3A_1152 = arith.constant 0 : i32
      %dma_start3A_1153 = arith.constant 0 : i32
      %dma_start3A_1154 = tpu.memref_slice %dma_start3A_1151[%dma_start3A_1152, %dma_start3A_1153] : memref<10240x128xf32, #tpu.memory_space<hbm>> -> memref<10240x128xf32, #tpu.memory_space<hbm>>
      tpu.enqueue_indirect_dma source(%dma_start3A_1154 : memref<10240x128xf32, #tpu.memory_space<hbm>>) target(%dma_start3A_1144 : memref<128x128xf32, #tpu.memory_space<vmem>>) offsets(%dma_start3A_1147 : memref<128xi32, #tpu.memory_space<vmem>>) semaphore(%arg10 : memref<!tpu.dma_semaphore, #tpu.memory_space<semaphore_mem>>)
    }
    %scan3A_553 = arith.constant 8 : i32
    %dma_wait3A_554 = arith.constant 0 : i32
    %dma_wait3A_555 = arith.constant 0 : i32
    %dma_wait3A_556 = arith.constant 0 : i32
    %dma_wait3A_557 = arith.constant 0 : i32
    %dma_wait3A_558 = tpu.memref_slice %arg7[%dma_wait3A_555, %dma_wait3A_556, %dma_wait3A_557] : memref<5x128x128xf32, #tpu.memory_space<vmem>> -> memref<1x128x128xf32, #tpu.memory_space<vmem>>
    %dma_wait3A_559 = tpu.memref_squeeze %dma_wait3A_558 : memref<1x128x128xf32, #tpu.memory_space<vmem>> -> memref<128x128xf32, #tpu.memory_space<vmem>>
    %dma_wait3A_560 = arith.constant 0 : i32
    %dma_wait3A_561 = tpu.memref_slice %arg6[%dma_wait3A_554, %dma_wait3A_560] : memref<50x128xi32, #tpu.memory_space<vmem>> -> memref<1x128xi32, #tpu.memory_space<vmem>>
    %dma_wait3A_562 = tpu.memref_squeeze %dma_wait3A_561 : memref<1x128xi32, #tpu.memory_space<vmem>> -> memref<128xi32, #tpu.memory_space<vmem>>
    %dma_wait3A_563 = arith.constant 0 : i32
    %dma_wait3A_564 = arith.constant 0 : i32
    %dma_wait3A_565 = tpu.memref_slice %arg5[%arg0, %dma_wait3A_563, %dma_wait3A_564] : memref<2x10240x128xf32, #tpu.memory_space<hbm>> -> memref<1x10240x128xf32, #tpu.memory_space<hbm>>
    %dma_wait3A_566 = tpu.memref_squeeze %dma_wait3A_565 : memref<1x10240x128xf32, #tpu.memory_space<hbm>> -> memref<10240x128xf32, #tpu.memory_space<hbm>>
    %dma_wait3A_567 = arith.constant 0 : i32
    %dma_wait3A_568 = arith.constant 0 : i32
    %dma_wait3A_569 = tpu.memref_slice %dma_wait3A_566[%dma_wait3A_567, %dma_wait3A_568] : memref<10240x128xf32, #tpu.memory_space<hbm>> -> memref<10240x128xf32, #tpu.memory_space<hbm>>
    tpu.wait_indirect_dma semaphore(%arg8 : memref<!tpu.dma_semaphore, #tpu.memory_space<semaphore_mem>>) src(%dma_wait3A_569 : memref<10240x128xf32, #tpu.memory_space<hbm>>) dst(%dma_wait3A_559 : memref<128x128xf32, #tpu.memory_space<vmem>>)
    %add3A_570 = arith.constant 5760 : i32
    %add3A_571 = arith.addi %mul3A_2, %add3A_570 : i32
    %dma_start3A_572 = arith.constant 0 : i32
    %dma_start3A_573 = arith.constant 0 : i32
    %dma_start3A_574 = arith.constant 0 : i32
    %dma_start3A_575 = tpu.memref_slice %arg7[%dma_start3A_572, %dma_start3A_573, %dma_start3A_574] : memref<5x128x128xf32, #tpu.memory_space<vmem>> -> memref<1x128x128xf32, #tpu.memory_space<vmem>>
    %dma_start3A_576 = tpu.memref_squeeze %dma_start3A_575 : memref<1x128x128xf32, #tpu.memory_space<vmem>> -> memref<128x128xf32, #tpu.memory_space<vmem>>
    %dma_start3A_577 = arith.constant 0 : i32
    %dma_start3A_578 = tpu.memref_slice %arg4[%add3A_571, %dma_start3A_577] : memref<204800x128xf32, #tpu.memory_space<hbm>> -> memref<128x128xf32, #tpu.memory_space<hbm>>
    %dma_start3A_579 = arith.constant 0 : i32
    %dma_start3A_580 = tpu.memref_slice %arg4[%add3A_571, %dma_start3A_579] : memref<204800x128xf32, #tpu.memory_space<hbm>> -> memref<128x128xf32, #tpu.memory_space<hbm>>
    %dma_start3A_581 = arith.constant 0 : i32
    %dma_start3A_582 = arith.constant 0 : i32
    %dma_start3A_583 = tpu.memref_slice %arg7[%dma_start3A_572, %dma_start3A_581, %dma_start3A_582] : memref<5x128x128xf32, #tpu.memory_space<vmem>> -> memref<1x128x128xf32, #tpu.memory_space<vmem>>
    %dma_start3A_584 = tpu.memref_squeeze %dma_start3A_583 : memref<1x128x128xf32, #tpu.memory_space<vmem>> -> memref<128x128xf32, #tpu.memory_space<vmem>>
    tpu.enqueue_dma source(%dma_start3A_584 : memref<128x128xf32, #tpu.memory_space<vmem>>) target(%dma_start3A_580 : memref<128x128xf32, #tpu.memory_space<hbm>>) target_semaphore(%arg13 : memref<!tpu.dma_semaphore, #tpu.memory_space<semaphore_mem>>)
    %dma_wait3A_585 = arith.constant 3 : i32
    %dma_wait3A_586 = arith.constant 0 : i32
    %dma_wait3A_587 = arith.constant 0 : i32
    %dma_wait3A_588 = tpu.memref_slice %arg7[%dma_wait3A_585, %dma_wait3A_586, %dma_wait3A_587] : memref<5x128x128xf32, #tpu.memory_space<vmem>> -> memref<1x128x128xf32, #tpu.memory_space<vmem>>
    %dma_wait3A_589 = tpu.memref_squeeze %dma_wait3A_588 : memref<1x128x128xf32, #tpu.memory_space<vmem>> -> memref<128x128xf32, #tpu.memory_space<vmem>>
    %dma_wait3A_590 = arith.constant 0 : i32
    %dma_wait3A_591 = tpu.memref_slice %arg4[%mul3A_2, %dma_wait3A_590] : memref<204800x128xf32, #tpu.memory_space<hbm>> -> memref<128x128xf32, #tpu.memory_space<hbm>>
    %dma_wait3A_592 = arith.constant 0 : i32
    %dma_wait3A_593 = tpu.memref_slice %arg4[%mul3A_2, %dma_wait3A_592] : memref<204800x128xf32, #tpu.memory_space<hbm>> -> memref<128x128xf32, #tpu.memory_space<hbm>>
    %dma_wait3A_594 = arith.constant 0 : i32
    %dma_wait3A_595 = arith.constant 0 : i32
    %dma_wait3A_596 = tpu.memref_slice %arg7[%dma_wait3A_585, %dma_wait3A_594, %dma_wait3A_595] : memref<5x128x128xf32, #tpu.memory_space<vmem>> -> memref<1x128x128xf32, #tpu.memory_space<vmem>>
    %dma_wait3A_597 = tpu.memref_squeeze %dma_wait3A_596 : memref<1x128x128xf32, #tpu.memory_space<vmem>> -> memref<128x128xf32, #tpu.memory_space<vmem>>
    tpu.wait_dma2 semaphore(%arg16 : memref<!tpu.dma_semaphore, #tpu.memory_space<semaphore_mem>>) src(%dma_wait3A_597 : memref<128x128xf32, #tpu.memory_space<vmem>>) dst(%dma_wait3A_593 : memref<128x128xf32, #tpu.memory_space<hbm>>)
    %dma_start3A_598 = arith.constant 48 : i32
    %dma_start3A_599 = arith.constant 3 : i32
    %dma_start3A_600 = arith.constant 0 : i32
    %dma_start3A_601 = arith.constant 0 : i32
    %dma_start3A_602 = tpu.memref_slice %arg7[%dma_start3A_599, %dma_start3A_600, %dma_start3A_601] : memref<5x128x128xf32, #tpu.memory_space<vmem>> -> memref<1x128x128xf32, #tpu.memory_space<vmem>>
    %dma_start3A_603 = tpu.memref_squeeze %dma_start3A_602 : memref<1x128x128xf32, #tpu.memory_space<vmem>> -> memref<128x128xf32, #tpu.memory_space<vmem>>
    %dma_start3A_604 = arith.constant 0 : i32
    %dma_start3A_605 = tpu.memref_slice %arg6[%dma_start3A_598, %dma_start3A_604] : memref<50x128xi32, #tpu.memory_space<vmem>> -> memref<1x128xi32, #tpu.memory_space<vmem>>
    %dma_start3A_606 = tpu.memref_squeeze %dma_start3A_605 : memref<1x128xi32, #tpu.memory_space<vmem>> -> memref<128xi32, #tpu.memory_space<vmem>>
    %dma_start3A_607 = arith.constant 0 : i32
    %dma_start3A_608 = arith.constant 0 : i32
    %dma_start3A_609 = tpu.memref_slice %arg5[%arg0, %dma_start3A_607, %dma_start3A_608] : memref<2x10240x128xf32, #tpu.memory_space<hbm>> -> memref<1x10240x128xf32, #tpu.memory_space<hbm>>
    %dma_start3A_610 = tpu.memref_squeeze %dma_start3A_609 : memref<1x10240x128xf32, #tpu.memory_space<hbm>> -> memref<10240x128xf32, #tpu.memory_space<hbm>>
    %dma_start3A_611 = arith.constant 0 : i32
    %dma_start3A_612 = arith.constant 0 : i32
    %dma_start3A_613 = tpu.memref_slice %dma_start3A_610[%dma_start3A_611, %dma_start3A_612] : memref<10240x128xf32, #tpu.memory_space<hbm>> -> memref<10240x128xf32, #tpu.memory_space<hbm>>
    tpu.enqueue_indirect_dma source(%dma_start3A_613 : memref<10240x128xf32, #tpu.memory_space<hbm>>) target(%dma_start3A_603 : memref<128x128xf32, #tpu.memory_space<vmem>>) offsets(%dma_start3A_606 : memref<128xi32, #tpu.memory_space<vmem>>) semaphore(%arg11 : memref<!tpu.dma_semaphore, #tpu.memory_space<semaphore_mem>>)
    %dma_wait3A_614 = arith.constant 0 : i32
    %dma_wait3A_615 = arith.constant 1 : i32
    %dma_wait3A_616 = arith.constant 0 : i32
    %dma_wait3A_617 = arith.constant 0 : i32
    %dma_wait3A_618 = tpu.memref_slice %arg7[%dma_wait3A_615, %dma_wait3A_616, %dma_wait3A_617] : memref<5x128x128xf32, #tpu.memory_space<vmem>> -> memref<1x128x128xf32, #tpu.memory_space<vmem>>
    %dma_wait3A_619 = tpu.memref_squeeze %dma_wait3A_618 : memref<1x128x128xf32, #tpu.memory_space<vmem>> -> memref<128x128xf32, #tpu.memory_space<vmem>>
    %dma_wait3A_620 = arith.constant 0 : i32
    %dma_wait3A_621 = tpu.memref_slice %arg6[%dma_wait3A_614, %dma_wait3A_620] : memref<50x128xi32, #tpu.memory_space<vmem>> -> memref<1x128xi32, #tpu.memory_space<vmem>>
    %dma_wait3A_622 = tpu.memref_squeeze %dma_wait3A_621 : memref<1x128xi32, #tpu.memory_space<vmem>> -> memref<128xi32, #tpu.memory_space<vmem>>
    %dma_wait3A_623 = arith.constant 0 : i32
    %dma_wait3A_624 = arith.constant 0 : i32
    %dma_wait3A_625 = tpu.memref_slice %arg5[%arg0, %dma_wait3A_623, %dma_wait3A_624] : memref<2x10240x128xf32, #tpu.memory_space<hbm>> -> memref<1x10240x128xf32, #tpu.memory_space<hbm>>
    %dma_wait3A_626 = tpu.memref_squeeze %dma_wait3A_625 : memref<1x10240x128xf32, #tpu.memory_space<hbm>> -> memref<10240x128xf32, #tpu.memory_space<hbm>>
    %dma_wait3A_627 = arith.constant 0 : i32
    %dma_wait3A_628 = arith.constant 0 : i32
    %dma_wait3A_629 = tpu.memref_slice %dma_wait3A_626[%dma_wait3A_627, %dma_wait3A_628] : memref<10240x128xf32, #tpu.memory_space<hbm>> -> memref<10240x128xf32, #tpu.memory_space<hbm>>
    tpu.wait_indirect_dma semaphore(%arg9 : memref<!tpu.dma_semaphore, #tpu.memory_space<semaphore_mem>>) src(%dma_wait3A_629 : memref<10240x128xf32, #tpu.memory_space<hbm>>) dst(%dma_wait3A_619 : memref<128x128xf32, #tpu.memory_space<vmem>>)
    %add3A_630 = arith.constant 5888 : i32
    %add3A_631 = arith.addi %mul3A_2, %add3A_630 : i32
    %dma_start3A_632 = arith.constant 1 : i32
    %dma_start3A_633 = arith.constant 0 : i32
    %dma_start3A_634 = arith.constant 0 : i32
    %dma_start3A_635 = tpu.memref_slice %arg7[%dma_start3A_632, %dma_start3A_633, %dma_start3A_634] : memref<5x128x128xf32, #tpu.memory_space<vmem>> -> memref<1x128x128xf32, #tpu.memory_space<vmem>>
    %dma_start3A_636 = tpu.memref_squeeze %dma_start3A_635 : memref<1x128x128xf32, #tpu.memory_space<vmem>> -> memref<128x128xf32, #tpu.memory_space<vmem>>
    %dma_start3A_637 = arith.constant 0 : i32
    %dma_start3A_638 = tpu.memref_slice %arg4[%add3A_631, %dma_start3A_637] : memref<204800x128xf32, #tpu.memory_space<hbm>> -> memref<128x128xf32, #tpu.memory_space<hbm>>
    %dma_start3A_639 = arith.constant 0 : i32
    %dma_start3A_640 = tpu.memref_slice %arg4[%add3A_631, %dma_start3A_639] : memref<204800x128xf32, #tpu.memory_space<hbm>> -> memref<128x128xf32, #tpu.memory_space<hbm>>
    %dma_start3A_641 = arith.constant 0 : i32
    %dma_start3A_642 = arith.constant 0 : i32
    %dma_start3A_643 = tpu.memref_slice %arg7[%dma_start3A_632, %dma_start3A_641, %dma_start3A_642] : memref<5x128x128xf32, #tpu.memory_space<vmem>> -> memref<1x128x128xf32, #tpu.memory_space<vmem>>
    %dma_start3A_644 = tpu.memref_squeeze %dma_start3A_643 : memref<1x128x128xf32, #tpu.memory_space<vmem>> -> memref<128x128xf32, #tpu.memory_space<vmem>>
    tpu.enqueue_dma source(%dma_start3A_644 : memref<128x128xf32, #tpu.memory_space<vmem>>) target(%dma_start3A_640 : memref<128x128xf32, #tpu.memory_space<hbm>>) target_semaphore(%arg14 : memref<!tpu.dma_semaphore, #tpu.memory_space<semaphore_mem>>)
    %dma_wait3A_645 = arith.constant 4 : i32
    %dma_wait3A_646 = arith.constant 0 : i32
    %dma_wait3A_647 = arith.constant 0 : i32
    %dma_wait3A_648 = tpu.memref_slice %arg7[%dma_wait3A_645, %dma_wait3A_646, %dma_wait3A_647] : memref<5x128x128xf32, #tpu.memory_space<vmem>> -> memref<1x128x128xf32, #tpu.memory_space<vmem>>
    %dma_wait3A_649 = tpu.memref_squeeze %dma_wait3A_648 : memref<1x128x128xf32, #tpu.memory_space<vmem>> -> memref<128x128xf32, #tpu.memory_space<vmem>>
    %dma_wait3A_650 = arith.constant 0 : i32
    %dma_wait3A_651 = tpu.memref_slice %arg4[%mul3A_2, %dma_wait3A_650] : memref<204800x128xf32, #tpu.memory_space<hbm>> -> memref<128x128xf32, #tpu.memory_space<hbm>>
    %dma_wait3A_652 = arith.constant 0 : i32
    %dma_wait3A_653 = tpu.memref_slice %arg4[%mul3A_2, %dma_wait3A_652] : memref<204800x128xf32, #tpu.memory_space<hbm>> -> memref<128x128xf32, #tpu.memory_space<hbm>>
    %dma_wait3A_654 = arith.constant 0 : i32
    %dma_wait3A_655 = arith.constant 0 : i32
    %dma_wait3A_656 = tpu.memref_slice %arg7[%dma_wait3A_645, %dma_wait3A_654, %dma_wait3A_655] : memref<5x128x128xf32, #tpu.memory_space<vmem>> -> memref<1x128x128xf32, #tpu.memory_space<vmem>>
    %dma_wait3A_657 = tpu.memref_squeeze %dma_wait3A_656 : memref<1x128x128xf32, #tpu.memory_space<vmem>> -> memref<128x128xf32, #tpu.memory_space<vmem>>
    tpu.wait_dma2 semaphore(%arg17 : memref<!tpu.dma_semaphore, #tpu.memory_space<semaphore_mem>>) src(%dma_wait3A_657 : memref<128x128xf32, #tpu.memory_space<vmem>>) dst(%dma_wait3A_653 : memref<128x128xf32, #tpu.memory_space<hbm>>)
    %dma_start3A_658 = arith.constant 49 : i32
    %dma_start3A_659 = arith.constant 4 : i32
    %dma_start3A_660 = arith.constant 0 : i32
    %dma_start3A_661 = arith.constant 0 : i32
    %dma_start3A_662 = tpu.memref_slice %arg7[%dma_start3A_659, %dma_start3A_660, %dma_start3A_661] : memref<5x128x128xf32, #tpu.memory_space<vmem>> -> memref<1x128x128xf32, #tpu.memory_space<vmem>>
    %dma_start3A_663 = tpu.memref_squeeze %dma_start3A_662 : memref<1x128x128xf32, #tpu.memory_space<vmem>> -> memref<128x128xf32, #tpu.memory_space<vmem>>
    %dma_start3A_664 = arith.constant 0 : i32
    %dma_start3A_665 = tpu.memref_slice %arg6[%dma_start3A_658, %dma_start3A_664] : memref<50x128xi32, #tpu.memory_space<vmem>> -> memref<1x128xi32, #tpu.memory_space<vmem>>
    %dma_start3A_666 = tpu.memref_squeeze %dma_start3A_665 : memref<1x128xi32, #tpu.memory_space<vmem>> -> memref<128xi32, #tpu.memory_space<vmem>>
    %dma_start3A_667 = arith.constant 0 : i32
    %dma_start3A_668 = arith.constant 0 : i32
    %dma_start3A_669 = tpu.memref_slice %arg5[%arg0, %dma_start3A_667, %dma_start3A_668] : memref<2x10240x128xf32, #tpu.memory_space<hbm>> -> memref<1x10240x128xf32, #tpu.memory_space<hbm>>
    %dma_start3A_670 = tpu.memref_squeeze %dma_start3A_669 : memref<1x10240x128xf32, #tpu.memory_space<hbm>> -> memref<10240x128xf32, #tpu.memory_space<hbm>>
    %dma_start3A_671 = arith.constant 0 : i32
    %dma_start3A_672 = arith.constant 0 : i32
    %dma_start3A_673 = tpu.memref_slice %dma_start3A_670[%dma_start3A_671, %dma_start3A_672] : memref<10240x128xf32, #tpu.memory_space<hbm>> -> memref<10240x128xf32, #tpu.memory_space<hbm>>
    tpu.enqueue_indirect_dma source(%dma_start3A_673 : memref<10240x128xf32, #tpu.memory_space<hbm>>) target(%dma_start3A_663 : memref<128x128xf32, #tpu.memory_space<vmem>>) offsets(%dma_start3A_666 : memref<128xi32, #tpu.memory_space<vmem>>) semaphore(%arg12 : memref<!tpu.dma_semaphore, #tpu.memory_space<semaphore_mem>>)
    %dma_wait3A_674 = arith.constant 0 : i32
    %dma_wait3A_675 = arith.constant 2 : i32
    %dma_wait3A_676 = arith.constant 0 : i32
    %dma_wait3A_677 = arith.constant 0 : i32
    %dma_wait3A_678 = tpu.memref_slice %arg7[%dma_wait3A_675, %dma_wait3A_676, %dma_wait3A_677] : memref<5x128x128xf32, #tpu.memory_space<vmem>> -> memref<1x128x128xf32, #tpu.memory_space<vmem>>
    %dma_wait3A_679 = tpu.memref_squeeze %dma_wait3A_678 : memref<1x128x128xf32, #tpu.memory_space<vmem>> -> memref<128x128xf32, #tpu.memory_space<vmem>>
    %dma_wait3A_680 = arith.constant 0 : i32
    %dma_wait3A_681 = tpu.memref_slice %arg6[%dma_wait3A_674, %dma_wait3A_680] : memref<50x128xi32, #tpu.memory_space<vmem>> -> memref<1x128xi32, #tpu.memory_space<vmem>>
    %dma_wait3A_682 = tpu.memref_squeeze %dma_wait3A_681 : memref<1x128xi32, #tpu.memory_space<vmem>> -> memref<128xi32, #tpu.memory_space<vmem>>
    %dma_wait3A_683 = arith.constant 0 : i32
    %dma_wait3A_684 = arith.constant 0 : i32
    %dma_wait3A_685 = tpu.memref_slice %arg5[%arg0, %dma_wait3A_683, %dma_wait3A_684] : memref<2x10240x128xf32, #tpu.memory_space<hbm>> -> memref<1x10240x128xf32, #tpu.memory_space<hbm>>
    %dma_wait3A_686 = tpu.memref_squeeze %dma_wait3A_685 : memref<1x10240x128xf32, #tpu.memory_space<hbm>> -> memref<10240x128xf32, #tpu.memory_space<hbm>>
    %dma_wait3A_687 = arith.constant 0 : i32
    %dma_wait3A_688 = arith.constant 0 : i32
    %dma_wait3A_689 = tpu.memref_slice %dma_wait3A_686[%dma_wait3A_687, %dma_wait3A_688] : memref<10240x128xf32, #tpu.memory_space<hbm>> -> memref<10240x128xf32, #tpu.memory_space<hbm>>
    tpu.wait_indirect_dma semaphore(%arg10 : memref<!tpu.dma_semaphore, #tpu.memory_space<semaphore_mem>>) src(%dma_wait3A_689 : memref<10240x128xf32, #tpu.memory_space<hbm>>) dst(%dma_wait3A_679 : memref<128x128xf32, #tpu.memory_space<vmem>>)
    %add3A_690 = arith.constant 6016 : i32
    %add3A_691 = arith.addi %mul3A_2, %add3A_690 : i32
    %dma_start3A_692 = arith.constant 2 : i32
    %dma_start3A_693 = arith.constant 0 : i32
    %dma_start3A_694 = arith.constant 0 : i32
    %dma_start3A_695 = tpu.memref_slice %arg7[%dma_start3A_692, %dma_start3A_693, %dma_start3A_694] : memref<5x128x128xf32, #tpu.memory_space<vmem>> -> memref<1x128x128xf32, #tpu.memory_space<vmem>>
    %dma_start3A_696 = tpu.memref_squeeze %dma_start3A_695 : memref<1x128x128xf32, #tpu.memory_space<vmem>> -> memref<128x128xf32, #tpu.memory_space<vmem>>
    %dma_start3A_697 = arith.constant 0 : i32
    %dma_start3A_698 = tpu.memref_slice %arg4[%add3A_691, %dma_start3A_697] : memref<204800x128xf32, #tpu.memory_space<hbm>> -> memref<128x128xf32, #tpu.memory_space<hbm>>
    %dma_start3A_699 = arith.constant 0 : i32
    %dma_start3A_700 = tpu.memref_slice %arg4[%add3A_691, %dma_start3A_699] : memref<204800x128xf32, #tpu.memory_space<hbm>> -> memref<128x128xf32, #tpu.memory_space<hbm>>
    %dma_start3A_701 = arith.constant 0 : i32
    %dma_start3A_702 = arith.constant 0 : i32
    %dma_start3A_703 = tpu.memref_slice %arg7[%dma_start3A_692, %dma_start3A_701, %dma_start3A_702] : memref<5x128x128xf32, #tpu.memory_space<vmem>> -> memref<1x128x128xf32, #tpu.memory_space<vmem>>
    %dma_start3A_704 = tpu.memref_squeeze %dma_start3A_703 : memref<1x128x128xf32, #tpu.memory_space<vmem>> -> memref<128x128xf32, #tpu.memory_space<vmem>>
    tpu.enqueue_dma source(%dma_start3A_704 : memref<128x128xf32, #tpu.memory_space<vmem>>) target(%dma_start3A_700 : memref<128x128xf32, #tpu.memory_space<hbm>>) target_semaphore(%arg15 : memref<!tpu.dma_semaphore, #tpu.memory_space<semaphore_mem>>)
    %dma_wait3A_705 = arith.constant 0 : i32
    %dma_wait3A_706 = arith.constant 3 : i32
    %dma_wait3A_707 = arith.constant 0 : i32
    %dma_wait3A_708 = arith.constant 0 : i32
    %dma_wait3A_709 = tpu.memref_slice %arg7[%dma_wait3A_706, %dma_wait3A_707, %dma_wait3A_708] : memref<5x128x128xf32, #tpu.memory_space<vmem>> -> memref<1x128x128xf32, #tpu.memory_space<vmem>>
    %dma_wait3A_710 = tpu.memref_squeeze %dma_wait3A_709 : memref<1x128x128xf32, #tpu.memory_space<vmem>> -> memref<128x128xf32, #tpu.memory_space<vmem>>
    %dma_wait3A_711 = arith.constant 0 : i32
    %dma_wait3A_712 = tpu.memref_slice %arg6[%dma_wait3A_705, %dma_wait3A_711] : memref<50x128xi32, #tpu.memory_space<vmem>> -> memref<1x128xi32, #tpu.memory_space<vmem>>
    %dma_wait3A_713 = tpu.memref_squeeze %dma_wait3A_712 : memref<1x128xi32, #tpu.memory_space<vmem>> -> memref<128xi32, #tpu.memory_space<vmem>>
    %dma_wait3A_714 = arith.constant 0 : i32
    %dma_wait3A_715 = arith.constant 0 : i32
    %dma_wait3A_716 = tpu.memref_slice %arg5[%arg0, %dma_wait3A_714, %dma_wait3A_715] : memref<2x10240x128xf32, #tpu.memory_space<hbm>> -> memref<1x10240x128xf32, #tpu.memory_space<hbm>>
    %dma_wait3A_717 = tpu.memref_squeeze %dma_wait3A_716 : memref<1x10240x128xf32, #tpu.memory_space<hbm>> -> memref<10240x128xf32, #tpu.memory_space<hbm>>
    %dma_wait3A_718 = arith.constant 0 : i32
    %dma_wait3A_719 = arith.constant 0 : i32
    %dma_wait3A_720 = tpu.memref_slice %dma_wait3A_717[%dma_wait3A_718, %dma_wait3A_719] : memref<10240x128xf32, #tpu.memory_space<hbm>> -> memref<10240x128xf32, #tpu.memory_space<hbm>>
    tpu.wait_indirect_dma semaphore(%arg11 : memref<!tpu.dma_semaphore, #tpu.memory_space<semaphore_mem>>) src(%dma_wait3A_720 : memref<10240x128xf32, #tpu.memory_space<hbm>>) dst(%dma_wait3A_710 : memref<128x128xf32, #tpu.memory_space<vmem>>)
    %add3A_721 = arith.constant 6144 : i32
    %add3A_722 = arith.addi %mul3A_2, %add3A_721 : i32
    %dma_start3A_723 = arith.constant 3 : i32
    %dma_start3A_724 = arith.constant 0 : i32
    %dma_start3A_725 = arith.constant 0 : i32
    %dma_start3A_726 = tpu.memref_slice %arg7[%dma_start3A_723, %dma_start3A_724, %dma_start3A_725] : memref<5x128x128xf32, #tpu.memory_space<vmem>> -> memref<1x128x128xf32, #tpu.memory_space<vmem>>
    %dma_start3A_727 = tpu.memref_squeeze %dma_start3A_726 : memref<1x128x128xf32, #tpu.memory_space<vmem>> -> memref<128x128xf32, #tpu.memory_space<vmem>>
    %dma_start3A_728 = arith.constant 0 : i32
    %dma_start3A_729 = tpu.memref_slice %arg4[%add3A_722, %dma_start3A_728] : memref<204800x128xf32, #tpu.memory_space<hbm>> -> memref<128x128xf32, #tpu.memory_space<hbm>>
    %dma_start3A_730 = arith.constant 0 : i32
    %dma_start3A_731 = tpu.memref_slice %arg4[%add3A_722, %dma_start3A_730] : memref<204800x128xf32, #tpu.memory_space<hbm>> -> memref<128x128xf32, #tpu.memory_space<hbm>>
    %dma_start3A_732 = arith.constant 0 : i32
    %dma_start3A_733 = arith.constant 0 : i32
    %dma_start3A_734 = tpu.memref_slice %arg7[%dma_start3A_723, %dma_start3A_732, %dma_start3A_733] : memref<5x128x128xf32, #tpu.memory_space<vmem>> -> memref<1x128x128xf32, #tpu.memory_space<vmem>>
    %dma_start3A_735 = tpu.memref_squeeze %dma_start3A_734 : memref<1x128x128xf32, #tpu.memory_space<vmem>> -> memref<128x128xf32, #tpu.memory_space<vmem>>
    tpu.enqueue_dma source(%dma_start3A_735 : memref<128x128xf32, #tpu.memory_space<vmem>>) target(%dma_start3A_731 : memref<128x128xf32, #tpu.memory_space<hbm>>) target_semaphore(%arg16 : memref<!tpu.dma_semaphore, #tpu.memory_space<semaphore_mem>>)
    %dma_wait3A_736 = arith.constant 0 : i32
    %dma_wait3A_737 = arith.constant 4 : i32
    %dma_wait3A_738 = arith.constant 0 : i32
    %dma_wait3A_739 = arith.constant 0 : i32
    %dma_wait3A_740 = tpu.memref_slice %arg7[%dma_wait3A_737, %dma_wait3A_738, %dma_wait3A_739] : memref<5x128x128xf32, #tpu.memory_space<vmem>> -> memref<1x128x128xf32, #tpu.memory_space<vmem>>
    %dma_wait3A_741 = tpu.memref_squeeze %dma_wait3A_740 : memref<1x128x128xf32, #tpu.memory_space<vmem>> -> memref<128x128xf32, #tpu.memory_space<vmem>>
    %dma_wait3A_742 = arith.constant 0 : i32
    %dma_wait3A_743 = tpu.memref_slice %arg6[%dma_wait3A_736, %dma_wait3A_742] : memref<50x128xi32, #tpu.memory_space<vmem>> -> memref<1x128xi32, #tpu.memory_space<vmem>>
    %dma_wait3A_744 = tpu.memref_squeeze %dma_wait3A_743 : memref<1x128xi32, #tpu.memory_space<vmem>> -> memref<128xi32, #tpu.memory_space<vmem>>
    %dma_wait3A_745 = arith.constant 0 : i32
    %dma_wait3A_746 = arith.constant 0 : i32
    %dma_wait3A_747 = tpu.memref_slice %arg5[%arg0, %dma_wait3A_745, %dma_wait3A_746] : memref<2x10240x128xf32, #tpu.memory_space<hbm>> -> memref<1x10240x128xf32, #tpu.memory_space<hbm>>
    %dma_wait3A_748 = tpu.memref_squeeze %dma_wait3A_747 : memref<1x10240x128xf32, #tpu.memory_space<hbm>> -> memref<10240x128xf32, #tpu.memory_space<hbm>>
    %dma_wait3A_749 = arith.constant 0 : i32
    %dma_wait3A_750 = arith.constant 0 : i32
    %dma_wait3A_751 = tpu.memref_slice %dma_wait3A_748[%dma_wait3A_749, %dma_wait3A_750] : memref<10240x128xf32, #tpu.memory_space<hbm>> -> memref<10240x128xf32, #tpu.memory_space<hbm>>
    tpu.wait_indirect_dma semaphore(%arg12 : memref<!tpu.dma_semaphore, #tpu.memory_space<semaphore_mem>>) src(%dma_wait3A_751 : memref<10240x128xf32, #tpu.memory_space<hbm>>) dst(%dma_wait3A_741 : memref<128x128xf32, #tpu.memory_space<vmem>>)
    %add3A_752 = arith.constant 6272 : i32
    %add3A_753 = arith.addi %mul3A_2, %add3A_752 : i32
    %dma_start3A_754 = arith.constant 4 : i32
    %dma_start3A_755 = arith.constant 0 : i32
    %dma_start3A_756 = arith.constant 0 : i32
    %dma_start3A_757 = tpu.memref_slice %arg7[%dma_start3A_754, %dma_start3A_755, %dma_start3A_756] : memref<5x128x128xf32, #tpu.memory_space<vmem>> -> memref<1x128x128xf32, #tpu.memory_space<vmem>>
    %dma_start3A_758 = tpu.memref_squeeze %dma_start3A_757 : memref<1x128x128xf32, #tpu.memory_space<vmem>> -> memref<128x128xf32, #tpu.memory_space<vmem>>
    %dma_start3A_759 = arith.constant 0 : i32
    %dma_start3A_760 = tpu.memref_slice %arg4[%add3A_753, %dma_start3A_759] : memref<204800x128xf32, #tpu.memory_space<hbm>> -> memref<128x128xf32, #tpu.memory_space<hbm>>
    %dma_start3A_761 = arith.constant 0 : i32
    %dma_start3A_762 = tpu.memref_slice %arg4[%add3A_753, %dma_start3A_761] : memref<204800x128xf32, #tpu.memory_space<hbm>> -> memref<128x128xf32, #tpu.memory_space<hbm>>
    %dma_start3A_763 = arith.constant 0 : i32
    %dma_start3A_764 = arith.constant 0 : i32
    %dma_start3A_765 = tpu.memref_slice %arg7[%dma_start3A_754, %dma_start3A_763, %dma_start3A_764] : memref<5x128x128xf32, #tpu.memory_space<vmem>> -> memref<1x128x128xf32, #tpu.memory_space<vmem>>
    %dma_start3A_766 = tpu.memref_squeeze %dma_start3A_765 : memref<1x128x128xf32, #tpu.memory_space<vmem>> -> memref<128x128xf32, #tpu.memory_space<vmem>>
    tpu.enqueue_dma source(%dma_start3A_766 : memref<128x128xf32, #tpu.memory_space<vmem>>) target(%dma_start3A_762 : memref<128x128xf32, #tpu.memory_space<hbm>>) target_semaphore(%arg17 : memref<!tpu.dma_semaphore, #tpu.memory_space<semaphore_mem>>)
    %dma_wait3A_767 = arith.constant 0 : i32
    %dma_wait3A_768 = arith.constant 0 : i32
    %dma_wait3A_769 = arith.constant 0 : i32
    %dma_wait3A_770 = tpu.memref_slice %arg7[%dma_wait3A_767, %dma_wait3A_768, %dma_wait3A_769] : memref<5x128x128xf32, #tpu.memory_space<vmem>> -> memref<1x128x128xf32, #tpu.memory_space<vmem>>
    %dma_wait3A_771 = tpu.memref_squeeze %dma_wait3A_770 : memref<1x128x128xf32, #tpu.memory_space<vmem>> -> memref<128x128xf32, #tpu.memory_space<vmem>>
    %dma_wait3A_772 = arith.constant 0 : i32
    %dma_wait3A_773 = tpu.memref_slice %arg4[%mul3A_2, %dma_wait3A_772] : memref<204800x128xf32, #tpu.memory_space<hbm>> -> memref<128x128xf32, #tpu.memory_space<hbm>>
    %dma_wait3A_774 = arith.constant 0 : i32
    %dma_wait3A_775 = tpu.memref_slice %arg4[%mul3A_2, %dma_wait3A_774] : memref<204800x128xf32, #tpu.memory_space<hbm>> -> memref<128x128xf32, #tpu.memory_space<hbm>>
    %dma_wait3A_776 = arith.constant 0 : i32
    %dma_wait3A_777 = arith.constant 0 : i32
    %dma_wait3A_778 = tpu.memref_slice %arg7[%dma_wait3A_767, %dma_wait3A_776, %dma_wait3A_777] : memref<5x128x128xf32, #tpu.memory_space<vmem>> -> memref<1x128x128xf32, #tpu.memory_space<vmem>>
    %dma_wait3A_779 = tpu.memref_squeeze %dma_wait3A_778 : memref<1x128x128xf32, #tpu.memory_space<vmem>> -> memref<128x128xf32, #tpu.memory_space<vmem>>
    tpu.wait_dma2 semaphore(%arg13 : memref<!tpu.dma_semaphore, #tpu.memory_space<semaphore_mem>>) src(%dma_wait3A_779 : memref<128x128xf32, #tpu.memory_space<vmem>>) dst(%dma_wait3A_775 : memref<128x128xf32, #tpu.memory_space<hbm>>)
    %dma_wait3A_780 = arith.constant 1 : i32
    %dma_wait3A_781 = arith.constant 0 : i32
    %dma_wait3A_782 = arith.constant 0 : i32
    %dma_wait3A_783 = tpu.memref_slice %arg7[%dma_wait3A_780, %dma_wait3A_781, %dma_wait3A_782] : memref<5x128x128xf32, #tpu.memory_space<vmem>> -> memref<1x128x128xf32, #tpu.memory_space<vmem>>
    %dma_wait3A_784 = tpu.memref_squeeze %dma_wait3A_783 : memref<1x128x128xf32, #tpu.memory_space<vmem>> -> memref<128x128xf32, #tpu.memory_space<vmem>>
    %dma_wait3A_785 = arith.constant 0 : i32
    %dma_wait3A_786 = tpu.memref_slice %arg4[%mul3A_2, %dma_wait3A_785] : memref<204800x128xf32, #tpu.memory_space<hbm>> -> memref<128x128xf32, #tpu.memory_space<hbm>>
    %dma_wait3A_787 = arith.constant 0 : i32
    %dma_wait3A_788 = tpu.memref_slice %arg4[%mul3A_2, %dma_wait3A_787] : memref<204800x128xf32, #tpu.memory_space<hbm>> -> memref<128x128xf32, #tpu.memory_space<hbm>>
    %dma_wait3A_789 = arith.constant 0 : i32
    %dma_wait3A_790 = arith.constant 0 : i32
    %dma_wait3A_791 = tpu.memref_slice %arg7[%dma_wait3A_780, %dma_wait3A_789, %dma_wait3A_790] : memref<5x128x128xf32, #tpu.memory_space<vmem>> -> memref<1x128x128xf32, #tpu.memory_space<vmem>>
    %dma_wait3A_792 = tpu.memref_squeeze %dma_wait3A_791 : memref<1x128x128xf32, #tpu.memory_space<vmem>> -> memref<128x128xf32, #tpu.memory_space<vmem>>
    tpu.wait_dma2 semaphore(%arg14 : memref<!tpu.dma_semaphore, #tpu.memory_space<semaphore_mem>>) src(%dma_wait3A_792 : memref<128x128xf32, #tpu.memory_space<vmem>>) dst(%dma_wait3A_788 : memref<128x128xf32, #tpu.memory_space<hbm>>)
    %dma_wait3A_793 = arith.constant 2 : i32
    %dma_wait3A_794 = arith.constant 0 : i32
    %dma_wait3A_795 = arith.constant 0 : i32
    %dma_wait3A_796 = tpu.memref_slice %arg7[%dma_wait3A_793, %dma_wait3A_794, %dma_wait3A_795] : memref<5x128x128xf32, #tpu.memory_space<vmem>> -> memref<1x128x128xf32, #tpu.memory_space<vmem>>
    %dma_wait3A_797 = tpu.memref_squeeze %dma_wait3A_796 : memref<1x128x128xf32, #tpu.memory_space<vmem>> -> memref<128x128xf32, #tpu.memory_space<vmem>>
    %dma_wait3A_798 = arith.constant 0 : i32
    %dma_wait3A_799 = tpu.memref_slice %arg4[%mul3A_2, %dma_wait3A_798] : memref<204800x128xf32, #tpu.memory_space<hbm>> -> memref<128x128xf32, #tpu.memory_space<hbm>>
    %dma_wait3A_800 = arith.constant 0 : i32
    %dma_wait3A_801 = tpu.memref_slice %arg4[%mul3A_2, %dma_wait3A_800] : memref<204800x128xf32, #tpu.memory_space<hbm>> -> memref<128x128xf32, #tpu.memory_space<hbm>>
    %dma_wait3A_802 = arith.constant 0 : i32
    %dma_wait3A_803 = arith.constant 0 : i32
    %dma_wait3A_804 = tpu.memref_slice %arg7[%dma_wait3A_793, %dma_wait3A_802, %dma_wait3A_803] : memref<5x128x128xf32, #tpu.memory_space<vmem>> -> memref<1x128x128xf32, #tpu.memory_space<vmem>>
    %dma_wait3A_805 = tpu.memref_squeeze %dma_wait3A_804 : memref<1x128x128xf32, #tpu.memory_space<vmem>> -> memref<128x128xf32, #tpu.memory_space<vmem>>
    tpu.wait_dma2 semaphore(%arg15 : memref<!tpu.dma_semaphore, #tpu.memory_space<semaphore_mem>>) src(%dma_wait3A_805 : memref<128x128xf32, #tpu.memory_space<vmem>>) dst(%dma_wait3A_801 : memref<128x128xf32, #tpu.memory_space<hbm>>)
    %dma_wait3A_806 = arith.constant 3 : i32
    %dma_wait3A_807 = arith.constant 0 : i32
    %dma_wait3A_808 = arith.constant 0 : i32
    %dma_wait3A_809 = tpu.memref_slice %arg7[%dma_wait3A_806, %dma_wait3A_807, %dma_wait3A_808] : memref<5x128x128xf32, #tpu.memory_space<vmem>> -> memref<1x128x128xf32, #tpu.memory_space<vmem>>
    %dma_wait3A_810 = tpu.memref_squeeze %dma_wait3A_809 : memref<1x128x128xf32, #tpu.memory_space<vmem>> -> memref<128x128xf32, #tpu.memory_space<vmem>>
    %dma_wait3A_811 = arith.constant 0 : i32
    %dma_wait3A_812 = tpu.memref_slice %arg4[%mul3A_2, %dma_wait3A_811] : memref<204800x128xf32, #tpu.memory_space<hbm>> -> memref<128x128xf32, #tpu.memory_space<hbm>>
    %dma_wait3A_813 = arith.constant 0 : i32
    %dma_wait3A_814 = tpu.memref_slice %arg4[%mul3A_2, %dma_wait3A_813] : memref<204800x128xf32, #tpu.memory_space<hbm>> -> memref<128x128xf32, #tpu.memory_space<hbm>>
    %dma_wait3A_815 = arith.constant 0 : i32
    %dma_wait3A_816 = arith.constant 0 : i32
    %dma_wait3A_817 = tpu.memref_slice %arg7[%dma_wait3A_806, %dma_wait3A_815, %dma_wait3A_816] : memref<5x128x128xf32, #tpu.memory_space<vmem>> -> memref<1x128x128xf32, #tpu.memory_space<vmem>>
    %dma_wait3A_818 = tpu.memref_squeeze %dma_wait3A_817 : memref<1x128x128xf32, #tpu.memory_space<vmem>> -> memref<128x128xf32, #tpu.memory_space<vmem>>
    tpu.wait_dma2 semaphore(%arg16 : memref<!tpu.dma_semaphore, #tpu.memory_space<semaphore_mem>>) src(%dma_wait3A_818 : memref<128x128xf32, #tpu.memory_space<vmem>>) dst(%dma_wait3A_814 : memref<128x128xf32, #tpu.memory_space<hbm>>)
    %dma_wait3A_819 = arith.constant 4 : i32
    %dma_wait3A_820 = arith.constant 0 : i32
    %dma_wait3A_821 = arith.constant 0 : i32
    %dma_wait3A_822 = tpu.memref_slice %arg7[%dma_wait3A_819, %dma_wait3A_820, %dma_wait3A_821] : memref<5x128x128xf32, #tpu.memory_space<vmem>> -> memref<1x128x128xf32, #tpu.memory_space<vmem>>
    %dma_wait3A_823 = tpu.memref_squeeze %dma_wait3A_822 : memref<1x128x128xf32, #tpu.memory_space<vmem>> -> memref<128x128xf32, #tpu.memory_space<vmem>>
    %dma_wait3A_824 = arith.constant 0 : i32
    %dma_wait3A_825 = tpu.memref_slice %arg4[%mul3A_2, %dma_wait3A_824] : memref<204800x128xf32, #tpu.memory_space<hbm>> -> memref<128x128xf32, #tpu.memory_space<hbm>>
    %dma_wait3A_826 = arith.constant 0 : i32
    %dma_wait3A_827 = tpu.memref_slice %arg4[%mul3A_2, %dma_wait3A_826] : memref<204800x128xf32, #tpu.memory_space<hbm>> -> memref<128x128xf32, #tpu.memory_space<hbm>>
    %dma_wait3A_828 = arith.constant 0 : i32
    %dma_wait3A_829 = arith.constant 0 : i32
    %dma_wait3A_830 = tpu.memref_slice %arg7[%dma_wait3A_819, %dma_wait3A_828, %dma_wait3A_829] : memref<5x128x128xf32, #tpu.memory_space<vmem>> -> memref<1x128x128xf32, #tpu.memory_space<vmem>>
    %dma_wait3A_831 = tpu.memref_squeeze %dma_wait3A_830 : memref<1x128x128xf32, #tpu.memory_space<vmem>> -> memref<128x128xf32, #tpu.memory_space<vmem>>
    tpu.wait_dma2 semaphore(%arg17 : memref<!tpu.dma_semaphore, #tpu.memory_space<semaphore_mem>>) src(%dma_wait3A_831 : memref<128x128xf32, #tpu.memory_space<vmem>>) dst(%dma_wait3A_827 : memref<128x128xf32, #tpu.memory_space<hbm>>)
    return
  }
}

</mosaic_0001>

<sc_bundles>
// kernel: kernel.3.cloned.1.call-start
scs
__scs_entry_jumppad:
0x0: {  	(pc) =	sbr.rel $0x88, $3  }
0x1: {  	(tag) =	ssettag $0x0;
	lr =	simm.s32 $0x1  }
0x2: {  	[smem:$0x3F9F] =	sst lr;
	_ =	strace $0xD0000000  }
0x3: {  	_ = 	snop  }
0x4: {  	_ = 	snop  }
0x5: {  	_ = 	snop  }
0x6: {  	_ = 	snop  }
0x7: {  	_ = 	snop  }
__scs_overlays_trampoline_lowered:
0x8: {  	[smem:$0x3FAE] =	sst s0  }
0x9: {  	[smem:$0x3FAF] =	sst s1  }
0xa: {  	[smem:$0x3FB0] =	sst s2  }
0xb: {  	[smem:$0x3FB1] =	sst s3  }
0xc: {  	[smem:$0x3FB2] =	sst s4  }
0xd: {  	[smem:$0x3FB3] =	sst s5  }
0xe: {  	[smem:$0x3FB4] =	sst s6  }
0xf: {  	[smem:$0x3FB5] =	sst s7  }
0x10: {  	[smem:$0x3FB6] =	sst s8  }
0x11: {  	[smem:$0x3FB7] =	sst s9;
	s0 =	simm.s32 @!p0 $0x0  }
0x12: {  	s1 =	sld [smem:$0x3F9D];
	s0 =	simm.s32 @p0 $0x1  }
0x13: {  	[smem:$0x3FB8] =	sst s0;
	s0 =	simm.s32 @!p1 $0x0  }
0x14: {  	s2 =	sld [smem:$0x3F9C];
	s0 =	simm.s32 @p1 $0x1  }
0x15: {  	[smem:$0x3FB9] =	sst s0;
	s0 =	simm.s32 @!p2 $0x0  }
0x16: {  	s3 =	sld [smem:$0x3FDB];
	s0 =	simm.s32 @p2 $0x1  }
0x17: {  	s4 =	simm.s32 $0x1BF5;
	[smem:$0x3FBB] =	sst s0  }
0x18: {  	s0 =	sld [smem:$0x3F9E];
	_ =	swait.ge [sflag:s4], $0x0  }
0x19: {  	s7 =	sld [smem:$0x3F9F]  }
0x1a: {  	s8 =	sadd.s32 $0xFFFFE003, lr  }
0x1b: {  	s9 =	sadd.s32 $0xFFFFFEF7, lr;
	s5 =	simm.s32 $0xFFFFFFFF;
	p2 =	slt.u32 s8, $0xFFFFF086  }
0x1c: {  	p1 =	slt.u32 s9, $0xF7A;
	s5 =	simm.s32 @!p2 $0x0  }
0x1d: {  	s5 =	simm.s32 @p1 $0x1;
	p0 =	seq.s32 s7, s2  }
0x1e: {  	s7 =	smul.u32 @!p0 $0xF7A, s2;
	p2 =	seq.s32 @!p0 s5, $0x0  }
0x1f: {  	s9 =	smul.u32 $0xF7A, s1;
	s8 =	simm.s32 @!p0 $0x1BF5;
	p2 =	por !p2, p0  }
0x20: {  	[sflag:s8] =	ssyncset.s32 @!p0 $0xFFFFF086;
	s6 =	sadd.s32 @!p0 s3, s7;
	s7 =	simm.s32 @!p0 $0x108  }
0x21: {  	s3 =	sadd.s32 s3, s9;
	s6 =	sadd.s32 @!p0 $0x88, s6;
	s7 =	simm.s32 @p2 $0x1082  }
0x22: {  	[simem:s7], [sflag:s8] =	dma.local @!p0 [hbm:s6], $0xF7A  }
0x23: {  	s9 =	sor.u32 $0xD0000000, s2;
	s6 =	simm.s32 $0x108;
	_ =	swait.ge @!p0 [sflag:s8], $0x0  }
0x24: {  	s3 =	sadd.s32 $0x88, s3;
	s6 =	simm.s32 @!p1 $0x1082;
	[sflag:s4] =	ssyncset.s32 $0xFFFFF086  }
0x25: {  	[simem:s6], [sflag:s4] =	dma.local [hbm:s3], $0xF7A  }
0x26: {  	[smem:$0x3F9F] =	sst s1;
	(tag) =	ssettag s2;
	_ =	strace s9  }
0x27: {  	s1 =	sld [smem:$0x3FAF]  }
0x28: {  	s2 =	sld [smem:$0x3FB0]  }
0x29: {  	s4 =	sld [smem:$0x3FB2]  }
0x2a: {  	p0 =	seq.s32 s5, $0x0;
	s5 =	sld [smem:$0x3FB3]  }
0x2b: {  	s6 =	sld [smem:$0x3FB4]  }
0x2c: {  	s7 =	sld [smem:$0x3FB5]  }
0x2d: {  	s3 =	simm.s32 $0x108;
	s8 =	sld [smem:$0x3FB6]  }
0x2e: {  	s3 =	simm.s32 @!p0 $0x1082;
	s9 =	sld [smem:$0x3FB7]  }
0x2f: {  	lr =	sadd.s32 s0, s3;
	s0 =	sld [smem:$0x3FAE]  }
0x30: {  	s3 =	sld [smem:$0x3FB1]  }
0x31: {  	[smem:$0x3FBA] =	sst s10  }
0x32: {  	s10 =	sld [smem:$0x3FB8];
	_ =	sdelay $0x3  }
0x33: {  	p0 =	seq.s32 s10, $0x1;
	s10 =	sld [smem:$0x3FBA];
	_ =	sdelay $0x3  }
0x34: {  	[smem:$0x3FBA] =	sst s10  }
0x35: {  	s10 =	sld [smem:$0x3FB9];
	_ =	sdelay $0x3  }
0x36: {  	p1 =	seq.s32 s10, $0x1;
	s10 =	sld [smem:$0x3FBA];
	_ =	sdelay $0x3  }
0x37: {  	[smem:$0x3FBA] =	sst s10  }
0x38: {  	s10 =	sld [smem:$0x3FBB]  }
0x39: {  	_ = 	snop;
	(pc) =	sbr.ind lr, $3  }
0x3a: {  	_ = 	snop  }
0x3b: {  	_ = 	snop  }
0x3c: {  	p2 =	seq.s32 s10, $0x1;
	s10 =	sld [smem:$0x3FBA]  }
0x3d: {  	_ =	shalt  }
0x3e: {  	_ =	shalt  }
0x3f: {  	_ =	shalt  }
0x40: {  	_ =	shalt  }
0x41: {  	_ =	shalt  }
0x42: {  	_ =	shalt  }
0x43: {  	_ =	shalt  }
0x44: {  	_ =	shalt  }
0x45: {  	_ =	shalt  }
0x46: {  	_ =	shalt  }
0x47: {  	_ =	shalt  }
0x48: {  	_ =	shalt  }
0x49: {  	_ =	shalt  }
0x4a: {  	_ =	shalt  }
0x4b: {  	_ =	shalt  }
0x4c: {  	_ =	shalt  }
0x4d: {  	_ =	shalt  }
0x4e: {  	_ =	shalt  }
0x4f: {  	_ =	shalt  }
0x50: {  	_ =	shalt  }
0x51: {  	_ =	shalt  }
0x52: {  	_ =	shalt  }
0x53: {  	_ =	shalt  }
0x54: {  	_ =	shalt  }
0x55: {  	_ =	shalt  }
0x56: {  	_ =	shalt  }
0x57: {  	_ =	shalt  }
0x58: {  	_ =	shalt  }
0x59: {  	_ =	shalt  }
0x5a: {  	_ =	shalt  }
0x5b: {  	_ =	shalt  }
0x5c: {  	_ =	shalt  }
0x5d: {  	_ =	shalt  }
0x5e: {  	_ =	shalt  }
0x5f: {  	_ =	shalt  }
0x60: {  	_ =	shalt  }
0x61: {  	_ =	shalt  }
0x62: {  	_ =	shalt  }
0x63: {  	_ =	shalt  }
0x64: {  	_ =	shalt  }
0x65: {  	_ =	shalt  }
0x66: {  	_ =	shalt  }
0x67: {  	_ =	shalt  }
0x68: {  	_ =	shalt  }
0x69: {  	_ =	shalt  }
0x6a: {  	_ =	shalt  }
0x6b: {  	_ =	shalt  }
0x6c: {  	_ =	shalt  }
0x6d: {  	_ =	shalt  }
0x6e: {  	_ =	shalt  }
0x6f: {  	_ =	shalt  }
0x70: {  	_ =	shalt  }
0x71: {  	_ =	shalt  }
0x72: {  	_ =	shalt  }
0x73: {  	_ =	shalt  }
0x74: {  	_ =	shalt  }
0x75: {  	_ =	shalt  }
0x76: {  	_ =	shalt  }
0x77: {  	_ =	shalt  }
0x78: {  	_ =	shalt  }
0x79: {  	_ =	shalt  }
0x7a: {  	_ =	shalt  }
0x7b: {  	_ =	shalt  }
0x7c: {  	_ =	shalt  }
0x7d: {  	_ =	shalt  }
0x7e: {  	_ =	shalt  }
0x7f: {  	_ =	shalt  }
0x80: {  	_ =	shalt  }
0x81: {  	_ =	shalt  }
0x82: {  	_ =	shalt  }
0x83: {  	_ =	shalt  }
0x84: {  	_ =	shalt  }
0x85: {  	_ =	shalt  }
0x86: {  	_ =	shalt  }
0x87: {  	_ =	shalt  }
.Lfunc_end0:
.L_simem_size_0:
called_computation_lowered:
.L_overlay_start_0:
0x88: {  	s2 =	sld [smem:$0x3FD9]  }
0x89: {  	s3 =	sld [smem:$0x3FFE];
	_ =	sdelay $0x1  }
0x8a: {  	s1 =	srdreg.scid  }
0x8b: {  	s0 =	sand.u32 $0x1, s1  }
0x8c: {  	s17 =	sshll.u32 s0, $0xA;
	s2 =	sadd.s32 s3, s2  }
0x8d: {  	s2 =	sadd.s32 s2, s17  }
0x8e: {  	[smem:$0x3FC6] =	sst s2  }
0x8f: {  	_ = 	snop  }
0x90: {  	s2 =	sld [smem:$0x3FD0];
	(tm) =	ssettm $0x1  }
0x91: {  	s18 =	sld [smem:$0x3FFB];
	_ =	sdelay $0x3  }
0x92: {  	_ =	strace s18  }
0x93: {  	s3 =	sld [smem:$0x3FFC];
	_ =	sdelay $0x3  }
0x94: {  	_ =	strace s3  }
0x95: {  	s3 =	sld [smem:$0x3FFD];
	_ =	sdelay $0x3  }
0x96: {  	_ =	strace s3  }
0x97: {  	_ =	strace $0x8FFFFFFF  }
0x98: {  	s19 =	sld [smem:$0x3FDB];
	_ =	sdelay $0x1  }
0x99: {  	s4 =	simm.s32 $_scs_section_size  }
0x9a: {  	s5 =	simm.s32 $_size__tile_overlayer_lowered;
	s6 =	simm.s32 $_tile_overlayer_lowered  }
0x9b: {  	s22 =	simm.s32 $0x1BFF;
	s21 =	sshll.u32 s6, $0x1;
	s3 =	sadd.s32 s4, s19  }
0x9c: {  	s7 =	simm.s32 $0x0;
	s20 =	sshll.u32 s5, $0x1;
	s5 =	sadd.s32 s21, s3  }
0x9d: {  	[timem:s7], [sflag:s22] =	dma.local [hbm:s5], s20  }
0x9e: {  	_ =	swait.ge [sflag:s22], s20  }
0x9f: {  	s4 =	ssub.s32 $0x0, s20;
	[sflag:s22] =	ssyncset.done $0x0  }
0xa0: {  	[sflag:s22] =	ssyncadd.s32 s4;
	_ =	sdelay $0x1  }
0xa1: {  	s23 =	simm.s32 $0x1B8B  }
0xa2: {  	_ =	swait.ge [sflag:s23], $0x1  }
0xa3: {  	[sflag:s23] =	ssyncset.done $0x0  }
0xa4: {  	s25 =	simm.s32 $0x1B8E;
	s24 =	sld [smem:$0x3FFE];
	[sflag:s23] =	ssyncadd.s32 $0xFFFFFFFF  }
0xa5: {  	s26 =	simm.s32 $execute0_lowered;
	[smem:$0x3FD2] =	sst s25  }
0xa6: {  	s5 =	sshll.u32 s26, $0x1;
	_ =	strace $0x80000046;
	[dreg:$0x1] =	wrdreg $0xFFFFFFFF  }
0xa7: {  	s28 =	simm.s32 $_size_execute0_lowered;
	s3 =	sadd.s32 s3, s5;
	[dreg:$0x0] =	wrdreg $0x0  }
0xa8: {  	s5 =	sshll.u32 s28, $0x1;
	[dreg:$0x2] =	wrdreg s3  }
0xa9: {  	[dreg:$0x3] =	wrdreg s5  }
0xaa: {  	[dreg:$0x4] =	wrdreg $0xC0  }
0xab: {  	_ =	task [dreg:s7], $0x5FFFF  }
0xac: {  	[dreg:$0x1] =	wrdreg $0xFFFFFFFF  }
0xad: {  	[dreg:$0x0] =	wrdreg $0x60  }
0xae: {  	[dreg:$0x2] =	wrdreg s24  }
0xaf: {  	[dreg:$0x3] =	wrdreg s2  }
0xb0: {  	[dreg:$0x4] =	wrdreg $0x9  }
0xb1: {  	_ =	task.clear_ibuf [dreg:s7], $0x5FFFF;
	_ =	strace $0x90000046  }
0xb2: {  	s29 =	simm.s32 $0x9;
	_ =	strace $0x80000048  }
0xb3: {  	_ =	swait.ge [sflag:s29], $0x1  }
0xb4: {  	[sflag:s29] =	ssyncadd.s32 $0xFFFFFFFF  }
0xb5: {  	_ =	strace $0x90000048  }
0xb6: {  	_ =	sfence  }
0xb7: {  	s30 =	sld [smem:$0x0];
	_ =	sdelay $0x2  }
0xb8: {  	s31 =	sshll.u32 s1, $0xD;
	s1 =	sshrl.u32 s1, $0x2  }
0xb9: {  	s3 =	sand.u32 $0x4000, s31;
	s1 =	sadd.s32 s1, s30  }
0xba: {  	s0 =	sor.u32 s3, s0;
	s1 =	sshll.u32 s1, $0x11  }
0xbb: {  	s0 =	sor.u32 s1, s0  }
0xbc: {  	s0 =	sadd.s32 $0x8F2B, s0  }
0xbd: {  	[sflag:s0] =	ssyncadd.remote.s32 $0x1  }
0xbe: {  	_ =	sfence.sel $0xFFFF  }
0xbf: {  	[dreg:$0x0] =	wrdreg $0xFFFFFFFF;
	(pc) =	sbr.abs _section_cstart, $3  }
0xc0: {  	[dreg:$0x1] =	wrdreg $0xFFFFFFFF  }
0xc1: {  	_ =	task.clear_ibuf [dreg:s7], $0x2FFFF;
	_ =	strace $0x9FFFFFFF  }
0xc2: {  	(tm) =	ssettm $0x7FFFFFFF  }
0xc3: {  	_ =	shalt  }
tec
execute0_lowered:
.L_overlay_start_1:
0x0: {  	(tag) =	ssettag $0x1  }
0x1: {  	s0 =	rddreg [dreg:$0x0];
	s1 =	srdreg.scid  }
0x2: {  	s13 =	stileid.u32;
	s4 =	rddreg [dreg:$0x1];
	s2 =	simm.s32 $0x0  }
0x3: {  	s28 =	simm.s32 $0x1C00;
	s29 =	simm.s32 $0x5C00;
	s11 =	smul.u32 $0x280, s13  }
0x4: {  	s30 =	simm.s32 $0x9C00;
	s1 =	sand.u32 $0x1, s1;
	s19 =	smul.u32 $0x32000, s13  }
0x5: {  	s31 =	simm.s32 $0xDC00;
	s3 =	sshll.u32 s13, $0x1;
	s7 =	smul.u32 $0x28000, s1  }
0x6: {  	[smem:$0x7FF] =	sst s2;
	s5 =	sor.u32 s1, s3;
	s3 =	smul.u32 $0x2800, s13  }
0x7: {  	s9 =	sadd.s32 $0x7800, s0;
	s8 =	ssub.s32 $0x2, s1;
	s1 =	smul.u32 $0x19000, s1  }
0x8: {  	_ =	strace $0x80000047;
	s13 =	simm.s32 $0x80;
	s6 =	smul.u32 $0x380, s5  }
0x9: {  	s10 =	sshrl.u32 s8, $0x1;
	s14 =	smin.u32 s11, $0x2510;
	s11 =	smin.u32 s11, $0x2490  }
0xa: {  	s10 =	ssub.s32 s8, s10;
	s26 =	sadd.s32 $0x800, s3;
	s12 =	sadd.s32 s9, s3  }
0xb: {  	s8 =	sshll.u32 s14, $0x4;
	s11 =	sshll.u32 s11, $0x4;
	[dreg:$0x4] =	wrdreg s12  }
0xc: {  	s6 =	sadd.s32 s6, s0;
	s0 =	sadd.s32 s7, s0;
	[dreg:$0x3] =	wrdreg s26  }
0xd: {  	s7 =	sadd.s32 s9, s26;
	s8 =	sadd.s32 $0x1800, s8;
	s12 =	smul.u32 $0xC8000, s5  }
0xe: {  	s11 =	sadd.s32 $0x2000, s11;
	s5 =	smul.u32 $0x19000, s5;
	s26 =	smax.u32 s10, $0x1  }
0xf: {  	s10 =	simm.s32 $0x4;
	[dreg:$0x5] =	wrdreg s7;
	s7 =	sadd.s32 $0x1000, s3  }
0x10: {  	s15 =	sadd.s32 s9, s8;
	s6 =	sadd.s32 $0x800, s6;
	[dreg:$0x12] =	wrdreg s26  }
0x11: {  	s14 =	sadd.s32 s9, s7;
	[dreg:$0x7] =	wrdreg s15;
	s9 =	sadd.s32 s9, s11  }
0x12: {  	s16 =	sshrl.u32 s12, $0x3;
	[dreg:$0x9] =	wrdreg s6;
	s15 =	sadd.s32 s4, s5  }
0x13: {  	s5 =	simm.s32 $0x1;
	[dreg:$0x6] =	wrdreg s14;
	s17 =	sadd.s32 s4, s16  }
0x14: {  	s6 =	simm.s32 $0x2;
	[dreg:$0x8] =	wrdreg s9;
	s18 =	sadd.s32 $0x1000, s17  }
0x15: {  	s12 =	simm.s32 $0x5;
	s20 =	sadd.s32 $0x1800, s17;
	[dreg:$0xa] =	wrdreg s18  }
0x16: {  	s14 =	sadd.s32 $0x2EA00, s0;
	s21 =	sadd.s32 $0x2000, s17;
	[dreg:$0xb] =	wrdreg s20  }
0x17: {  	v0 =	vimm.s32 $0xEFCDAB89;
	v1 =	vimm.s32 $0x67452301;
	s4 =	sadd.s32 s19, s4;
	s22 =	sadd.s32 $0x16800, s17;
	[dreg:$0xc] =	wrdreg s21  }
0x18: {  	v0 =	vunpack.c.l.s4.s8 v0;
	v1 =	vunpack.c.l.s4.s8 v1;
	s26 =	sadd.s32 $0x800, s15;
	s23 =	sadd.s32 $0x17000, s17;
	[dreg:$0xd] =	wrdreg s22  }
0x19: {  	s9 =	simm.s32 $0x3;
	s24 =	sadd.s32 $0x17800, s17;
	[dreg:$0xe] =	wrdreg s23  }
0x1a: {  	v0 =	vunpack.c.0.s8.s32 v0;
	v1 =	vunpack.c.0.s8.s32 v1;
	s16 =	simm.s32 $0x6;
	s25 =	sadd.s32 $0x18000, s17;
	[dreg:$0xf] =	wrdreg s24  }
0x1b: {  	s19 =	simm.s32 $0x9;
	s0 =	sadd.s32 $0x18800, s17;
	[dreg:$0x10] =	wrdreg s25  }
0x1c: {  	v0 =	vcombine.low v1, v0;
	s1 =	sadd.s32 s1, s4;
	s17 =	simm.s32 $0x7;
	[dreg:$0x11] =	wrdreg s0  }
0x1d: {  	s25 =	sadd.s32 $0x4800, s1;
	s1 =	simm.s32 $0x11C00;
	s0 =	simm.s32 $0xB  }
0x1e: {  	v0 =	vand.u32 $0xF, v0;
	s18 =	simm.s32 $0x8;
	s20 =	simm.s32 $0xA;
	s21 =	simm.s32 $0x0  }
.LBB2_1:
0x1f: {  	s4 =	rddreg [dreg:$0x4]  }
0x20: {  	[tilespmem:s28], [sflag:$0x1] =	stream.linear.gather [hbm4b:s4+s2], $0x4000, $0x38;
	[tilespmem:$0x15C00] =	vst v63  }
0x21: {  	s23 =	rddreg [dreg:$0x5]  }
0x22: {  	[tilespmem:s29], [sflag:$0x2] =	stream.linear.gather [hbm4b:s23+s2], $0x4000, $0x38;
	[tilespmem:$0x15C00] =	vst v63  }
0x23: {  	s24 =	rddreg [dreg:$0x6]  }
0x24: {  	[tilespmem:s30], [sflag:$0x3] =	stream.linear.gather [hbm4b:s24+s2], $0x4000, $0x38;
	[tilespmem:$0x15C00] =	vst v63  }
0x25: {  	s22 =	rddreg [dreg:$0x7]  }
0x26: {  	[tilespmem:s31], [sflag:$0x4] =	stream.linear.gather [hbm4b:s22+s2], $0x4000, $0x38;
	[tilespmem:$0x15C00] =	vst v63  }
0x27: {  	s23 =	rddreg [dreg:$0x8]  }
0x28: {  	[tilespmem:s1], [sflag:$0x5] =	stream.linear.gather [hbm4b:s23+s2], $0x4000, $0x38;
	[tilespmem:$0x15C00] =	vst v63  }
0x29: {  	s24 =	rddreg [dreg:$0x9]  }
0x2a: {  	[tilespmem:s2], [sflag:$0xB] =	stream.linear.gather [hbm4b:s24+s2], $0x1900, $0x38;
	[tilespmem:$0x15C00] =	vst v63  }
0x2b: {  	_ =	swait.ge [sflag:s0], $0x1900  }
0x2c: {  	[sflag:s0] =	ssyncset.done $0x0  }
0x2d: {  	[sflag:s0] =	ssyncadd.s32 $0xFFFFE700  }
0x2e: {  	_ =	swait.ge [sflag:s5], $0x4000  }
0x2f: {  	[sflag:s5] =	ssyncset.done $0x0  }
0x30: {  	s4 =	simm.s32 $0x0;
	[sflag:s5] =	ssyncadd.s32 $0xFFFFC000  }
0x31: {  	v1 =	vld [tilespmem:s4+$0x1C00]  }
0x32: {  	v2 =	vld [tilespmem:s4+$0x1C10]  }
0x33: {  	v3 =	vld [tilespmem:s4+$0x1C20]  }
0x34: {  	v4 =	vld [tilespmem:s4+$0x1C30]  }
0x35: {  	v5 =	vld [tilespmem:s4+$0x1C40]  }
0x36: {  	v6 =	vld [tilespmem:s4+$0x1C50];
	v1 =	vperm.xlane v1, v0  }
0x37: {  	v7 =	vld [tilespmem:s4+$0x1C60];
	v2 =	vperm.xlane v2, v0  }
0x38: {  	v8 =	vld [tilespmem:s4+$0x1C70];
	[tilespmem:s4+$0x1C00] =	vst v1;
	v1 =	vperm.xlane v3, v0  }
0x39: {  	v9 =	vld [tilespmem:s4+$0x1C80];
	[tilespmem:s4+$0x1C10] =	vst v2;
	v2 =	vperm.xlane v4, v0  }
0x3a: {  	v10 =	vld [tilespmem:s4+$0x1C90];
	[tilespmem:s4+$0x1C20] =	vst v1;
	v1 =	vperm.xlane v5, v0  }
0x3b: {  	v3 =	vperm.xlane v6, v0;
	[tilespmem:s4+$0x1C30] =	vst v2;
	v2 =	vld [tilespmem:s4+$0x1CA0]  }
0x3c: {  	v4 =	vperm.xlane v7, v0;
	[tilespmem:s4+$0x1C40] =	vst v1;
	v1 =	vld [tilespmem:s4+$0x1CB0]  }
0x3d: {  	[tilespmem:s4+$0x1C50] =	vst v3;
	v3 =	vld [tilespmem:s4+$0x1CC0];
	v5 =	vperm.xlane v8, v0  }
0x3e: {  	v7 =	vperm.xlane v9, v0;
	[tilespmem:s4+$0x1C60] =	vst v4;
	v4 =	vld [tilespmem:s4+$0x1CD0]  }
0x3f: {  	s22 =	simm.s32 $0x400;
	v6 =	vperm.xlane v10, v0;
	[tilespmem:s4+$0x1C70] =	vst v5;
	v5 =	vld [tilespmem:s4+$0x1CE0]  }
.LBB2_2:
0x40: {  	s23 =	sshra.s32 s22, $0x2;
	p0 =	sne.s32 s22, $0xFC00;
	[tilespmem:s4+$0x1C80] =	vst v7;
	v2 =	vperm.xlane v2, v0;
	v7 =	vld [tilespmem:s4+$0x1CF0]  }
0x41: {  	v8 =	vld [tilespmem:s23+$0x1C00];
	[tilespmem:s4+$0x1C90] =	vst v6;
	v1 =	vperm.xlane v1, v0  }
0x42: {  	v6 =	vld [tilespmem:s23+$0x1C10];
	[tilespmem:s4+$0x1CA0] =	vst v2;
	v2 =	vperm.xlane v3, v0  }
0x43: {  	v3 =	vld [tilespmem:s23+$0x1C20];
	[tilespmem:s4+$0x1CB0] =	vst v1;
	v1 =	vperm.xlane v4, v0  }
0x44: {  	v4 =	vld [tilespmem:s23+$0x1C30];
	[tilespmem:s4+$0x1CC0] =	vst v2;
	v2 =	vperm.xlane v5, v0  }
0x45: {  	v5 =	vld [tilespmem:s23+$0x1C40];
	[tilespmem:s4+$0x1CD0] =	vst v1;
	v1 =	vperm.xlane v7, v0  }
0x46: {  	v7 =	vperm.xlane v8, v0;
	v8 =	vld [tilespmem:s23+$0x1C50];
	[tilespmem:s4+$0x1CE0] =	vst v2  }
0x47: {  	v2 =	vperm.xlane v6, v0;
	v6 =	vld [tilespmem:s23+$0x1C60];
	[tilespmem:s4+$0x1CF0] =	vst v1;
	s4 =	smov.u32 s23  }
0x48: {  	[tilespmem:s4+$0x1C00] =	vst v7;
	v1 =	vperm.xlane v3, v0;
	v3 =	vld [tilespmem:s4+$0x1C70]  }
0x49: {  	[tilespmem:s4+$0x1C10] =	vst v2;
	v2 =	vperm.xlane v4, v0;
	v4 =	vld [tilespmem:s4+$0x1C80]  }
0x4a: {  	[tilespmem:s4+$0x1C20] =	vst v1;
	v1 =	vperm.xlane v5, v0;
	v5 =	vld [tilespmem:s4+$0x1C90]  }
.Ltmp0:
0x4b: {  	[tilespmem:s4+$0x1C30] =	vst v2;
	v7 =	vperm.xlane v8, v0;
	v2 =	vld [tilespmem:s4+$0x1CA0];
	(pc) =	sbr.rel @p0 .LBB2_2-.Ltmp0, $4  }
0x4c: {  	[tilespmem:s4+$0x1C40] =	vst v1;
	v6 =	vperm.xlane v6, v0;
	v1 =	vld [tilespmem:s4+$0x1CB0]  }
0x4d: {  	[tilespmem:s4+$0x1C50] =	vst v7;
	v8 =	vperm.xlane v3, v0;
	v3 =	vld [tilespmem:s4+$0x1CC0]  }
0x4e: {  	[tilespmem:s4+$0x1C60] =	vst v6;
	v7 =	vperm.xlane v4, v0;
	v4 =	vld [tilespmem:s4+$0x1CD0]  }
0x4f: {  	s22 =	sadd.s32 $0x400, s22;
	[tilespmem:s4+$0x1C70] =	vst v8;
	v6 =	vperm.xlane v5, v0;
	v5 =	vld [tilespmem:s4+$0x1CE0]  }
0x50: {  	[tilespmem:s4+$0x1C80] =	vst v7;
	v2 =	vperm.xlane v2, v0;
	v7 =	vld [tilespmem:s4+$0x1CF0]  }
0x51: {  	[tilespmem:s4+$0x1C90] =	vst v6;
	v1 =	vperm.xlane v1, v0  }
0x52: {  	[tilespmem:s4+$0x1CA0] =	vst v2;
	v2 =	vperm.xlane v3, v0  }
0x53: {  	[tilespmem:s4+$0x1CB0] =	vst v1;
	v1 =	vperm.xlane v4, v0  }
0x54: {  	[tilespmem:s4+$0x1CC0] =	vst v2;
	v2 =	vperm.xlane v5, v0  }
0x55: {  	[tilespmem:s4+$0x1CD0] =	vst v1;
	v1 =	vperm.xlane v7, v0  }
0x56: {  	[tilespmem:s4+$0x1CE0] =	vst v2  }
0x57: {  	s24 =	sadd.s32 s3, s14;
	s22 =	simm.s32 $0x0;
	[tilespmem:s4+$0x1CF0] =	vst v1  }
0x58: {  	[hbm4b:s24+s22] =	stream.linear.scatter [tilespmem:s28], [sflag:$0xB], $0x4000, $0x38;
	[tilespmem:$0x15C00] =	vst v63  }
0x59: {  	_ =	swait.ge [sflag:s0], $0x4000  }
0x5a: {  	[sflag:s0] =	ssyncset.done $0x0  }
0x5b: {  	[sflag:s0] =	ssyncadd.s32 $0xFFFFC000  }
0x5c: {  	_ =	swait.ge [sflag:s6], $0x4000  }
0x5d: {  	[sflag:s6] =	ssyncset.done $0x0  }
0x5e: {  	s4 =	simm.s32 $0x0;
	[sflag:s6] =	ssyncadd.s32 $0xFFFFC000  }
0x5f: {  	v1 =	vld [tilespmem:s4+$0x5C00]  }
0x60: {  	v2 =	vld [tilespmem:s4+$0x5C10]  }
0x61: {  	v3 =	vld [tilespmem:s4+$0x5C20]  }
0x62: {  	v4 =	vld [tilespmem:s4+$0x5C30]  }
0x63: {  	v5 =	vld [tilespmem:s4+$0x5C40]  }
0x64: {  	v6 =	vld [tilespmem:s4+$0x5C50];
	v1 =	vperm.xlane v1, v0  }
0x65: {  	v7 =	vld [tilespmem:s4+$0x5C60];
	v2 =	vperm.xlane v2, v0  }
0x66: {  	v8 =	vld [tilespmem:s4+$0x5C70];
	[tilespmem:s4+$0x5C00] =	vst v1;
	v1 =	vperm.xlane v3, v0  }
0x67: {  	v9 =	vld [tilespmem:s4+$0x5C80];
	[tilespmem:s4+$0x5C10] =	vst v2;
	v2 =	vperm.xlane v4, v0  }
0x68: {  	v10 =	vld [tilespmem:s4+$0x5C90];
	[tilespmem:s4+$0x5C20] =	vst v1;
	v1 =	vperm.xlane v5, v0  }
0x69: {  	v3 =	vperm.xlane v6, v0;
	[tilespmem:s4+$0x5C30] =	vst v2;
	v2 =	vld [tilespmem:s4+$0x5CA0]  }
0x6a: {  	v4 =	vperm.xlane v7, v0;
	[tilespmem:s4+$0x5C40] =	vst v1;
	v1 =	vld [tilespmem:s4+$0x5CB0]  }
0x6b: {  	[tilespmem:s4+$0x5C50] =	vst v3;
	v3 =	vld [tilespmem:s4+$0x5CC0];
	v5 =	vperm.xlane v8, v0  }
0x6c: {  	v7 =	vperm.xlane v9, v0;
	[tilespmem:s4+$0x5C60] =	vst v4;
	v4 =	vld [tilespmem:s4+$0x5CD0]  }
0x6d: {  	s22 =	simm.s32 $0x400;
	v6 =	vperm.xlane v10, v0;
	[tilespmem:s4+$0x5C70] =	vst v5;
	v5 =	vld [tilespmem:s4+$0x5CE0]  }
.LBB2_4:
0x6e: {  	s23 =	sshra.s32 s22, $0x2;
	p0 =	sne.s32 s22, $0xFC00;
	[tilespmem:s4+$0x5C80] =	vst v7;
	v2 =	vperm.xlane v2, v0;
	v7 =	vld [tilespmem:s4+$0x5CF0]  }
0x6f: {  	v8 =	vld [tilespmem:s23+$0x5C00];
	[tilespmem:s4+$0x5C90] =	vst v6;
	v1 =	vperm.xlane v1, v0  }
0x70: {  	v6 =	vld [tilespmem:s23+$0x5C10];
	[tilespmem:s4+$0x5CA0] =	vst v2;
	v2 =	vperm.xlane v3, v0  }
0x71: {  	v3 =	vld [tilespmem:s23+$0x5C20];
	[tilespmem:s4+$0x5CB0] =	vst v1;
	v1 =	vperm.xlane v4, v0  }
0x72: {  	v4 =	vld [tilespmem:s23+$0x5C30];
	[tilespmem:s4+$0x5CC0] =	vst v2;
	v2 =	vperm.xlane v5, v0  }
0x73: {  	v5 =	vld [tilespmem:s23+$0x5C40];
	[tilespmem:s4+$0x5CD0] =	vst v1;
	v1 =	vperm.xlane v7, v0  }
0x74: {  	v7 =	vperm.xlane v8, v0;
	v8 =	vld [tilespmem:s23+$0x5C50];
	[tilespmem:s4+$0x5CE0] =	vst v2  }
0x75: {  	v2 =	vperm.xlane v6, v0;
	v6 =	vld [tilespmem:s23+$0x5C60];
	[tilespmem:s4+$0x5CF0] =	vst v1;
	s4 =	smov.u32 s23  }
0x76: {  	[tilespmem:s4+$0x5C00] =	vst v7;
	v1 =	vperm.xlane v3, v0;
	v3 =	vld [tilespmem:s4+$0x5C70]  }
0x77: {  	[tilespmem:s4+$0x5C10] =	vst v2;
	v2 =	vperm.xlane v4, v0;
	v4 =	vld [tilespmem:s4+$0x5C80]  }
0x78: {  	[tilespmem:s4+$0x5C20] =	vst v1;
	v1 =	vperm.xlane v5, v0;
	v5 =	vld [tilespmem:s4+$0x5C90]  }
.Ltmp1:
0x79: {  	[tilespmem:s4+$0x5C30] =	vst v2;
	v7 =	vperm.xlane v8, v0;
	v2 =	vld [tilespmem:s4+$0x5CA0];
	(pc) =	sbr.rel @p0 .LBB2_4-.Ltmp1, $4  }
0x7a: {  	[tilespmem:s4+$0x5C40] =	vst v1;
	v6 =	vperm.xlane v6, v0;
	v1 =	vld [tilespmem:s4+$0x5CB0]  }
0x7b: {  	[tilespmem:s4+$0x5C50] =	vst v7;
	v8 =	vperm.xlane v3, v0;
	v3 =	vld [tilespmem:s4+$0x5CC0]  }
0x7c: {  	[tilespmem:s4+$0x5C60] =	vst v6;
	v7 =	vperm.xlane v4, v0;
	v4 =	vld [tilespmem:s4+$0x5CD0]  }
0x7d: {  	s22 =	sadd.s32 $0x400, s22;
	[tilespmem:s4+$0x5C70] =	vst v8;
	v6 =	vperm.xlane v5, v0;
	v5 =	vld [tilespmem:s4+$0x5CE0]  }
0x7e: {  	[tilespmem:s4+$0x5C80] =	vst v7;
	v2 =	vperm.xlane v2, v0;
	v7 =	vld [tilespmem:s4+$0x5CF0]  }
0x7f: {  	[tilespmem:s4+$0x5C90] =	vst v6;
	v1 =	vperm.xlane v1, v0  }
0x80: {  	[tilespmem:s4+$0x5CA0] =	vst v2;
	v2 =	vperm.xlane v3, v0  }
0x81: {  	[tilespmem:s4+$0x5CB0] =	vst v1;
	v1 =	vperm.xlane v4, v0  }
0x82: {  	[tilespmem:s4+$0x5CC0] =	vst v2;
	v2 =	vperm.xlane v5, v0  }
0x83: {  	[tilespmem:s4+$0x5CD0] =	vst v1;
	v1 =	vperm.xlane v7, v0  }
0x84: {  	s24 =	rddreg [dreg:$0x3];
	[tilespmem:s4+$0x5CE0] =	vst v2  }
0x85: {  	s22 =	simm.s32 $0x0;
	[tilespmem:s4+$0x5CF0] =	vst v1;
	s4 =	sadd.s32 s24, s14  }
0x86: {  	[hbm4b:s4+s22] =	stream.linear.scatter [tilespmem:s29], [sflag:$0xB], $0x4000, $0x38;
	[tilespmem:$0x15C00] =	vst v63  }
0x87: {  	_ =	swait.ge [sflag:s0], $0x4000  }
0x88: {  	[sflag:s0] =	ssyncset.done $0x0  }
0x89: {  	[sflag:s0] =	ssyncadd.s32 $0xFFFFC000  }
0x8a: {  	_ =	swait.ge [sflag:s9], $0x4000  }
0x8b: {  	[sflag:s9] =	ssyncset.done $0x0  }
0x8c: {  	s4 =	simm.s32 $0x0;
	[sflag:s9] =	ssyncadd.s32 $0xFFFFC000  }
0x8d: {  	v1 =	vld [tilespmem:s4+$0x9C00]  }
0x8e: {  	v2 =	vld [tilespmem:s4+$0x9C10]  }
0x8f: {  	v3 =	vld [tilespmem:s4+$0x9C20]  }
0x90: {  	v4 =	vld [tilespmem:s4+$0x9C30]  }
0x91: {  	v5 =	vld [tilespmem:s4+$0x9C40]  }
0x92: {  	v6 =	vld [tilespmem:s4+$0x9C50];
	v1 =	vperm.xlane v1, v0  }
0x93: {  	v7 =	vld [tilespmem:s4+$0x9C60];
	v2 =	vperm.xlane v2, v0  }
0x94: {  	v8 =	vld [tilespmem:s4+$0x9C70];
	[tilespmem:s4+$0x9C00] =	vst v1;
	v1 =	vperm.xlane v3, v0  }
0x95: {  	v9 =	vld [tilespmem:s4+$0x9C80];
	[tilespmem:s4+$0x9C10] =	vst v2;
	v2 =	vperm.xlane v4, v0  }
0x96: {  	v10 =	vld [tilespmem:s4+$0x9C90];
	[tilespmem:s4+$0x9C20] =	vst v1;
	v1 =	vperm.xlane v5, v0  }
0x97: {  	v3 =	vperm.xlane v6, v0;
	[tilespmem:s4+$0x9C30] =	vst v2;
	v2 =	vld [tilespmem:s4+$0x9CA0]  }
0x98: {  	v4 =	vperm.xlane v7, v0;
	[tilespmem:s4+$0x9C40] =	vst v1;
	v1 =	vld [tilespmem:s4+$0x9CB0]  }
0x99: {  	[tilespmem:s4+$0x9C50] =	vst v3;
	v3 =	vld [tilespmem:s4+$0x9CC0];
	v5 =	vperm.xlane v8, v0  }
0x9a: {  	v7 =	vperm.xlane v9, v0;
	[tilespmem:s4+$0x9C60] =	vst v4;
	v4 =	vld [tilespmem:s4+$0x9CD0]  }
0x9b: {  	s22 =	simm.s32 $0x400;
	v6 =	vperm.xlane v10, v0;
	[tilespmem:s4+$0x9C70] =	vst v5;
	v5 =	vld [tilespmem:s4+$0x9CE0]  }
.LBB2_6:
0x9c: {  	s23 =	sshra.s32 s22, $0x2;
	p0 =	sne.s32 s22, $0xFC00;
	[tilespmem:s4+$0x9C80] =	vst v7;
	v2 =	vperm.xlane v2, v0;
	v7 =	vld [tilespmem:s4+$0x9CF0]  }
0x9d: {  	v8 =	vld [tilespmem:s23+$0x9C00];
	[tilespmem:s4+$0x9C90] =	vst v6;
	v1 =	vperm.xlane v1, v0  }
0x9e: {  	v6 =	vld [tilespmem:s23+$0x9C10];
	[tilespmem:s4+$0x9CA0] =	vst v2;
	v2 =	vperm.xlane v3, v0  }
0x9f: {  	v3 =	vld [tilespmem:s23+$0x9C20];
	[tilespmem:s4+$0x9CB0] =	vst v1;
	v1 =	vperm.xlane v4, v0  }
0xa0: {  	v4 =	vld [tilespmem:s23+$0x9C30];
	[tilespmem:s4+$0x9CC0] =	vst v2;
	v2 =	vperm.xlane v5, v0  }
0xa1: {  	v5 =	vld [tilespmem:s23+$0x9C40];
	[tilespmem:s4+$0x9CD0] =	vst v1;
	v1 =	vperm.xlane v7, v0  }
0xa2: {  	v7 =	vperm.xlane v8, v0;
	v8 =	vld [tilespmem:s23+$0x9C50];
	[tilespmem:s4+$0x9CE0] =	vst v2  }
0xa3: {  	v2 =	vperm.xlane v6, v0;
	v6 =	vld [tilespmem:s23+$0x9C60];
	[tilespmem:s4+$0x9CF0] =	vst v1;
	s4 =	smov.u32 s23  }
0xa4: {  	[tilespmem:s4+$0x9C00] =	vst v7;
	v1 =	vperm.xlane v3, v0;
	v3 =	vld [tilespmem:s4+$0x9C70]  }
0xa5: {  	[tilespmem:s4+$0x9C10] =	vst v2;
	v2 =	vperm.xlane v4, v0;
	v4 =	vld [tilespmem:s4+$0x9C80]  }
0xa6: {  	[tilespmem:s4+$0x9C20] =	vst v1;
	v1 =	vperm.xlane v5, v0;
	v5 =	vld [tilespmem:s4+$0x9C90]  }
.Ltmp2:
0xa7: {  	[tilespmem:s4+$0x9C30] =	vst v2;
	v7 =	vperm.xlane v8, v0;
	v2 =	vld [tilespmem:s4+$0x9CA0];
	(pc) =	sbr.rel @p0 .LBB2_6-.Ltmp2, $4  }
0xa8: {  	[tilespmem:s4+$0x9C40] =	vst v1;
	v6 =	vperm.xlane v6, v0;
	v1 =	vld [tilespmem:s4+$0x9CB0]  }
0xa9: {  	[tilespmem:s4+$0x9C50] =	vst v7;
	v8 =	vperm.xlane v3, v0;
	v3 =	vld [tilespmem:s4+$0x9CC0]  }
0xaa: {  	[tilespmem:s4+$0x9C60] =	vst v6;
	v7 =	vperm.xlane v4, v0;
	v4 =	vld [tilespmem:s4+$0x9CD0]  }
0xab: {  	s22 =	sadd.s32 $0x400, s22;
	[tilespmem:s4+$0x9C70] =	vst v8;
	v6 =	vperm.xlane v5, v0;
	v5 =	vld [tilespmem:s4+$0x9CE0]  }
0xac: {  	[tilespmem:s4+$0x9C80] =	vst v7;
	v2 =	vperm.xlane v2, v0;
	v7 =	vld [tilespmem:s4+$0x9CF0]  }
0xad: {  	[tilespmem:s4+$0x9C90] =	vst v6;
	v1 =	vperm.xlane v1, v0  }
0xae: {  	[tilespmem:s4+$0x9CA0] =	vst v2;
	v2 =	vperm.xlane v3, v0  }
0xaf: {  	[tilespmem:s4+$0x9CB0] =	vst v1;
	v1 =	vperm.xlane v4, v0  }
0xb0: {  	[tilespmem:s4+$0x9CC0] =	vst v2;
	v2 =	vperm.xlane v5, v0  }
0xb1: {  	[tilespmem:s4+$0x9CD0] =	vst v1;
	v1 =	vperm.xlane v7, v0  }
0xb2: {  	[tilespmem:s4+$0x9CE0] =	vst v2  }
0xb3: {  	s24 =	sadd.s32 s7, s14;
	s22 =	simm.s32 $0x0;
	[tilespmem:s4+$0x9CF0] =	vst v1  }
0xb4: {  	[hbm4b:s24+s22] =	stream.linear.scatter [tilespmem:s30], [sflag:$0xB], $0x4000, $0x38;
	[tilespmem:$0x15C00] =	vst v63  }
0xb5: {  	_ =	swait.ge [sflag:s0], $0x4000  }
0xb6: {  	[sflag:s0] =	ssyncset.done $0x0  }
0xb7: {  	[sflag:s0] =	ssyncadd.s32 $0xFFFFC000  }
0xb8: {  	_ =	swait.ge [sflag:s10], $0x4000  }
0xb9: {  	[sflag:s10] =	ssyncset.done $0x0  }
0xba: {  	s4 =	simm.s32 $0x0;
	[sflag:s10] =	ssyncadd.s32 $0xFFFFC000  }
0xbb: {  	v1 =	vld [tilespmem:s4+$0xDC00]  }
0xbc: {  	v2 =	vld [tilespmem:s4+$0xDC10]  }
0xbd: {  	v3 =	vld [tilespmem:s4+$0xDC20]  }
0xbe: {  	v4 =	vld [tilespmem:s4+$0xDC30]  }
0xbf: {  	v5 =	vld [tilespmem:s4+$0xDC40]  }
0xc0: {  	v6 =	vld [tilespmem:s4+$0xDC50];
	v1 =	vperm.xlane v1, v0  }
0xc1: {  	v7 =	vld [tilespmem:s4+$0xDC60];
	v2 =	vperm.xlane v2, v0  }
0xc2: {  	v8 =	vld [tilespmem:s4+$0xDC70];
	[tilespmem:s4+$0xDC00] =	vst v1;
	v1 =	vperm.xlane v3, v0  }
0xc3: {  	v9 =	vld [tilespmem:s4+$0xDC80];
	[tilespmem:s4+$0xDC10] =	vst v2;
	v2 =	vperm.xlane v4, v0  }
0xc4: {  	v10 =	vld [tilespmem:s4+$0xDC90];
	[tilespmem:s4+$0xDC20] =	vst v1;
	v1 =	vperm.xlane v5, v0  }
0xc5: {  	v3 =	vperm.xlane v6, v0;
	[tilespmem:s4+$0xDC30] =	vst v2;
	v2 =	vld [tilespmem:s4+$0xDCA0]  }
0xc6: {  	v4 =	vperm.xlane v7, v0;
	[tilespmem:s4+$0xDC40] =	vst v1;
	v1 =	vld [tilespmem:s4+$0xDCB0]  }
0xc7: {  	[tilespmem:s4+$0xDC50] =	vst v3;
	v3 =	vld [tilespmem:s4+$0xDCC0];
	v5 =	vperm.xlane v8, v0  }
0xc8: {  	v7 =	vperm.xlane v9, v0;
	[tilespmem:s4+$0xDC60] =	vst v4;
	v4 =	vld [tilespmem:s4+$0xDCD0]  }
0xc9: {  	s22 =	simm.s32 $0x400;
	v6 =	vperm.xlane v10, v0;
	[tilespmem:s4+$0xDC70] =	vst v5;
	v5 =	vld [tilespmem:s4+$0xDCE0]  }
.LBB2_8:
0xca: {  	s23 =	sshra.s32 s22, $0x2;
	p0 =	sne.s32 s22, $0xFC00;
	[tilespmem:s4+$0xDC80] =	vst v7;
	v2 =	vperm.xlane v2, v0;
	v7 =	vld [tilespmem:s4+$0xDCF0]  }
0xcb: {  	v8 =	vld [tilespmem:s23+$0xDC00];
	[tilespmem:s4+$0xDC90] =	vst v6;
	v1 =	vperm.xlane v1, v0  }
0xcc: {  	v6 =	vld [tilespmem:s23+$0xDC10];
	[tilespmem:s4+$0xDCA0] =	vst v2;
	v2 =	vperm.xlane v3, v0  }
0xcd: {  	v3 =	vld [tilespmem:s23+$0xDC20];
	[tilespmem:s4+$0xDCB0] =	vst v1;
	v1 =	vperm.xlane v4, v0  }
0xce: {  	v4 =	vld [tilespmem:s23+$0xDC30];
	[tilespmem:s4+$0xDCC0] =	vst v2;
	v2 =	vperm.xlane v5, v0  }
0xcf: {  	v5 =	vld [tilespmem:s23+$0xDC40];
	[tilespmem:s4+$0xDCD0] =	vst v1;
	v1 =	vperm.xlane v7, v0  }
0xd0: {  	v7 =	vperm.xlane v8, v0;
	v8 =	vld [tilespmem:s23+$0xDC50];
	[tilespmem:s4+$0xDCE0] =	vst v2  }
0xd1: {  	v2 =	vperm.xlane v6, v0;
	v6 =	vld [tilespmem:s23+$0xDC60];
	[tilespmem:s4+$0xDCF0] =	vst v1;
	s4 =	smov.u32 s23  }
0xd2: {  	[tilespmem:s4+$0xDC00] =	vst v7;
	v1 =	vperm.xlane v3, v0;
	v3 =	vld [tilespmem:s4+$0xDC70]  }
0xd3: {  	[tilespmem:s4+$0xDC10] =	vst v2;
	v2 =	vperm.xlane v4, v0;
	v4 =	vld [tilespmem:s4+$0xDC80]  }
0xd4: {  	[tilespmem:s4+$0xDC20] =	vst v1;
	v1 =	vperm.xlane v5, v0;
	v5 =	vld [tilespmem:s4+$0xDC90]  }
.Ltmp3:
0xd5: {  	[tilespmem:s4+$0xDC30] =	vst v2;
	v7 =	vperm.xlane v8, v0;
	v2 =	vld [tilespmem:s4+$0xDCA0];
	(pc) =	sbr.rel @p0 .LBB2_8-.Ltmp3, $4  }
0xd6: {  	[tilespmem:s4+$0xDC40] =	vst v1;
	v6 =	vperm.xlane v6, v0;
	v1 =	vld [tilespmem:s4+$0xDCB0]  }
0xd7: {  	[tilespmem:s4+$0xDC50] =	vst v7;
	v8 =	vperm.xlane v3, v0;
	v3 =	vld [tilespmem:s4+$0xDCC0]  }
0xd8: {  	[tilespmem:s4+$0xDC60] =	vst v6;
	v7 =	vperm.xlane v4, v0;
	v4 =	vld [tilespmem:s4+$0xDCD0]  }
0xd9: {  	s22 =	sadd.s32 $0x400, s22;
	[tilespmem:s4+$0xDC70] =	vst v8;
	v6 =	vperm.xlane v5, v0;
	v5 =	vld [tilespmem:s4+$0xDCE0]  }
0xda: {  	[tilespmem:s4+$0xDC80] =	vst v7;
	v2 =	vperm.xlane v2, v0;
	v7 =	vld [tilespmem:s4+$0xDCF0]  }
0xdb: {  	[tilespmem:s4+$0xDC90] =	vst v6;
	v1 =	vperm.xlane v1, v0  }
0xdc: {  	[tilespmem:s4+$0xDCA0] =	vst v2;
	v2 =	vperm.xlane v3, v0  }
0xdd: {  	[tilespmem:s4+$0xDCB0] =	vst v1;
	v1 =	vperm.xlane v4, v0  }
0xde: {  	[tilespmem:s4+$0xDCC0] =	vst v2;
	v2 =	vperm.xlane v5, v0  }
0xdf: {  	[tilespmem:s4+$0xDCD0] =	vst v1;
	v1 =	vperm.xlane v7, v0  }
0xe0: {  	[tilespmem:s4+$0xDCE0] =	vst v2  }
0xe1: {  	s24 =	sadd.s32 s8, s14;
	s22 =	simm.s32 $0x0;
	[tilespmem:s4+$0xDCF0] =	vst v1  }
0xe2: {  	[hbm4b:s24+s22] =	stream.linear.scatter [tilespmem:s31], [sflag:$0xB], $0x4000, $0x38;
	[tilespmem:$0x15C00] =	vst v63  }
0xe3: {  	_ =	swait.ge [sflag:s0], $0x4000  }
0xe4: {  	[sflag:s0] =	ssyncset.done $0x0  }
0xe5: {  	[sflag:s0] =	ssyncadd.s32 $0xFFFFC000  }
0xe6: {  	_ =	swait.ge [sflag:s12], $0x4000  }
0xe7: {  	[sflag:s12] =	ssyncset.done $0x0  }
0xe8: {  	s4 =	simm.s32 $0x0;
	[sflag:s12] =	ssyncadd.s32 $0xFFFFC000  }
0xe9: {  	v1 =	vld [tilespmem:s4+$0x11C00]  }
0xea: {  	v2 =	vld [tilespmem:s4+$0x11C10]  }
0xeb: {  	v3 =	vld [tilespmem:s4+$0x11C20]  }
0xec: {  	v4 =	vld [tilespmem:s4+$0x11C30]  }
0xed: {  	v5 =	vld [tilespmem:s4+$0x11C40]  }
0xee: {  	v6 =	vld [tilespmem:s4+$0x11C50];
	v1 =	vperm.xlane v1, v0  }
0xef: {  	v7 =	vld [tilespmem:s4+$0x11C60];
	v2 =	vperm.xlane v2, v0  }
0xf0: {  	v8 =	vld [tilespmem:s4+$0x11C70];
	[tilespmem:s4+$0x11C00] =	vst v1;
	v1 =	vperm.xlane v3, v0  }
0xf1: {  	v9 =	vld [tilespmem:s4+$0x11C80];
	[tilespmem:s4+$0x11C10] =	vst v2;
	v2 =	vperm.xlane v4, v0  }
0xf2: {  	v10 =	vld [tilespmem:s4+$0x11C90];
	[tilespmem:s4+$0x11C20] =	vst v1;
	v1 =	vperm.xlane v5, v0  }
0xf3: {  	v3 =	vperm.xlane v6, v0;
	[tilespmem:s4+$0x11C30] =	vst v2;
	v2 =	vld [tilespmem:s4+$0x11CA0]  }
0xf4: {  	v4 =	vperm.xlane v7, v0;
	[tilespmem:s4+$0x11C40] =	vst v1;
	v1 =	vld [tilespmem:s4+$0x11CB0]  }
0xf5: {  	[tilespmem:s4+$0x11C50] =	vst v3;
	v3 =	vld [tilespmem:s4+$0x11CC0];
	v5 =	vperm.xlane v8, v0  }
0xf6: {  	v7 =	vperm.xlane v9, v0;
	[tilespmem:s4+$0x11C60] =	vst v4;
	v4 =	vld [tilespmem:s4+$0x11CD0]  }
0xf7: {  	s22 =	simm.s32 $0x400;
	v6 =	vperm.xlane v10, v0;
	[tilespmem:s4+$0x11C70] =	vst v5;
	v5 =	vld [tilespmem:s4+$0x11CE0]  }
.LBB2_10:
0xf8: {  	s23 =	sshra.s32 s22, $0x2;
	p0 =	sne.s32 s22, $0xFC00;
	[tilespmem:s4+$0x11C80] =	vst v7;
	v2 =	vperm.xlane v2, v0;
	v7 =	vld [tilespmem:s4+$0x11CF0]  }
0xf9: {  	v8 =	vld [tilespmem:s23+$0x11C00];
	[tilespmem:s4+$0x11C90] =	vst v6;
	v1 =	vperm.xlane v1, v0  }
0xfa: {  	v6 =	vld [tilespmem:s23+$0x11C10];
	[tilespmem:s4+$0x11CA0] =	vst v2;
	v2 =	vperm.xlane v3, v0  }
0xfb: {  	v3 =	vld [tilespmem:s23+$0x11C20];
	[tilespmem:s4+$0x11CB0] =	vst v1;
	v1 =	vperm.xlane v4, v0  }
0xfc: {  	v4 =	vld [tilespmem:s23+$0x11C30];
	[tilespmem:s4+$0x11CC0] =	vst v2;
	v2 =	vperm.xlane v5, v0  }
0xfd: {  	v5 =	vld [tilespmem:s23+$0x11C40];
	[tilespmem:s4+$0x11CD0] =	vst v1;
	v1 =	vperm.xlane v7, v0  }
0xfe: {  	v7 =	vperm.xlane v8, v0;
	v8 =	vld [tilespmem:s23+$0x11C50];
	[tilespmem:s4+$0x11CE0] =	vst v2  }
0xff: {  	v2 =	vperm.xlane v6, v0;
	v6 =	vld [tilespmem:s23+$0x11C60];
	[tilespmem:s4+$0x11CF0] =	vst v1;
	s4 =	smov.u32 s23  }
0x100: {  	[tilespmem:s4+$0x11C00] =	vst v7;
	v1 =	vperm.xlane v3, v0;
	v3 =	vld [tilespmem:s4+$0x11C70]  }
0x101: {  	[tilespmem:s4+$0x11C10] =	vst v2;
	v2 =	vperm.xlane v4, v0;
	v4 =	vld [tilespmem:s4+$0x11C80]  }
0x102: {  	[tilespmem:s4+$0x11C20] =	vst v1;
	v1 =	vperm.xlane v5, v0;
	v5 =	vld [tilespmem:s4+$0x11C90]  }
.Ltmp4:
0x103: {  	[tilespmem:s4+$0x11C30] =	vst v2;
	v7 =	vperm.xlane v8, v0;
	v2 =	vld [tilespmem:s4+$0x11CA0];
	(pc) =	sbr.rel @p0 .LBB2_10-.Ltmp4, $4  }
0x104: {  	[tilespmem:s4+$0x11C40] =	vst v1;
	v6 =	vperm.xlane v6, v0;
	v1 =	vld [tilespmem:s4+$0x11CB0]  }
0x105: {  	[tilespmem:s4+$0x11C50] =	vst v7;
	v8 =	vperm.xlane v3, v0;
	v3 =	vld [tilespmem:s4+$0x11CC0]  }
0x106: {  	[tilespmem:s4+$0x11C60] =	vst v6;
	v7 =	vperm.xlane v4, v0;
	v4 =	vld [tilespmem:s4+$0x11CD0]  }
0x107: {  	s22 =	sadd.s32 $0x400, s22;
	[tilespmem:s4+$0x11C70] =	vst v8;
	v6 =	vperm.xlane v5, v0;
	v5 =	vld [tilespmem:s4+$0x11CE0]  }
0x108: {  	[tilespmem:s4+$0x11C80] =	vst v7;
	v2 =	vperm.xlane v2, v0;
	v63 =	vld [tilespmem:s4+$0x11CF0]  }
0x109: {  	[tilespmem:s4+$0x11C90] =	vst v6;
	v1 =	vperm.xlane v1, v0  }
0x10a: {  	[tilespmem:s4+$0x11CA0] =	vst v2;
	v2 =	vperm.xlane v3, v0  }
0x10b: {  	[tilespmem:s4+$0x11CB0] =	vst v1;
	v1 =	vperm.xlane v4, v0  }
0x10c: {  	[tilespmem:s4+$0x11CC0] =	vst v2;
	v2 =	vperm.xlane v5, v0  }
0x10d: {  	[tilespmem:s4+$0x11CD0] =	vst v1;
	v1 =	vperm.xlane v63, v0  }
0x10e: {  	[tilespmem:s4+$0x11CE0] =	vst v2  }
0x10f: {  	s24 =	sadd.s32 s11, s14;
	s22 =	simm.s32 $0x0;
	[tilespmem:s4+$0x11CF0] =	vst v1  }
0x110: {  	[hbm4b:s24+s22] =	stream.linear.scatter [tilespmem:s1], [sflag:$0xB], $0x4000, $0x38;
	[tilespmem:$0x15C00] =	vst v63  }
0x111: {  	_ =	swait.ge [sflag:s0], $0x4000  }
0x112: {  	[sflag:s0] =	ssyncset.done $0x0  }
0x113: {  	[sflag:s0] =	ssyncadd.s32 $0xFFFFC000  }
0x114: {  	[bflag:$0x0] =	sbarrier.arrive $0xFFFF  }
0x115: {  	[tilespmem:s28], [sflag:$0x1] =	stream.indirect.gather [hbm4b:s14+s13], $0x80, s22, s13, $0xb8;
	[tilespmem:$0x15C00] =	vst v63  }
0x116: {  	_ = 	snop  }
0x117: {  	[tilespmem:s29], [sflag:$0x2] =	stream.indirect.gather [hbm4b:s14+s13], $0x80, s13, s13, $0xb8;
	[tilespmem:$0x15C00] =	vst v63  }
0x118: {  	s23 =	simm.s32 $0x100  }
0x119: {  	[tilespmem:s30], [sflag:$0x3] =	stream.indirect.gather [hbm4b:s14+s13], $0x80, s23, s13, $0xb8;
	[tilespmem:$0x15C00] =	vst v63  }
0x11a: {  	_ =	swait.ge [sflag:s5], $0x4000  }
0x11b: {  	[sflag:s5] =	ssyncset.done $0x0  }
0x11c: {  	[sflag:s5] =	ssyncadd.s32 $0xFFFFC000  }
0x11d: {  	[hbm4b:s15+s22] =	stream.linear.scatter [tilespmem:s28], [sflag:$0x6], $0x4000, $0x38;
	[tilespmem:$0x15C00] =	vst v63  }
0x11e: {  	s24 =	simm.s32 $0x180  }
0x11f: {  	[tilespmem:s31], [sflag:$0x4] =	stream.indirect.gather [hbm4b:s14+s13], $0x80, s24, s13, $0xb8;
	[tilespmem:$0x15C00] =	vst v63  }
0x120: {  	_ =	swait.ge [sflag:s6], $0x4000  }
0x121: {  	[sflag:s6] =	ssyncset.done $0x0  }
0x122: {  	[sflag:s6] =	ssyncadd.s32 $0xFFFFC000  }
0x123: {  	[hbm4b:s26+s22] =	stream.linear.scatter [tilespmem:s29], [sflag:$0x7], $0x4000, $0x38;
	[tilespmem:$0x15C00] =	vst v63  }
0x124: {  	s23 =	simm.s32 $0x200  }
0x125: {  	[tilespmem:s1], [sflag:$0x5] =	stream.indirect.gather [hbm4b:s14+s13], $0x80, s23, s13, $0xb8;
	[tilespmem:$0x15C00] =	vst v63  }
0x126: {  	_ =	swait.ge [sflag:s9], $0x4000  }
0x127: {  	[sflag:s9] =	ssyncset.done $0x0  }
0x128: {  	s24 =	rddreg [dreg:$0xa];
	[sflag:s9] =	ssyncadd.s32 $0xFFFFC000  }
0x129: {  	[hbm4b:s24+s22] =	stream.linear.scatter [tilespmem:s30], [sflag:$0x8], $0x4000, $0x38;
	[tilespmem:$0x15C00] =	vst v63  }
0x12a: {  	_ =	swait.ge [sflag:s16], $0x4000  }
0x12b: {  	[sflag:s16] =	ssyncset.done $0x0  }
0x12c: {  	s23 =	simm.s32 $0x280;
	[sflag:s16] =	ssyncadd.s32 $0xFFFFC000  }
0x12d: {  	[tilespmem:s28], [sflag:$0x1] =	stream.indirect.gather [hbm4b:s14+s13], $0x80, s23, s13, $0xb8;
	[tilespmem:$0x15C00] =	vst v63  }
0x12e: {  	_ =	swait.ge [sflag:s10], $0x4000  }
0x12f: {  	[sflag:s10] =	ssyncset.done $0x0  }
0x130: {  	s24 =	rddreg [dreg:$0xb];
	[sflag:s10] =	ssyncadd.s32 $0xFFFFC000  }
0x131: {  	[hbm4b:s24+s22] =	stream.linear.scatter [tilespmem:s31], [sflag:$0x9], $0x4000, $0x38;
	[tilespmem:$0x15C00] =	vst v63  }
0x132: {  	_ =	swait.ge [sflag:s17], $0x4000  }
0x133: {  	[sflag:s17] =	ssyncset.done $0x0  }
0x134: {  	s23 =	simm.s32 $0x300;
	[sflag:s17] =	ssyncadd.s32 $0xFFFFC000  }
0x135: {  	[tilespmem:s29], [sflag:$0x2] =	stream.indirect.gather [hbm4b:s14+s13], $0x80, s23, s13, $0xb8;
	[tilespmem:$0x15C00] =	vst v63  }
0x136: {  	_ =	swait.ge [sflag:s12], $0x4000  }
0x137: {  	[sflag:s12] =	ssyncset.done $0x0  }
0x138: {  	s24 =	rddreg [dreg:$0xc];
	[sflag:s12] =	ssyncadd.s32 $0xFFFFC000  }
0x139: {  	[hbm4b:s24+s22] =	stream.linear.scatter [tilespmem:s1], [sflag:$0xA], $0x4000, $0x38;
	[tilespmem:$0x15C00] =	vst v63  }
0x13a: {  	_ =	swait.ge [sflag:s18], $0x4000  }
0x13b: {  	[sflag:s18] =	ssyncset.done $0x0  }
0x13c: {  	s22 =	simm.s32 $0x380;
	[sflag:s18] =	ssyncadd.s32 $0xFFFFC000  }
0x13d: {  	[tilespmem:s30], [sflag:$0x3] =	stream.indirect.gather [hbm4b:s14+s13], $0x80, s22, s13, $0xb8;
	[tilespmem:$0x15C00] =	vst v63  }
0x13e: {  	_ =	swait.ge [sflag:s5], $0x4000  }
0x13f: {  	[sflag:s5] =	ssyncset.done $0x0  }
0x140: {  	s23 =	sadd.s32 $0xFFFFE000, s25;
	[sflag:s5] =	ssyncadd.s32 $0xFFFFC000  }
0x141: {  	[hbm4b:s23+s2] =	stream.linear.scatter [tilespmem:s28], [sflag:$0x6], $0x4000, $0x38;
	[tilespmem:$0x15C00] =	vst v63  }
0x142: {  	_ =	swait.ge [sflag:s19], $0x4000  }
0x143: {  	[sflag:s19] =	ssyncset.done $0x0  }
0x144: {  	s24 =	simm.s32 $0x400;
	[sflag:s19] =	ssyncadd.s32 $0xFFFFC000  }
0x145: {  	[tilespmem:s31], [sflag:$0x4] =	stream.indirect.gather [hbm4b:s14+s13], $0x80, s24, s13, $0xb8;
	[tilespmem:$0x15C00] =	vst v63  }
0x146: {  	_ =	swait.ge [sflag:s6], $0x4000  }
0x147: {  	[sflag:s6] =	ssyncset.done $0x0  }
0x148: {  	s22 =	sadd.s32 $0xFFFFE800, s25;
	[sflag:s6] =	ssyncadd.s32 $0xFFFFC000  }
0x149: {  	[hbm4b:s22+s2] =	stream.linear.scatter [tilespmem:s29], [sflag:$0x7], $0x4000, $0x38;
	[tilespmem:$0x15C00] =	vst v63  }
0x14a: {  	_ =	swait.ge [sflag:s20], $0x4000  }
0x14b: {  	[sflag:s20] =	ssyncset.done $0x0  }
0x14c: {  	s23 =	simm.s32 $0x480;
	[sflag:s20] =	ssyncadd.s32 $0xFFFFC000  }
0x14d: {  	[tilespmem:s1], [sflag:$0x5] =	stream.indirect.gather [hbm4b:s14+s13], $0x80, s23, s13, $0xb8;
	[tilespmem:$0x15C00] =	vst v63  }
0x14e: {  	_ =	swait.ge [sflag:s9], $0x4000  }
0x14f: {  	[sflag:s9] =	ssyncset.done $0x0  }
0x150: {  	s24 =	sadd.s32 $0xFFFFF000, s25;
	[sflag:s9] =	ssyncadd.s32 $0xFFFFC000  }
0x151: {  	[hbm4b:s24+s2] =	stream.linear.scatter [tilespmem:s30], [sflag:$0x8], $0x4000, $0x38;
	[tilespmem:$0x15C00] =	vst v63  }
0x152: {  	_ =	swait.ge [sflag:s16], $0x4000  }
0x153: {  	[sflag:s16] =	ssyncset.done $0x0  }
0x154: {  	s22 =	simm.s32 $0x500;
	[sflag:s16] =	ssyncadd.s32 $0xFFFFC000  }
0x155: {  	[tilespmem:s28], [sflag:$0x1] =	stream.indirect.gather [hbm4b:s14+s13], $0x80, s22, s13, $0xb8;
	[tilespmem:$0x15C00] =	vst v63  }
0x156: {  	_ =	swait.ge [sflag:s10], $0x4000  }
0x157: {  	[sflag:s10] =	ssyncset.done $0x0  }
0x158: {  	s23 =	sadd.s32 $0xFFFFF800, s25;
	[sflag:s10] =	ssyncadd.s32 $0xFFFFC000  }
0x159: {  	[hbm4b:s23+s2] =	stream.linear.scatter [tilespmem:s31], [sflag:$0x9], $0x4000, $0x38;
	[tilespmem:$0x15C00] =	vst v63  }
0x15a: {  	_ =	swait.ge [sflag:s17], $0x4000  }
0x15b: {  	[sflag:s17] =	ssyncset.done $0x0  }
0x15c: {  	s24 =	simm.s32 $0x580;
	[sflag:s17] =	ssyncadd.s32 $0xFFFFC000  }
0x15d: {  	[tilespmem:s29], [sflag:$0x2] =	stream.indirect.gather [hbm4b:s14+s13], $0x80, s24, s13, $0xb8;
	[tilespmem:$0x15C00] =	vst v63  }
0x15e: {  	_ =	swait.ge [sflag:s12], $0x4000  }
0x15f: {  	[sflag:s12] =	ssyncset.done $0x0  }
0x160: {  	[sflag:s12] =	ssyncadd.s32 $0xFFFFC000  }
0x161: {  	[hbm4b:s25+s2] =	stream.linear.scatter [tilespmem:s1], [sflag:$0xA], $0x4000, $0x38;
	[tilespmem:$0x15C00] =	vst v63  }
0x162: {  	_ =	swait.ge [sflag:s18], $0x4000  }
0x163: {  	s4 =	simm.s32 $0xA00;
	[sflag:s18] =	ssyncset.done $0x0  }
0x164: {  	s22 =	sadd.s32 $0x2800, s25;
	s23 =	simm.s32 $0x600;
	[sflag:s18] =	ssyncadd.s32 $0xFFFFC000  }
.LBB2_12:
0x165: {  	[tilespmem:s30], [sflag:$0x3] =	stream.indirect.gather [hbm4b:s14+s13], $0x80, s23, s13, $0xb8;
	[tilespmem:$0x15C00] =	vst v63  }
0x166: {  	s23 =	smov.u32 s4  }
0x167: {  	p0 =	sne.s32 s4, $0x4600;
	s4 =	sadd.s32 $0xA00, s4;
	_ =	swait.ge [sflag:s5], $0x4000  }
0x168: {  	[sflag:s5] =	ssyncset.done $0x0  }
0x169: {  	s24 =	sadd.s32 $0xFFFFE000, s22;
	[sflag:s5] =	ssyncadd.s32 $0xFFFFC000  }
0x16a: {  	[hbm4b:s24+s2] =	stream.linear.scatter [tilespmem:s28], [sflag:$0x6], $0x4000, $0x38;
	[tilespmem:$0x15C00] =	vst v63  }
0x16b: {  	_ =	swait.ge [sflag:s19], $0x4000  }
0x16c: {  	s23 =	sshra.s32 s23, $0x2;
	[sflag:s19] =	ssyncset.done $0x0  }
0x16d: {  	s24 =	sadd.s32 $0x400, s23;
	[sflag:s19] =	ssyncadd.s32 $0xFFFFC000  }
0x16e: {  	[tilespmem:s31], [sflag:$0x4] =	stream.indirect.gather [hbm4b:s14+s13], $0x80, s24, s13, $0xb8;
	[tilespmem:$0x15C00] =	vst v63  }
0x16f: {  	_ =	swait.ge [sflag:s6], $0x4000  }
0x170: {  	[sflag:s6] =	ssyncset.done $0x0  }
0x171: {  	s24 =	sadd.s32 $0xFFFFE800, s22;
	[sflag:s6] =	ssyncadd.s32 $0xFFFFC000  }
0x172: {  	[hbm4b:s24+s2] =	stream.linear.scatter [tilespmem:s29], [sflag:$0x7], $0x4000, $0x38;
	[tilespmem:$0x15C00] =	vst v63  }
0x173: {  	_ =	swait.ge [sflag:s20], $0x4000  }
0x174: {  	[sflag:s20] =	ssyncset.done $0x0  }
0x175: {  	s24 =	sadd.s32 $0x480, s23;
	[sflag:s20] =	ssyncadd.s32 $0xFFFFC000  }
0x176: {  	[tilespmem:s1], [sflag:$0x5] =	stream.indirect.gather [hbm4b:s14+s13], $0x80, s24, s13, $0xb8;
	[tilespmem:$0x15C00] =	vst v63  }
0x177: {  	_ =	swait.ge [sflag:s9], $0x4000  }
0x178: {  	[sflag:s9] =	ssyncset.done $0x0  }
0x179: {  	s24 =	sadd.s32 $0xFFFFF000, s22;
	[sflag:s9] =	ssyncadd.s32 $0xFFFFC000  }
0x17a: {  	[hbm4b:s24+s2] =	stream.linear.scatter [tilespmem:s30], [sflag:$0x8], $0x4000, $0x38;
	[tilespmem:$0x15C00] =	vst v63  }
0x17b: {  	_ =	swait.ge [sflag:s16], $0x4000  }
0x17c: {  	[sflag:s16] =	ssyncset.done $0x0  }
0x17d: {  	s24 =	sadd.s32 $0x500, s23;
	[sflag:s16] =	ssyncadd.s32 $0xFFFFC000  }
0x17e: {  	[tilespmem:s28], [sflag:$0x1] =	stream.indirect.gather [hbm4b:s14+s13], $0x80, s24, s13, $0xb8;
	[tilespmem:$0x15C00] =	vst v63  }
0x17f: {  	_ =	swait.ge [sflag:s10], $0x4000  }
0x180: {  	[sflag:s10] =	ssyncset.done $0x0  }
0x181: {  	s24 =	sadd.s32 $0xFFFFF800, s22;
	[sflag:s10] =	ssyncadd.s32 $0xFFFFC000  }
0x182: {  	[hbm4b:s24+s2] =	stream.linear.scatter [tilespmem:s31], [sflag:$0x9], $0x4000, $0x38;
	[tilespmem:$0x15C00] =	vst v63  }
0x183: {  	_ =	swait.ge [sflag:s17], $0x4000  }
0x184: {  	[sflag:s17] =	ssyncset.done $0x0  }
0x185: {  	s24 =	sadd.s32 $0x580, s23;
	[sflag:s17] =	ssyncadd.s32 $0xFFFFC000  }
0x186: {  	[tilespmem:s29], [sflag:$0x2] =	stream.indirect.gather [hbm4b:s14+s13], $0x80, s24, s13, $0xb8;
	[tilespmem:$0x15C00] =	vst v63  }
0x187: {  	_ =	swait.ge [sflag:s12], $0x4000  }
0x188: {  	[sflag:s12] =	ssyncset.done $0x0  }
.Ltmp5:
0x189: {  	[sflag:s12] =	ssyncadd.s32 $0xFFFFC000;
	(pc) =	sbr.rel @p0 .LBB2_12-.Ltmp5, $4  }
0x18a: {  	[hbm4b:s22+s2] =	stream.linear.scatter [tilespmem:s1], [sflag:$0xA], $0x4000, $0x38;
	[tilespmem:$0x15C00] =	vst v63  }
0x18b: {  	_ =	swait.ge [sflag:s18], $0x4000  }
0x18c: {  	[sflag:s18] =	ssyncset.done $0x0  }
0x18d: {  	s23 =	sadd.s32 $0x600, s23;
	s22 =	sadd.s32 $0x2800, s22;
	[sflag:s18] =	ssyncadd.s32 $0xFFFFC000  }
0x18e: {  	[tilespmem:s30], [sflag:$0x3] =	stream.indirect.gather [hbm4b:s14+s13], $0x80, s23, s13, $0xb8;
	[tilespmem:$0x15C00] =	vst v63  }
0x18f: {  	_ =	swait.ge [sflag:s5], $0x4000  }
0x190: {  	[sflag:s5] =	ssyncset.done $0x0  }
0x191: {  	s4 =	rddreg [dreg:$0xd];
	[sflag:s5] =	ssyncadd.s32 $0xFFFFC000  }
0x192: {  	[hbm4b:s4+s2] =	stream.linear.scatter [tilespmem:s28], [sflag:$0x6], $0x4000, $0x38;
	[tilespmem:$0x15C00] =	vst v63  }
0x193: {  	_ =	swait.ge [sflag:s19], $0x4000  }
0x194: {  	[sflag:s19] =	ssyncset.done $0x0  }
0x195: {  	s24 =	simm.s32 $0x1800;
	[sflag:s19] =	ssyncadd.s32 $0xFFFFC000  }
0x196: {  	[tilespmem:s31], [sflag:$0x4] =	stream.indirect.gather [hbm4b:s14+s13], $0x80, s24, s13, $0xb8;
	[tilespmem:$0x15C00] =	vst v63  }
0x197: {  	_ =	swait.ge [sflag:s6], $0x4000  }
0x198: {  	[sflag:s6] =	ssyncset.done $0x0  }
0x199: {  	s22 =	rddreg [dreg:$0xe];
	[sflag:s6] =	ssyncadd.s32 $0xFFFFC000  }
0x19a: {  	[hbm4b:s22+s2] =	stream.linear.scatter [tilespmem:s29], [sflag:$0x7], $0x4000, $0x38;
	[tilespmem:$0x15C00] =	vst v63  }
0x19b: {  	_ =	swait.ge [sflag:s20], $0x4000  }
0x19c: {  	[sflag:s20] =	ssyncset.done $0x0  }
0x19d: {  	s23 =	simm.s32 $0x1880;
	[sflag:s20] =	ssyncadd.s32 $0xFFFFC000  }
0x19e: {  	[tilespmem:s1], [sflag:$0x5] =	stream.indirect.gather [hbm4b:s14+s13], $0x80, s23, s13, $0xb8;
	[tilespmem:$0x15C00] =	vst v63  }
0x19f: {  	_ =	swait.ge [sflag:s9], $0x4000  }
0x1a0: {  	[sflag:s9] =	ssyncset.done $0x0  }
0x1a1: {  	s24 =	rddreg [dreg:$0xf];
	[sflag:s9] =	ssyncadd.s32 $0xFFFFC000  }
0x1a2: {  	[hbm4b:s24+s2] =	stream.linear.scatter [tilespmem:s30], [sflag:$0x8], $0x4000, $0x38;
	[tilespmem:$0x15C00] =	vst v63  }
0x1a3: {  	_ =	swait.ge [sflag:s10], $0x4000  }
0x1a4: {  	[sflag:s10] =	ssyncset.done $0x0  }
0x1a5: {  	s22 =	rddreg [dreg:$0x10];
	[sflag:s10] =	ssyncadd.s32 $0xFFFFC000  }
0x1a6: {  	[hbm4b:s22+s2] =	stream.linear.scatter [tilespmem:s31], [sflag:$0x9], $0x4000, $0x38;
	[tilespmem:$0x15C00] =	vst v63  }
0x1a7: {  	_ =	swait.ge [sflag:s12], $0x4000  }
0x1a8: {  	[sflag:s12] =	ssyncset.done $0x0  }
0x1a9: {  	s23 =	rddreg [dreg:$0x11];
	[sflag:s12] =	ssyncadd.s32 $0xFFFFC000  }
0x1aa: {  	[hbm4b:s23+s2] =	stream.linear.scatter [tilespmem:s1], [sflag:$0xA], $0x4000, $0x38;
	[tilespmem:$0x15C00] =	vst v63  }
0x1ab: {  	_ =	swait.ge [sflag:s16], $0x4000  }
0x1ac: {  	[sflag:s16] =	ssyncset.done $0x0  }
0x1ad: {  	[sflag:s16] =	ssyncadd.s32 $0xFFFFC000  }
0x1ae: {  	_ =	swait.ge [sflag:s17], $0x4000  }
0x1af: {  	[sflag:s17] =	ssyncset.done $0x0  }
0x1b0: {  	[sflag:s17] =	ssyncadd.s32 $0xFFFFC000  }
0x1b1: {  	_ =	swait.ge [sflag:s18], $0x4000  }
0x1b2: {  	[sflag:s18] =	ssyncset.done $0x0  }
0x1b3: {  	[sflag:s18] =	ssyncadd.s32 $0xFFFFC000  }
0x1b4: {  	_ =	swait.ge [sflag:s19], $0x4000  }
0x1b5: {  	[sflag:s19] =	ssyncset.done $0x0  }
0x1b6: {  	[sflag:s19] =	ssyncadd.s32 $0xFFFFC000  }
0x1b7: {  	_ =	swait.ge [sflag:s20], $0x4000  }
0x1b8: {  	s21 =	sadd.s32 $0x1, s21;
	s24 =	rddreg [dreg:$0x12]  }
0x1b9: {  	p0 =	sne.s32 s21, s24  }
.Ltmp6:
0x1ba: {  	_ = 	snop;
	(pc) =	sbr.rel @p0 .LBB2_1-.Ltmp6, $3  }
0x1bb: {  	_ =	sdelay $0x1  }
0x1bc: {  	[sflag:s20] =	ssyncset.done $0x0  }
0x1bd: {  	[sflag:s20] =	ssyncadd.s32 $0xFFFFC000  }
0x1be: {  	_ =	sfence.sel $0x180000  }
0x1bf: {  	[bflag:$0x0] =	sbarrier.arrive $0xFFFF  }
0x1c0: {  	_ =	strace $0x90000047  }
0x1c1: {  	s0 =	stileid.u32;
	[bflag:$0x2] =	sbarrier.arrive $0xFFFF  }
0x1c2: {  	p0 =	sne.s32 s0, $0x0;
	s0 =	rddreg [dreg:$0x2]  }
0x1c3: {  	s0 =	sadd.s32 @!p0 $0x100000, s0  }
0x1c4: {  	[sflag:s0] =	ssyncadd.tile.s32 @!p0 $0x1;
	_ =	shalt  }
.Lfunc_end2:
_tile_overlayer_lowered:
.L_overlay_start_2:
0x1c5: {  	(tag) =	ssettag $0x2  }
0x1c6: {  	s0 =	rddreg [dreg:$0x0];
	s2 =	stileid.u32  }
0x1c7: {  	s1 =	rddreg [dreg:$0x1];
	p0 =	sne.s32 s2, $0x0  }
0x1c8: {  	s3 =	rddreg [dreg:$0x2];
	[bflag:$0x3] =	sbarrier.arrive $0xFFFF;
	s2 =	simm.s32 @!p0 $0x1C0B  }
0x1c9: {  	[timem:s3], [sflag:s2] =	dma.local @!p0 [hbm:s0], s1  }
0x1ca: {  	s0 =	simm.s32 @!p0 $0xB  }
0x1cb: {  	_ =	swait.ge @!p0 [sflag:s0], s1  }
0x1cc: {  	s1 =	ssub.s32 @!p0 $0x0, s1;
	[sflag:s0] =	ssyncset.done @!p0 $0x0  }
0x1cd: {  	[sflag:s0] =	ssyncadd.s32 @!p0 s1  }
0x1ce: {  	[bflag:$0x3] =	sbarrier.arrive $0xFFFF  }
0x1cf: {  	_ =	shalt  }

</sc_bundles>
